<compile_context>
chip_gen: v7x
topology: tpu7x:2x2x1
jax: 0.10.2.dev20260603
libtpu: 0.0.44.dev20260713+nightly
codegen_flags: <defaults>
</compile_context>

<pallas_src>
import functools

import numpy as np

import jax
import jax.numpy as jnp
from jax import lax
from jax.experimental import pallas as pl
from jax.experimental.pallas import tpu as pltpu
from jax.experimental.pallas import tpu_sc as plsc

N = 10000
E = 320000
D_IN = 128
D2 = 48

NC = 2
NS = 16
NW = NC * NS
CHUNK = 128
NCH_REAL = E // CHUNK
NCH = 2560
CPW = NCH // NW
SUB = 20
NBLK = CPW // SUB
NROW = N + CHUNK
RPT = NROW // NS
DEG_PAD = 16384
RPD = DEG_PAD // NS


def _make_edge_agg(d, with_deg, stage_t, ring):
    mesh = plsc.VectorSubcoreMesh(core_axis_name="c", subcore_axis_name="s")

    out_type = [jax.ShapeDtypeStruct((NC, NROW, d), jnp.float32)]
    if with_deg:
        out_type.append(jax.ShapeDtypeStruct((NC * DEG_PAD,), jnp.float32))

    scratch = [
        pltpu.VMEM((SUB, 2, CHUNK), jnp.int32),
        pltpu.VMEM((ring, CHUNK, d), jnp.float32),
        pltpu.VMEM((CHUNK,), jnp.float32),
        pltpu.VMEM_SHARED((NROW, d), jnp.float32),
        pltpu.VMEM_SHARED((N, d) if stage_t else (8, d), jnp.float32),
        pltpu.VMEM_SHARED((DEG_PAD if with_deg else 16,), jnp.float32),
        pltpu.SemaphoreType.DMA,
        pltpu.SemaphoreType.DMA,
        pltpu.SemaphoreType.DMA,
    ]

    def body(t_hbm, ei_hbm, pad_hbm, za_hbm, zd_hbm, out_hbm, deg_hbm,
             idxb_v, rows_v, ones_v, acc, tstage, dacc, sem_s, sem_g, sem_d):
        c = lax.axis_index("c")
        s = lax.axis_index("s")
        w = c * NS + s

        pltpu.sync_copy(za_hbm, acc.at[pl.ds(s * RPT, RPT)])
        if with_deg:
            for i in range(CHUNK // 16):
                ones_v[pl.ds(i * 16, 16)] = jnp.ones((16,), jnp.float32)
            pltpu.sync_copy(zd_hbm, dacc.at[pl.ds(s * RPD, RPD)])
        if stage_t:
            npt = N // NS
            pltpu.sync_copy(t_hbm.at[pl.ds(s * npt, npt)],
                            tstage.at[pl.ds(s * npt, npt)])
        gsrc = tstage if stage_t else t_hbm
        plsc.subcore_barrier()

        def gissue(j):
            pltpu.async_copy(gsrc.at[idxb_v.at[j, 0]],
                             rows_v.at[j % ring], sem_g)

        def gwait():
            pltpu.make_async_copy(gsrc.at[idxb_v.at[0, 0]], rows_v.at[0],
                                  sem_g).wait()

        def swait():
            pltpu.make_async_copy(rows_v.at[0], acc.at[idxb_v.at[0, 1]],
                                  sem_s).wait()

        def dwait():
            pltpu.make_async_copy(ones_v, dacc.at[idxb_v.at[0, 1]],
                                  sem_d).wait()

        chunk0 = w * CPW

        def block(b, carry):
            row0 = chunk0 + b * SUB

            @pl.when(row0 < NCH_REAL)
            def _():
                pltpu.sync_copy(ei_hbm.at[pl.ds(row0, SUB)], idxb_v)

            @pl.when(row0 >= NCH_REAL)
            def _():
                pltpu.sync_copy(pad_hbm.at[pl.ds(row0 - NCH_REAL, SUB)],
                                idxb_v)
            gissue(0)
            gissue(1)

            for j in range(SUB):
                gwait()
                pltpu.async_copy(rows_v.at[j % ring],
                                 acc.at[idxb_v.at[j, 1]], sem_s, add=True)
                if with_deg:
                    pltpu.async_copy(ones_v, dacc.at[idxb_v.at[j, 1]],
                                     sem_d, add=True)
                if j + 2 < SUB:
                    if j >= 1:
                        swait()
                        if with_deg:
                            dwait()
                    gissue(j + 2)

            for _ in range(3):
                swait()
                if with_deg:
                    dwait()
            return carry

        lax.fori_loop(0, NBLK, block, 0)
        plsc.subcore_barrier()
        pltpu.sync_copy(acc.at[pl.ds(s * RPT, RPT)],
                        out_hbm.at[c, pl.ds(s * RPT, RPT)])
        if with_deg:
            pltpu.sync_copy(dacc.at[pl.ds(s * RPD, RPD)],
                            deg_hbm.at[pl.ds(c * DEG_PAD + s * RPD, RPD)])

    if with_deg:
        def agg(t_hbm, ei_hbm, pad_hbm, za_hbm, zd_hbm, out_hbm, deg_hbm,
                idxb_v, rows_v, ones_v, acc, tstage, dacc,
                sem_s, sem_g, sem_d):
            body(t_hbm, ei_hbm, pad_hbm, za_hbm, zd_hbm, out_hbm, deg_hbm,
                 idxb_v, rows_v, ones_v, acc, tstage, dacc,
                 sem_s, sem_g, sem_d)
    else:
        def agg(t_hbm, ei_hbm, pad_hbm, za_hbm, zd_hbm, out_hbm,
                idxb_v, rows_v, ones_v, acc, tstage, dacc,
                sem_s, sem_g, sem_d):
            body(t_hbm, ei_hbm, pad_hbm, za_hbm, zd_hbm, out_hbm, None,
                 idxb_v, rows_v, ones_v, acc, tstage, dacc,
                 sem_s, sem_g, sem_d)

    return functools.partial(
        pl.kernel,
        mesh=mesh,
        out_type=out_type if with_deg else out_type[0],
        scratch_types=scratch,
        compiler_params=pltpu.CompilerParams(use_tc_tiling_on_sc=False),
    )(agg)


_agg_d1 = _make_edge_agg(D_IN, with_deg=True, stage_t=False, ring=2)
_agg_d2 = _make_edge_agg(D2, with_deg=False, stage_t=True, ring=3)

_PAD_LANE = np.arange(CHUNK, dtype=np.int32)
_PAD_CHUNKS = np.stack(
    [np.broadcast_to(_PAD_LANE, (NCH - NCH_REAL, CHUNK)),
     np.broadcast_to(N + _PAD_LANE, (NCH - NCH_REAL, CHUNK))],
    axis=1)

_BN = 2048


def _tc_mid(x, p, degs, ws1, b1r, wn1, wn2p, ws2):
    def body(x_ref, p_ref, d0_ref, d1_ref, ws1_ref, b1_ref, wn1_ref,
             wn2_ref, ws2_ref, h1_ref, t2_ref, s2_ref):
        deg = d0_ref[...] + d1_ref[...]
        invd = (1.0 / jnp.maximum(deg, 1.0)).reshape(_BN, 1)
        mean = (p_ref[0] + p_ref[1]) * invd
        h1 = jnp.maximum(
            jnp.dot(x_ref[...], ws1_ref[...],
                    preferred_element_type=jnp.float32)
            + jnp.dot(mean, wn1_ref[...], preferred_element_type=jnp.float32)
            + b1_ref[...],
            0.0)
        h1_ref[...] = h1
        t2_ref[...] = jnp.dot(h1, wn2_ref[...],
                              preferred_element_type=jnp.float32)
        s2_ref[...] = jnp.dot(h1, ws2_ref[...],
                              preferred_element_type=jnp.float32)

    return pl.pallas_call(
        body,
        grid=(-(-N // _BN),),
        in_specs=[
            pl.BlockSpec((_BN, D_IN), lambda i: (i, 0)),
            pl.BlockSpec((NC, _BN, D_IN), lambda i: (0, i, 0)),
            pl.BlockSpec((_BN,), lambda i: (i,)),
            pl.BlockSpec((_BN,), lambda i: (i + DEG_PAD // _BN,)),
            pl.BlockSpec((D_IN, D_IN), lambda i: (0, 0)),
            pl.BlockSpec((1, D_IN), lambda i: (0, 0)),
            pl.BlockSpec((D_IN, D_IN), lambda i: (0, 0)),
            pl.BlockSpec((D_IN, D2), lambda i: (0, 0)),
            pl.BlockSpec((D_IN, 40), lambda i: (0, 0)),
        ],
        out_specs=[
            pl.BlockSpec((_BN, D_IN), lambda i: (i, 0)),
            pl.BlockSpec((_BN, D2), lambda i: (i, 0)),
            pl.BlockSpec((_BN, 40), lambda i: (i, 0)),
        ],
        out_shape=[
            jax.ShapeDtypeStruct((N, D_IN), jnp.float32),
            jax.ShapeDtypeStruct((N, D2), jnp.float32),
            jax.ShapeDtypeStruct((N, 40), jnp.float32),
        ],
    )(x, p, degs, degs, ws1, b1r, wn1, wn2p, ws2)


def _tc_post(s2, q, degs, b2r):
    def body(s2_ref, q_ref, d0_ref, d1_ref, b2_ref, o_ref):
        deg = d0_ref[...] + d1_ref[...]
        invd = (1.0 / jnp.maximum(deg, 1.0)).reshape(_BN, 1)
        aggq = q_ref[0] + q_ref[1]
        o_ref[...] = s2_ref[...] + aggq[:, :40] * invd + b2_ref[...]

    return pl.pallas_call(
        body,
        grid=(-(-N // _BN),),
        in_specs=[
            pl.BlockSpec((_BN, 40), lambda i: (i, 0)),
            pl.BlockSpec((NC, _BN, D2), lambda i: (0, i, 0)),
            pl.BlockSpec((_BN,), lambda i: (i,)),
            pl.BlockSpec((_BN,), lambda i: (i + DEG_PAD // _BN,)),
            pl.BlockSpec((1, 40), lambda i: (0, 0)),
        ],
        out_specs=pl.BlockSpec((_BN, 40), lambda i: (i, 0)),
        out_shape=jax.ShapeDtypeStruct((N, 40), jnp.float32),
    )(s2, q, degs, degs, b2r)


def kernel(inputs, edge_index, W_self1, W_neigh1, b1, W_self2, W_neigh2, b2):
    ei = edge_index.reshape(2, NCH_REAL, CHUNK).transpose(1, 0, 2)
    pad = jnp.asarray(_PAD_CHUNKS)

    wn2p = jnp.pad(W_neigh2, ((0, 0), (0, D2 - 40)))
    b1r = b1.reshape(1, D_IN)
    b2r = b2.reshape(1, 40)
    za1 = jnp.zeros((RPT, D_IN), jnp.float32)
    za2 = jnp.zeros((RPT, D2), jnp.float32)
    zd = jnp.zeros((RPD,), jnp.float32)

    p, degs = _agg_d1(inputs, ei, pad, za1, zd)
    h1, t2p, s2 = _tc_mid(inputs, p, degs, W_self1, b1r, W_neigh1,
                          wn2p, W_self2)
    q = _agg_d2(t2p, ei, pad, za2, zd)
    out = _tc_post(s2, q, degs, b2r)
    return (out, h1, out, h1)

# --- scband reference (transcript-rebuilt; emitter-appended) ---
"""Pipeline reference for scband-graph-sage-9139690406075 (READ-ONLY COPY).

The authoritative reference and input builder live on the scoring server;
editing this copy changes nothing except your own understanding.
"""

import jax, jax.numpy as jnp
import numpy as np

N = 10000
E = 320000
D_IN = 128
D_HID = 128
D_OUT = 40


def setup_inputs(seed: int = 0) -> dict:
    key = jax.random.key(seed)
    ks = jax.random.split(key, 10)
    inputs = jax.random.normal(ks[0], (N, D_IN), dtype=jnp.float32)
    edge_index = jax.random.randint(ks[1], (2, E), 0, N, dtype=jnp.int32)
    s1 = 1.0 / np.sqrt(D_IN)
    s2 = 1.0 / np.sqrt(D_HID)
    W_self1 = jax.random.normal(ks[2], (D_IN, D_HID), dtype=jnp.float32) * s1
    W_neigh1 = jax.random.normal(ks[3], (D_IN, D_HID), dtype=jnp.float32) * s1
    b1 = jnp.zeros((D_HID,), dtype=jnp.float32)
    W_self2 = jax.random.normal(ks[4], (D_HID, D_OUT), dtype=jnp.float32) * s2
    W_neigh2 = jax.random.normal(ks[5], (D_HID, D_OUT), dtype=jnp.float32) * s2
    b2 = jnp.zeros((D_OUT,), dtype=jnp.float32)
    return {"inputs": inputs, "edge_index": edge_index,
            "W_self1": W_self1, "W_neigh1": W_neigh1, "b1": b1,
            "W_self2": W_self2, "W_neigh2": W_neigh2, "b2": b2}


def _sage_conv(x, src, dst, W_self, W_neigh, b):
    # DGL SAGEConv with aggregator_type='mean':
    # h_neigh = mean over incoming edges of src features; rst = x @ W_self + h_neigh @ W_neigh + b
    msg = jnp.take(x, src, axis=0)
    agg = jax.ops.segment_sum(msg, dst, num_segments=N)
    deg = jax.ops.segment_sum(jnp.ones((src.shape[0],), dtype=x.dtype), dst, num_segments=N)
    mean = agg / jnp.clip(deg, 1.0, None)[:, None]
    return x @ W_self + mean @ W_neigh + b


def reference(inputs, edge_index, W_self1, W_neigh1, b1, W_self2, W_neigh2, b2):
    src = edge_index[0]
    dst = edge_index[1]
    h = inputs  # dropout p=0.0 is identity in eval/reference
    h = _sage_conv(h, src, dst, W_self1, W_neigh1, b1)
    h = jax.nn.relu(h)
    h_mid = h  # middle[0] and penultimate_layer
    h = _sage_conv(h, src, dst, W_self2, W_neigh2, b2)
    # original returns (h, middle=[h_mid, h], penultimate_layer=h_mid)
    return (h, h_mid, h, h_mid)

if __name__ == "__main__":
    import jax
    _d = setup_inputs()
    print(jax.jit(kernel)(*tuple(_d.values())))

</pallas_src>

<mosaic_0001>
#map = affine_map<(d0, d1) -> (0, 0)>
#map1 = affine_map<(d0, d1) -> (0, 0, 0)>
#map2 = affine_map<(d0, d1) -> (0)>
module attributes {stable_mosaic.version = 14 : i64} {
  func.func @agg(%arg0: i32, %arg1: i32, %arg2: memref<10000x128xf32, #tpu.memory_space<hbm>>, %arg3: memref<2500x2x128xi32, #tpu.memory_space<hbm>>, %arg4: memref<60x2x128xi32, #tpu.memory_space<hbm>>, %arg5: memref<633x128xf32, #tpu.memory_space<hbm>>, %arg6: memref<1024xf32, #tpu.memory_space<hbm>>, %arg7: memref<2x10128x128xf32, #tpu.memory_space<hbm>>, %arg8: memref<32768xf32, #tpu.memory_space<hbm>>, %arg9: memref<20x2x128xi32, #tpu.memory_space<vmem>>, %arg10: memref<2x128x128xf32, #tpu.memory_space<vmem>>, %arg11: memref<128xf32, #tpu.memory_space<vmem>>, %arg12: memref<10128x128xf32, #tpu.memory_space<vmem_shared>>, %arg13: memref<8x128xf32, #tpu.memory_space<vmem_shared>>, %arg14: memref<16384xf32, #tpu.memory_space<vmem_shared>>, %arg15: memref<!tpu.dma_semaphore, #tpu.memory_space<semaphore_mem>>, %arg16: memref<!tpu.dma_semaphore, #tpu.memory_space<semaphore_mem>>, %arg17: memref<!tpu.dma_semaphore, #tpu.memory_space<semaphore_mem>>) attributes {dimension_semantics = [#tpu.dimension_semantics<core_parallel>, #tpu.dimension_semantics<subcore_parallel>], iteration_bounds = array<i64: 2, 16>, scalar_prefetch = 0 : i64, scratch_operands = 9 : i64, tpu.core_type = #tpu.core_type<sc_vector_subcore>, window_params = [{transform_indices = #map}, {transform_indices = #map1}, {transform_indices = #map1}, {transform_indices = #map}, {transform_indices = #map2}, {transform_indices = #map1}, {transform_indices = #map2}]} {
    %mul3A = arith.constant 16 : i32
    %mul3A_0 = arith.muli %arg0, %mul3A : i32
    %add3A = arith.addi %mul3A_0, %arg1 : i32
    %mul3A_1 = arith.constant 633 : i32
    %mul3A_2 = arith.muli %arg1, %mul3A_1 : i32
    "tpu.region"() ({
      %run_scoped3A = tpu.sem_alloc : memref<!tpu.dma_semaphore, #tpu.memory_space<semaphore_mem>>
      %dma_start3A = arith.constant 0 : i32
      %dma_start3A_70 = tpu.memref_slice %arg12[%mul3A_2, %dma_start3A] : memref<10128x128xf32, #tpu.memory_space<vmem_shared>> -> memref<633x128xf32, #tpu.memory_space<vmem_shared>>
      tpu.enqueue_dma source(%arg5 : memref<633x128xf32, #tpu.memory_space<hbm>>) target(%dma_start3A_70 : memref<633x128xf32, #tpu.memory_space<vmem_shared>>) target_semaphore(%run_scoped3A : memref<!tpu.dma_semaphore, #tpu.memory_space<semaphore_mem>>)
      %dma_wait3A = arith.constant 0 : i32
      %dma_wait3A_71 = tpu.memref_slice %arg12[%mul3A_2, %dma_wait3A] : memref<10128x128xf32, #tpu.memory_space<vmem_shared>> -> memref<633x128xf32, #tpu.memory_space<vmem_shared>>
      tpu.wait_dma2 semaphore(%run_scoped3A : memref<!tpu.dma_semaphore, #tpu.memory_space<semaphore_mem>>) src(%arg5 : memref<633x128xf32, #tpu.memory_space<hbm>>) dst(%dma_wait3A_71 : memref<633x128xf32, #tpu.memory_space<vmem_shared>>)
      tpu.yield
    }) : () -> ()
    %broadcast_in_dim3A = arith.constant 1.000000e+00 : f32
    %broadcast_in_dim3A_3 = vector.broadcast %broadcast_in_dim3A : f32 to vector<16xf32>
    %swap3A = arith.constant 0 : index
    %swap3A_4 = tpu.vector_load %arg11[%swap3A] {strides = array<i32>} : memref<128xf32, #tpu.memory_space<vmem>>, vector<16xf32>,
    %swap3A_5 = vector.shape_cast %swap3A_4 : vector<16xf32> to vector<16xf32>
    %swap3A_6 = vector.shape_cast %broadcast_in_dim3A_3 : vector<16xf32> to vector<16xf32>
    tpu.vector_store %arg11[%swap3A], %swap3A_6 {strides = array<i32>} : memref<128xf32, #tpu.memory_space<vmem>>, vector<16xf32>,
    %broadcast_in_dim3A_7 = arith.constant 1.000000e+00 : f32
    %broadcast_in_dim3A_8 = vector.broadcast %broadcast_in_dim3A_7 : f32 to vector<16xf32>
    %swap3A_9 = arith.constant 16 : index
    %swap3A_10 = tpu.vector_load %arg11[%swap3A_9] {strides = array<i32>} : memref<128xf32, #tpu.memory_space<vmem>>, vector<16xf32>,
    %swap3A_11 = vector.shape_cast %swap3A_10 : vector<16xf32> to vector<16xf32>
    %swap3A_12 = vector.shape_cast %broadcast_in_dim3A_8 : vector<16xf32> to vector<16xf32>
    tpu.vector_store %arg11[%swap3A_9], %swap3A_12 {strides = array<i32>} : memref<128xf32, #tpu.memory_space<vmem>>, vector<16xf32>,
    %broadcast_in_dim3A_13 = arith.constant 1.000000e+00 : f32
    %broadcast_in_dim3A_14 = vector.broadcast %broadcast_in_dim3A_13 : f32 to vector<16xf32>
    %swap3A_15 = arith.constant 32 : index
    %swap3A_16 = tpu.vector_load %arg11[%swap3A_15] {strides = array<i32>} : memref<128xf32, #tpu.memory_space<vmem>>, vector<16xf32>,
    %swap3A_17 = vector.shape_cast %swap3A_16 : vector<16xf32> to vector<16xf32>
    %swap3A_18 = vector.shape_cast %broadcast_in_dim3A_14 : vector<16xf32> to vector<16xf32>
    tpu.vector_store %arg11[%swap3A_15], %swap3A_18 {strides = array<i32>} : memref<128xf32, #tpu.memory_space<vmem>>, vector<16xf32>,
    %broadcast_in_dim3A_19 = arith.constant 1.000000e+00 : f32
    %broadcast_in_dim3A_20 = vector.broadcast %broadcast_in_dim3A_19 : f32 to vector<16xf32>
    %swap3A_21 = arith.constant 48 : index
    %swap3A_22 = tpu.vector_load %arg11[%swap3A_21] {strides = array<i32>} : memref<128xf32, #tpu.memory_space<vmem>>, vector<16xf32>,
    %swap3A_23 = vector.shape_cast %swap3A_22 : vector<16xf32> to vector<16xf32>
    %swap3A_24 = vector.shape_cast %broadcast_in_dim3A_20 : vector<16xf32> to vector<16xf32>
    tpu.vector_store %arg11[%swap3A_21], %swap3A_24 {strides = array<i32>} : memref<128xf32, #tpu.memory_space<vmem>>, vector<16xf32>,
    %broadcast_in_dim3A_25 = arith.constant 1.000000e+00 : f32
    %broadcast_in_dim3A_26 = vector.broadcast %broadcast_in_dim3A_25 : f32 to vector<16xf32>
    %swap3A_27 = arith.constant 64 : index
    %swap3A_28 = tpu.vector_load %arg11[%swap3A_27] {strides = array<i32>} : memref<128xf32, #tpu.memory_space<vmem>>, vector<16xf32>,
    %swap3A_29 = vector.shape_cast %swap3A_28 : vector<16xf32> to vector<16xf32>
    %swap3A_30 = vector.shape_cast %broadcast_in_dim3A_26 : vector<16xf32> to vector<16xf32>
    tpu.vector_store %arg11[%swap3A_27], %swap3A_30 {strides = array<i32>} : memref<128xf32, #tpu.memory_space<vmem>>, vector<16xf32>,
    %broadcast_in_dim3A_31 = arith.constant 1.000000e+00 : f32
    %broadcast_in_dim3A_32 = vector.broadcast %broadcast_in_dim3A_31 : f32 to vector<16xf32>
    %swap3A_33 = arith.constant 80 : index
    %swap3A_34 = tpu.vector_load %arg11[%swap3A_33] {strides = array<i32>} : memref<128xf32, #tpu.memory_space<vmem>>, vector<16xf32>,
    %swap3A_35 = vector.shape_cast %swap3A_34 : vector<16xf32> to vector<16xf32>
    %swap3A_36 = vector.shape_cast %broadcast_in_dim3A_32 : vector<16xf32> to vector<16xf32>
    tpu.vector_store %arg11[%swap3A_33], %swap3A_36 {strides = array<i32>} : memref<128xf32, #tpu.memory_space<vmem>>, vector<16xf32>,
    %broadcast_in_dim3A_37 = arith.constant 1.000000e+00 : f32
    %broadcast_in_dim3A_38 = vector.broadcast %broadcast_in_dim3A_37 : f32 to vector<16xf32>
    %swap3A_39 = arith.constant 96 : index
    %swap3A_40 = tpu.vector_load %arg11[%swap3A_39] {strides = array<i32>} : memref<128xf32, #tpu.memory_space<vmem>>, vector<16xf32>,
    %swap3A_41 = vector.shape_cast %swap3A_40 : vector<16xf32> to vector<16xf32>
    %swap3A_42 = vector.shape_cast %broadcast_in_dim3A_38 : vector<16xf32> to vector<16xf32>
    tpu.vector_store %arg11[%swap3A_39], %swap3A_42 {strides = array<i32>} : memref<128xf32, #tpu.memory_space<vmem>>, vector<16xf32>,
    %broadcast_in_dim3A_43 = arith.constant 1.000000e+00 : f32
    %broadcast_in_dim3A_44 = vector.broadcast %broadcast_in_dim3A_43 : f32 to vector<16xf32>
    %swap3A_45 = arith.constant 112 : index
    %swap3A_46 = tpu.vector_load %arg11[%swap3A_45] {strides = array<i32>} : memref<128xf32, #tpu.memory_space<vmem>>, vector<16xf32>,
    %swap3A_47 = vector.shape_cast %swap3A_46 : vector<16xf32> to vector<16xf32>
    %swap3A_48 = vector.shape_cast %broadcast_in_dim3A_44 : vector<16xf32> to vector<16xf32>
    tpu.vector_store %arg11[%swap3A_45], %swap3A_48 {strides = array<i32>} : memref<128xf32, #tpu.memory_space<vmem>>, vector<16xf32>,
    %mul3A_49 = arith.constant 1024 : i32
    %mul3A_50 = arith.muli %arg1, %mul3A_49 : i32
    "tpu.region"() ({
      %run_scoped3A = tpu.sem_alloc : memref<!tpu.dma_semaphore, #tpu.memory_space<semaphore_mem>>
      %dma_start3A = tpu.memref_slice %arg14[%mul3A_50] : memref<16384xf32, #tpu.memory_space<vmem_shared>> -> memref<1024xf32, #tpu.memory_space<vmem_shared>>
      tpu.enqueue_dma source(%arg6 : memref<1024xf32, #tpu.memory_space<hbm>>) target(%dma_start3A : memref<1024xf32, #tpu.memory_space<vmem_shared>>) target_semaphore(%run_scoped3A : memref<!tpu.dma_semaphore, #tpu.memory_space<semaphore_mem>>)
      %dma_wait3A = tpu.memref_slice %arg14[%mul3A_50] : memref<16384xf32, #tpu.memory_space<vmem_shared>> -> memref<1024xf32, #tpu.memory_space<vmem_shared>>
      tpu.wait_dma2 semaphore(%run_scoped3A : memref<!tpu.dma_semaphore, #tpu.memory_space<semaphore_mem>>) src(%arg6 : memref<1024xf32, #tpu.memory_space<hbm>>) dst(%dma_wait3A : memref<1024xf32, #tpu.memory_space<vmem_shared>>)
      tpu.yield
    }) : () -> ()
    %barrier3A = arith.constant 0 : index
    tpu.barrier barrier_id(%barrier3A)
    %mul3A_51 = arith.constant 80 : i32
    %mul3A_52 = arith.muli %add3A, %mul3A_51 : i32
    %scan3A = arith.constant 0 : i32
    %scan3A_53 = arith.constant 0 : i32
    %scan3A_54 = arith.constant 4 : i32
    %scan3A_55 = arith.addi %scan3A_53, %scan3A_54 : i32
    %scan3A_56 = arith.constant 1 : i32
    scf.for %scan3A_70 = %scan3A_53 to %scan3A_55 step %scan3A_56  : i32 {
      %mul3A_71 = arith.constant 20 : i32
      %mul3A_72 = arith.muli %scan3A_70, %mul3A_71 : i32
      %add3A_73 = arith.addi %mul3A_52, %mul3A_72 : i32
      %lt3A = arith.constant 2500 : i32
      %lt3A_74 = arith.cmpi slt, %add3A_73, %lt3A : i32
      %convert_element_type3A = arith.extui %lt3A_74 : i1 to i32
      %cond3A = arith.constant 0 : i32
      %cond3A_75 = arith.cmpi ne, %convert_element_type3A, %cond3A : i32
      scf.if %cond3A_75 {
        "tpu.region"() ({
          %run_scoped3A = tpu.sem_alloc : memref<!tpu.dma_semaphore, #tpu.memory_space<semaphore_mem>>
          %dma_start3A_1398 = arith.constant 0 : i32
          %dma_start3A_1399 = arith.constant 0 : i32
          %dma_start3A_1400 = tpu.memref_slice %arg3[%add3A_73, %dma_start3A_1398, %dma_start3A_1399] : memref<2500x2x128xi32, #tpu.memory_space<hbm>> -> memref<20x2x128xi32, #tpu.memory_space<hbm>>
          %dma_start3A_1401 = arith.constant 0 : i32
          %dma_start3A_1402 = arith.constant 0 : i32
          %dma_start3A_1403 = tpu.memref_slice %arg3[%add3A_73, %dma_start3A_1401, %dma_start3A_1402] : memref<2500x2x128xi32, #tpu.memory_space<hbm>> -> memref<20x2x128xi32, #tpu.memory_space<hbm>>
          tpu.enqueue_dma source(%dma_start3A_1403 : memref<20x2x128xi32, #tpu.memory_space<hbm>>) target(%arg9 : memref<20x2x128xi32, #tpu.memory_space<vmem>>) target_semaphore(%run_scoped3A : memref<!tpu.dma_semaphore, #tpu.memory_space<semaphore_mem>>)
          %dma_wait3A_1404 = arith.constant 0 : i32
          %dma_wait3A_1405 = arith.constant 0 : i32
          %dma_wait3A_1406 = tpu.memref_slice %arg3[%add3A_73, %dma_wait3A_1404, %dma_wait3A_1405] : memref<2500x2x128xi32, #tpu.memory_space<hbm>> -> memref<20x2x128xi32, #tpu.memory_space<hbm>>
          %dma_wait3A_1407 = arith.constant 0 : i32
          %dma_wait3A_1408 = arith.constant 0 : i32
          %dma_wait3A_1409 = tpu.memref_slice %arg3[%add3A_73, %dma_wait3A_1407, %dma_wait3A_1408] : memref<2500x2x128xi32, #tpu.memory_space<hbm>> -> memref<20x2x128xi32, #tpu.memory_space<hbm>>
          tpu.wait_dma2 semaphore(%run_scoped3A : memref<!tpu.dma_semaphore, #tpu.memory_space<semaphore_mem>>) src(%dma_wait3A_1409 : memref<20x2x128xi32, #tpu.memory_space<hbm>>) dst(%arg9 : memref<20x2x128xi32, #tpu.memory_space<vmem>>)
          tpu.yield
        }) : () -> ()
      } else {
      }
      %ge3A = arith.constant 2500 : i32
      %ge3A_76 = arith.cmpi sge, %add3A_73, %ge3A : i32
      %convert_element_type3A_77 = arith.extui %ge3A_76 : i1 to i32
      %cond3A_78 = arith.constant 0 : i32
      %cond3A_79 = arith.cmpi ne, %convert_element_type3A_77, %cond3A_78 : i32
      scf.if %cond3A_79 {
        %sub3A = arith.constant 2500 : i32
        %sub3A_1398 = arith.subi %add3A_73, %sub3A : i32
        "tpu.region"() ({
          %run_scoped3A = tpu.sem_alloc : memref<!tpu.dma_semaphore, #tpu.memory_space<semaphore_mem>>
          %dma_start3A_1399 = arith.constant 0 : i32
          %dma_start3A_1400 = arith.constant 0 : i32
          %dma_start3A_1401 = tpu.memref_slice %arg4[%sub3A_1398, %dma_start3A_1399, %dma_start3A_1400] : memref<60x2x128xi32, #tpu.memory_space<hbm>> -> memref<20x2x128xi32, #tpu.memory_space<hbm>>
          %dma_start3A_1402 = arith.constant 0 : i32
          %dma_start3A_1403 = arith.constant 0 : i32
          %dma_start3A_1404 = tpu.memref_slice %arg4[%sub3A_1398, %dma_start3A_1402, %dma_start3A_1403] : memref<60x2x128xi32, #tpu.memory_space<hbm>> -> memref<20x2x128xi32, #tpu.memory_space<hbm>>
          tpu.enqueue_dma source(%dma_start3A_1404 : memref<20x2x128xi32, #tpu.memory_space<hbm>>) target(%arg9 : memref<20x2x128xi32, #tpu.memory_space<vmem>>) target_semaphore(%run_scoped3A : memref<!tpu.dma_semaphore, #tpu.memory_space<semaphore_mem>>)
          %dma_wait3A_1405 = arith.constant 0 : i32
          %dma_wait3A_1406 = arith.constant 0 : i32
          %dma_wait3A_1407 = tpu.memref_slice %arg4[%sub3A_1398, %dma_wait3A_1405, %dma_wait3A_1406] : memref<60x2x128xi32, #tpu.memory_space<hbm>> -> memref<20x2x128xi32, #tpu.memory_space<hbm>>
          %dma_wait3A_1408 = arith.constant 0 : i32
          %dma_wait3A_1409 = arith.constant 0 : i32
          %dma_wait3A_1410 = tpu.memref_slice %arg4[%sub3A_1398, %dma_wait3A_1408, %dma_wait3A_1409] : memref<60x2x128xi32, #tpu.memory_space<hbm>> -> memref<20x2x128xi32, #tpu.memory_space<hbm>>
          tpu.wait_dma2 semaphore(%run_scoped3A : memref<!tpu.dma_semaphore, #tpu.memory_space<semaphore_mem>>) src(%dma_wait3A_1410 : memref<20x2x128xi32, #tpu.memory_space<hbm>>) dst(%arg9 : memref<20x2x128xi32, #tpu.memory_space<vmem>>)
          tpu.yield
        }) : () -> ()
      } else {
      }
      %dma_start3A = arith.constant 0 : i32
      %dma_start3A_80 = arith.constant 0 : i32
      %dma_start3A_81 = arith.constant 0 : i32
      %dma_start3A_82 = arith.constant 0 : i32
      %dma_start3A_83 = arith.constant 0 : i32
      %dma_start3A_84 = tpu.memref_slice %arg10[%dma_start3A_81, %dma_start3A_82, %dma_start3A_83] : memref<2x128x128xf32, #tpu.memory_space<vmem>> -> memref<1x128x128xf32, #tpu.memory_space<vmem>>
      %dma_start3A_85 = tpu.memref_squeeze %dma_start3A_84 : memref<1x128x128xf32, #tpu.memory_space<vmem>> -> memref<128x128xf32, #tpu.memory_space<vmem>>
      %dma_start3A_86 = arith.constant 0 : i32
      %dma_start3A_87 = tpu.memref_slice %arg9[%dma_start3A, %dma_start3A_80, %dma_start3A_86] : memref<20x2x128xi32, #tpu.memory_space<vmem>> -> memref<1x1x128xi32, #tpu.memory_space<vmem>>
      %dma_start3A_88 = tpu.memref_squeeze %dma_start3A_87 : memref<1x1x128xi32, #tpu.memory_space<vmem>> -> memref<128xi32, #tpu.memory_space<vmem>>
      %dma_start3A_89 = arith.constant 0 : i32
      %dma_start3A_90 = arith.constant 0 : i32
      %dma_start3A_91 = tpu.memref_slice %arg2[%dma_start3A_89, %dma_start3A_90] : memref<10000x128xf32, #tpu.memory_space<hbm>> -> memref<10000x128xf32, #tpu.memory_space<hbm>>
      tpu.enqueue_indirect_dma source(%dma_start3A_91 : memref<10000x128xf32, #tpu.memory_space<hbm>>) target(%dma_start3A_85 : memref<128x128xf32, #tpu.memory_space<vmem>>) offsets(%dma_start3A_88 : memref<128xi32, #tpu.memory_space<vmem>>) semaphore(%arg16 : memref<!tpu.dma_semaphore, #tpu.memory_space<semaphore_mem>>)
      %dma_start3A_92 = arith.constant 1 : i32
      %dma_start3A_93 = arith.constant 0 : i32
      %dma_start3A_94 = arith.constant 1 : i32
      %dma_start3A_95 = arith.constant 0 : i32
      %dma_start3A_96 = arith.constant 0 : i32
      %dma_start3A_97 = tpu.memref_slice %arg10[%dma_start3A_94, %dma_start3A_95, %dma_start3A_96] : memref<2x128x128xf32, #tpu.memory_space<vmem>> -> memref<1x128x128xf32, #tpu.memory_space<vmem>>
      %dma_start3A_98 = tpu.memref_squeeze %dma_start3A_97 : memref<1x128x128xf32, #tpu.memory_space<vmem>> -> memref<128x128xf32, #tpu.memory_space<vmem>>
      %dma_start3A_99 = arith.constant 0 : i32
      %dma_start3A_100 = tpu.memref_slice %arg9[%dma_start3A_92, %dma_start3A_93, %dma_start3A_99] : memref<20x2x128xi32, #tpu.memory_space<vmem>> -> memref<1x1x128xi32, #tpu.memory_space<vmem>>
      %dma_start3A_101 = tpu.memref_squeeze %dma_start3A_100 : memref<1x1x128xi32, #tpu.memory_space<vmem>> -> memref<128xi32, #tpu.memory_space<vmem>>
      %dma_start3A_102 = arith.constant 0 : i32
      %dma_start3A_103 = arith.constant 0 : i32
      %dma_start3A_104 = tpu.memref_slice %arg2[%dma_start3A_102, %dma_start3A_103] : memref<10000x128xf32, #tpu.memory_space<hbm>> -> memref<10000x128xf32, #tpu.memory_space<hbm>>
      tpu.enqueue_indirect_dma source(%dma_start3A_104 : memref<10000x128xf32, #tpu.memory_space<hbm>>) target(%dma_start3A_98 : memref<128x128xf32, #tpu.memory_space<vmem>>) offsets(%dma_start3A_101 : memref<128xi32, #tpu.memory_space<vmem>>) semaphore(%arg16 : memref<!tpu.dma_semaphore, #tpu.memory_space<semaphore_mem>>)
      %dma_wait3A = arith.constant 0 : i32
      %dma_wait3A_105 = arith.constant 0 : i32
      %dma_wait3A_106 = arith.constant 0 : i32
      %dma_wait3A_107 = arith.constant 0 : i32
      %dma_wait3A_108 = arith.constant 0 : i32
      %dma_wait3A_109 = tpu.memref_slice %arg10[%dma_wait3A_106, %dma_wait3A_107, %dma_wait3A_108] : memref<2x128x128xf32, #tpu.memory_space<vmem>> -> memref<1x128x128xf32, #tpu.memory_space<vmem>>
      %dma_wait3A_110 = tpu.memref_squeeze %dma_wait3A_109 : memref<1x128x128xf32, #tpu.memory_space<vmem>> -> memref<128x128xf32, #tpu.memory_space<vmem>>
      %dma_wait3A_111 = arith.constant 0 : i32
      %dma_wait3A_112 = tpu.memref_slice %arg9[%dma_wait3A, %dma_wait3A_105, %dma_wait3A_111] : memref<20x2x128xi32, #tpu.memory_space<vmem>> -> memref<1x1x128xi32, #tpu.memory_space<vmem>>
      %dma_wait3A_113 = tpu.memref_squeeze %dma_wait3A_112 : memref<1x1x128xi32, #tpu.memory_space<vmem>> -> memref<128xi32, #tpu.memory_space<vmem>>
      %dma_wait3A_114 = arith.constant 0 : i32
      %dma_wait3A_115 = arith.constant 0 : i32
      %dma_wait3A_116 = tpu.memref_slice %arg2[%dma_wait3A_114, %dma_wait3A_115] : memref<10000x128xf32, #tpu.memory_space<hbm>> -> memref<10000x128xf32, #tpu.memory_space<hbm>>
      tpu.wait_indirect_dma semaphore(%arg16 : memref<!tpu.dma_semaphore, #tpu.memory_space<semaphore_mem>>) src(%dma_wait3A_116 : memref<10000x128xf32, #tpu.memory_space<hbm>>) dst(%dma_wait3A_110 : memref<128x128xf32, #tpu.memory_space<vmem>>)
      %dma_start3A_117 = arith.constant 0 : i32
      %dma_start3A_118 = arith.constant 0 : i32
      %dma_start3A_119 = arith.constant 1 : i32
      %dma_start3A_120 = arith.constant 0 : i32
      %dma_start3A_121 = arith.constant 0 : i32
      %dma_start3A_122 = tpu.memref_slice %arg10[%dma_start3A_117, %dma_start3A_120, %dma_start3A_121] : memref<2x128x128xf32, #tpu.memory_space<vmem>> -> memref<1x128x128xf32, #tpu.memory_space<vmem>>
      %dma_start3A_123 = tpu.memref_squeeze %dma_start3A_122 : memref<1x128x128xf32, #tpu.memory_space<vmem>> -> memref<128x128xf32, #tpu.memory_space<vmem>>
      %dma_start3A_124 = arith.constant 0 : i32
      %dma_start3A_125 = tpu.memref_slice %arg9[%dma_start3A_118, %dma_start3A_119, %dma_start3A_124] : memref<20x2x128xi32, #tpu.memory_space<vmem>> -> memref<1x1x128xi32, #tpu.memory_space<vmem>>
      %dma_start3A_126 = tpu.memref_squeeze %dma_start3A_125 : memref<1x1x128xi32, #tpu.memory_space<vmem>> -> memref<128xi32, #tpu.memory_space<vmem>>
      %dma_start3A_127 = arith.constant 0 : i32
      %dma_start3A_128 = arith.constant 0 : i32
      %dma_start3A_129 = tpu.memref_slice %arg12[%dma_start3A_127, %dma_start3A_128] : memref<10128x128xf32, #tpu.memory_space<vmem_shared>> -> memref<10128x128xf32, #tpu.memory_space<vmem_shared>>
      tpu.enqueue_indirect_dma source(%dma_start3A_123 : memref<128x128xf32, #tpu.memory_space<vmem>>) target(%dma_start3A_129 : memref<10128x128xf32, #tpu.memory_space<vmem_shared>>) offsets(%dma_start3A_126 : memref<128xi32, #tpu.memory_space<vmem>>) semaphore(%arg15 : memref<!tpu.dma_semaphore, #tpu.memory_space<semaphore_mem>>) {add = true}
      %dma_start3A_130 = arith.constant 0 : i32
      %dma_start3A_131 = arith.constant 1 : i32
      %dma_start3A_132 = arith.constant 0 : i32
      %dma_start3A_133 = tpu.memref_slice %arg9[%dma_start3A_130, %dma_start3A_131, %dma_start3A_132] : memref<20x2x128xi32, #tpu.memory_space<vmem>> -> memref<1x1x128xi32, #tpu.memory_space<vmem>>
      %dma_start3A_134 = tpu.memref_squeeze %dma_start3A_133 : memref<1x1x128xi32, #tpu.memory_space<vmem>> -> memref<128xi32, #tpu.memory_space<vmem>>
      %dma_start3A_135 = arith.constant 0 : i32
      %dma_start3A_136 = tpu.memref_slice %arg14[%dma_start3A_135] : memref<16384xf32, #tpu.memory_space<vmem_shared>> -> memref<16384xf32, #tpu.memory_space<vmem_shared>>
      tpu.enqueue_indirect_dma source(%arg11 : memref<128xf32, #tpu.memory_space<vmem>>) target(%dma_start3A_136 : memref<16384xf32, #tpu.memory_space<vmem_shared>>) offsets(%dma_start3A_134 : memref<128xi32, #tpu.memory_space<vmem>>) semaphore(%arg17 : memref<!tpu.dma_semaphore, #tpu.memory_space<semaphore_mem>>) {add = true}
      %dma_start3A_137 = arith.constant 2 : i32
      %dma_start3A_138 = arith.constant 0 : i32
      %dma_start3A_139 = arith.constant 0 : i32
      %dma_start3A_140 = arith.constant 0 : i32
      %dma_start3A_141 = arith.constant 0 : i32
      %dma_start3A_142 = tpu.memref_slice %arg10[%dma_start3A_139, %dma_start3A_140, %dma_start3A_141] : memref<2x128x128xf32, #tpu.memory_space<vmem>> -> memref<1x128x128xf32, #tpu.memory_space<vmem>>
      %dma_start3A_143 = tpu.memref_squeeze %dma_start3A_142 : memref<1x128x128xf32, #tpu.memory_space<vmem>> -> memref<128x128xf32, #tpu.memory_space<vmem>>
      %dma_start3A_144 = arith.constant 0 : i32
      %dma_start3A_145 = tpu.memref_slice %arg9[%dma_start3A_137, %dma_start3A_138, %dma_start3A_144] : memref<20x2x128xi32, #tpu.memory_space<vmem>> -> memref<1x1x128xi32, #tpu.memory_space<vmem>>
      %dma_start3A_146 = tpu.memref_squeeze %dma_start3A_145 : memref<1x1x128xi32, #tpu.memory_space<vmem>> -> memref<128xi32, #tpu.memory_space<vmem>>
      %dma_start3A_147 = arith.constant 0 : i32
      %dma_start3A_148 = arith.constant 0 : i32
      %dma_start3A_149 = tpu.memref_slice %arg2[%dma_start3A_147, %dma_start3A_148] : memref<10000x128xf32, #tpu.memory_space<hbm>> -> memref<10000x128xf32, #tpu.memory_space<hbm>>
      tpu.enqueue_indirect_dma source(%dma_start3A_149 : memref<10000x128xf32, #tpu.memory_space<hbm>>) target(%dma_start3A_143 : memref<128x128xf32, #tpu.memory_space<vmem>>) offsets(%dma_start3A_146 : memref<128xi32, #tpu.memory_space<vmem>>) semaphore(%arg16 : memref<!tpu.dma_semaphore, #tpu.memory_space<semaphore_mem>>)
      %dma_wait3A_150 = arith.constant 0 : i32
      %dma_wait3A_151 = arith.constant 0 : i32
      %dma_wait3A_152 = arith.constant 0 : i32
      %dma_wait3A_153 = arith.constant 0 : i32
      %dma_wait3A_154 = arith.constant 0 : i32
      %dma_wait3A_155 = tpu.memref_slice %arg10[%dma_wait3A_152, %dma_wait3A_153, %dma_wait3A_154] : memref<2x128x128xf32, #tpu.memory_space<vmem>> -> memref<1x128x128xf32, #tpu.memory_space<vmem>>
      %dma_wait3A_156 = tpu.memref_squeeze %dma_wait3A_155 : memref<1x128x128xf32, #tpu.memory_space<vmem>> -> memref<128x128xf32, #tpu.memory_space<vmem>>
      %dma_wait3A_157 = arith.constant 0 : i32
      %dma_wait3A_158 = tpu.memref_slice %arg9[%dma_wait3A_150, %dma_wait3A_151, %dma_wait3A_157] : memref<20x2x128xi32, #tpu.memory_space<vmem>> -> memref<1x1x128xi32, #tpu.memory_space<vmem>>
      %dma_wait3A_159 = tpu.memref_squeeze %dma_wait3A_158 : memref<1x1x128xi32, #tpu.memory_space<vmem>> -> memref<128xi32, #tpu.memory_space<vmem>>
      %dma_wait3A_160 = arith.constant 0 : i32
      %dma_wait3A_161 = arith.constant 0 : i32
      %dma_wait3A_162 = tpu.memref_slice %arg2[%dma_wait3A_160, %dma_wait3A_161] : memref<10000x128xf32, #tpu.memory_space<hbm>> -> memref<10000x128xf32, #tpu.memory_space<hbm>>
      tpu.wait_indirect_dma semaphore(%arg16 : memref<!tpu.dma_semaphore, #tpu.memory_space<semaphore_mem>>) src(%dma_wait3A_162 : memref<10000x128xf32, #tpu.memory_space<hbm>>) dst(%dma_wait3A_156 : memref<128x128xf32, #tpu.memory_space<vmem>>)
      %dma_start3A_163 = arith.constant 1 : i32
      %dma_start3A_164 = arith.constant 1 : i32
      %dma_start3A_165 = arith.constant 1 : i32
      %dma_start3A_166 = arith.constant 0 : i32
      %dma_start3A_167 = arith.constant 0 : i32
      %dma_start3A_168 = tpu.memref_slice %arg10[%dma_start3A_163, %dma_start3A_166, %dma_start3A_167] : memref<2x128x128xf32, #tpu.memory_space<vmem>> -> memref<1x128x128xf32, #tpu.memory_space<vmem>>
      %dma_start3A_169 = tpu.memref_squeeze %dma_start3A_168 : memref<1x128x128xf32, #tpu.memory_space<vmem>> -> memref<128x128xf32, #tpu.memory_space<vmem>>
      %dma_start3A_170 = arith.constant 0 : i32
      %dma_start3A_171 = tpu.memref_slice %arg9[%dma_start3A_164, %dma_start3A_165, %dma_start3A_170] : memref<20x2x128xi32, #tpu.memory_space<vmem>> -> memref<1x1x128xi32, #tpu.memory_space<vmem>>
      %dma_start3A_172 = tpu.memref_squeeze %dma_start3A_171 : memref<1x1x128xi32, #tpu.memory_space<vmem>> -> memref<128xi32, #tpu.memory_space<vmem>>
      %dma_start3A_173 = arith.constant 0 : i32
      %dma_start3A_174 = arith.constant 0 : i32
      %dma_start3A_175 = tpu.memref_slice %arg12[%dma_start3A_173, %dma_start3A_174] : memref<10128x128xf32, #tpu.memory_space<vmem_shared>> -> memref<10128x128xf32, #tpu.memory_space<vmem_shared>>
      tpu.enqueue_indirect_dma source(%dma_start3A_169 : memref<128x128xf32, #tpu.memory_space<vmem>>) target(%dma_start3A_175 : memref<10128x128xf32, #tpu.memory_space<vmem_shared>>) offsets(%dma_start3A_172 : memref<128xi32, #tpu.memory_space<vmem>>) semaphore(%arg15 : memref<!tpu.dma_semaphore, #tpu.memory_space<semaphore_mem>>) {add = true}
      %dma_start3A_176 = arith.constant 1 : i32
      %dma_start3A_177 = arith.constant 1 : i32
      %dma_start3A_178 = arith.constant 0 : i32
      %dma_start3A_179 = tpu.memref_slice %arg9[%dma_start3A_176, %dma_start3A_177, %dma_start3A_178] : memref<20x2x128xi32, #tpu.memory_space<vmem>> -> memref<1x1x128xi32, #tpu.memory_space<vmem>>
      %dma_start3A_180 = tpu.memref_squeeze %dma_start3A_179 : memref<1x1x128xi32, #tpu.memory_space<vmem>> -> memref<128xi32, #tpu.memory_space<vmem>>
      %dma_start3A_181 = arith.constant 0 : i32
      %dma_start3A_182 = tpu.memref_slice %arg14[%dma_start3A_181] : memref<16384xf32, #tpu.memory_space<vmem_shared>> -> memref<16384xf32, #tpu.memory_space<vmem_shared>>
      tpu.enqueue_indirect_dma source(%arg11 : memref<128xf32, #tpu.memory_space<vmem>>) target(%dma_start3A_182 : memref<16384xf32, #tpu.memory_space<vmem_shared>>) offsets(%dma_start3A_180 : memref<128xi32, #tpu.memory_space<vmem>>) semaphore(%arg17 : memref<!tpu.dma_semaphore, #tpu.memory_space<semaphore_mem>>) {add = true}
      %dma_wait3A_183 = arith.constant 0 : i32
      %dma_wait3A_184 = arith.constant 0 : i32
      %dma_wait3A_185 = arith.constant 1 : i32
      %dma_wait3A_186 = arith.constant 0 : i32
      %dma_wait3A_187 = arith.constant 0 : i32
      %dma_wait3A_188 = tpu.memref_slice %arg10[%dma_wait3A_183, %dma_wait3A_186, %dma_wait3A_187] : memref<2x128x128xf32, #tpu.memory_space<vmem>> -> memref<1x128x128xf32, #tpu.memory_space<vmem>>
      %dma_wait3A_189 = tpu.memref_squeeze %dma_wait3A_188 : memref<1x128x128xf32, #tpu.memory_space<vmem>> -> memref<128x128xf32, #tpu.memory_space<vmem>>
      %dma_wait3A_190 = arith.constant 0 : i32
      %dma_wait3A_191 = tpu.memref_slice %arg9[%dma_wait3A_184, %dma_wait3A_185, %dma_wait3A_190] : memref<20x2x128xi32, #tpu.memory_space<vmem>> -> memref<1x1x128xi32, #tpu.memory_space<vmem>>
      %dma_wait3A_192 = tpu.memref_squeeze %dma_wait3A_191 : memref<1x1x128xi32, #tpu.memory_space<vmem>> -> memref<128xi32, #tpu.memory_space<vmem>>
      %dma_wait3A_193 = arith.constant 0 : i32
      %dma_wait3A_194 = arith.constant 0 : i32
      %dma_wait3A_195 = tpu.memref_slice %arg12[%dma_wait3A_193, %dma_wait3A_194] : memref<10128x128xf32, #tpu.memory_space<vmem_shared>> -> memref<10128x128xf32, #tpu.memory_space<vmem_shared>>
      tpu.wait_indirect_dma semaphore(%arg15 : memref<!tpu.dma_semaphore, #tpu.memory_space<semaphore_mem>>) src(%dma_wait3A_189 : memref<128x128xf32, #tpu.memory_space<vmem>>) dst(%dma_wait3A_195 : memref<10128x128xf32, #tpu.memory_space<vmem_shared>>)
      %dma_wait3A_196 = arith.constant 0 : i32
      %dma_wait3A_197 = arith.constant 1 : i32
      %dma_wait3A_198 = arith.constant 0 : i32
      %dma_wait3A_199 = tpu.memref_slice %arg9[%dma_wait3A_196, %dma_wait3A_197, %dma_wait3A_198] : memref<20x2x128xi32, #tpu.memory_space<vmem>> -> memref<1x1x128xi32, #tpu.memory_space<vmem>>
      %dma_wait3A_200 = tpu.memref_squeeze %dma_wait3A_199 : memref<1x1x128xi32, #tpu.memory_space<vmem>> -> memref<128xi32, #tpu.memory_space<vmem>>
      %dma_wait3A_201 = arith.constant 0 : i32
      %dma_wait3A_202 = tpu.memref_slice %arg14[%dma_wait3A_201] : memref<16384xf32, #tpu.memory_space<vmem_shared>> -> memref<16384xf32, #tpu.memory_space<vmem_shared>>
      tpu.wait_indirect_dma semaphore(%arg17 : memref<!tpu.dma_semaphore, #tpu.memory_space<semaphore_mem>>) src(%arg11 : memref<128xf32, #tpu.memory_space<vmem>>) dst(%dma_wait3A_202 : memref<16384xf32, #tpu.memory_space<vmem_shared>>)
      %dma_start3A_203 = arith.constant 3 : i32
      %dma_start3A_204 = arith.constant 0 : i32
      %dma_start3A_205 = arith.constant 1 : i32
      %dma_start3A_206 = arith.constant 0 : i32
      %dma_start3A_207 = arith.constant 0 : i32
      %dma_start3A_208 = tpu.memref_slice %arg10[%dma_start3A_205, %dma_start3A_206, %dma_start3A_207] : memref<2x128x128xf32, #tpu.memory_space<vmem>> -> memref<1x128x128xf32, #tpu.memory_space<vmem>>
      %dma_start3A_209 = tpu.memref_squeeze %dma_start3A_208 : memref<1x128x128xf32, #tpu.memory_space<vmem>> -> memref<128x128xf32, #tpu.memory_space<vmem>>
      %dma_start3A_210 = arith.constant 0 : i32
      %dma_start3A_211 = tpu.memref_slice %arg9[%dma_start3A_203, %dma_start3A_204, %dma_start3A_210] : memref<20x2x128xi32, #tpu.memory_space<vmem>> -> memref<1x1x128xi32, #tpu.memory_space<vmem>>
      %dma_start3A_212 = tpu.memref_squeeze %dma_start3A_211 : memref<1x1x128xi32, #tpu.memory_space<vmem>> -> memref<128xi32, #tpu.memory_space<vmem>>
      %dma_start3A_213 = arith.constant 0 : i32
      %dma_start3A_214 = arith.constant 0 : i32
      %dma_start3A_215 = tpu.memref_slice %arg2[%dma_start3A_213, %dma_start3A_214] : memref<10000x128xf32, #tpu.memory_space<hbm>> -> memref<10000x128xf32, #tpu.memory_space<hbm>>
      tpu.enqueue_indirect_dma source(%dma_start3A_215 : memref<10000x128xf32, #tpu.memory_space<hbm>>) target(%dma_start3A_209 : memref<128x128xf32, #tpu.memory_space<vmem>>) offsets(%dma_start3A_212 : memref<128xi32, #tpu.memory_space<vmem>>) semaphore(%arg16 : memref<!tpu.dma_semaphore, #tpu.memory_space<semaphore_mem>>)
      %dma_wait3A_216 = arith.constant 0 : i32
      %dma_wait3A_217 = arith.constant 0 : i32
      %dma_wait3A_218 = arith.constant 0 : i32
      %dma_wait3A_219 = arith.constant 0 : i32
      %dma_wait3A_220 = arith.constant 0 : i32
      %dma_wait3A_221 = tpu.memref_slice %arg10[%dma_wait3A_218, %dma_wait3A_219, %dma_wait3A_220] : memref<2x128x128xf32, #tpu.memory_space<vmem>> -> memref<1x128x128xf32, #tpu.memory_space<vmem>>
      %dma_wait3A_222 = tpu.memref_squeeze %dma_wait3A_221 : memref<1x128x128xf32, #tpu.memory_space<vmem>> -> memref<128x128xf32, #tpu.memory_space<vmem>>
      %dma_wait3A_223 = arith.constant 0 : i32
      %dma_wait3A_224 = tpu.memref_slice %arg9[%dma_wait3A_216, %dma_wait3A_217, %dma_wait3A_223] : memref<20x2x128xi32, #tpu.memory_space<vmem>> -> memref<1x1x128xi32, #tpu.memory_space<vmem>>
      %dma_wait3A_225 = tpu.memref_squeeze %dma_wait3A_224 : memref<1x1x128xi32, #tpu.memory_space<vmem>> -> memref<128xi32, #tpu.memory_space<vmem>>
      %dma_wait3A_226 = arith.constant 0 : i32
      %dma_wait3A_227 = arith.constant 0 : i32
      %dma_wait3A_228 = tpu.memref_slice %arg2[%dma_wait3A_226, %dma_wait3A_227] : memref<10000x128xf32, #tpu.memory_space<hbm>> -> memref<10000x128xf32, #tpu.memory_space<hbm>>
      tpu.wait_indirect_dma semaphore(%arg16 : memref<!tpu.dma_semaphore, #tpu.memory_space<semaphore_mem>>) src(%dma_wait3A_228 : memref<10000x128xf32, #tpu.memory_space<hbm>>) dst(%dma_wait3A_222 : memref<128x128xf32, #tpu.memory_space<vmem>>)
      %dma_start3A_229 = arith.constant 0 : i32
      %dma_start3A_230 = arith.constant 2 : i32
      %dma_start3A_231 = arith.constant 1 : i32
      %dma_start3A_232 = arith.constant 0 : i32
      %dma_start3A_233 = arith.constant 0 : i32
      %dma_start3A_234 = tpu.memref_slice %arg10[%dma_start3A_229, %dma_start3A_232, %dma_start3A_233] : memref<2x128x128xf32, #tpu.memory_space<vmem>> -> memref<1x128x128xf32, #tpu.memory_space<vmem>>
      %dma_start3A_235 = tpu.memref_squeeze %dma_start3A_234 : memref<1x128x128xf32, #tpu.memory_space<vmem>> -> memref<128x128xf32, #tpu.memory_space<vmem>>
      %dma_start3A_236 = arith.constant 0 : i32
      %dma_start3A_237 = tpu.memref_slice %arg9[%dma_start3A_230, %dma_start3A_231, %dma_start3A_236] : memref<20x2x128xi32, #tpu.memory_space<vmem>> -> memref<1x1x128xi32, #tpu.memory_space<vmem>>
      %dma_start3A_238 = tpu.memref_squeeze %dma_start3A_237 : memref<1x1x128xi32, #tpu.memory_space<vmem>> -> memref<128xi32, #tpu.memory_space<vmem>>
      %dma_start3A_239 = arith.constant 0 : i32
      %dma_start3A_240 = arith.constant 0 : i32
      %dma_start3A_241 = tpu.memref_slice %arg12[%dma_start3A_239, %dma_start3A_240] : memref<10128x128xf32, #tpu.memory_space<vmem_shared>> -> memref<10128x128xf32, #tpu.memory_space<vmem_shared>>
      tpu.enqueue_indirect_dma source(%dma_start3A_235 : memref<128x128xf32, #tpu.memory_space<vmem>>) target(%dma_start3A_241 : memref<10128x128xf32, #tpu.memory_space<vmem_shared>>) offsets(%dma_start3A_238 : memref<128xi32, #tpu.memory_space<vmem>>) semaphore(%arg15 : memref<!tpu.dma_semaphore, #tpu.memory_space<semaphore_mem>>) {add = true}
      %dma_start3A_242 = arith.constant 2 : i32
      %dma_start3A_243 = arith.constant 1 : i32
      %dma_start3A_244 = arith.constant 0 : i32
      %dma_start3A_245 = tpu.memref_slice %arg9[%dma_start3A_242, %dma_start3A_243, %dma_start3A_244] : memref<20x2x128xi32, #tpu.memory_space<vmem>> -> memref<1x1x128xi32, #tpu.memory_space<vmem>>
      %dma_start3A_246 = tpu.memref_squeeze %dma_start3A_245 : memref<1x1x128xi32, #tpu.memory_space<vmem>> -> memref<128xi32, #tpu.memory_space<vmem>>
      %dma_start3A_247 = arith.constant 0 : i32
      %dma_start3A_248 = tpu.memref_slice %arg14[%dma_start3A_247] : memref<16384xf32, #tpu.memory_space<vmem_shared>> -> memref<16384xf32, #tpu.memory_space<vmem_shared>>
      tpu.enqueue_indirect_dma source(%arg11 : memref<128xf32, #tpu.memory_space<vmem>>) target(%dma_start3A_248 : memref<16384xf32, #tpu.memory_space<vmem_shared>>) offsets(%dma_start3A_246 : memref<128xi32, #tpu.memory_space<vmem>>) semaphore(%arg17 : memref<!tpu.dma_semaphore, #tpu.memory_space<semaphore_mem>>) {add = true}
      %dma_wait3A_249 = arith.constant 0 : i32
      %dma_wait3A_250 = arith.constant 0 : i32
      %dma_wait3A_251 = arith.constant 1 : i32
      %dma_wait3A_252 = arith.constant 0 : i32
      %dma_wait3A_253 = arith.constant 0 : i32
      %dma_wait3A_254 = tpu.memref_slice %arg10[%dma_wait3A_249, %dma_wait3A_252, %dma_wait3A_253] : memref<2x128x128xf32, #tpu.memory_space<vmem>> -> memref<1x128x128xf32, #tpu.memory_space<vmem>>
      %dma_wait3A_255 = tpu.memref_squeeze %dma_wait3A_254 : memref<1x128x128xf32, #tpu.memory_space<vmem>> -> memref<128x128xf32, #tpu.memory_space<vmem>>
      %dma_wait3A_256 = arith.constant 0 : i32
      %dma_wait3A_257 = tpu.memref_slice %arg9[%dma_wait3A_250, %dma_wait3A_251, %dma_wait3A_256] : memref<20x2x128xi32, #tpu.memory_space<vmem>> -> memref<1x1x128xi32, #tpu.memory_space<vmem>>
      %dma_wait3A_258 = tpu.memref_squeeze %dma_wait3A_257 : memref<1x1x128xi32, #tpu.memory_space<vmem>> -> memref<128xi32, #tpu.memory_space<vmem>>
      %dma_wait3A_259 = arith.constant 0 : i32
      %dma_wait3A_260 = arith.constant 0 : i32
      %dma_wait3A_261 = tpu.memref_slice %arg12[%dma_wait3A_259, %dma_wait3A_260] : memref<10128x128xf32, #tpu.memory_space<vmem_shared>> -> memref<10128x128xf32, #tpu.memory_space<vmem_shared>>
      tpu.wait_indirect_dma semaphore(%arg15 : memref<!tpu.dma_semaphore, #tpu.memory_space<semaphore_mem>>) src(%dma_wait3A_255 : memref<128x128xf32, #tpu.memory_space<vmem>>) dst(%dma_wait3A_261 : memref<10128x128xf32, #tpu.memory_space<vmem_shared>>)
      %dma_wait3A_262 = arith.constant 0 : i32
      %dma_wait3A_263 = arith.constant 1 : i32
      %dma_wait3A_264 = arith.constant 0 : i32
      %dma_wait3A_265 = tpu.memref_slice %arg9[%dma_wait3A_262, %dma_wait3A_263, %dma_wait3A_264] : memref<20x2x128xi32, #tpu.memory_space<vmem>> -> memref<1x1x128xi32, #tpu.memory_space<vmem>>
      %dma_wait3A_266 = tpu.memref_squeeze %dma_wait3A_265 : memref<1x1x128xi32, #tpu.memory_space<vmem>> -> memref<128xi32, #tpu.memory_space<vmem>>
      %dma_wait3A_267 = arith.constant 0 : i32
      %dma_wait3A_268 = tpu.memref_slice %arg14[%dma_wait3A_267] : memref<16384xf32, #tpu.memory_space<vmem_shared>> -> memref<16384xf32, #tpu.memory_space<vmem_shared>>
      tpu.wait_indirect_dma semaphore(%arg17 : memref<!tpu.dma_semaphore, #tpu.memory_space<semaphore_mem>>) src(%arg11 : memref<128xf32, #tpu.memory_space<vmem>>) dst(%dma_wait3A_268 : memref<16384xf32, #tpu.memory_space<vmem_shared>>)
      %dma_start3A_269 = arith.constant 4 : i32
      %dma_start3A_270 = arith.constant 0 : i32
      %dma_start3A_271 = arith.constant 0 : i32
      %dma_start3A_272 = arith.constant 0 : i32
      %dma_start3A_273 = arith.constant 0 : i32
      %dma_start3A_274 = tpu.memref_slice %arg10[%dma_start3A_271, %dma_start3A_272, %dma_start3A_273] : memref<2x128x128xf32, #tpu.memory_space<vmem>> -> memref<1x128x128xf32, #tpu.memory_space<vmem>>
      %dma_start3A_275 = tpu.memref_squeeze %dma_start3A_274 : memref<1x128x128xf32, #tpu.memory_space<vmem>> -> memref<128x128xf32, #tpu.memory_space<vmem>>
      %dma_start3A_276 = arith.constant 0 : i32
      %dma_start3A_277 = tpu.memref_slice %arg9[%dma_start3A_269, %dma_start3A_270, %dma_start3A_276] : memref<20x2x128xi32, #tpu.memory_space<vmem>> -> memref<1x1x128xi32, #tpu.memory_space<vmem>>
      %dma_start3A_278 = tpu.memref_squeeze %dma_start3A_277 : memref<1x1x128xi32, #tpu.memory_space<vmem>> -> memref<128xi32, #tpu.memory_space<vmem>>
      %dma_start3A_279 = arith.constant 0 : i32
      %dma_start3A_280 = arith.constant 0 : i32
      %dma_start3A_281 = tpu.memref_slice %arg2[%dma_start3A_279, %dma_start3A_280] : memref<10000x128xf32, #tpu.memory_space<hbm>> -> memref<10000x128xf32, #tpu.memory_space<hbm>>
      tpu.enqueue_indirect_dma source(%dma_start3A_281 : memref<10000x128xf32, #tpu.memory_space<hbm>>) target(%dma_start3A_275 : memref<128x128xf32, #tpu.memory_space<vmem>>) offsets(%dma_start3A_278 : memref<128xi32, #tpu.memory_space<vmem>>) semaphore(%arg16 : memref<!tpu.dma_semaphore, #tpu.memory_space<semaphore_mem>>)
      %dma_wait3A_282 = arith.constant 0 : i32
      %dma_wait3A_283 = arith.constant 0 : i32
      %dma_wait3A_284 = arith.constant 0 : i32
      %dma_wait3A_285 = arith.constant 0 : i32
      %dma_wait3A_286 = arith.constant 0 : i32
      %dma_wait3A_287 = tpu.memref_slice %arg10[%dma_wait3A_284, %dma_wait3A_285, %dma_wait3A_286] : memref<2x128x128xf32, #tpu.memory_space<vmem>> -> memref<1x128x128xf32, #tpu.memory_space<vmem>>
      %dma_wait3A_288 = tpu.memref_squeeze %dma_wait3A_287 : memref<1x128x128xf32, #tpu.memory_space<vmem>> -> memref<128x128xf32, #tpu.memory_space<vmem>>
      %dma_wait3A_289 = arith.constant 0 : i32
      %dma_wait3A_290 = tpu.memref_slice %arg9[%dma_wait3A_282, %dma_wait3A_283, %dma_wait3A_289] : memref<20x2x128xi32, #tpu.memory_space<vmem>> -> memref<1x1x128xi32, #tpu.memory_space<vmem>>
      %dma_wait3A_291 = tpu.memref_squeeze %dma_wait3A_290 : memref<1x1x128xi32, #tpu.memory_space<vmem>> -> memref<128xi32, #tpu.memory_space<vmem>>
      %dma_wait3A_292 = arith.constant 0 : i32
      %dma_wait3A_293 = arith.constant 0 : i32
      %dma_wait3A_294 = tpu.memref_slice %arg2[%dma_wait3A_292, %dma_wait3A_293] : memref<10000x128xf32, #tpu.memory_space<hbm>> -> memref<10000x128xf32, #tpu.memory_space<hbm>>
      tpu.wait_indirect_dma semaphore(%arg16 : memref<!tpu.dma_semaphore, #tpu.memory_space<semaphore_mem>>) src(%dma_wait3A_294 : memref<10000x128xf32, #tpu.memory_space<hbm>>) dst(%dma_wait3A_288 : memref<128x128xf32, #tpu.memory_space<vmem>>)
      %dma_start3A_295 = arith.constant 1 : i32
      %dma_start3A_296 = arith.constant 3 : i32
      %dma_start3A_297 = arith.constant 1 : i32
      %dma_start3A_298 = arith.constant 0 : i32
      %dma_start3A_299 = arith.constant 0 : i32
      %dma_start3A_300 = tpu.memref_slice %arg10[%dma_start3A_295, %dma_start3A_298, %dma_start3A_299] : memref<2x128x128xf32, #tpu.memory_space<vmem>> -> memref<1x128x128xf32, #tpu.memory_space<vmem>>
      %dma_start3A_301 = tpu.memref_squeeze %dma_start3A_300 : memref<1x128x128xf32, #tpu.memory_space<vmem>> -> memref<128x128xf32, #tpu.memory_space<vmem>>
      %dma_start3A_302 = arith.constant 0 : i32
      %dma_start3A_303 = tpu.memref_slice %arg9[%dma_start3A_296, %dma_start3A_297, %dma_start3A_302] : memref<20x2x128xi32, #tpu.memory_space<vmem>> -> memref<1x1x128xi32, #tpu.memory_space<vmem>>
      %dma_start3A_304 = tpu.memref_squeeze %dma_start3A_303 : memref<1x1x128xi32, #tpu.memory_space<vmem>> -> memref<128xi32, #tpu.memory_space<vmem>>
      %dma_start3A_305 = arith.constant 0 : i32
      %dma_start3A_306 = arith.constant 0 : i32
      %dma_start3A_307 = tpu.memref_slice %arg12[%dma_start3A_305, %dma_start3A_306] : memref<10128x128xf32, #tpu.memory_space<vmem_shared>> -> memref<10128x128xf32, #tpu.memory_space<vmem_shared>>
      tpu.enqueue_indirect_dma source(%dma_start3A_301 : memref<128x128xf32, #tpu.memory_space<vmem>>) target(%dma_start3A_307 : memref<10128x128xf32, #tpu.memory_space<vmem_shared>>) offsets(%dma_start3A_304 : memref<128xi32, #tpu.memory_space<vmem>>) semaphore(%arg15 : memref<!tpu.dma_semaphore, #tpu.memory_space<semaphore_mem>>) {add = true}
      %dma_start3A_308 = arith.constant 3 : i32
      %dma_start3A_309 = arith.constant 1 : i32
      %dma_start3A_310 = arith.constant 0 : i32
      %dma_start3A_311 = tpu.memref_slice %arg9[%dma_start3A_308, %dma_start3A_309, %dma_start3A_310] : memref<20x2x128xi32, #tpu.memory_space<vmem>> -> memref<1x1x128xi32, #tpu.memory_space<vmem>>
      %dma_start3A_312 = tpu.memref_squeeze %dma_start3A_311 : memref<1x1x128xi32, #tpu.memory_space<vmem>> -> memref<128xi32, #tpu.memory_space<vmem>>
      %dma_start3A_313 = arith.constant 0 : i32
      %dma_start3A_314 = tpu.memref_slice %arg14[%dma_start3A_313] : memref<16384xf32, #tpu.memory_space<vmem_shared>> -> memref<16384xf32, #tpu.memory_space<vmem_shared>>
      tpu.enqueue_indirect_dma source(%arg11 : memref<128xf32, #tpu.memory_space<vmem>>) target(%dma_start3A_314 : memref<16384xf32, #tpu.memory_space<vmem_shared>>) offsets(%dma_start3A_312 : memref<128xi32, #tpu.memory_space<vmem>>) semaphore(%arg17 : memref<!tpu.dma_semaphore, #tpu.memory_space<semaphore_mem>>) {add = true}
      %dma_wait3A_315 = arith.constant 0 : i32
      %dma_wait3A_316 = arith.constant 0 : i32
      %dma_wait3A_317 = arith.constant 1 : i32
      %dma_wait3A_318 = arith.constant 0 : i32
      %dma_wait3A_319 = arith.constant 0 : i32
      %dma_wait3A_320 = tpu.memref_slice %arg10[%dma_wait3A_315, %dma_wait3A_318, %dma_wait3A_319] : memref<2x128x128xf32, #tpu.memory_space<vmem>> -> memref<1x128x128xf32, #tpu.memory_space<vmem>>
      %dma_wait3A_321 = tpu.memref_squeeze %dma_wait3A_320 : memref<1x128x128xf32, #tpu.memory_space<vmem>> -> memref<128x128xf32, #tpu.memory_space<vmem>>
      %dma_wait3A_322 = arith.constant 0 : i32
      %dma_wait3A_323 = tpu.memref_slice %arg9[%dma_wait3A_316, %dma_wait3A_317, %dma_wait3A_322] : memref<20x2x128xi32, #tpu.memory_space<vmem>> -> memref<1x1x128xi32, #tpu.memory_space<vmem>>
      %dma_wait3A_324 = tpu.memref_squeeze %dma_wait3A_323 : memref<1x1x128xi32, #tpu.memory_space<vmem>> -> memref<128xi32, #tpu.memory_space<vmem>>
      %dma_wait3A_325 = arith.constant 0 : i32
      %dma_wait3A_326 = arith.constant 0 : i32
      %dma_wait3A_327 = tpu.memref_slice %arg12[%dma_wait3A_325, %dma_wait3A_326] : memref<10128x128xf32, #tpu.memory_space<vmem_shared>> -> memref<10128x128xf32, #tpu.memory_space<vmem_shared>>
      tpu.wait_indirect_dma semaphore(%arg15 : memref<!tpu.dma_semaphore, #tpu.memory_space<semaphore_mem>>) src(%dma_wait3A_321 : memref<128x128xf32, #tpu.memory_space<vmem>>) dst(%dma_wait3A_327 : memref<10128x128xf32, #tpu.memory_space<vmem_shared>>)
      %dma_wait3A_328 = arith.constant 0 : i32
      %dma_wait3A_329 = arith.constant 1 : i32
      %dma_wait3A_330 = arith.constant 0 : i32
      %dma_wait3A_331 = tpu.memref_slice %arg9[%dma_wait3A_328, %dma_wait3A_329, %dma_wait3A_330] : memref<20x2x128xi32, #tpu.memory_space<vmem>> -> memref<1x1x128xi32, #tpu.memory_space<vmem>>
      %dma_wait3A_332 = tpu.memref_squeeze %dma_wait3A_331 : memref<1x1x128xi32, #tpu.memory_space<vmem>> -> memref<128xi32, #tpu.memory_space<vmem>>
      %dma_wait3A_333 = arith.constant 0 : i32
      %dma_wait3A_334 = tpu.memref_slice %arg14[%dma_wait3A_333] : memref<16384xf32, #tpu.memory_space<vmem_shared>> -> memref<16384xf32, #tpu.memory_space<vmem_shared>>
      tpu.wait_indirect_dma semaphore(%arg17 : memref<!tpu.dma_semaphore, #tpu.memory_space<semaphore_mem>>) src(%arg11 : memref<128xf32, #tpu.memory_space<vmem>>) dst(%dma_wait3A_334 : memref<16384xf32, #tpu.memory_space<vmem_shared>>)
      %dma_start3A_335 = arith.constant 5 : i32
      %dma_start3A_336 = arith.constant 0 : i32
      %dma_start3A_337 = arith.constant 1 : i32
      %dma_start3A_338 = arith.constant 0 : i32
      %dma_start3A_339 = arith.constant 0 : i32
      %dma_start3A_340 = tpu.memref_slice %arg10[%dma_start3A_337, %dma_start3A_338, %dma_start3A_339] : memref<2x128x128xf32, #tpu.memory_space<vmem>> -> memref<1x128x128xf32, #tpu.memory_space<vmem>>
      %dma_start3A_341 = tpu.memref_squeeze %dma_start3A_340 : memref<1x128x128xf32, #tpu.memory_space<vmem>> -> memref<128x128xf32, #tpu.memory_space<vmem>>
      %dma_start3A_342 = arith.constant 0 : i32
      %dma_start3A_343 = tpu.memref_slice %arg9[%dma_start3A_335, %dma_start3A_336, %dma_start3A_342] : memref<20x2x128xi32, #tpu.memory_space<vmem>> -> memref<1x1x128xi32, #tpu.memory_space<vmem>>
      %dma_start3A_344 = tpu.memref_squeeze %dma_start3A_343 : memref<1x1x128xi32, #tpu.memory_space<vmem>> -> memref<128xi32, #tpu.memory_space<vmem>>
      %dma_start3A_345 = arith.constant 0 : i32
      %dma_start3A_346 = arith.constant 0 : i32
      %dma_start3A_347 = tpu.memref_slice %arg2[%dma_start3A_345, %dma_start3A_346] : memref<10000x128xf32, #tpu.memory_space<hbm>> -> memref<10000x128xf32, #tpu.memory_space<hbm>>
      tpu.enqueue_indirect_dma source(%dma_start3A_347 : memref<10000x128xf32, #tpu.memory_space<hbm>>) target(%dma_start3A_341 : memref<128x128xf32, #tpu.memory_space<vmem>>) offsets(%dma_start3A_344 : memref<128xi32, #tpu.memory_space<vmem>>) semaphore(%arg16 : memref<!tpu.dma_semaphore, #tpu.memory_space<semaphore_mem>>)
      %dma_wait3A_348 = arith.constant 0 : i32
      %dma_wait3A_349 = arith.constant 0 : i32
      %dma_wait3A_350 = arith.constant 0 : i32
      %dma_wait3A_351 = arith.constant 0 : i32
      %dma_wait3A_352 = arith.constant 0 : i32
      %dma_wait3A_353 = tpu.memref_slice %arg10[%dma_wait3A_350, %dma_wait3A_351, %dma_wait3A_352] : memref<2x128x128xf32, #tpu.memory_space<vmem>> -> memref<1x128x128xf32, #tpu.memory_space<vmem>>
      %dma_wait3A_354 = tpu.memref_squeeze %dma_wait3A_353 : memref<1x128x128xf32, #tpu.memory_space<vmem>> -> memref<128x128xf32, #tpu.memory_space<vmem>>
      %dma_wait3A_355 = arith.constant 0 : i32
      %dma_wait3A_356 = tpu.memref_slice %arg9[%dma_wait3A_348, %dma_wait3A_349, %dma_wait3A_355] : memref<20x2x128xi32, #tpu.memory_space<vmem>> -> memref<1x1x128xi32, #tpu.memory_space<vmem>>
      %dma_wait3A_357 = tpu.memref_squeeze %dma_wait3A_356 : memref<1x1x128xi32, #tpu.memory_space<vmem>> -> memref<128xi32, #tpu.memory_space<vmem>>
      %dma_wait3A_358 = arith.constant 0 : i32
      %dma_wait3A_359 = arith.constant 0 : i32
      %dma_wait3A_360 = tpu.memref_slice %arg2[%dma_wait3A_358, %dma_wait3A_359] : memref<10000x128xf32, #tpu.memory_space<hbm>> -> memref<10000x128xf32, #tpu.memory_space<hbm>>
      tpu.wait_indirect_dma semaphore(%arg16 : memref<!tpu.dma_semaphore, #tpu.memory_space<semaphore_mem>>) src(%dma_wait3A_360 : memref<10000x128xf32, #tpu.memory_space<hbm>>) dst(%dma_wait3A_354 : memref<128x128xf32, #tpu.memory_space<vmem>>)
      %dma_start3A_361 = arith.constant 0 : i32
      %dma_start3A_362 = arith.constant 4 : i32
      %dma_start3A_363 = arith.constant 1 : i32
      %dma_start3A_364 = arith.constant 0 : i32
      %dma_start3A_365 = arith.constant 0 : i32
      %dma_start3A_366 = tpu.memref_slice %arg10[%dma_start3A_361, %dma_start3A_364, %dma_start3A_365] : memref<2x128x128xf32, #tpu.memory_space<vmem>> -> memref<1x128x128xf32, #tpu.memory_space<vmem>>
      %dma_start3A_367 = tpu.memref_squeeze %dma_start3A_366 : memref<1x128x128xf32, #tpu.memory_space<vmem>> -> memref<128x128xf32, #tpu.memory_space<vmem>>
      %dma_start3A_368 = arith.constant 0 : i32
      %dma_start3A_369 = tpu.memref_slice %arg9[%dma_start3A_362, %dma_start3A_363, %dma_start3A_368] : memref<20x2x128xi32, #tpu.memory_space<vmem>> -> memref<1x1x128xi32, #tpu.memory_space<vmem>>
      %dma_start3A_370 = tpu.memref_squeeze %dma_start3A_369 : memref<1x1x128xi32, #tpu.memory_space<vmem>> -> memref<128xi32, #tpu.memory_space<vmem>>
      %dma_start3A_371 = arith.constant 0 : i32
      %dma_start3A_372 = arith.constant 0 : i32
      %dma_start3A_373 = tpu.memref_slice %arg12[%dma_start3A_371, %dma_start3A_372] : memref<10128x128xf32, #tpu.memory_space<vmem_shared>> -> memref<10128x128xf32, #tpu.memory_space<vmem_shared>>
      tpu.enqueue_indirect_dma source(%dma_start3A_367 : memref<128x128xf32, #tpu.memory_space<vmem>>) target(%dma_start3A_373 : memref<10128x128xf32, #tpu.memory_space<vmem_shared>>) offsets(%dma_start3A_370 : memref<128xi32, #tpu.memory_space<vmem>>) semaphore(%arg15 : memref<!tpu.dma_semaphore, #tpu.memory_space<semaphore_mem>>) {add = true}
      %dma_start3A_374 = arith.constant 4 : i32
      %dma_start3A_375 = arith.constant 1 : i32
      %dma_start3A_376 = arith.constant 0 : i32
      %dma_start3A_377 = tpu.memref_slice %arg9[%dma_start3A_374, %dma_start3A_375, %dma_start3A_376] : memref<20x2x128xi32, #tpu.memory_space<vmem>> -> memref<1x1x128xi32, #tpu.memory_space<vmem>>
      %dma_start3A_378 = tpu.memref_squeeze %dma_start3A_377 : memref<1x1x128xi32, #tpu.memory_space<vmem>> -> memref<128xi32, #tpu.memory_space<vmem>>
      %dma_start3A_379 = arith.constant 0 : i32
      %dma_start3A_380 = tpu.memref_slice %arg14[%dma_start3A_379] : memref<16384xf32, #tpu.memory_space<vmem_shared>> -> memref<16384xf32, #tpu.memory_space<vmem_shared>>
      tpu.enqueue_indirect_dma source(%arg11 : memref<128xf32, #tpu.memory_space<vmem>>) target(%dma_start3A_380 : memref<16384xf32, #tpu.memory_space<vmem_shared>>) offsets(%dma_start3A_378 : memref<128xi32, #tpu.memory_space<vmem>>) semaphore(%arg17 : memref<!tpu.dma_semaphore, #tpu.memory_space<semaphore_mem>>) {add = true}
      %dma_wait3A_381 = arith.constant 0 : i32
      %dma_wait3A_382 = arith.constant 0 : i32
      %dma_wait3A_383 = arith.constant 1 : i32
      %dma_wait3A_384 = arith.constant 0 : i32
      %dma_wait3A_385 = arith.constant 0 : i32
      %dma_wait3A_386 = tpu.memref_slice %arg10[%dma_wait3A_381, %dma_wait3A_384, %dma_wait3A_385] : memref<2x128x128xf32, #tpu.memory_space<vmem>> -> memref<1x128x128xf32, #tpu.memory_space<vmem>>
      %dma_wait3A_387 = tpu.memref_squeeze %dma_wait3A_386 : memref<1x128x128xf32, #tpu.memory_space<vmem>> -> memref<128x128xf32, #tpu.memory_space<vmem>>
      %dma_wait3A_388 = arith.constant 0 : i32
      %dma_wait3A_389 = tpu.memref_slice %arg9[%dma_wait3A_382, %dma_wait3A_383, %dma_wait3A_388] : memref<20x2x128xi32, #tpu.memory_space<vmem>> -> memref<1x1x128xi32, #tpu.memory_space<vmem>>
      %dma_wait3A_390 = tpu.memref_squeeze %dma_wait3A_389 : memref<1x1x128xi32, #tpu.memory_space<vmem>> -> memref<128xi32, #tpu.memory_space<vmem>>
      %dma_wait3A_391 = arith.constant 0 : i32
      %dma_wait3A_392 = arith.constant 0 : i32
      %dma_wait3A_393 = tpu.memref_slice %arg12[%dma_wait3A_391, %dma_wait3A_392] : memref<10128x128xf32, #tpu.memory_space<vmem_shared>> -> memref<10128x128xf32, #tpu.memory_space<vmem_shared>>
      tpu.wait_indirect_dma semaphore(%arg15 : memref<!tpu.dma_semaphore, #tpu.memory_space<semaphore_mem>>) src(%dma_wait3A_387 : memref<128x128xf32, #tpu.memory_space<vmem>>) dst(%dma_wait3A_393 : memref<10128x128xf32, #tpu.memory_space<vmem_shared>>)
      %dma_wait3A_394 = arith.constant 0 : i32
      %dma_wait3A_395 = arith.constant 1 : i32
      %dma_wait3A_396 = arith.constant 0 : i32
      %dma_wait3A_397 = tpu.memref_slice %arg9[%dma_wait3A_394, %dma_wait3A_395, %dma_wait3A_396] : memref<20x2x128xi32, #tpu.memory_space<vmem>> -> memref<1x1x128xi32, #tpu.memory_space<vmem>>
      %dma_wait3A_398 = tpu.memref_squeeze %dma_wait3A_397 : memref<1x1x128xi32, #tpu.memory_space<vmem>> -> memref<128xi32, #tpu.memory_space<vmem>>
      %dma_wait3A_399 = arith.constant 0 : i32
      %dma_wait3A_400 = tpu.memref_slice %arg14[%dma_wait3A_399] : memref<16384xf32, #tpu.memory_space<vmem_shared>> -> memref<16384xf32, #tpu.memory_space<vmem_shared>>
      tpu.wait_indirect_dma semaphore(%arg17 : memref<!tpu.dma_semaphore, #tpu.memory_space<semaphore_mem>>) src(%arg11 : memref<128xf32, #tpu.memory_space<vmem>>) dst(%dma_wait3A_400 : memref<16384xf32, #tpu.memory_space<vmem_shared>>)
      %dma_start3A_401 = arith.constant 6 : i32
      %dma_start3A_402 = arith.constant 0 : i32
      %dma_start3A_403 = arith.constant 0 : i32
      %dma_start3A_404 = arith.constant 0 : i32
      %dma_start3A_405 = arith.constant 0 : i32
      %dma_start3A_406 = tpu.memref_slice %arg10[%dma_start3A_403, %dma_start3A_404, %dma_start3A_405] : memref<2x128x128xf32, #tpu.memory_space<vmem>> -> memref<1x128x128xf32, #tpu.memory_space<vmem>>
      %dma_start3A_407 = tpu.memref_squeeze %dma_start3A_406 : memref<1x128x128xf32, #tpu.memory_space<vmem>> -> memref<128x128xf32, #tpu.memory_space<vmem>>
      %dma_start3A_408 = arith.constant 0 : i32
      %dma_start3A_409 = tpu.memref_slice %arg9[%dma_start3A_401, %dma_start3A_402, %dma_start3A_408] : memref<20x2x128xi32, #tpu.memory_space<vmem>> -> memref<1x1x128xi32, #tpu.memory_space<vmem>>
      %dma_start3A_410 = tpu.memref_squeeze %dma_start3A_409 : memref<1x1x128xi32, #tpu.memory_space<vmem>> -> memref<128xi32, #tpu.memory_space<vmem>>
      %dma_start3A_411 = arith.constant 0 : i32
      %dma_start3A_412 = arith.constant 0 : i32
      %dma_start3A_413 = tpu.memref_slice %arg2[%dma_start3A_411, %dma_start3A_412] : memref<10000x128xf32, #tpu.memory_space<hbm>> -> memref<10000x128xf32, #tpu.memory_space<hbm>>
      tpu.enqueue_indirect_dma source(%dma_start3A_413 : memref<10000x128xf32, #tpu.memory_space<hbm>>) target(%dma_start3A_407 : memref<128x128xf32, #tpu.memory_space<vmem>>) offsets(%dma_start3A_410 : memref<128xi32, #tpu.memory_space<vmem>>) semaphore(%arg16 : memref<!tpu.dma_semaphore, #tpu.memory_space<semaphore_mem>>)
      %dma_wait3A_414 = arith.constant 0 : i32
      %dma_wait3A_415 = arith.constant 0 : i32
      %dma_wait3A_416 = arith.constant 0 : i32
      %dma_wait3A_417 = arith.constant 0 : i32
      %dma_wait3A_418 = arith.constant 0 : i32
      %dma_wait3A_419 = tpu.memref_slice %arg10[%dma_wait3A_416, %dma_wait3A_417, %dma_wait3A_418] : memref<2x128x128xf32, #tpu.memory_space<vmem>> -> memref<1x128x128xf32, #tpu.memory_space<vmem>>
      %dma_wait3A_420 = tpu.memref_squeeze %dma_wait3A_419 : memref<1x128x128xf32, #tpu.memory_space<vmem>> -> memref<128x128xf32, #tpu.memory_space<vmem>>
      %dma_wait3A_421 = arith.constant 0 : i32
      %dma_wait3A_422 = tpu.memref_slice %arg9[%dma_wait3A_414, %dma_wait3A_415, %dma_wait3A_421] : memref<20x2x128xi32, #tpu.memory_space<vmem>> -> memref<1x1x128xi32, #tpu.memory_space<vmem>>
      %dma_wait3A_423 = tpu.memref_squeeze %dma_wait3A_422 : memref<1x1x128xi32, #tpu.memory_space<vmem>> -> memref<128xi32, #tpu.memory_space<vmem>>
      %dma_wait3A_424 = arith.constant 0 : i32
      %dma_wait3A_425 = arith.constant 0 : i32
      %dma_wait3A_426 = tpu.memref_slice %arg2[%dma_wait3A_424, %dma_wait3A_425] : memref<10000x128xf32, #tpu.memory_space<hbm>> -> memref<10000x128xf32, #tpu.memory_space<hbm>>
      tpu.wait_indirect_dma semaphore(%arg16 : memref<!tpu.dma_semaphore, #tpu.memory_space<semaphore_mem>>) src(%dma_wait3A_426 : memref<10000x128xf32, #tpu.memory_space<hbm>>) dst(%dma_wait3A_420 : memref<128x128xf32, #tpu.memory_space<vmem>>)
      %dma_start3A_427 = arith.constant 1 : i32
      %dma_start3A_428 = arith.constant 5 : i32
      %dma_start3A_429 = arith.constant 1 : i32
      %dma_start3A_430 = arith.constant 0 : i32
      %dma_start3A_431 = arith.constant 0 : i32
      %dma_start3A_432 = tpu.memref_slice %arg10[%dma_start3A_427, %dma_start3A_430, %dma_start3A_431] : memref<2x128x128xf32, #tpu.memory_space<vmem>> -> memref<1x128x128xf32, #tpu.memory_space<vmem>>
      %dma_start3A_433 = tpu.memref_squeeze %dma_start3A_432 : memref<1x128x128xf32, #tpu.memory_space<vmem>> -> memref<128x128xf32, #tpu.memory_space<vmem>>
      %dma_start3A_434 = arith.constant 0 : i32
      %dma_start3A_435 = tpu.memref_slice %arg9[%dma_start3A_428, %dma_start3A_429, %dma_start3A_434] : memref<20x2x128xi32, #tpu.memory_space<vmem>> -> memref<1x1x128xi32, #tpu.memory_space<vmem>>
      %dma_start3A_436 = tpu.memref_squeeze %dma_start3A_435 : memref<1x1x128xi32, #tpu.memory_space<vmem>> -> memref<128xi32, #tpu.memory_space<vmem>>
      %dma_start3A_437 = arith.constant 0 : i32
      %dma_start3A_438 = arith.constant 0 : i32
      %dma_start3A_439 = tpu.memref_slice %arg12[%dma_start3A_437, %dma_start3A_438] : memref<10128x128xf32, #tpu.memory_space<vmem_shared>> -> memref<10128x128xf32, #tpu.memory_space<vmem_shared>>
      tpu.enqueue_indirect_dma source(%dma_start3A_433 : memref<128x128xf32, #tpu.memory_space<vmem>>) target(%dma_start3A_439 : memref<10128x128xf32, #tpu.memory_space<vmem_shared>>) offsets(%dma_start3A_436 : memref<128xi32, #tpu.memory_space<vmem>>) semaphore(%arg15 : memref<!tpu.dma_semaphore, #tpu.memory_space<semaphore_mem>>) {add = true}
      %dma_start3A_440 = arith.constant 5 : i32
      %dma_start3A_441 = arith.constant 1 : i32
      %dma_start3A_442 = arith.constant 0 : i32
      %dma_start3A_443 = tpu.memref_slice %arg9[%dma_start3A_440, %dma_start3A_441, %dma_start3A_442] : memref<20x2x128xi32, #tpu.memory_space<vmem>> -> memref<1x1x128xi32, #tpu.memory_space<vmem>>
      %dma_start3A_444 = tpu.memref_squeeze %dma_start3A_443 : memref<1x1x128xi32, #tpu.memory_space<vmem>> -> memref<128xi32, #tpu.memory_space<vmem>>
      %dma_start3A_445 = arith.constant 0 : i32
      %dma_start3A_446 = tpu.memref_slice %arg14[%dma_start3A_445] : memref<16384xf32, #tpu.memory_space<vmem_shared>> -> memref<16384xf32, #tpu.memory_space<vmem_shared>>
      tpu.enqueue_indirect_dma source(%arg11 : memref<128xf32, #tpu.memory_space<vmem>>) target(%dma_start3A_446 : memref<16384xf32, #tpu.memory_space<vmem_shared>>) offsets(%dma_start3A_444 : memref<128xi32, #tpu.memory_space<vmem>>) semaphore(%arg17 : memref<!tpu.dma_semaphore, #tpu.memory_space<semaphore_mem>>) {add = true}
      %dma_wait3A_447 = arith.constant 0 : i32
      %dma_wait3A_448 = arith.constant 0 : i32
      %dma_wait3A_449 = arith.constant 1 : i32
      %dma_wait3A_450 = arith.constant 0 : i32
      %dma_wait3A_451 = arith.constant 0 : i32
      %dma_wait3A_452 = tpu.memref_slice %arg10[%dma_wait3A_447, %dma_wait3A_450, %dma_wait3A_451] : memref<2x128x128xf32, #tpu.memory_space<vmem>> -> memref<1x128x128xf32, #tpu.memory_space<vmem>>
      %dma_wait3A_453 = tpu.memref_squeeze %dma_wait3A_452 : memref<1x128x128xf32, #tpu.memory_space<vmem>> -> memref<128x128xf32, #tpu.memory_space<vmem>>
      %dma_wait3A_454 = arith.constant 0 : i32
      %dma_wait3A_455 = tpu.memref_slice %arg9[%dma_wait3A_448, %dma_wait3A_449, %dma_wait3A_454] : memref<20x2x128xi32, #tpu.memory_space<vmem>> -> memref<1x1x128xi32, #tpu.memory_space<vmem>>
      %dma_wait3A_456 = tpu.memref_squeeze %dma_wait3A_455 : memref<1x1x128xi32, #tpu.memory_space<vmem>> -> memref<128xi32, #tpu.memory_space<vmem>>
      %dma_wait3A_457 = arith.constant 0 : i32
      %dma_wait3A_458 = arith.constant 0 : i32
      %dma_wait3A_459 = tpu.memref_slice %arg12[%dma_wait3A_457, %dma_wait3A_458] : memref<10128x128xf32, #tpu.memory_space<vmem_shared>> -> memref<10128x128xf32, #tpu.memory_space<vmem_shared>>
      tpu.wait_indirect_dma semaphore(%arg15 : memref<!tpu.dma_semaphore, #tpu.memory_space<semaphore_mem>>) src(%dma_wait3A_453 : memref<128x128xf32, #tpu.memory_space<vmem>>) dst(%dma_wait3A_459 : memref<10128x128xf32, #tpu.memory_space<vmem_shared>>)
      %dma_wait3A_460 = arith.constant 0 : i32
      %dma_wait3A_461 = arith.constant 1 : i32
      %dma_wait3A_462 = arith.constant 0 : i32
      %dma_wait3A_463 = tpu.memref_slice %arg9[%dma_wait3A_460, %dma_wait3A_461, %dma_wait3A_462] : memref<20x2x128xi32, #tpu.memory_space<vmem>> -> memref<1x1x128xi32, #tpu.memory_space<vmem>>
      %dma_wait3A_464 = tpu.memref_squeeze %dma_wait3A_463 : memref<1x1x128xi32, #tpu.memory_space<vmem>> -> memref<128xi32, #tpu.memory_space<vmem>>
      %dma_wait3A_465 = arith.constant 0 : i32
      %dma_wait3A_466 = tpu.memref_slice %arg14[%dma_wait3A_465] : memref<16384xf32, #tpu.memory_space<vmem_shared>> -> memref<16384xf32, #tpu.memory_space<vmem_shared>>
      tpu.wait_indirect_dma semaphore(%arg17 : memref<!tpu.dma_semaphore, #tpu.memory_space<semaphore_mem>>) src(%arg11 : memref<128xf32, #tpu.memory_space<vmem>>) dst(%dma_wait3A_466 : memref<16384xf32, #tpu.memory_space<vmem_shared>>)
      %dma_start3A_467 = arith.constant 7 : i32
      %dma_start3A_468 = arith.constant 0 : i32
      %dma_start3A_469 = arith.constant 1 : i32
      %dma_start3A_470 = arith.constant 0 : i32
      %dma_start3A_471 = arith.constant 0 : i32
      %dma_start3A_472 = tpu.memref_slice %arg10[%dma_start3A_469, %dma_start3A_470, %dma_start3A_471] : memref<2x128x128xf32, #tpu.memory_space<vmem>> -> memref<1x128x128xf32, #tpu.memory_space<vmem>>
      %dma_start3A_473 = tpu.memref_squeeze %dma_start3A_472 : memref<1x128x128xf32, #tpu.memory_space<vmem>> -> memref<128x128xf32, #tpu.memory_space<vmem>>
      %dma_start3A_474 = arith.constant 0 : i32
      %dma_start3A_475 = tpu.memref_slice %arg9[%dma_start3A_467, %dma_start3A_468, %dma_start3A_474] : memref<20x2x128xi32, #tpu.memory_space<vmem>> -> memref<1x1x128xi32, #tpu.memory_space<vmem>>
      %dma_start3A_476 = tpu.memref_squeeze %dma_start3A_475 : memref<1x1x128xi32, #tpu.memory_space<vmem>> -> memref<128xi32, #tpu.memory_space<vmem>>
      %dma_start3A_477 = arith.constant 0 : i32
      %dma_start3A_478 = arith.constant 0 : i32
      %dma_start3A_479 = tpu.memref_slice %arg2[%dma_start3A_477, %dma_start3A_478] : memref<10000x128xf32, #tpu.memory_space<hbm>> -> memref<10000x128xf32, #tpu.memory_space<hbm>>
      tpu.enqueue_indirect_dma source(%dma_start3A_479 : memref<10000x128xf32, #tpu.memory_space<hbm>>) target(%dma_start3A_473 : memref<128x128xf32, #tpu.memory_space<vmem>>) offsets(%dma_start3A_476 : memref<128xi32, #tpu.memory_space<vmem>>) semaphore(%arg16 : memref<!tpu.dma_semaphore, #tpu.memory_space<semaphore_mem>>)
      %dma_wait3A_480 = arith.constant 0 : i32
      %dma_wait3A_481 = arith.constant 0 : i32
      %dma_wait3A_482 = arith.constant 0 : i32
      %dma_wait3A_483 = arith.constant 0 : i32
      %dma_wait3A_484 = arith.constant 0 : i32
      %dma_wait3A_485 = tpu.memref_slice %arg10[%dma_wait3A_482, %dma_wait3A_483, %dma_wait3A_484] : memref<2x128x128xf32, #tpu.memory_space<vmem>> -> memref<1x128x128xf32, #tpu.memory_space<vmem>>
      %dma_wait3A_486 = tpu.memref_squeeze %dma_wait3A_485 : memref<1x128x128xf32, #tpu.memory_space<vmem>> -> memref<128x128xf32, #tpu.memory_space<vmem>>
      %dma_wait3A_487 = arith.constant 0 : i32
      %dma_wait3A_488 = tpu.memref_slice %arg9[%dma_wait3A_480, %dma_wait3A_481, %dma_wait3A_487] : memref<20x2x128xi32, #tpu.memory_space<vmem>> -> memref<1x1x128xi32, #tpu.memory_space<vmem>>
      %dma_wait3A_489 = tpu.memref_squeeze %dma_wait3A_488 : memref<1x1x128xi32, #tpu.memory_space<vmem>> -> memref<128xi32, #tpu.memory_space<vmem>>
      %dma_wait3A_490 = arith.constant 0 : i32
      %dma_wait3A_491 = arith.constant 0 : i32
      %dma_wait3A_492 = tpu.memref_slice %arg2[%dma_wait3A_490, %dma_wait3A_491] : memref<10000x128xf32, #tpu.memory_space<hbm>> -> memref<10000x128xf32, #tpu.memory_space<hbm>>
      tpu.wait_indirect_dma semaphore(%arg16 : memref<!tpu.dma_semaphore, #tpu.memory_space<semaphore_mem>>) src(%dma_wait3A_492 : memref<10000x128xf32, #tpu.memory_space<hbm>>) dst(%dma_wait3A_486 : memref<128x128xf32, #tpu.memory_space<vmem>>)
      %dma_start3A_493 = arith.constant 0 : i32
      %dma_start3A_494 = arith.constant 6 : i32
      %dma_start3A_495 = arith.constant 1 : i32
      %dma_start3A_496 = arith.constant 0 : i32
      %dma_start3A_497 = arith.constant 0 : i32
      %dma_start3A_498 = tpu.memref_slice %arg10[%dma_start3A_493, %dma_start3A_496, %dma_start3A_497] : memref<2x128x128xf32, #tpu.memory_space<vmem>> -> memref<1x128x128xf32, #tpu.memory_space<vmem>>
      %dma_start3A_499 = tpu.memref_squeeze %dma_start3A_498 : memref<1x128x128xf32, #tpu.memory_space<vmem>> -> memref<128x128xf32, #tpu.memory_space<vmem>>
      %dma_start3A_500 = arith.constant 0 : i32
      %dma_start3A_501 = tpu.memref_slice %arg9[%dma_start3A_494, %dma_start3A_495, %dma_start3A_500] : memref<20x2x128xi32, #tpu.memory_space<vmem>> -> memref<1x1x128xi32, #tpu.memory_space<vmem>>
      %dma_start3A_502 = tpu.memref_squeeze %dma_start3A_501 : memref<1x1x128xi32, #tpu.memory_space<vmem>> -> memref<128xi32, #tpu.memory_space<vmem>>
      %dma_start3A_503 = arith.constant 0 : i32
      %dma_start3A_504 = arith.constant 0 : i32
      %dma_start3A_505 = tpu.memref_slice %arg12[%dma_start3A_503, %dma_start3A_504] : memref<10128x128xf32, #tpu.memory_space<vmem_shared>> -> memref<10128x128xf32, #tpu.memory_space<vmem_shared>>
      tpu.enqueue_indirect_dma source(%dma_start3A_499 : memref<128x128xf32, #tpu.memory_space<vmem>>) target(%dma_start3A_505 : memref<10128x128xf32, #tpu.memory_space<vmem_shared>>) offsets(%dma_start3A_502 : memref<128xi32, #tpu.memory_space<vmem>>) semaphore(%arg15 : memref<!tpu.dma_semaphore, #tpu.memory_space<semaphore_mem>>) {add = true}
      %dma_start3A_506 = arith.constant 6 : i32
      %dma_start3A_507 = arith.constant 1 : i32
      %dma_start3A_508 = arith.constant 0 : i32
      %dma_start3A_509 = tpu.memref_slice %arg9[%dma_start3A_506, %dma_start3A_507, %dma_start3A_508] : memref<20x2x128xi32, #tpu.memory_space<vmem>> -> memref<1x1x128xi32, #tpu.memory_space<vmem>>
      %dma_start3A_510 = tpu.memref_squeeze %dma_start3A_509 : memref<1x1x128xi32, #tpu.memory_space<vmem>> -> memref<128xi32, #tpu.memory_space<vmem>>
      %dma_start3A_511 = arith.constant 0 : i32
      %dma_start3A_512 = tpu.memref_slice %arg14[%dma_start3A_511] : memref<16384xf32, #tpu.memory_space<vmem_shared>> -> memref<16384xf32, #tpu.memory_space<vmem_shared>>
      tpu.enqueue_indirect_dma source(%arg11 : memref<128xf32, #tpu.memory_space<vmem>>) target(%dma_start3A_512 : memref<16384xf32, #tpu.memory_space<vmem_shared>>) offsets(%dma_start3A_510 : memref<128xi32, #tpu.memory_space<vmem>>) semaphore(%arg17 : memref<!tpu.dma_semaphore, #tpu.memory_space<semaphore_mem>>) {add = true}
      %dma_wait3A_513 = arith.constant 0 : i32
      %dma_wait3A_514 = arith.constant 0 : i32
      %dma_wait3A_515 = arith.constant 1 : i32
      %dma_wait3A_516 = arith.constant 0 : i32
      %dma_wait3A_517 = arith.constant 0 : i32
      %dma_wait3A_518 = tpu.memref_slice %arg10[%dma_wait3A_513, %dma_wait3A_516, %dma_wait3A_517] : memref<2x128x128xf32, #tpu.memory_space<vmem>> -> memref<1x128x128xf32, #tpu.memory_space<vmem>>
      %dma_wait3A_519 = tpu.memref_squeeze %dma_wait3A_518 : memref<1x128x128xf32, #tpu.memory_space<vmem>> -> memref<128x128xf32, #tpu.memory_space<vmem>>
      %dma_wait3A_520 = arith.constant 0 : i32
      %dma_wait3A_521 = tpu.memref_slice %arg9[%dma_wait3A_514, %dma_wait3A_515, %dma_wait3A_520] : memref<20x2x128xi32, #tpu.memory_space<vmem>> -> memref<1x1x128xi32, #tpu.memory_space<vmem>>
      %dma_wait3A_522 = tpu.memref_squeeze %dma_wait3A_521 : memref<1x1x128xi32, #tpu.memory_space<vmem>> -> memref<128xi32, #tpu.memory_space<vmem>>
      %dma_wait3A_523 = arith.constant 0 : i32
      %dma_wait3A_524 = arith.constant 0 : i32
      %dma_wait3A_525 = tpu.memref_slice %arg12[%dma_wait3A_523, %dma_wait3A_524] : memref<10128x128xf32, #tpu.memory_space<vmem_shared>> -> memref<10128x128xf32, #tpu.memory_space<vmem_shared>>
      tpu.wait_indirect_dma semaphore(%arg15 : memref<!tpu.dma_semaphore, #tpu.memory_space<semaphore_mem>>) src(%dma_wait3A_519 : memref<128x128xf32, #tpu.memory_space<vmem>>) dst(%dma_wait3A_525 : memref<10128x128xf32, #tpu.memory_space<vmem_shared>>)
      %dma_wait3A_526 = arith.constant 0 : i32
      %dma_wait3A_527 = arith.constant 1 : i32
      %dma_wait3A_528 = arith.constant 0 : i32
      %dma_wait3A_529 = tpu.memref_slice %arg9[%dma_wait3A_526, %dma_wait3A_527, %dma_wait3A_528] : memref<20x2x128xi32, #tpu.memory_space<vmem>> -> memref<1x1x128xi32, #tpu.memory_space<vmem>>
      %dma_wait3A_530 = tpu.memref_squeeze %dma_wait3A_529 : memref<1x1x128xi32, #tpu.memory_space<vmem>> -> memref<128xi32, #tpu.memory_space<vmem>>
      %dma_wait3A_531 = arith.constant 0 : i32
      %dma_wait3A_532 = tpu.memref_slice %arg14[%dma_wait3A_531] : memref<16384xf32, #tpu.memory_space<vmem_shared>> -> memref<16384xf32, #tpu.memory_space<vmem_shared>>
      tpu.wait_indirect_dma semaphore(%arg17 : memref<!tpu.dma_semaphore, #tpu.memory_space<semaphore_mem>>) src(%arg11 : memref<128xf32, #tpu.memory_space<vmem>>) dst(%dma_wait3A_532 : memref<16384xf32, #tpu.memory_space<vmem_shared>>)
      %dma_start3A_533 = arith.constant 8 : i32
      %dma_start3A_534 = arith.constant 0 : i32
      %dma_start3A_535 = arith.constant 0 : i32
      %dma_start3A_536 = arith.constant 0 : i32
      %dma_start3A_537 = arith.constant 0 : i32
      %dma_start3A_538 = tpu.memref_slice %arg10[%dma_start3A_535, %dma_start3A_536, %dma_start3A_537] : memref<2x128x128xf32, #tpu.memory_space<vmem>> -> memref<1x128x128xf32, #tpu.memory_space<vmem>>
      %dma_start3A_539 = tpu.memref_squeeze %dma_start3A_538 : memref<1x128x128xf32, #tpu.memory_space<vmem>> -> memref<128x128xf32, #tpu.memory_space<vmem>>
      %dma_start3A_540 = arith.constant 0 : i32
      %dma_start3A_541 = tpu.memref_slice %arg9[%dma_start3A_533, %dma_start3A_534, %dma_start3A_540] : memref<20x2x128xi32, #tpu.memory_space<vmem>> -> memref<1x1x128xi32, #tpu.memory_space<vmem>>
      %dma_start3A_542 = tpu.memref_squeeze %dma_start3A_541 : memref<1x1x128xi32, #tpu.memory_space<vmem>> -> memref<128xi32, #tpu.memory_space<vmem>>
      %dma_start3A_543 = arith.constant 0 : i32
      %dma_start3A_544 = arith.constant 0 : i32
      %dma_start3A_545 = tpu.memref_slice %arg2[%dma_start3A_543, %dma_start3A_544] : memref<10000x128xf32, #tpu.memory_space<hbm>> -> memref<10000x128xf32, #tpu.memory_space<hbm>>
      tpu.enqueue_indirect_dma source(%dma_start3A_545 : memref<10000x128xf32, #tpu.memory_space<hbm>>) target(%dma_start3A_539 : memref<128x128xf32, #tpu.memory_space<vmem>>) offsets(%dma_start3A_542 : memref<128xi32, #tpu.memory_space<vmem>>) semaphore(%arg16 : memref<!tpu.dma_semaphore, #tpu.memory_space<semaphore_mem>>)
      %dma_wait3A_546 = arith.constant 0 : i32
      %dma_wait3A_547 = arith.constant 0 : i32
      %dma_wait3A_548 = arith.constant 0 : i32
      %dma_wait3A_549 = arith.constant 0 : i32
      %dma_wait3A_550 = arith.constant 0 : i32
      %dma_wait3A_551 = tpu.memref_slice %arg10[%dma_wait3A_548, %dma_wait3A_549, %dma_wait3A_550] : memref<2x128x128xf32, #tpu.memory_space<vmem>> -> memref<1x128x128xf32, #tpu.memory_space<vmem>>
      %dma_wait3A_552 = tpu.memref_squeeze %dma_wait3A_551 : memref<1x128x128xf32, #tpu.memory_space<vmem>> -> memref<128x128xf32, #tpu.memory_space<vmem>>
      %dma_wait3A_553 = arith.constant 0 : i32
      %dma_wait3A_554 = tpu.memref_slice %arg9[%dma_wait3A_546, %dma_wait3A_547, %dma_wait3A_553] : memref<20x2x128xi32, #tpu.memory_space<vmem>> -> memref<1x1x128xi32, #tpu.memory_space<vmem>>
      %dma_wait3A_555 = tpu.memref_squeeze %dma_wait3A_554 : memref<1x1x128xi32, #tpu.memory_space<vmem>> -> memref<128xi32, #tpu.memory_space<vmem>>
      %dma_wait3A_556 = arith.constant 0 : i32
      %dma_wait3A_557 = arith.constant 0 : i32
      %dma_wait3A_558 = tpu.memref_slice %arg2[%dma_wait3A_556, %dma_wait3A_557] : memref<10000x128xf32, #tpu.memory_space<hbm>> -> memref<10000x128xf32, #tpu.memory_space<hbm>>
      tpu.wait_indirect_dma semaphore(%arg16 : memref<!tpu.dma_semaphore, #tpu.memory_space<semaphore_mem>>) src(%dma_wait3A_558 : memref<10000x128xf32, #tpu.memory_space<hbm>>) dst(%dma_wait3A_552 : memref<128x128xf32, #tpu.memory_space<vmem>>)
      %dma_start3A_559 = arith.constant 1 : i32
      %dma_start3A_560 = arith.constant 7 : i32
      %dma_start3A_561 = arith.constant 1 : i32
      %dma_start3A_562 = arith.constant 0 : i32
      %dma_start3A_563 = arith.constant 0 : i32
      %dma_start3A_564 = tpu.memref_slice %arg10[%dma_start3A_559, %dma_start3A_562, %dma_start3A_563] : memref<2x128x128xf32, #tpu.memory_space<vmem>> -> memref<1x128x128xf32, #tpu.memory_space<vmem>>
      %dma_start3A_565 = tpu.memref_squeeze %dma_start3A_564 : memref<1x128x128xf32, #tpu.memory_space<vmem>> -> memref<128x128xf32, #tpu.memory_space<vmem>>
      %dma_start3A_566 = arith.constant 0 : i32
      %dma_start3A_567 = tpu.memref_slice %arg9[%dma_start3A_560, %dma_start3A_561, %dma_start3A_566] : memref<20x2x128xi32, #tpu.memory_space<vmem>> -> memref<1x1x128xi32, #tpu.memory_space<vmem>>
      %dma_start3A_568 = tpu.memref_squeeze %dma_start3A_567 : memref<1x1x128xi32, #tpu.memory_space<vmem>> -> memref<128xi32, #tpu.memory_space<vmem>>
      %dma_start3A_569 = arith.constant 0 : i32
      %dma_start3A_570 = arith.constant 0 : i32
      %dma_start3A_571 = tpu.memref_slice %arg12[%dma_start3A_569, %dma_start3A_570] : memref<10128x128xf32, #tpu.memory_space<vmem_shared>> -> memref<10128x128xf32, #tpu.memory_space<vmem_shared>>
      tpu.enqueue_indirect_dma source(%dma_start3A_565 : memref<128x128xf32, #tpu.memory_space<vmem>>) target(%dma_start3A_571 : memref<10128x128xf32, #tpu.memory_space<vmem_shared>>) offsets(%dma_start3A_568 : memref<128xi32, #tpu.memory_space<vmem>>) semaphore(%arg15 : memref<!tpu.dma_semaphore, #tpu.memory_space<semaphore_mem>>) {add = true}
      %dma_start3A_572 = arith.constant 7 : i32
      %dma_start3A_573 = arith.constant 1 : i32
      %dma_start3A_574 = arith.constant 0 : i32
      %dma_start3A_575 = tpu.memref_slice %arg9[%dma_start3A_572, %dma_start3A_573, %dma_start3A_574] : memref<20x2x128xi32, #tpu.memory_space<vmem>> -> memref<1x1x128xi32, #tpu.memory_space<vmem>>
      %dma_start3A_576 = tpu.memref_squeeze %dma_start3A_575 : memref<1x1x128xi32, #tpu.memory_space<vmem>> -> memref<128xi32, #tpu.memory_space<vmem>>
      %dma_start3A_577 = arith.constant 0 : i32
      %dma_start3A_578 = tpu.memref_slice %arg14[%dma_start3A_577] : memref<16384xf32, #tpu.memory_space<vmem_shared>> -> memref<16384xf32, #tpu.memory_space<vmem_shared>>
      tpu.enqueue_indirect_dma source(%arg11 : memref<128xf32, #tpu.memory_space<vmem>>) target(%dma_start3A_578 : memref<16384xf32, #tpu.memory_space<vmem_shared>>) offsets(%dma_start3A_576 : memref<128xi32, #tpu.memory_space<vmem>>) semaphore(%arg17 : memref<!tpu.dma_semaphore, #tpu.memory_space<semaphore_mem>>) {add = true}
      %dma_wait3A_579 = arith.constant 0 : i32
      %dma_wait3A_580 = arith.constant 0 : i32
      %dma_wait3A_581 = arith.constant 1 : i32
      %dma_wait3A_582 = arith.constant 0 : i32
      %dma_wait3A_583 = arith.constant 0 : i32
      %dma_wait3A_584 = tpu.memref_slice %arg10[%dma_wait3A_579, %dma_wait3A_582, %dma_wait3A_583] : memref<2x128x128xf32, #tpu.memory_space<vmem>> -> memref<1x128x128xf32, #tpu.memory_space<vmem>>
      %dma_wait3A_585 = tpu.memref_squeeze %dma_wait3A_584 : memref<1x128x128xf32, #tpu.memory_space<vmem>> -> memref<128x128xf32, #tpu.memory_space<vmem>>
      %dma_wait3A_586 = arith.constant 0 : i32
      %dma_wait3A_587 = tpu.memref_slice %arg9[%dma_wait3A_580, %dma_wait3A_581, %dma_wait3A_586] : memref<20x2x128xi32, #tpu.memory_space<vmem>> -> memref<1x1x128xi32, #tpu.memory_space<vmem>>
      %dma_wait3A_588 = tpu.memref_squeeze %dma_wait3A_587 : memref<1x1x128xi32, #tpu.memory_space<vmem>> -> memref<128xi32, #tpu.memory_space<vmem>>
      %dma_wait3A_589 = arith.constant 0 : i32
      %dma_wait3A_590 = arith.constant 0 : i32
      %dma_wait3A_591 = tpu.memref_slice %arg12[%dma_wait3A_589, %dma_wait3A_590] : memref<10128x128xf32, #tpu.memory_space<vmem_shared>> -> memref<10128x128xf32, #tpu.memory_space<vmem_shared>>
      tpu.wait_indirect_dma semaphore(%arg15 : memref<!tpu.dma_semaphore, #tpu.memory_space<semaphore_mem>>) src(%dma_wait3A_585 : memref<128x128xf32, #tpu.memory_space<vmem>>) dst(%dma_wait3A_591 : memref<10128x128xf32, #tpu.memory_space<vmem_shared>>)
      %dma_wait3A_592 = arith.constant 0 : i32
      %dma_wait3A_593 = arith.constant 1 : i32
      %dma_wait3A_594 = arith.constant 0 : i32
      %dma_wait3A_595 = tpu.memref_slice %arg9[%dma_wait3A_592, %dma_wait3A_593, %dma_wait3A_594] : memref<20x2x128xi32, #tpu.memory_space<vmem>> -> memref<1x1x128xi32, #tpu.memory_space<vmem>>
      %dma_wait3A_596 = tpu.memref_squeeze %dma_wait3A_595 : memref<1x1x128xi32, #tpu.memory_space<vmem>> -> memref<128xi32, #tpu.memory_space<vmem>>
      %dma_wait3A_597 = arith.constant 0 : i32
      %dma_wait3A_598 = tpu.memref_slice %arg14[%dma_wait3A_597] : memref<16384xf32, #tpu.memory_space<vmem_shared>> -> memref<16384xf32, #tpu.memory_space<vmem_shared>>
      tpu.wait_indirect_dma semaphore(%arg17 : memref<!tpu.dma_semaphore, #tpu.memory_space<semaphore_mem>>) src(%arg11 : memref<128xf32, #tpu.memory_space<vmem>>) dst(%dma_wait3A_598 : memref<16384xf32, #tpu.memory_space<vmem_shared>>)
      %dma_start3A_599 = arith.constant 9 : i32
      %dma_start3A_600 = arith.constant 0 : i32
      %dma_start3A_601 = arith.constant 1 : i32
      %dma_start3A_602 = arith.constant 0 : i32
      %dma_start3A_603 = arith.constant 0 : i32
      %dma_start3A_604 = tpu.memref_slice %arg10[%dma_start3A_601, %dma_start3A_602, %dma_start3A_603] : memref<2x128x128xf32, #tpu.memory_space<vmem>> -> memref<1x128x128xf32, #tpu.memory_space<vmem>>
      %dma_start3A_605 = tpu.memref_squeeze %dma_start3A_604 : memref<1x128x128xf32, #tpu.memory_space<vmem>> -> memref<128x128xf32, #tpu.memory_space<vmem>>
      %dma_start3A_606 = arith.constant 0 : i32
      %dma_start3A_607 = tpu.memref_slice %arg9[%dma_start3A_599, %dma_start3A_600, %dma_start3A_606] : memref<20x2x128xi32, #tpu.memory_space<vmem>> -> memref<1x1x128xi32, #tpu.memory_space<vmem>>
      %dma_start3A_608 = tpu.memref_squeeze %dma_start3A_607 : memref<1x1x128xi32, #tpu.memory_space<vmem>> -> memref<128xi32, #tpu.memory_space<vmem>>
      %dma_start3A_609 = arith.constant 0 : i32
      %dma_start3A_610 = arith.constant 0 : i32
      %dma_start3A_611 = tpu.memref_slice %arg2[%dma_start3A_609, %dma_start3A_610] : memref<10000x128xf32, #tpu.memory_space<hbm>> -> memref<10000x128xf32, #tpu.memory_space<hbm>>
      tpu.enqueue_indirect_dma source(%dma_start3A_611 : memref<10000x128xf32, #tpu.memory_space<hbm>>) target(%dma_start3A_605 : memref<128x128xf32, #tpu.memory_space<vmem>>) offsets(%dma_start3A_608 : memref<128xi32, #tpu.memory_space<vmem>>) semaphore(%arg16 : memref<!tpu.dma_semaphore, #tpu.memory_space<semaphore_mem>>)
      %dma_wait3A_612 = arith.constant 0 : i32
      %dma_wait3A_613 = arith.constant 0 : i32
      %dma_wait3A_614 = arith.constant 0 : i32
      %dma_wait3A_615 = arith.constant 0 : i32
      %dma_wait3A_616 = arith.constant 0 : i32
      %dma_wait3A_617 = tpu.memref_slice %arg10[%dma_wait3A_614, %dma_wait3A_615, %dma_wait3A_616] : memref<2x128x128xf32, #tpu.memory_space<vmem>> -> memref<1x128x128xf32, #tpu.memory_space<vmem>>
      %dma_wait3A_618 = tpu.memref_squeeze %dma_wait3A_617 : memref<1x128x128xf32, #tpu.memory_space<vmem>> -> memref<128x128xf32, #tpu.memory_space<vmem>>
      %dma_wait3A_619 = arith.constant 0 : i32
      %dma_wait3A_620 = tpu.memref_slice %arg9[%dma_wait3A_612, %dma_wait3A_613, %dma_wait3A_619] : memref<20x2x128xi32, #tpu.memory_space<vmem>> -> memref<1x1x128xi32, #tpu.memory_space<vmem>>
      %dma_wait3A_621 = tpu.memref_squeeze %dma_wait3A_620 : memref<1x1x128xi32, #tpu.memory_space<vmem>> -> memref<128xi32, #tpu.memory_space<vmem>>
      %dma_wait3A_622 = arith.constant 0 : i32
      %dma_wait3A_623 = arith.constant 0 : i32
      %dma_wait3A_624 = tpu.memref_slice %arg2[%dma_wait3A_622, %dma_wait3A_623] : memref<10000x128xf32, #tpu.memory_space<hbm>> -> memref<10000x128xf32, #tpu.memory_space<hbm>>
      tpu.wait_indirect_dma semaphore(%arg16 : memref<!tpu.dma_semaphore, #tpu.memory_space<semaphore_mem>>) src(%dma_wait3A_624 : memref<10000x128xf32, #tpu.memory_space<hbm>>) dst(%dma_wait3A_618 : memref<128x128xf32, #tpu.memory_space<vmem>>)
      %dma_start3A_625 = arith.constant 0 : i32
      %dma_start3A_626 = arith.constant 8 : i32
      %dma_start3A_627 = arith.constant 1 : i32
      %dma_start3A_628 = arith.constant 0 : i32
      %dma_start3A_629 = arith.constant 0 : i32
      %dma_start3A_630 = tpu.memref_slice %arg10[%dma_start3A_625, %dma_start3A_628, %dma_start3A_629] : memref<2x128x128xf32, #tpu.memory_space<vmem>> -> memref<1x128x128xf32, #tpu.memory_space<vmem>>
      %dma_start3A_631 = tpu.memref_squeeze %dma_start3A_630 : memref<1x128x128xf32, #tpu.memory_space<vmem>> -> memref<128x128xf32, #tpu.memory_space<vmem>>
      %dma_start3A_632 = arith.constant 0 : i32
      %dma_start3A_633 = tpu.memref_slice %arg9[%dma_start3A_626, %dma_start3A_627, %dma_start3A_632] : memref<20x2x128xi32, #tpu.memory_space<vmem>> -> memref<1x1x128xi32, #tpu.memory_space<vmem>>
      %dma_start3A_634 = tpu.memref_squeeze %dma_start3A_633 : memref<1x1x128xi32, #tpu.memory_space<vmem>> -> memref<128xi32, #tpu.memory_space<vmem>>
      %dma_start3A_635 = arith.constant 0 : i32
      %dma_start3A_636 = arith.constant 0 : i32
      %dma_start3A_637 = tpu.memref_slice %arg12[%dma_start3A_635, %dma_start3A_636] : memref<10128x128xf32, #tpu.memory_space<vmem_shared>> -> memref<10128x128xf32, #tpu.memory_space<vmem_shared>>
      tpu.enqueue_indirect_dma source(%dma_start3A_631 : memref<128x128xf32, #tpu.memory_space<vmem>>) target(%dma_start3A_637 : memref<10128x128xf32, #tpu.memory_space<vmem_shared>>) offsets(%dma_start3A_634 : memref<128xi32, #tpu.memory_space<vmem>>) semaphore(%arg15 : memref<!tpu.dma_semaphore, #tpu.memory_space<semaphore_mem>>) {add = true}
      %dma_start3A_638 = arith.constant 8 : i32
      %dma_start3A_639 = arith.constant 1 : i32
      %dma_start3A_640 = arith.constant 0 : i32
      %dma_start3A_641 = tpu.memref_slice %arg9[%dma_start3A_638, %dma_start3A_639, %dma_start3A_640] : memref<20x2x128xi32, #tpu.memory_space<vmem>> -> memref<1x1x128xi32, #tpu.memory_space<vmem>>
      %dma_start3A_642 = tpu.memref_squeeze %dma_start3A_641 : memref<1x1x128xi32, #tpu.memory_space<vmem>> -> memref<128xi32, #tpu.memory_space<vmem>>
      %dma_start3A_643 = arith.constant 0 : i32
      %dma_start3A_644 = tpu.memref_slice %arg14[%dma_start3A_643] : memref<16384xf32, #tpu.memory_space<vmem_shared>> -> memref<16384xf32, #tpu.memory_space<vmem_shared>>
      tpu.enqueue_indirect_dma source(%arg11 : memref<128xf32, #tpu.memory_space<vmem>>) target(%dma_start3A_644 : memref<16384xf32, #tpu.memory_space<vmem_shared>>) offsets(%dma_start3A_642 : memref<128xi32, #tpu.memory_space<vmem>>) semaphore(%arg17 : memref<!tpu.dma_semaphore, #tpu.memory_space<semaphore_mem>>) {add = true}
      %dma_wait3A_645 = arith.constant 0 : i32
      %dma_wait3A_646 = arith.constant 0 : i32
      %dma_wait3A_647 = arith.constant 1 : i32
      %dma_wait3A_648 = arith.constant 0 : i32
      %dma_wait3A_649 = arith.constant 0 : i32
      %dma_wait3A_650 = tpu.memref_slice %arg10[%dma_wait3A_645, %dma_wait3A_648, %dma_wait3A_649] : memref<2x128x128xf32, #tpu.memory_space<vmem>> -> memref<1x128x128xf32, #tpu.memory_space<vmem>>
      %dma_wait3A_651 = tpu.memref_squeeze %dma_wait3A_650 : memref<1x128x128xf32, #tpu.memory_space<vmem>> -> memref<128x128xf32, #tpu.memory_space<vmem>>
      %dma_wait3A_652 = arith.constant 0 : i32
      %dma_wait3A_653 = tpu.memref_slice %arg9[%dma_wait3A_646, %dma_wait3A_647, %dma_wait3A_652] : memref<20x2x128xi32, #tpu.memory_space<vmem>> -> memref<1x1x128xi32, #tpu.memory_space<vmem>>
      %dma_wait3A_654 = tpu.memref_squeeze %dma_wait3A_653 : memref<1x1x128xi32, #tpu.memory_space<vmem>> -> memref<128xi32, #tpu.memory_space<vmem>>
      %dma_wait3A_655 = arith.constant 0 : i32
      %dma_wait3A_656 = arith.constant 0 : i32
      %dma_wait3A_657 = tpu.memref_slice %arg12[%dma_wait3A_655, %dma_wait3A_656] : memref<10128x128xf32, #tpu.memory_space<vmem_shared>> -> memref<10128x128xf32, #tpu.memory_space<vmem_shared>>
      tpu.wait_indirect_dma semaphore(%arg15 : memref<!tpu.dma_semaphore, #tpu.memory_space<semaphore_mem>>) src(%dma_wait3A_651 : memref<128x128xf32, #tpu.memory_space<vmem>>) dst(%dma_wait3A_657 : memref<10128x128xf32, #tpu.memory_space<vmem_shared>>)
      %dma_wait3A_658 = arith.constant 0 : i32
      %dma_wait3A_659 = arith.constant 1 : i32
      %dma_wait3A_660 = arith.constant 0 : i32
      %dma_wait3A_661 = tpu.memref_slice %arg9[%dma_wait3A_658, %dma_wait3A_659, %dma_wait3A_660] : memref<20x2x128xi32, #tpu.memory_space<vmem>> -> memref<1x1x128xi32, #tpu.memory_space<vmem>>
      %dma_wait3A_662 = tpu.memref_squeeze %dma_wait3A_661 : memref<1x1x128xi32, #tpu.memory_space<vmem>> -> memref<128xi32, #tpu.memory_space<vmem>>
      %dma_wait3A_663 = arith.constant 0 : i32
      %dma_wait3A_664 = tpu.memref_slice %arg14[%dma_wait3A_663] : memref<16384xf32, #tpu.memory_space<vmem_shared>> -> memref<16384xf32, #tpu.memory_space<vmem_shared>>
      tpu.wait_indirect_dma semaphore(%arg17 : memref<!tpu.dma_semaphore, #tpu.memory_space<semaphore_mem>>) src(%arg11 : memref<128xf32, #tpu.memory_space<vmem>>) dst(%dma_wait3A_664 : memref<16384xf32, #tpu.memory_space<vmem_shared>>)
      %dma_start3A_665 = arith.constant 10 : i32
      %dma_start3A_666 = arith.constant 0 : i32
      %dma_start3A_667 = arith.constant 0 : i32
      %dma_start3A_668 = arith.constant 0 : i32
      %dma_start3A_669 = arith.constant 0 : i32
      %dma_start3A_670 = tpu.memref_slice %arg10[%dma_start3A_667, %dma_start3A_668, %dma_start3A_669] : memref<2x128x128xf32, #tpu.memory_space<vmem>> -> memref<1x128x128xf32, #tpu.memory_space<vmem>>
      %dma_start3A_671 = tpu.memref_squeeze %dma_start3A_670 : memref<1x128x128xf32, #tpu.memory_space<vmem>> -> memref<128x128xf32, #tpu.memory_space<vmem>>
      %dma_start3A_672 = arith.constant 0 : i32
      %dma_start3A_673 = tpu.memref_slice %arg9[%dma_start3A_665, %dma_start3A_666, %dma_start3A_672] : memref<20x2x128xi32, #tpu.memory_space<vmem>> -> memref<1x1x128xi32, #tpu.memory_space<vmem>>
      %dma_start3A_674 = tpu.memref_squeeze %dma_start3A_673 : memref<1x1x128xi32, #tpu.memory_space<vmem>> -> memref<128xi32, #tpu.memory_space<vmem>>
      %dma_start3A_675 = arith.constant 0 : i32
      %dma_start3A_676 = arith.constant 0 : i32
      %dma_start3A_677 = tpu.memref_slice %arg2[%dma_start3A_675, %dma_start3A_676] : memref<10000x128xf32, #tpu.memory_space<hbm>> -> memref<10000x128xf32, #tpu.memory_space<hbm>>
      tpu.enqueue_indirect_dma source(%dma_start3A_677 : memref<10000x128xf32, #tpu.memory_space<hbm>>) target(%dma_start3A_671 : memref<128x128xf32, #tpu.memory_space<vmem>>) offsets(%dma_start3A_674 : memref<128xi32, #tpu.memory_space<vmem>>) semaphore(%arg16 : memref<!tpu.dma_semaphore, #tpu.memory_space<semaphore_mem>>)
      %dma_wait3A_678 = arith.constant 0 : i32
      %dma_wait3A_679 = arith.constant 0 : i32
      %dma_wait3A_680 = arith.constant 0 : i32
      %dma_wait3A_681 = arith.constant 0 : i32
      %dma_wait3A_682 = arith.constant 0 : i32
      %dma_wait3A_683 = tpu.memref_slice %arg10[%dma_wait3A_680, %dma_wait3A_681, %dma_wait3A_682] : memref<2x128x128xf32, #tpu.memory_space<vmem>> -> memref<1x128x128xf32, #tpu.memory_space<vmem>>
      %dma_wait3A_684 = tpu.memref_squeeze %dma_wait3A_683 : memref<1x128x128xf32, #tpu.memory_space<vmem>> -> memref<128x128xf32, #tpu.memory_space<vmem>>
      %dma_wait3A_685 = arith.constant 0 : i32
      %dma_wait3A_686 = tpu.memref_slice %arg9[%dma_wait3A_678, %dma_wait3A_679, %dma_wait3A_685] : memref<20x2x128xi32, #tpu.memory_space<vmem>> -> memref<1x1x128xi32, #tpu.memory_space<vmem>>
      %dma_wait3A_687 = tpu.memref_squeeze %dma_wait3A_686 : memref<1x1x128xi32, #tpu.memory_space<vmem>> -> memref<128xi32, #tpu.memory_space<vmem>>
      %dma_wait3A_688 = arith.constant 0 : i32
      %dma_wait3A_689 = arith.constant 0 : i32
      %dma_wait3A_690 = tpu.memref_slice %arg2[%dma_wait3A_688, %dma_wait3A_689] : memref<10000x128xf32, #tpu.memory_space<hbm>> -> memref<10000x128xf32, #tpu.memory_space<hbm>>
      tpu.wait_indirect_dma semaphore(%arg16 : memref<!tpu.dma_semaphore, #tpu.memory_space<semaphore_mem>>) src(%dma_wait3A_690 : memref<10000x128xf32, #tpu.memory_space<hbm>>) dst(%dma_wait3A_684 : memref<128x128xf32, #tpu.memory_space<vmem>>)
      %dma_start3A_691 = arith.constant 1 : i32
      %dma_start3A_692 = arith.constant 9 : i32
      %dma_start3A_693 = arith.constant 1 : i32
      %dma_start3A_694 = arith.constant 0 : i32
      %dma_start3A_695 = arith.constant 0 : i32
      %dma_start3A_696 = tpu.memref_slice %arg10[%dma_start3A_691, %dma_start3A_694, %dma_start3A_695] : memref<2x128x128xf32, #tpu.memory_space<vmem>> -> memref<1x128x128xf32, #tpu.memory_space<vmem>>
      %dma_start3A_697 = tpu.memref_squeeze %dma_start3A_696 : memref<1x128x128xf32, #tpu.memory_space<vmem>> -> memref<128x128xf32, #tpu.memory_space<vmem>>
      %dma_start3A_698 = arith.constant 0 : i32
      %dma_start3A_699 = tpu.memref_slice %arg9[%dma_start3A_692, %dma_start3A_693, %dma_start3A_698] : memref<20x2x128xi32, #tpu.memory_space<vmem>> -> memref<1x1x128xi32, #tpu.memory_space<vmem>>
      %dma_start3A_700 = tpu.memref_squeeze %dma_start3A_699 : memref<1x1x128xi32, #tpu.memory_space<vmem>> -> memref<128xi32, #tpu.memory_space<vmem>>
      %dma_start3A_701 = arith.constant 0 : i32
      %dma_start3A_702 = arith.constant 0 : i32
      %dma_start3A_703 = tpu.memref_slice %arg12[%dma_start3A_701, %dma_start3A_702] : memref<10128x128xf32, #tpu.memory_space<vmem_shared>> -> memref<10128x128xf32, #tpu.memory_space<vmem_shared>>
      tpu.enqueue_indirect_dma source(%dma_start3A_697 : memref<128x128xf32, #tpu.memory_space<vmem>>) target(%dma_start3A_703 : memref<10128x128xf32, #tpu.memory_space<vmem_shared>>) offsets(%dma_start3A_700 : memref<128xi32, #tpu.memory_space<vmem>>) semaphore(%arg15 : memref<!tpu.dma_semaphore, #tpu.memory_space<semaphore_mem>>) {add = true}
      %dma_start3A_704 = arith.constant 9 : i32
      %dma_start3A_705 = arith.constant 1 : i32
      %dma_start3A_706 = arith.constant 0 : i32
      %dma_start3A_707 = tpu.memref_slice %arg9[%dma_start3A_704, %dma_start3A_705, %dma_start3A_706] : memref<20x2x128xi32, #tpu.memory_space<vmem>> -> memref<1x1x128xi32, #tpu.memory_space<vmem>>
      %dma_start3A_708 = tpu.memref_squeeze %dma_start3A_707 : memref<1x1x128xi32, #tpu.memory_space<vmem>> -> memref<128xi32, #tpu.memory_space<vmem>>
      %dma_start3A_709 = arith.constant 0 : i32
      %dma_start3A_710 = tpu.memref_slice %arg14[%dma_start3A_709] : memref<16384xf32, #tpu.memory_space<vmem_shared>> -> memref<16384xf32, #tpu.memory_space<vmem_shared>>
      tpu.enqueue_indirect_dma source(%arg11 : memref<128xf32, #tpu.memory_space<vmem>>) target(%dma_start3A_710 : memref<16384xf32, #tpu.memory_space<vmem_shared>>) offsets(%dma_start3A_708 : memref<128xi32, #tpu.memory_space<vmem>>) semaphore(%arg17 : memref<!tpu.dma_semaphore, #tpu.memory_space<semaphore_mem>>) {add = true}
      %dma_wait3A_711 = arith.constant 0 : i32
      %dma_wait3A_712 = arith.constant 0 : i32
      %dma_wait3A_713 = arith.constant 1 : i32
      %dma_wait3A_714 = arith.constant 0 : i32
      %dma_wait3A_715 = arith.constant 0 : i32
      %dma_wait3A_716 = tpu.memref_slice %arg10[%dma_wait3A_711, %dma_wait3A_714, %dma_wait3A_715] : memref<2x128x128xf32, #tpu.memory_space<vmem>> -> memref<1x128x128xf32, #tpu.memory_space<vmem>>
      %dma_wait3A_717 = tpu.memref_squeeze %dma_wait3A_716 : memref<1x128x128xf32, #tpu.memory_space<vmem>> -> memref<128x128xf32, #tpu.memory_space<vmem>>
      %dma_wait3A_718 = arith.constant 0 : i32
      %dma_wait3A_719 = tpu.memref_slice %arg9[%dma_wait3A_712, %dma_wait3A_713, %dma_wait3A_718] : memref<20x2x128xi32, #tpu.memory_space<vmem>> -> memref<1x1x128xi32, #tpu.memory_space<vmem>>
      %dma_wait3A_720 = tpu.memref_squeeze %dma_wait3A_719 : memref<1x1x128xi32, #tpu.memory_space<vmem>> -> memref<128xi32, #tpu.memory_space<vmem>>
      %dma_wait3A_721 = arith.constant 0 : i32
      %dma_wait3A_722 = arith.constant 0 : i32
      %dma_wait3A_723 = tpu.memref_slice %arg12[%dma_wait3A_721, %dma_wait3A_722] : memref<10128x128xf32, #tpu.memory_space<vmem_shared>> -> memref<10128x128xf32, #tpu.memory_space<vmem_shared>>
      tpu.wait_indirect_dma semaphore(%arg15 : memref<!tpu.dma_semaphore, #tpu.memory_space<semaphore_mem>>) src(%dma_wait3A_717 : memref<128x128xf32, #tpu.memory_space<vmem>>) dst(%dma_wait3A_723 : memref<10128x128xf32, #tpu.memory_space<vmem_shared>>)
      %dma_wait3A_724 = arith.constant 0 : i32
      %dma_wait3A_725 = arith.constant 1 : i32
      %dma_wait3A_726 = arith.constant 0 : i32
      %dma_wait3A_727 = tpu.memref_slice %arg9[%dma_wait3A_724, %dma_wait3A_725, %dma_wait3A_726] : memref<20x2x128xi32, #tpu.memory_space<vmem>> -> memref<1x1x128xi32, #tpu.memory_space<vmem>>
      %dma_wait3A_728 = tpu.memref_squeeze %dma_wait3A_727 : memref<1x1x128xi32, #tpu.memory_space<vmem>> -> memref<128xi32, #tpu.memory_space<vmem>>
      %dma_wait3A_729 = arith.constant 0 : i32
      %dma_wait3A_730 = tpu.memref_slice %arg14[%dma_wait3A_729] : memref<16384xf32, #tpu.memory_space<vmem_shared>> -> memref<16384xf32, #tpu.memory_space<vmem_shared>>
      tpu.wait_indirect_dma semaphore(%arg17 : memref<!tpu.dma_semaphore, #tpu.memory_space<semaphore_mem>>) src(%arg11 : memref<128xf32, #tpu.memory_space<vmem>>) dst(%dma_wait3A_730 : memref<16384xf32, #tpu.memory_space<vmem_shared>>)
      %dma_start3A_731 = arith.constant 11 : i32
      %dma_start3A_732 = arith.constant 0 : i32
      %dma_start3A_733 = arith.constant 1 : i32
      %dma_start3A_734 = arith.constant 0 : i32
      %dma_start3A_735 = arith.constant 0 : i32
      %dma_start3A_736 = tpu.memref_slice %arg10[%dma_start3A_733, %dma_start3A_734, %dma_start3A_735] : memref<2x128x128xf32, #tpu.memory_space<vmem>> -> memref<1x128x128xf32, #tpu.memory_space<vmem>>
      %dma_start3A_737 = tpu.memref_squeeze %dma_start3A_736 : memref<1x128x128xf32, #tpu.memory_space<vmem>> -> memref<128x128xf32, #tpu.memory_space<vmem>>
      %dma_start3A_738 = arith.constant 0 : i32
      %dma_start3A_739 = tpu.memref_slice %arg9[%dma_start3A_731, %dma_start3A_732, %dma_start3A_738] : memref<20x2x128xi32, #tpu.memory_space<vmem>> -> memref<1x1x128xi32, #tpu.memory_space<vmem>>
      %dma_start3A_740 = tpu.memref_squeeze %dma_start3A_739 : memref<1x1x128xi32, #tpu.memory_space<vmem>> -> memref<128xi32, #tpu.memory_space<vmem>>
      %dma_start3A_741 = arith.constant 0 : i32
      %dma_start3A_742 = arith.constant 0 : i32
      %dma_start3A_743 = tpu.memref_slice %arg2[%dma_start3A_741, %dma_start3A_742] : memref<10000x128xf32, #tpu.memory_space<hbm>> -> memref<10000x128xf32, #tpu.memory_space<hbm>>
      tpu.enqueue_indirect_dma source(%dma_start3A_743 : memref<10000x128xf32, #tpu.memory_space<hbm>>) target(%dma_start3A_737 : memref<128x128xf32, #tpu.memory_space<vmem>>) offsets(%dma_start3A_740 : memref<128xi32, #tpu.memory_space<vmem>>) semaphore(%arg16 : memref<!tpu.dma_semaphore, #tpu.memory_space<semaphore_mem>>)
      %dma_wait3A_744 = arith.constant 0 : i32
      %dma_wait3A_745 = arith.constant 0 : i32
      %dma_wait3A_746 = arith.constant 0 : i32
      %dma_wait3A_747 = arith.constant 0 : i32
      %dma_wait3A_748 = arith.constant 0 : i32
      %dma_wait3A_749 = tpu.memref_slice %arg10[%dma_wait3A_746, %dma_wait3A_747, %dma_wait3A_748] : memref<2x128x128xf32, #tpu.memory_space<vmem>> -> memref<1x128x128xf32, #tpu.memory_space<vmem>>
      %dma_wait3A_750 = tpu.memref_squeeze %dma_wait3A_749 : memref<1x128x128xf32, #tpu.memory_space<vmem>> -> memref<128x128xf32, #tpu.memory_space<vmem>>
      %dma_wait3A_751 = arith.constant 0 : i32
      %dma_wait3A_752 = tpu.memref_slice %arg9[%dma_wait3A_744, %dma_wait3A_745, %dma_wait3A_751] : memref<20x2x128xi32, #tpu.memory_space<vmem>> -> memref<1x1x128xi32, #tpu.memory_space<vmem>>
      %dma_wait3A_753 = tpu.memref_squeeze %dma_wait3A_752 : memref<1x1x128xi32, #tpu.memory_space<vmem>> -> memref<128xi32, #tpu.memory_space<vmem>>
      %dma_wait3A_754 = arith.constant 0 : i32
      %dma_wait3A_755 = arith.constant 0 : i32
      %dma_wait3A_756 = tpu.memref_slice %arg2[%dma_wait3A_754, %dma_wait3A_755] : memref<10000x128xf32, #tpu.memory_space<hbm>> -> memref<10000x128xf32, #tpu.memory_space<hbm>>
      tpu.wait_indirect_dma semaphore(%arg16 : memref<!tpu.dma_semaphore, #tpu.memory_space<semaphore_mem>>) src(%dma_wait3A_756 : memref<10000x128xf32, #tpu.memory_space<hbm>>) dst(%dma_wait3A_750 : memref<128x128xf32, #tpu.memory_space<vmem>>)
      %dma_start3A_757 = arith.constant 0 : i32
      %dma_start3A_758 = arith.constant 10 : i32
      %dma_start3A_759 = arith.constant 1 : i32
      %dma_start3A_760 = arith.constant 0 : i32
      %dma_start3A_761 = arith.constant 0 : i32
      %dma_start3A_762 = tpu.memref_slice %arg10[%dma_start3A_757, %dma_start3A_760, %dma_start3A_761] : memref<2x128x128xf32, #tpu.memory_space<vmem>> -> memref<1x128x128xf32, #tpu.memory_space<vmem>>
      %dma_start3A_763 = tpu.memref_squeeze %dma_start3A_762 : memref<1x128x128xf32, #tpu.memory_space<vmem>> -> memref<128x128xf32, #tpu.memory_space<vmem>>
      %dma_start3A_764 = arith.constant 0 : i32
      %dma_start3A_765 = tpu.memref_slice %arg9[%dma_start3A_758, %dma_start3A_759, %dma_start3A_764] : memref<20x2x128xi32, #tpu.memory_space<vmem>> -> memref<1x1x128xi32, #tpu.memory_space<vmem>>
      %dma_start3A_766 = tpu.memref_squeeze %dma_start3A_765 : memref<1x1x128xi32, #tpu.memory_space<vmem>> -> memref<128xi32, #tpu.memory_space<vmem>>
      %dma_start3A_767 = arith.constant 0 : i32
      %dma_start3A_768 = arith.constant 0 : i32
      %dma_start3A_769 = tpu.memref_slice %arg12[%dma_start3A_767, %dma_start3A_768] : memref<10128x128xf32, #tpu.memory_space<vmem_shared>> -> memref<10128x128xf32, #tpu.memory_space<vmem_shared>>
      tpu.enqueue_indirect_dma source(%dma_start3A_763 : memref<128x128xf32, #tpu.memory_space<vmem>>) target(%dma_start3A_769 : memref<10128x128xf32, #tpu.memory_space<vmem_shared>>) offsets(%dma_start3A_766 : memref<128xi32, #tpu.memory_space<vmem>>) semaphore(%arg15 : memref<!tpu.dma_semaphore, #tpu.memory_space<semaphore_mem>>) {add = true}
      %dma_start3A_770 = arith.constant 10 : i32
      %dma_start3A_771 = arith.constant 1 : i32
      %dma_start3A_772 = arith.constant 0 : i32
      %dma_start3A_773 = tpu.memref_slice %arg9[%dma_start3A_770, %dma_start3A_771, %dma_start3A_772] : memref<20x2x128xi32, #tpu.memory_space<vmem>> -> memref<1x1x128xi32, #tpu.memory_space<vmem>>
      %dma_start3A_774 = tpu.memref_squeeze %dma_start3A_773 : memref<1x1x128xi32, #tpu.memory_space<vmem>> -> memref<128xi32, #tpu.memory_space<vmem>>
      %dma_start3A_775 = arith.constant 0 : i32
      %dma_start3A_776 = tpu.memref_slice %arg14[%dma_start3A_775] : memref<16384xf32, #tpu.memory_space<vmem_shared>> -> memref<16384xf32, #tpu.memory_space<vmem_shared>>
      tpu.enqueue_indirect_dma source(%arg11 : memref<128xf32, #tpu.memory_space<vmem>>) target(%dma_start3A_776 : memref<16384xf32, #tpu.memory_space<vmem_shared>>) offsets(%dma_start3A_774 : memref<128xi32, #tpu.memory_space<vmem>>) semaphore(%arg17 : memref<!tpu.dma_semaphore, #tpu.memory_space<semaphore_mem>>) {add = true}
      %dma_wait3A_777 = arith.constant 0 : i32
      %dma_wait3A_778 = arith.constant 0 : i32
      %dma_wait3A_779 = arith.constant 1 : i32
      %dma_wait3A_780 = arith.constant 0 : i32
      %dma_wait3A_781 = arith.constant 0 : i32
      %dma_wait3A_782 = tpu.memref_slice %arg10[%dma_wait3A_777, %dma_wait3A_780, %dma_wait3A_781] : memref<2x128x128xf32, #tpu.memory_space<vmem>> -> memref<1x128x128xf32, #tpu.memory_space<vmem>>
      %dma_wait3A_783 = tpu.memref_squeeze %dma_wait3A_782 : memref<1x128x128xf32, #tpu.memory_space<vmem>> -> memref<128x128xf32, #tpu.memory_space<vmem>>
      %dma_wait3A_784 = arith.constant 0 : i32
      %dma_wait3A_785 = tpu.memref_slice %arg9[%dma_wait3A_778, %dma_wait3A_779, %dma_wait3A_784] : memref<20x2x128xi32, #tpu.memory_space<vmem>> -> memref<1x1x128xi32, #tpu.memory_space<vmem>>
      %dma_wait3A_786 = tpu.memref_squeeze %dma_wait3A_785 : memref<1x1x128xi32, #tpu.memory_space<vmem>> -> memref<128xi32, #tpu.memory_space<vmem>>
      %dma_wait3A_787 = arith.constant 0 : i32
      %dma_wait3A_788 = arith.constant 0 : i32
      %dma_wait3A_789 = tpu.memref_slice %arg12[%dma_wait3A_787, %dma_wait3A_788] : memref<10128x128xf32, #tpu.memory_space<vmem_shared>> -> memref<10128x128xf32, #tpu.memory_space<vmem_shared>>
      tpu.wait_indirect_dma semaphore(%arg15 : memref<!tpu.dma_semaphore, #tpu.memory_space<semaphore_mem>>) src(%dma_wait3A_783 : memref<128x128xf32, #tpu.memory_space<vmem>>) dst(%dma_wait3A_789 : memref<10128x128xf32, #tpu.memory_space<vmem_shared>>)
      %dma_wait3A_790 = arith.constant 0 : i32
      %dma_wait3A_791 = arith.constant 1 : i32
      %dma_wait3A_792 = arith.constant 0 : i32
      %dma_wait3A_793 = tpu.memref_slice %arg9[%dma_wait3A_790, %dma_wait3A_791, %dma_wait3A_792] : memref<20x2x128xi32, #tpu.memory_space<vmem>> -> memref<1x1x128xi32, #tpu.memory_space<vmem>>
      %dma_wait3A_794 = tpu.memref_squeeze %dma_wait3A_793 : memref<1x1x128xi32, #tpu.memory_space<vmem>> -> memref<128xi32, #tpu.memory_space<vmem>>
      %dma_wait3A_795 = arith.constant 0 : i32
      %dma_wait3A_796 = tpu.memref_slice %arg14[%dma_wait3A_795] : memref<16384xf32, #tpu.memory_space<vmem_shared>> -> memref<16384xf32, #tpu.memory_space<vmem_shared>>
      tpu.wait_indirect_dma semaphore(%arg17 : memref<!tpu.dma_semaphore, #tpu.memory_space<semaphore_mem>>) src(%arg11 : memref<128xf32, #tpu.memory_space<vmem>>) dst(%dma_wait3A_796 : memref<16384xf32, #tpu.memory_space<vmem_shared>>)
      %dma_start3A_797 = arith.constant 12 : i32
      %dma_start3A_798 = arith.constant 0 : i32
      %dma_start3A_799 = arith.constant 0 : i32
      %dma_start3A_800 = arith.constant 0 : i32
      %dma_start3A_801 = arith.constant 0 : i32
      %dma_start3A_802 = tpu.memref_slice %arg10[%dma_start3A_799, %dma_start3A_800, %dma_start3A_801] : memref<2x128x128xf32, #tpu.memory_space<vmem>> -> memref<1x128x128xf32, #tpu.memory_space<vmem>>
      %dma_start3A_803 = tpu.memref_squeeze %dma_start3A_802 : memref<1x128x128xf32, #tpu.memory_space<vmem>> -> memref<128x128xf32, #tpu.memory_space<vmem>>
      %dma_start3A_804 = arith.constant 0 : i32
      %dma_start3A_805 = tpu.memref_slice %arg9[%dma_start3A_797, %dma_start3A_798, %dma_start3A_804] : memref<20x2x128xi32, #tpu.memory_space<vmem>> -> memref<1x1x128xi32, #tpu.memory_space<vmem>>
      %dma_start3A_806 = tpu.memref_squeeze %dma_start3A_805 : memref<1x1x128xi32, #tpu.memory_space<vmem>> -> memref<128xi32, #tpu.memory_space<vmem>>
      %dma_start3A_807 = arith.constant 0 : i32
      %dma_start3A_808 = arith.constant 0 : i32
      %dma_start3A_809 = tpu.memref_slice %arg2[%dma_start3A_807, %dma_start3A_808] : memref<10000x128xf32, #tpu.memory_space<hbm>> -> memref<10000x128xf32, #tpu.memory_space<hbm>>
      tpu.enqueue_indirect_dma source(%dma_start3A_809 : memref<10000x128xf32, #tpu.memory_space<hbm>>) target(%dma_start3A_803 : memref<128x128xf32, #tpu.memory_space<vmem>>) offsets(%dma_start3A_806 : memref<128xi32, #tpu.memory_space<vmem>>) semaphore(%arg16 : memref<!tpu.dma_semaphore, #tpu.memory_space<semaphore_mem>>)
      %dma_wait3A_810 = arith.constant 0 : i32
      %dma_wait3A_811 = arith.constant 0 : i32
      %dma_wait3A_812 = arith.constant 0 : i32
      %dma_wait3A_813 = arith.constant 0 : i32
      %dma_wait3A_814 = arith.constant 0 : i32
      %dma_wait3A_815 = tpu.memref_slice %arg10[%dma_wait3A_812, %dma_wait3A_813, %dma_wait3A_814] : memref<2x128x128xf32, #tpu.memory_space<vmem>> -> memref<1x128x128xf32, #tpu.memory_space<vmem>>
      %dma_wait3A_816 = tpu.memref_squeeze %dma_wait3A_815 : memref<1x128x128xf32, #tpu.memory_space<vmem>> -> memref<128x128xf32, #tpu.memory_space<vmem>>
      %dma_wait3A_817 = arith.constant 0 : i32
      %dma_wait3A_818 = tpu.memref_slice %arg9[%dma_wait3A_810, %dma_wait3A_811, %dma_wait3A_817] : memref<20x2x128xi32, #tpu.memory_space<vmem>> -> memref<1x1x128xi32, #tpu.memory_space<vmem>>
      %dma_wait3A_819 = tpu.memref_squeeze %dma_wait3A_818 : memref<1x1x128xi32, #tpu.memory_space<vmem>> -> memref<128xi32, #tpu.memory_space<vmem>>
      %dma_wait3A_820 = arith.constant 0 : i32
      %dma_wait3A_821 = arith.constant 0 : i32
      %dma_wait3A_822 = tpu.memref_slice %arg2[%dma_wait3A_820, %dma_wait3A_821] : memref<10000x128xf32, #tpu.memory_space<hbm>> -> memref<10000x128xf32, #tpu.memory_space<hbm>>
      tpu.wait_indirect_dma semaphore(%arg16 : memref<!tpu.dma_semaphore, #tpu.memory_space<semaphore_mem>>) src(%dma_wait3A_822 : memref<10000x128xf32, #tpu.memory_space<hbm>>) dst(%dma_wait3A_816 : memref<128x128xf32, #tpu.memory_space<vmem>>)
      %dma_start3A_823 = arith.constant 1 : i32
      %dma_start3A_824 = arith.constant 11 : i32
      %dma_start3A_825 = arith.constant 1 : i32
      %dma_start3A_826 = arith.constant 0 : i32
      %dma_start3A_827 = arith.constant 0 : i32
      %dma_start3A_828 = tpu.memref_slice %arg10[%dma_start3A_823, %dma_start3A_826, %dma_start3A_827] : memref<2x128x128xf32, #tpu.memory_space<vmem>> -> memref<1x128x128xf32, #tpu.memory_space<vmem>>
      %dma_start3A_829 = tpu.memref_squeeze %dma_start3A_828 : memref<1x128x128xf32, #tpu.memory_space<vmem>> -> memref<128x128xf32, #tpu.memory_space<vmem>>
      %dma_start3A_830 = arith.constant 0 : i32
      %dma_start3A_831 = tpu.memref_slice %arg9[%dma_start3A_824, %dma_start3A_825, %dma_start3A_830] : memref<20x2x128xi32, #tpu.memory_space<vmem>> -> memref<1x1x128xi32, #tpu.memory_space<vmem>>
      %dma_start3A_832 = tpu.memref_squeeze %dma_start3A_831 : memref<1x1x128xi32, #tpu.memory_space<vmem>> -> memref<128xi32, #tpu.memory_space<vmem>>
      %dma_start3A_833 = arith.constant 0 : i32
      %dma_start3A_834 = arith.constant 0 : i32
      %dma_start3A_835 = tpu.memref_slice %arg12[%dma_start3A_833, %dma_start3A_834] : memref<10128x128xf32, #tpu.memory_space<vmem_shared>> -> memref<10128x128xf32, #tpu.memory_space<vmem_shared>>
      tpu.enqueue_indirect_dma source(%dma_start3A_829 : memref<128x128xf32, #tpu.memory_space<vmem>>) target(%dma_start3A_835 : memref<10128x128xf32, #tpu.memory_space<vmem_shared>>) offsets(%dma_start3A_832 : memref<128xi32, #tpu.memory_space<vmem>>) semaphore(%arg15 : memref<!tpu.dma_semaphore, #tpu.memory_space<semaphore_mem>>) {add = true}
      %dma_start3A_836 = arith.constant 11 : i32
      %dma_start3A_837 = arith.constant 1 : i32
      %dma_start3A_838 = arith.constant 0 : i32
      %dma_start3A_839 = tpu.memref_slice %arg9[%dma_start3A_836, %dma_start3A_837, %dma_start3A_838] : memref<20x2x128xi32, #tpu.memory_space<vmem>> -> memref<1x1x128xi32, #tpu.memory_space<vmem>>
      %dma_start3A_840 = tpu.memref_squeeze %dma_start3A_839 : memref<1x1x128xi32, #tpu.memory_space<vmem>> -> memref<128xi32, #tpu.memory_space<vmem>>
      %dma_start3A_841 = arith.constant 0 : i32
      %dma_start3A_842 = tpu.memref_slice %arg14[%dma_start3A_841] : memref<16384xf32, #tpu.memory_space<vmem_shared>> -> memref<16384xf32, #tpu.memory_space<vmem_shared>>
      tpu.enqueue_indirect_dma source(%arg11 : memref<128xf32, #tpu.memory_space<vmem>>) target(%dma_start3A_842 : memref<16384xf32, #tpu.memory_space<vmem_shared>>) offsets(%dma_start3A_840 : memref<128xi32, #tpu.memory_space<vmem>>) semaphore(%arg17 : memref<!tpu.dma_semaphore, #tpu.memory_space<semaphore_mem>>) {add = true}
      %dma_wait3A_843 = arith.constant 0 : i32
      %dma_wait3A_844 = arith.constant 0 : i32
      %dma_wait3A_845 = arith.constant 1 : i32
      %dma_wait3A_846 = arith.constant 0 : i32
      %dma_wait3A_847 = arith.constant 0 : i32
      %dma_wait3A_848 = tpu.memref_slice %arg10[%dma_wait3A_843, %dma_wait3A_846, %dma_wait3A_847] : memref<2x128x128xf32, #tpu.memory_space<vmem>> -> memref<1x128x128xf32, #tpu.memory_space<vmem>>
      %dma_wait3A_849 = tpu.memref_squeeze %dma_wait3A_848 : memref<1x128x128xf32, #tpu.memory_space<vmem>> -> memref<128x128xf32, #tpu.memory_space<vmem>>
      %dma_wait3A_850 = arith.constant 0 : i32
      %dma_wait3A_851 = tpu.memref_slice %arg9[%dma_wait3A_844, %dma_wait3A_845, %dma_wait3A_850] : memref<20x2x128xi32, #tpu.memory_space<vmem>> -> memref<1x1x128xi32, #tpu.memory_space<vmem>>
      %dma_wait3A_852 = tpu.memref_squeeze %dma_wait3A_851 : memref<1x1x128xi32, #tpu.memory_space<vmem>> -> memref<128xi32, #tpu.memory_space<vmem>>
      %dma_wait3A_853 = arith.constant 0 : i32
      %dma_wait3A_854 = arith.constant 0 : i32
      %dma_wait3A_855 = tpu.memref_slice %arg12[%dma_wait3A_853, %dma_wait3A_854] : memref<10128x128xf32, #tpu.memory_space<vmem_shared>> -> memref<10128x128xf32, #tpu.memory_space<vmem_shared>>
      tpu.wait_indirect_dma semaphore(%arg15 : memref<!tpu.dma_semaphore, #tpu.memory_space<semaphore_mem>>) src(%dma_wait3A_849 : memref<128x128xf32, #tpu.memory_space<vmem>>) dst(%dma_wait3A_855 : memref<10128x128xf32, #tpu.memory_space<vmem_shared>>)
      %dma_wait3A_856 = arith.constant 0 : i32
      %dma_wait3A_857 = arith.constant 1 : i32
      %dma_wait3A_858 = arith.constant 0 : i32
      %dma_wait3A_859 = tpu.memref_slice %arg9[%dma_wait3A_856, %dma_wait3A_857, %dma_wait3A_858] : memref<20x2x128xi32, #tpu.memory_space<vmem>> -> memref<1x1x128xi32, #tpu.memory_space<vmem>>
      %dma_wait3A_860 = tpu.memref_squeeze %dma_wait3A_859 : memref<1x1x128xi32, #tpu.memory_space<vmem>> -> memref<128xi32, #tpu.memory_space<vmem>>
      %dma_wait3A_861 = arith.constant 0 : i32
      %dma_wait3A_862 = tpu.memref_slice %arg14[%dma_wait3A_861] : memref<16384xf32, #tpu.memory_space<vmem_shared>> -> memref<16384xf32, #tpu.memory_space<vmem_shared>>
      tpu.wait_indirect_dma semaphore(%arg17 : memref<!tpu.dma_semaphore, #tpu.memory_space<semaphore_mem>>) src(%arg11 : memref<128xf32, #tpu.memory_space<vmem>>) dst(%dma_wait3A_862 : memref<16384xf32, #tpu.memory_space<vmem_shared>>)
      %dma_start3A_863 = arith.constant 13 : i32
      %dma_start3A_864 = arith.constant 0 : i32
      %dma_start3A_865 = arith.constant 1 : i32
      %dma_start3A_866 = arith.constant 0 : i32
      %dma_start3A_867 = arith.constant 0 : i32
      %dma_start3A_868 = tpu.memref_slice %arg10[%dma_start3A_865, %dma_start3A_866, %dma_start3A_867] : memref<2x128x128xf32, #tpu.memory_space<vmem>> -> memref<1x128x128xf32, #tpu.memory_space<vmem>>
      %dma_start3A_869 = tpu.memref_squeeze %dma_start3A_868 : memref<1x128x128xf32, #tpu.memory_space<vmem>> -> memref<128x128xf32, #tpu.memory_space<vmem>>
      %dma_start3A_870 = arith.constant 0 : i32
      %dma_start3A_871 = tpu.memref_slice %arg9[%dma_start3A_863, %dma_start3A_864, %dma_start3A_870] : memref<20x2x128xi32, #tpu.memory_space<vmem>> -> memref<1x1x128xi32, #tpu.memory_space<vmem>>
      %dma_start3A_872 = tpu.memref_squeeze %dma_start3A_871 : memref<1x1x128xi32, #tpu.memory_space<vmem>> -> memref<128xi32, #tpu.memory_space<vmem>>
      %dma_start3A_873 = arith.constant 0 : i32
      %dma_start3A_874 = arith.constant 0 : i32
      %dma_start3A_875 = tpu.memref_slice %arg2[%dma_start3A_873, %dma_start3A_874] : memref<10000x128xf32, #tpu.memory_space<hbm>> -> memref<10000x128xf32, #tpu.memory_space<hbm>>
      tpu.enqueue_indirect_dma source(%dma_start3A_875 : memref<10000x128xf32, #tpu.memory_space<hbm>>) target(%dma_start3A_869 : memref<128x128xf32, #tpu.memory_space<vmem>>) offsets(%dma_start3A_872 : memref<128xi32, #tpu.memory_space<vmem>>) semaphore(%arg16 : memref<!tpu.dma_semaphore, #tpu.memory_space<semaphore_mem>>)
      %dma_wait3A_876 = arith.constant 0 : i32
      %dma_wait3A_877 = arith.constant 0 : i32
      %dma_wait3A_878 = arith.constant 0 : i32
      %dma_wait3A_879 = arith.constant 0 : i32
      %dma_wait3A_880 = arith.constant 0 : i32
      %dma_wait3A_881 = tpu.memref_slice %arg10[%dma_wait3A_878, %dma_wait3A_879, %dma_wait3A_880] : memref<2x128x128xf32, #tpu.memory_space<vmem>> -> memref<1x128x128xf32, #tpu.memory_space<vmem>>
      %dma_wait3A_882 = tpu.memref_squeeze %dma_wait3A_881 : memref<1x128x128xf32, #tpu.memory_space<vmem>> -> memref<128x128xf32, #tpu.memory_space<vmem>>
      %dma_wait3A_883 = arith.constant 0 : i32
      %dma_wait3A_884 = tpu.memref_slice %arg9[%dma_wait3A_876, %dma_wait3A_877, %dma_wait3A_883] : memref<20x2x128xi32, #tpu.memory_space<vmem>> -> memref<1x1x128xi32, #tpu.memory_space<vmem>>
      %dma_wait3A_885 = tpu.memref_squeeze %dma_wait3A_884 : memref<1x1x128xi32, #tpu.memory_space<vmem>> -> memref<128xi32, #tpu.memory_space<vmem>>
      %dma_wait3A_886 = arith.constant 0 : i32
      %dma_wait3A_887 = arith.constant 0 : i32
      %dma_wait3A_888 = tpu.memref_slice %arg2[%dma_wait3A_886, %dma_wait3A_887] : memref<10000x128xf32, #tpu.memory_space<hbm>> -> memref<10000x128xf32, #tpu.memory_space<hbm>>
      tpu.wait_indirect_dma semaphore(%arg16 : memref<!tpu.dma_semaphore, #tpu.memory_space<semaphore_mem>>) src(%dma_wait3A_888 : memref<10000x128xf32, #tpu.memory_space<hbm>>) dst(%dma_wait3A_882 : memref<128x128xf32, #tpu.memory_space<vmem>>)
      %dma_start3A_889 = arith.constant 0 : i32
      %dma_start3A_890 = arith.constant 12 : i32
      %dma_start3A_891 = arith.constant 1 : i32
      %dma_start3A_892 = arith.constant 0 : i32
      %dma_start3A_893 = arith.constant 0 : i32
      %dma_start3A_894 = tpu.memref_slice %arg10[%dma_start3A_889, %dma_start3A_892, %dma_start3A_893] : memref<2x128x128xf32, #tpu.memory_space<vmem>> -> memref<1x128x128xf32, #tpu.memory_space<vmem>>
      %dma_start3A_895 = tpu.memref_squeeze %dma_start3A_894 : memref<1x128x128xf32, #tpu.memory_space<vmem>> -> memref<128x128xf32, #tpu.memory_space<vmem>>
      %dma_start3A_896 = arith.constant 0 : i32
      %dma_start3A_897 = tpu.memref_slice %arg9[%dma_start3A_890, %dma_start3A_891, %dma_start3A_896] : memref<20x2x128xi32, #tpu.memory_space<vmem>> -> memref<1x1x128xi32, #tpu.memory_space<vmem>>
      %dma_start3A_898 = tpu.memref_squeeze %dma_start3A_897 : memref<1x1x128xi32, #tpu.memory_space<vmem>> -> memref<128xi32, #tpu.memory_space<vmem>>
      %dma_start3A_899 = arith.constant 0 : i32
      %dma_start3A_900 = arith.constant 0 : i32
      %dma_start3A_901 = tpu.memref_slice %arg12[%dma_start3A_899, %dma_start3A_900] : memref<10128x128xf32, #tpu.memory_space<vmem_shared>> -> memref<10128x128xf32, #tpu.memory_space<vmem_shared>>
      tpu.enqueue_indirect_dma source(%dma_start3A_895 : memref<128x128xf32, #tpu.memory_space<vmem>>) target(%dma_start3A_901 : memref<10128x128xf32, #tpu.memory_space<vmem_shared>>) offsets(%dma_start3A_898 : memref<128xi32, #tpu.memory_space<vmem>>) semaphore(%arg15 : memref<!tpu.dma_semaphore, #tpu.memory_space<semaphore_mem>>) {add = true}
      %dma_start3A_902 = arith.constant 12 : i32
      %dma_start3A_903 = arith.constant 1 : i32
      %dma_start3A_904 = arith.constant 0 : i32
      %dma_start3A_905 = tpu.memref_slice %arg9[%dma_start3A_902, %dma_start3A_903, %dma_start3A_904] : memref<20x2x128xi32, #tpu.memory_space<vmem>> -> memref<1x1x128xi32, #tpu.memory_space<vmem>>
      %dma_start3A_906 = tpu.memref_squeeze %dma_start3A_905 : memref<1x1x128xi32, #tpu.memory_space<vmem>> -> memref<128xi32, #tpu.memory_space<vmem>>
      %dma_start3A_907 = arith.constant 0 : i32
      %dma_start3A_908 = tpu.memref_slice %arg14[%dma_start3A_907] : memref<16384xf32, #tpu.memory_space<vmem_shared>> -> memref<16384xf32, #tpu.memory_space<vmem_shared>>
      tpu.enqueue_indirect_dma source(%arg11 : memref<128xf32, #tpu.memory_space<vmem>>) target(%dma_start3A_908 : memref<16384xf32, #tpu.memory_space<vmem_shared>>) offsets(%dma_start3A_906 : memref<128xi32, #tpu.memory_space<vmem>>) semaphore(%arg17 : memref<!tpu.dma_semaphore, #tpu.memory_space<semaphore_mem>>) {add = true}
      %dma_wait3A_909 = arith.constant 0 : i32
      %dma_wait3A_910 = arith.constant 0 : i32
      %dma_wait3A_911 = arith.constant 1 : i32
      %dma_wait3A_912 = arith.constant 0 : i32
      %dma_wait3A_913 = arith.constant 0 : i32
      %dma_wait3A_914 = tpu.memref_slice %arg10[%dma_wait3A_909, %dma_wait3A_912, %dma_wait3A_913] : memref<2x128x128xf32, #tpu.memory_space<vmem>> -> memref<1x128x128xf32, #tpu.memory_space<vmem>>
      %dma_wait3A_915 = tpu.memref_squeeze %dma_wait3A_914 : memref<1x128x128xf32, #tpu.memory_space<vmem>> -> memref<128x128xf32, #tpu.memory_space<vmem>>
      %dma_wait3A_916 = arith.constant 0 : i32
      %dma_wait3A_917 = tpu.memref_slice %arg9[%dma_wait3A_910, %dma_wait3A_911, %dma_wait3A_916] : memref<20x2x128xi32, #tpu.memory_space<vmem>> -> memref<1x1x128xi32, #tpu.memory_space<vmem>>
      %dma_wait3A_918 = tpu.memref_squeeze %dma_wait3A_917 : memref<1x1x128xi32, #tpu.memory_space<vmem>> -> memref<128xi32, #tpu.memory_space<vmem>>
      %dma_wait3A_919 = arith.constant 0 : i32
      %dma_wait3A_920 = arith.constant 0 : i32
      %dma_wait3A_921 = tpu.memref_slice %arg12[%dma_wait3A_919, %dma_wait3A_920] : memref<10128x128xf32, #tpu.memory_space<vmem_shared>> -> memref<10128x128xf32, #tpu.memory_space<vmem_shared>>
      tpu.wait_indirect_dma semaphore(%arg15 : memref<!tpu.dma_semaphore, #tpu.memory_space<semaphore_mem>>) src(%dma_wait3A_915 : memref<128x128xf32, #tpu.memory_space<vmem>>) dst(%dma_wait3A_921 : memref<10128x128xf32, #tpu.memory_space<vmem_shared>>)
      %dma_wait3A_922 = arith.constant 0 : i32
      %dma_wait3A_923 = arith.constant 1 : i32
      %dma_wait3A_924 = arith.constant 0 : i32
      %dma_wait3A_925 = tpu.memref_slice %arg9[%dma_wait3A_922, %dma_wait3A_923, %dma_wait3A_924] : memref<20x2x128xi32, #tpu.memory_space<vmem>> -> memref<1x1x128xi32, #tpu.memory_space<vmem>>
      %dma_wait3A_926 = tpu.memref_squeeze %dma_wait3A_925 : memref<1x1x128xi32, #tpu.memory_space<vmem>> -> memref<128xi32, #tpu.memory_space<vmem>>
      %dma_wait3A_927 = arith.constant 0 : i32
      %dma_wait3A_928 = tpu.memref_slice %arg14[%dma_wait3A_927] : memref<16384xf32, #tpu.memory_space<vmem_shared>> -> memref<16384xf32, #tpu.memory_space<vmem_shared>>
      tpu.wait_indirect_dma semaphore(%arg17 : memref<!tpu.dma_semaphore, #tpu.memory_space<semaphore_mem>>) src(%arg11 : memref<128xf32, #tpu.memory_space<vmem>>) dst(%dma_wait3A_928 : memref<16384xf32, #tpu.memory_space<vmem_shared>>)
      %dma_start3A_929 = arith.constant 14 : i32
      %dma_start3A_930 = arith.constant 0 : i32
      %dma_start3A_931 = arith.constant 0 : i32
      %dma_start3A_932 = arith.constant 0 : i32
      %dma_start3A_933 = arith.constant 0 : i32
      %dma_start3A_934 = tpu.memref_slice %arg10[%dma_start3A_931, %dma_start3A_932, %dma_start3A_933] : memref<2x128x128xf32, #tpu.memory_space<vmem>> -> memref<1x128x128xf32, #tpu.memory_space<vmem>>
      %dma_start3A_935 = tpu.memref_squeeze %dma_start3A_934 : memref<1x128x128xf32, #tpu.memory_space<vmem>> -> memref<128x128xf32, #tpu.memory_space<vmem>>
      %dma_start3A_936 = arith.constant 0 : i32
      %dma_start3A_937 = tpu.memref_slice %arg9[%dma_start3A_929, %dma_start3A_930, %dma_start3A_936] : memref<20x2x128xi32, #tpu.memory_space<vmem>> -> memref<1x1x128xi32, #tpu.memory_space<vmem>>
      %dma_start3A_938 = tpu.memref_squeeze %dma_start3A_937 : memref<1x1x128xi32, #tpu.memory_space<vmem>> -> memref<128xi32, #tpu.memory_space<vmem>>
      %dma_start3A_939 = arith.constant 0 : i32
      %dma_start3A_940 = arith.constant 0 : i32
      %dma_start3A_941 = tpu.memref_slice %arg2[%dma_start3A_939, %dma_start3A_940] : memref<10000x128xf32, #tpu.memory_space<hbm>> -> memref<10000x128xf32, #tpu.memory_space<hbm>>
      tpu.enqueue_indirect_dma source(%dma_start3A_941 : memref<10000x128xf32, #tpu.memory_space<hbm>>) target(%dma_start3A_935 : memref<128x128xf32, #tpu.memory_space<vmem>>) offsets(%dma_start3A_938 : memref<128xi32, #tpu.memory_space<vmem>>) semaphore(%arg16 : memref<!tpu.dma_semaphore, #tpu.memory_space<semaphore_mem>>)
      %dma_wait3A_942 = arith.constant 0 : i32
      %dma_wait3A_943 = arith.constant 0 : i32
      %dma_wait3A_944 = arith.constant 0 : i32
      %dma_wait3A_945 = arith.constant 0 : i32
      %dma_wait3A_946 = arith.constant 0 : i32
      %dma_wait3A_947 = tpu.memref_slice %arg10[%dma_wait3A_944, %dma_wait3A_945, %dma_wait3A_946] : memref<2x128x128xf32, #tpu.memory_space<vmem>> -> memref<1x128x128xf32, #tpu.memory_space<vmem>>
      %dma_wait3A_948 = tpu.memref_squeeze %dma_wait3A_947 : memref<1x128x128xf32, #tpu.memory_space<vmem>> -> memref<128x128xf32, #tpu.memory_space<vmem>>
      %dma_wait3A_949 = arith.constant 0 : i32
      %dma_wait3A_950 = tpu.memref_slice %arg9[%dma_wait3A_942, %dma_wait3A_943, %dma_wait3A_949] : memref<20x2x128xi32, #tpu.memory_space<vmem>> -> memref<1x1x128xi32, #tpu.memory_space<vmem>>
      %dma_wait3A_951 = tpu.memref_squeeze %dma_wait3A_950 : memref<1x1x128xi32, #tpu.memory_space<vmem>> -> memref<128xi32, #tpu.memory_space<vmem>>
      %dma_wait3A_952 = arith.constant 0 : i32
      %dma_wait3A_953 = arith.constant 0 : i32
      %dma_wait3A_954 = tpu.memref_slice %arg2[%dma_wait3A_952, %dma_wait3A_953] : memref<10000x128xf32, #tpu.memory_space<hbm>> -> memref<10000x128xf32, #tpu.memory_space<hbm>>
      tpu.wait_indirect_dma semaphore(%arg16 : memref<!tpu.dma_semaphore, #tpu.memory_space<semaphore_mem>>) src(%dma_wait3A_954 : memref<10000x128xf32, #tpu.memory_space<hbm>>) dst(%dma_wait3A_948 : memref<128x128xf32, #tpu.memory_space<vmem>>)
      %dma_start3A_955 = arith.constant 1 : i32
      %dma_start3A_956 = arith.constant 13 : i32
      %dma_start3A_957 = arith.constant 1 : i32
      %dma_start3A_958 = arith.constant 0 : i32
      %dma_start3A_959 = arith.constant 0 : i32
      %dma_start3A_960 = tpu.memref_slice %arg10[%dma_start3A_955, %dma_start3A_958, %dma_start3A_959] : memref<2x128x128xf32, #tpu.memory_space<vmem>> -> memref<1x128x128xf32, #tpu.memory_space<vmem>>
      %dma_start3A_961 = tpu.memref_squeeze %dma_start3A_960 : memref<1x128x128xf32, #tpu.memory_space<vmem>> -> memref<128x128xf32, #tpu.memory_space<vmem>>
      %dma_start3A_962 = arith.constant 0 : i32
      %dma_start3A_963 = tpu.memref_slice %arg9[%dma_start3A_956, %dma_start3A_957, %dma_start3A_962] : memref<20x2x128xi32, #tpu.memory_space<vmem>> -> memref<1x1x128xi32, #tpu.memory_space<vmem>>
      %dma_start3A_964 = tpu.memref_squeeze %dma_start3A_963 : memref<1x1x128xi32, #tpu.memory_space<vmem>> -> memref<128xi32, #tpu.memory_space<vmem>>
      %dma_start3A_965 = arith.constant 0 : i32
      %dma_start3A_966 = arith.constant 0 : i32
      %dma_start3A_967 = tpu.memref_slice %arg12[%dma_start3A_965, %dma_start3A_966] : memref<10128x128xf32, #tpu.memory_space<vmem_shared>> -> memref<10128x128xf32, #tpu.memory_space<vmem_shared>>
      tpu.enqueue_indirect_dma source(%dma_start3A_961 : memref<128x128xf32, #tpu.memory_space<vmem>>) target(%dma_start3A_967 : memref<10128x128xf32, #tpu.memory_space<vmem_shared>>) offsets(%dma_start3A_964 : memref<128xi32, #tpu.memory_space<vmem>>) semaphore(%arg15 : memref<!tpu.dma_semaphore, #tpu.memory_space<semaphore_mem>>) {add = true}
      %dma_start3A_968 = arith.constant 13 : i32
      %dma_start3A_969 = arith.constant 1 : i32
      %dma_start3A_970 = arith.constant 0 : i32
      %dma_start3A_971 = tpu.memref_slice %arg9[%dma_start3A_968, %dma_start3A_969, %dma_start3A_970] : memref<20x2x128xi32, #tpu.memory_space<vmem>> -> memref<1x1x128xi32, #tpu.memory_space<vmem>>
      %dma_start3A_972 = tpu.memref_squeeze %dma_start3A_971 : memref<1x1x128xi32, #tpu.memory_space<vmem>> -> memref<128xi32, #tpu.memory_space<vmem>>
      %dma_start3A_973 = arith.constant 0 : i32
      %dma_start3A_974 = tpu.memref_slice %arg14[%dma_start3A_973] : memref<16384xf32, #tpu.memory_space<vmem_shared>> -> memref<16384xf32, #tpu.memory_space<vmem_shared>>
      tpu.enqueue_indirect_dma source(%arg11 : memref<128xf32, #tpu.memory_space<vmem>>) target(%dma_start3A_974 : memref<16384xf32, #tpu.memory_space<vmem_shared>>) offsets(%dma_start3A_972 : memref<128xi32, #tpu.memory_space<vmem>>) semaphore(%arg17 : memref<!tpu.dma_semaphore, #tpu.memory_space<semaphore_mem>>) {add = true}
      %dma_wait3A_975 = arith.constant 0 : i32
      %dma_wait3A_976 = arith.constant 0 : i32
      %dma_wait3A_977 = arith.constant 1 : i32
      %dma_wait3A_978 = arith.constant 0 : i32
      %dma_wait3A_979 = arith.constant 0 : i32
      %dma_wait3A_980 = tpu.memref_slice %arg10[%dma_wait3A_975, %dma_wait3A_978, %dma_wait3A_979] : memref<2x128x128xf32, #tpu.memory_space<vmem>> -> memref<1x128x128xf32, #tpu.memory_space<vmem>>
      %dma_wait3A_981 = tpu.memref_squeeze %dma_wait3A_980 : memref<1x128x128xf32, #tpu.memory_space<vmem>> -> memref<128x128xf32, #tpu.memory_space<vmem>>
      %dma_wait3A_982 = arith.constant 0 : i32
      %dma_wait3A_983 = tpu.memref_slice %arg9[%dma_wait3A_976, %dma_wait3A_977, %dma_wait3A_982] : memref<20x2x128xi32, #tpu.memory_space<vmem>> -> memref<1x1x128xi32, #tpu.memory_space<vmem>>
      %dma_wait3A_984 = tpu.memref_squeeze %dma_wait3A_983 : memref<1x1x128xi32, #tpu.memory_space<vmem>> -> memref<128xi32, #tpu.memory_space<vmem>>
      %dma_wait3A_985 = arith.constant 0 : i32
      %dma_wait3A_986 = arith.constant 0 : i32
      %dma_wait3A_987 = tpu.memref_slice %arg12[%dma_wait3A_985, %dma_wait3A_986] : memref<10128x128xf32, #tpu.memory_space<vmem_shared>> -> memref<10128x128xf32, #tpu.memory_space<vmem_shared>>
      tpu.wait_indirect_dma semaphore(%arg15 : memref<!tpu.dma_semaphore, #tpu.memory_space<semaphore_mem>>) src(%dma_wait3A_981 : memref<128x128xf32, #tpu.memory_space<vmem>>) dst(%dma_wait3A_987 : memref<10128x128xf32, #tpu.memory_space<vmem_shared>>)
      %dma_wait3A_988 = arith.constant 0 : i32
      %dma_wait3A_989 = arith.constant 1 : i32
      %dma_wait3A_990 = arith.constant 0 : i32
      %dma_wait3A_991 = tpu.memref_slice %arg9[%dma_wait3A_988, %dma_wait3A_989, %dma_wait3A_990] : memref<20x2x128xi32, #tpu.memory_space<vmem>> -> memref<1x1x128xi32, #tpu.memory_space<vmem>>
      %dma_wait3A_992 = tpu.memref_squeeze %dma_wait3A_991 : memref<1x1x128xi32, #tpu.memory_space<vmem>> -> memref<128xi32, #tpu.memory_space<vmem>>
      %dma_wait3A_993 = arith.constant 0 : i32
      %dma_wait3A_994 = tpu.memref_slice %arg14[%dma_wait3A_993] : memref<16384xf32, #tpu.memory_space<vmem_shared>> -> memref<16384xf32, #tpu.memory_space<vmem_shared>>
      tpu.wait_indirect_dma semaphore(%arg17 : memref<!tpu.dma_semaphore, #tpu.memory_space<semaphore_mem>>) src(%arg11 : memref<128xf32, #tpu.memory_space<vmem>>) dst(%dma_wait3A_994 : memref<16384xf32, #tpu.memory_space<vmem_shared>>)
      %dma_start3A_995 = arith.constant 15 : i32
      %dma_start3A_996 = arith.constant 0 : i32
      %dma_start3A_997 = arith.constant 1 : i32
      %dma_start3A_998 = arith.constant 0 : i32
      %dma_start3A_999 = arith.constant 0 : i32
      %dma_start3A_1000 = tpu.memref_slice %arg10[%dma_start3A_997, %dma_start3A_998, %dma_start3A_999] : memref<2x128x128xf32, #tpu.memory_space<vmem>> -> memref<1x128x128xf32, #tpu.memory_space<vmem>>
      %dma_start3A_1001 = tpu.memref_squeeze %dma_start3A_1000 : memref<1x128x128xf32, #tpu.memory_space<vmem>> -> memref<128x128xf32, #tpu.memory_space<vmem>>
      %dma_start3A_1002 = arith.constant 0 : i32
      %dma_start3A_1003 = tpu.memref_slice %arg9[%dma_start3A_995, %dma_start3A_996, %dma_start3A_1002] : memref<20x2x128xi32, #tpu.memory_space<vmem>> -> memref<1x1x128xi32, #tpu.memory_space<vmem>>
      %dma_start3A_1004 = tpu.memref_squeeze %dma_start3A_1003 : memref<1x1x128xi32, #tpu.memory_space<vmem>> -> memref<128xi32, #tpu.memory_space<vmem>>
      %dma_start3A_1005 = arith.constant 0 : i32
      %dma_start3A_1006 = arith.constant 0 : i32
      %dma_start3A_1007 = tpu.memref_slice %arg2[%dma_start3A_1005, %dma_start3A_1006] : memref<10000x128xf32, #tpu.memory_space<hbm>> -> memref<10000x128xf32, #tpu.memory_space<hbm>>
      tpu.enqueue_indirect_dma source(%dma_start3A_1007 : memref<10000x128xf32, #tpu.memory_space<hbm>>) target(%dma_start3A_1001 : memref<128x128xf32, #tpu.memory_space<vmem>>) offsets(%dma_start3A_1004 : memref<128xi32, #tpu.memory_space<vmem>>) semaphore(%arg16 : memref<!tpu.dma_semaphore, #tpu.memory_space<semaphore_mem>>)
      %dma_wait3A_1008 = arith.constant 0 : i32
      %dma_wait3A_1009 = arith.constant 0 : i32
      %dma_wait3A_1010 = arith.constant 0 : i32
      %dma_wait3A_1011 = arith.constant 0 : i32
      %dma_wait3A_1012 = arith.constant 0 : i32
      %dma_wait3A_1013 = tpu.memref_slice %arg10[%dma_wait3A_1010, %dma_wait3A_1011, %dma_wait3A_1012] : memref<2x128x128xf32, #tpu.memory_space<vmem>> -> memref<1x128x128xf32, #tpu.memory_space<vmem>>
      %dma_wait3A_1014 = tpu.memref_squeeze %dma_wait3A_1013 : memref<1x128x128xf32, #tpu.memory_space<vmem>> -> memref<128x128xf32, #tpu.memory_space<vmem>>
      %dma_wait3A_1015 = arith.constant 0 : i32
      %dma_wait3A_1016 = tpu.memref_slice %arg9[%dma_wait3A_1008, %dma_wait3A_1009, %dma_wait3A_1015] : memref<20x2x128xi32, #tpu.memory_space<vmem>> -> memref<1x1x128xi32, #tpu.memory_space<vmem>>
      %dma_wait3A_1017 = tpu.memref_squeeze %dma_wait3A_1016 : memref<1x1x128xi32, #tpu.memory_space<vmem>> -> memref<128xi32, #tpu.memory_space<vmem>>
      %dma_wait3A_1018 = arith.constant 0 : i32
      %dma_wait3A_1019 = arith.constant 0 : i32
      %dma_wait3A_1020 = tpu.memref_slice %arg2[%dma_wait3A_1018, %dma_wait3A_1019] : memref<10000x128xf32, #tpu.memory_space<hbm>> -> memref<10000x128xf32, #tpu.memory_space<hbm>>
      tpu.wait_indirect_dma semaphore(%arg16 : memref<!tpu.dma_semaphore, #tpu.memory_space<semaphore_mem>>) src(%dma_wait3A_1020 : memref<10000x128xf32, #tpu.memory_space<hbm>>) dst(%dma_wait3A_1014 : memref<128x128xf32, #tpu.memory_space<vmem>>)
      %dma_start3A_1021 = arith.constant 0 : i32
      %dma_start3A_1022 = arith.constant 14 : i32
      %dma_start3A_1023 = arith.constant 1 : i32
      %dma_start3A_1024 = arith.constant 0 : i32
      %dma_start3A_1025 = arith.constant 0 : i32
      %dma_start3A_1026 = tpu.memref_slice %arg10[%dma_start3A_1021, %dma_start3A_1024, %dma_start3A_1025] : memref<2x128x128xf32, #tpu.memory_space<vmem>> -> memref<1x128x128xf32, #tpu.memory_space<vmem>>
      %dma_start3A_1027 = tpu.memref_squeeze %dma_start3A_1026 : memref<1x128x128xf32, #tpu.memory_space<vmem>> -> memref<128x128xf32, #tpu.memory_space<vmem>>
      %dma_start3A_1028 = arith.constant 0 : i32
      %dma_start3A_1029 = tpu.memref_slice %arg9[%dma_start3A_1022, %dma_start3A_1023, %dma_start3A_1028] : memref<20x2x128xi32, #tpu.memory_space<vmem>> -> memref<1x1x128xi32, #tpu.memory_space<vmem>>
      %dma_start3A_1030 = tpu.memref_squeeze %dma_start3A_1029 : memref<1x1x128xi32, #tpu.memory_space<vmem>> -> memref<128xi32, #tpu.memory_space<vmem>>
      %dma_start3A_1031 = arith.constant 0 : i32
      %dma_start3A_1032 = arith.constant 0 : i32
      %dma_start3A_1033 = tpu.memref_slice %arg12[%dma_start3A_1031, %dma_start3A_1032] : memref<10128x128xf32, #tpu.memory_space<vmem_shared>> -> memref<10128x128xf32, #tpu.memory_space<vmem_shared>>
      tpu.enqueue_indirect_dma source(%dma_start3A_1027 : memref<128x128xf32, #tpu.memory_space<vmem>>) target(%dma_start3A_1033 : memref<10128x128xf32, #tpu.memory_space<vmem_shared>>) offsets(%dma_start3A_1030 : memref<128xi32, #tpu.memory_space<vmem>>) semaphore(%arg15 : memref<!tpu.dma_semaphore, #tpu.memory_space<semaphore_mem>>) {add = true}
      %dma_start3A_1034 = arith.constant 14 : i32
      %dma_start3A_1035 = arith.constant 1 : i32
      %dma_start3A_1036 = arith.constant 0 : i32
      %dma_start3A_1037 = tpu.memref_slice %arg9[%dma_start3A_1034, %dma_start3A_1035, %dma_start3A_1036] : memref<20x2x128xi32, #tpu.memory_space<vmem>> -> memref<1x1x128xi32, #tpu.memory_space<vmem>>
      %dma_start3A_1038 = tpu.memref_squeeze %dma_start3A_1037 : memref<1x1x128xi32, #tpu.memory_space<vmem>> -> memref<128xi32, #tpu.memory_space<vmem>>
      %dma_start3A_1039 = arith.constant 0 : i32
      %dma_start3A_1040 = tpu.memref_slice %arg14[%dma_start3A_1039] : memref<16384xf32, #tpu.memory_space<vmem_shared>> -> memref<16384xf32, #tpu.memory_space<vmem_shared>>
      tpu.enqueue_indirect_dma source(%arg11 : memref<128xf32, #tpu.memory_space<vmem>>) target(%dma_start3A_1040 : memref<16384xf32, #tpu.memory_space<vmem_shared>>) offsets(%dma_start3A_1038 : memref<128xi32, #tpu.memory_space<vmem>>) semaphore(%arg17 : memref<!tpu.dma_semaphore, #tpu.memory_space<semaphore_mem>>) {add = true}
      %dma_wait3A_1041 = arith.constant 0 : i32
      %dma_wait3A_1042 = arith.constant 0 : i32
      %dma_wait3A_1043 = arith.constant 1 : i32
      %dma_wait3A_1044 = arith.constant 0 : i32
      %dma_wait3A_1045 = arith.constant 0 : i32
      %dma_wait3A_1046 = tpu.memref_slice %arg10[%dma_wait3A_1041, %dma_wait3A_1044, %dma_wait3A_1045] : memref<2x128x128xf32, #tpu.memory_space<vmem>> -> memref<1x128x128xf32, #tpu.memory_space<vmem>>
      %dma_wait3A_1047 = tpu.memref_squeeze %dma_wait3A_1046 : memref<1x128x128xf32, #tpu.memory_space<vmem>> -> memref<128x128xf32, #tpu.memory_space<vmem>>
      %dma_wait3A_1048 = arith.constant 0 : i32
      %dma_wait3A_1049 = tpu.memref_slice %arg9[%dma_wait3A_1042, %dma_wait3A_1043, %dma_wait3A_1048] : memref<20x2x128xi32, #tpu.memory_space<vmem>> -> memref<1x1x128xi32, #tpu.memory_space<vmem>>
      %dma_wait3A_1050 = tpu.memref_squeeze %dma_wait3A_1049 : memref<1x1x128xi32, #tpu.memory_space<vmem>> -> memref<128xi32, #tpu.memory_space<vmem>>
      %dma_wait3A_1051 = arith.constant 0 : i32
      %dma_wait3A_1052 = arith.constant 0 : i32
      %dma_wait3A_1053 = tpu.memref_slice %arg12[%dma_wait3A_1051, %dma_wait3A_1052] : memref<10128x128xf32, #tpu.memory_space<vmem_shared>> -> memref<10128x128xf32, #tpu.memory_space<vmem_shared>>
      tpu.wait_indirect_dma semaphore(%arg15 : memref<!tpu.dma_semaphore, #tpu.memory_space<semaphore_mem>>) src(%dma_wait3A_1047 : memref<128x128xf32, #tpu.memory_space<vmem>>) dst(%dma_wait3A_1053 : memref<10128x128xf32, #tpu.memory_space<vmem_shared>>)
      %dma_wait3A_1054 = arith.constant 0 : i32
      %dma_wait3A_1055 = arith.constant 1 : i32
      %dma_wait3A_1056 = arith.constant 0 : i32
      %dma_wait3A_1057 = tpu.memref_slice %arg9[%dma_wait3A_1054, %dma_wait3A_1055, %dma_wait3A_1056] : memref<20x2x128xi32, #tpu.memory_space<vmem>> -> memref<1x1x128xi32, #tpu.memory_space<vmem>>
      %dma_wait3A_1058 = tpu.memref_squeeze %dma_wait3A_1057 : memref<1x1x128xi32, #tpu.memory_space<vmem>> -> memref<128xi32, #tpu.memory_space<vmem>>
      %dma_wait3A_1059 = arith.constant 0 : i32
      %dma_wait3A_1060 = tpu.memref_slice %arg14[%dma_wait3A_1059] : memref<16384xf32, #tpu.memory_space<vmem_shared>> -> memref<16384xf32, #tpu.memory_space<vmem_shared>>
      tpu.wait_indirect_dma semaphore(%arg17 : memref<!tpu.dma_semaphore, #tpu.memory_space<semaphore_mem>>) src(%arg11 : memref<128xf32, #tpu.memory_space<vmem>>) dst(%dma_wait3A_1060 : memref<16384xf32, #tpu.memory_space<vmem_shared>>)
      %dma_start3A_1061 = arith.constant 16 : i32
      %dma_start3A_1062 = arith.constant 0 : i32
      %dma_start3A_1063 = arith.constant 0 : i32
      %dma_start3A_1064 = arith.constant 0 : i32
      %dma_start3A_1065 = arith.constant 0 : i32
      %dma_start3A_1066 = tpu.memref_slice %arg10[%dma_start3A_1063, %dma_start3A_1064, %dma_start3A_1065] : memref<2x128x128xf32, #tpu.memory_space<vmem>> -> memref<1x128x128xf32, #tpu.memory_space<vmem>>
      %dma_start3A_1067 = tpu.memref_squeeze %dma_start3A_1066 : memref<1x128x128xf32, #tpu.memory_space<vmem>> -> memref<128x128xf32, #tpu.memory_space<vmem>>
      %dma_start3A_1068 = arith.constant 0 : i32
      %dma_start3A_1069 = tpu.memref_slice %arg9[%dma_start3A_1061, %dma_start3A_1062, %dma_start3A_1068] : memref<20x2x128xi32, #tpu.memory_space<vmem>> -> memref<1x1x128xi32, #tpu.memory_space<vmem>>
      %dma_start3A_1070 = tpu.memref_squeeze %dma_start3A_1069 : memref<1x1x128xi32, #tpu.memory_space<vmem>> -> memref<128xi32, #tpu.memory_space<vmem>>
      %dma_start3A_1071 = arith.constant 0 : i32
      %dma_start3A_1072 = arith.constant 0 : i32
      %dma_start3A_1073 = tpu.memref_slice %arg2[%dma_start3A_1071, %dma_start3A_1072] : memref<10000x128xf32, #tpu.memory_space<hbm>> -> memref<10000x128xf32, #tpu.memory_space<hbm>>
      tpu.enqueue_indirect_dma source(%dma_start3A_1073 : memref<10000x128xf32, #tpu.memory_space<hbm>>) target(%dma_start3A_1067 : memref<128x128xf32, #tpu.memory_space<vmem>>) offsets(%dma_start3A_1070 : memref<128xi32, #tpu.memory_space<vmem>>) semaphore(%arg16 : memref<!tpu.dma_semaphore, #tpu.memory_space<semaphore_mem>>)
      %dma_wait3A_1074 = arith.constant 0 : i32
      %dma_wait3A_1075 = arith.constant 0 : i32
      %dma_wait3A_1076 = arith.constant 0 : i32
      %dma_wait3A_1077 = arith.constant 0 : i32
      %dma_wait3A_1078 = arith.constant 0 : i32
      %dma_wait3A_1079 = tpu.memref_slice %arg10[%dma_wait3A_1076, %dma_wait3A_1077, %dma_wait3A_1078] : memref<2x128x128xf32, #tpu.memory_space<vmem>> -> memref<1x128x128xf32, #tpu.memory_space<vmem>>
      %dma_wait3A_1080 = tpu.memref_squeeze %dma_wait3A_1079 : memref<1x128x128xf32, #tpu.memory_space<vmem>> -> memref<128x128xf32, #tpu.memory_space<vmem>>
      %dma_wait3A_1081 = arith.constant 0 : i32
      %dma_wait3A_1082 = tpu.memref_slice %arg9[%dma_wait3A_1074, %dma_wait3A_1075, %dma_wait3A_1081] : memref<20x2x128xi32, #tpu.memory_space<vmem>> -> memref<1x1x128xi32, #tpu.memory_space<vmem>>
      %dma_wait3A_1083 = tpu.memref_squeeze %dma_wait3A_1082 : memref<1x1x128xi32, #tpu.memory_space<vmem>> -> memref<128xi32, #tpu.memory_space<vmem>>
      %dma_wait3A_1084 = arith.constant 0 : i32
      %dma_wait3A_1085 = arith.constant 0 : i32
      %dma_wait3A_1086 = tpu.memref_slice %arg2[%dma_wait3A_1084, %dma_wait3A_1085] : memref<10000x128xf32, #tpu.memory_space<hbm>> -> memref<10000x128xf32, #tpu.memory_space<hbm>>
      tpu.wait_indirect_dma semaphore(%arg16 : memref<!tpu.dma_semaphore, #tpu.memory_space<semaphore_mem>>) src(%dma_wait3A_1086 : memref<10000x128xf32, #tpu.memory_space<hbm>>) dst(%dma_wait3A_1080 : memref<128x128xf32, #tpu.memory_space<vmem>>)
      %dma_start3A_1087 = arith.constant 1 : i32
      %dma_start3A_1088 = arith.constant 15 : i32
      %dma_start3A_1089 = arith.constant 1 : i32
      %dma_start3A_1090 = arith.constant 0 : i32
      %dma_start3A_1091 = arith.constant 0 : i32
      %dma_start3A_1092 = tpu.memref_slice %arg10[%dma_start3A_1087, %dma_start3A_1090, %dma_start3A_1091] : memref<2x128x128xf32, #tpu.memory_space<vmem>> -> memref<1x128x128xf32, #tpu.memory_space<vmem>>
      %dma_start3A_1093 = tpu.memref_squeeze %dma_start3A_1092 : memref<1x128x128xf32, #tpu.memory_space<vmem>> -> memref<128x128xf32, #tpu.memory_space<vmem>>
      %dma_start3A_1094 = arith.constant 0 : i32
      %dma_start3A_1095 = tpu.memref_slice %arg9[%dma_start3A_1088, %dma_start3A_1089, %dma_start3A_1094] : memref<20x2x128xi32, #tpu.memory_space<vmem>> -> memref<1x1x128xi32, #tpu.memory_space<vmem>>
      %dma_start3A_1096 = tpu.memref_squeeze %dma_start3A_1095 : memref<1x1x128xi32, #tpu.memory_space<vmem>> -> memref<128xi32, #tpu.memory_space<vmem>>
      %dma_start3A_1097 = arith.constant 0 : i32
      %dma_start3A_1098 = arith.constant 0 : i32
      %dma_start3A_1099 = tpu.memref_slice %arg12[%dma_start3A_1097, %dma_start3A_1098] : memref<10128x128xf32, #tpu.memory_space<vmem_shared>> -> memref<10128x128xf32, #tpu.memory_space<vmem_shared>>
      tpu.enqueue_indirect_dma source(%dma_start3A_1093 : memref<128x128xf32, #tpu.memory_space<vmem>>) target(%dma_start3A_1099 : memref<10128x128xf32, #tpu.memory_space<vmem_shared>>) offsets(%dma_start3A_1096 : memref<128xi32, #tpu.memory_space<vmem>>) semaphore(%arg15 : memref<!tpu.dma_semaphore, #tpu.memory_space<semaphore_mem>>) {add = true}
      %dma_start3A_1100 = arith.constant 15 : i32
      %dma_start3A_1101 = arith.constant 1 : i32
      %dma_start3A_1102 = arith.constant 0 : i32
      %dma_start3A_1103 = tpu.memref_slice %arg9[%dma_start3A_1100, %dma_start3A_1101, %dma_start3A_1102] : memref<20x2x128xi32, #tpu.memory_space<vmem>> -> memref<1x1x128xi32, #tpu.memory_space<vmem>>
      %dma_start3A_1104 = tpu.memref_squeeze %dma_start3A_1103 : memref<1x1x128xi32, #tpu.memory_space<vmem>> -> memref<128xi32, #tpu.memory_space<vmem>>
      %dma_start3A_1105 = arith.constant 0 : i32
      %dma_start3A_1106 = tpu.memref_slice %arg14[%dma_start3A_1105] : memref<16384xf32, #tpu.memory_space<vmem_shared>> -> memref<16384xf32, #tpu.memory_space<vmem_shared>>
      tpu.enqueue_indirect_dma source(%arg11 : memref<128xf32, #tpu.memory_space<vmem>>) target(%dma_start3A_1106 : memref<16384xf32, #tpu.memory_space<vmem_shared>>) offsets(%dma_start3A_1104 : memref<128xi32, #tpu.memory_space<vmem>>) semaphore(%arg17 : memref<!tpu.dma_semaphore, #tpu.memory_space<semaphore_mem>>) {add = true}
      %dma_wait3A_1107 = arith.constant 0 : i32
      %dma_wait3A_1108 = arith.constant 0 : i32
      %dma_wait3A_1109 = arith.constant 1 : i32
      %dma_wait3A_1110 = arith.constant 0 : i32
      %dma_wait3A_1111 = arith.constant 0 : i32
      %dma_wait3A_1112 = tpu.memref_slice %arg10[%dma_wait3A_1107, %dma_wait3A_1110, %dma_wait3A_1111] : memref<2x128x128xf32, #tpu.memory_space<vmem>> -> memref<1x128x128xf32, #tpu.memory_space<vmem>>
      %dma_wait3A_1113 = tpu.memref_squeeze %dma_wait3A_1112 : memref<1x128x128xf32, #tpu.memory_space<vmem>> -> memref<128x128xf32, #tpu.memory_space<vmem>>
      %dma_wait3A_1114 = arith.constant 0 : i32
      %dma_wait3A_1115 = tpu.memref_slice %arg9[%dma_wait3A_1108, %dma_wait3A_1109, %dma_wait3A_1114] : memref<20x2x128xi32, #tpu.memory_space<vmem>> -> memref<1x1x128xi32, #tpu.memory_space<vmem>>
      %dma_wait3A_1116 = tpu.memref_squeeze %dma_wait3A_1115 : memref<1x1x128xi32, #tpu.memory_space<vmem>> -> memref<128xi32, #tpu.memory_space<vmem>>
      %dma_wait3A_1117 = arith.constant 0 : i32
      %dma_wait3A_1118 = arith.constant 0 : i32
      %dma_wait3A_1119 = tpu.memref_slice %arg12[%dma_wait3A_1117, %dma_wait3A_1118] : memref<10128x128xf32, #tpu.memory_space<vmem_shared>> -> memref<10128x128xf32, #tpu.memory_space<vmem_shared>>
      tpu.wait_indirect_dma semaphore(%arg15 : memref<!tpu.dma_semaphore, #tpu.memory_space<semaphore_mem>>) src(%dma_wait3A_1113 : memref<128x128xf32, #tpu.memory_space<vmem>>) dst(%dma_wait3A_1119 : memref<10128x128xf32, #tpu.memory_space<vmem_shared>>)
      %dma_wait3A_1120 = arith.constant 0 : i32
      %dma_wait3A_1121 = arith.constant 1 : i32
      %dma_wait3A_1122 = arith.constant 0 : i32
      %dma_wait3A_1123 = tpu.memref_slice %arg9[%dma_wait3A_1120, %dma_wait3A_1121, %dma_wait3A_1122] : memref<20x2x128xi32, #tpu.memory_space<vmem>> -> memref<1x1x128xi32, #tpu.memory_space<vmem>>
      %dma_wait3A_1124 = tpu.memref_squeeze %dma_wait3A_1123 : memref<1x1x128xi32, #tpu.memory_space<vmem>> -> memref<128xi32, #tpu.memory_space<vmem>>
      %dma_wait3A_1125 = arith.constant 0 : i32
      %dma_wait3A_1126 = tpu.memref_slice %arg14[%dma_wait3A_1125] : memref<16384xf32, #tpu.memory_space<vmem_shared>> -> memref<16384xf32, #tpu.memory_space<vmem_shared>>
      tpu.wait_indirect_dma semaphore(%arg17 : memref<!tpu.dma_semaphore, #tpu.memory_space<semaphore_mem>>) src(%arg11 : memref<128xf32, #tpu.memory_space<vmem>>) dst(%dma_wait3A_1126 : memref<16384xf32, #tpu.memory_space<vmem_shared>>)
      %dma_start3A_1127 = arith.constant 17 : i32
      %dma_start3A_1128 = arith.constant 0 : i32
      %dma_start3A_1129 = arith.constant 1 : i32
      %dma_start3A_1130 = arith.constant 0 : i32
      %dma_start3A_1131 = arith.constant 0 : i32
      %dma_start3A_1132 = tpu.memref_slice %arg10[%dma_start3A_1129, %dma_start3A_1130, %dma_start3A_1131] : memref<2x128x128xf32, #tpu.memory_space<vmem>> -> memref<1x128x128xf32, #tpu.memory_space<vmem>>
      %dma_start3A_1133 = tpu.memref_squeeze %dma_start3A_1132 : memref<1x128x128xf32, #tpu.memory_space<vmem>> -> memref<128x128xf32, #tpu.memory_space<vmem>>
      %dma_start3A_1134 = arith.constant 0 : i32
      %dma_start3A_1135 = tpu.memref_slice %arg9[%dma_start3A_1127, %dma_start3A_1128, %dma_start3A_1134] : memref<20x2x128xi32, #tpu.memory_space<vmem>> -> memref<1x1x128xi32, #tpu.memory_space<vmem>>
      %dma_start3A_1136 = tpu.memref_squeeze %dma_start3A_1135 : memref<1x1x128xi32, #tpu.memory_space<vmem>> -> memref<128xi32, #tpu.memory_space<vmem>>
      %dma_start3A_1137 = arith.constant 0 : i32
      %dma_start3A_1138 = arith.constant 0 : i32
      %dma_start3A_1139 = tpu.memref_slice %arg2[%dma_start3A_1137, %dma_start3A_1138] : memref<10000x128xf32, #tpu.memory_space<hbm>> -> memref<10000x128xf32, #tpu.memory_space<hbm>>
      tpu.enqueue_indirect_dma source(%dma_start3A_1139 : memref<10000x128xf32, #tpu.memory_space<hbm>>) target(%dma_start3A_1133 : memref<128x128xf32, #tpu.memory_space<vmem>>) offsets(%dma_start3A_1136 : memref<128xi32, #tpu.memory_space<vmem>>) semaphore(%arg16 : memref<!tpu.dma_semaphore, #tpu.memory_space<semaphore_mem>>)
      %dma_wait3A_1140 = arith.constant 0 : i32
      %dma_wait3A_1141 = arith.constant 0 : i32
      %dma_wait3A_1142 = arith.constant 0 : i32
      %dma_wait3A_1143 = arith.constant 0 : i32
      %dma_wait3A_1144 = arith.constant 0 : i32
      %dma_wait3A_1145 = tpu.memref_slice %arg10[%dma_wait3A_1142, %dma_wait3A_1143, %dma_wait3A_1144] : memref<2x128x128xf32, #tpu.memory_space<vmem>> -> memref<1x128x128xf32, #tpu.memory_space<vmem>>
      %dma_wait3A_1146 = tpu.memref_squeeze %dma_wait3A_1145 : memref<1x128x128xf32, #tpu.memory_space<vmem>> -> memref<128x128xf32, #tpu.memory_space<vmem>>
      %dma_wait3A_1147 = arith.constant 0 : i32
      %dma_wait3A_1148 = tpu.memref_slice %arg9[%dma_wait3A_1140, %dma_wait3A_1141, %dma_wait3A_1147] : memref<20x2x128xi32, #tpu.memory_space<vmem>> -> memref<1x1x128xi32, #tpu.memory_space<vmem>>
      %dma_wait3A_1149 = tpu.memref_squeeze %dma_wait3A_1148 : memref<1x1x128xi32, #tpu.memory_space<vmem>> -> memref<128xi32, #tpu.memory_space<vmem>>
      %dma_wait3A_1150 = arith.constant 0 : i32
      %dma_wait3A_1151 = arith.constant 0 : i32
      %dma_wait3A_1152 = tpu.memref_slice %arg2[%dma_wait3A_1150, %dma_wait3A_1151] : memref<10000x128xf32, #tpu.memory_space<hbm>> -> memref<10000x128xf32, #tpu.memory_space<hbm>>
      tpu.wait_indirect_dma semaphore(%arg16 : memref<!tpu.dma_semaphore, #tpu.memory_space<semaphore_mem>>) src(%dma_wait3A_1152 : memref<10000x128xf32, #tpu.memory_space<hbm>>) dst(%dma_wait3A_1146 : memref<128x128xf32, #tpu.memory_space<vmem>>)
      %dma_start3A_1153 = arith.constant 0 : i32
      %dma_start3A_1154 = arith.constant 16 : i32
      %dma_start3A_1155 = arith.constant 1 : i32
      %dma_start3A_1156 = arith.constant 0 : i32
      %dma_start3A_1157 = arith.constant 0 : i32
      %dma_start3A_1158 = tpu.memref_slice %arg10[%dma_start3A_1153, %dma_start3A_1156, %dma_start3A_1157] : memref<2x128x128xf32, #tpu.memory_space<vmem>> -> memref<1x128x128xf32, #tpu.memory_space<vmem>>
      %dma_start3A_1159 = tpu.memref_squeeze %dma_start3A_1158 : memref<1x128x128xf32, #tpu.memory_space<vmem>> -> memref<128x128xf32, #tpu.memory_space<vmem>>
      %dma_start3A_1160 = arith.constant 0 : i32
      %dma_start3A_1161 = tpu.memref_slice %arg9[%dma_start3A_1154, %dma_start3A_1155, %dma_start3A_1160] : memref<20x2x128xi32, #tpu.memory_space<vmem>> -> memref<1x1x128xi32, #tpu.memory_space<vmem>>
      %dma_start3A_1162 = tpu.memref_squeeze %dma_start3A_1161 : memref<1x1x128xi32, #tpu.memory_space<vmem>> -> memref<128xi32, #tpu.memory_space<vmem>>
      %dma_start3A_1163 = arith.constant 0 : i32
      %dma_start3A_1164 = arith.constant 0 : i32
      %dma_start3A_1165 = tpu.memref_slice %arg12[%dma_start3A_1163, %dma_start3A_1164] : memref<10128x128xf32, #tpu.memory_space<vmem_shared>> -> memref<10128x128xf32, #tpu.memory_space<vmem_shared>>
      tpu.enqueue_indirect_dma source(%dma_start3A_1159 : memref<128x128xf32, #tpu.memory_space<vmem>>) target(%dma_start3A_1165 : memref<10128x128xf32, #tpu.memory_space<vmem_shared>>) offsets(%dma_start3A_1162 : memref<128xi32, #tpu.memory_space<vmem>>) semaphore(%arg15 : memref<!tpu.dma_semaphore, #tpu.memory_space<semaphore_mem>>) {add = true}
      %dma_start3A_1166 = arith.constant 16 : i32
      %dma_start3A_1167 = arith.constant 1 : i32
      %dma_start3A_1168 = arith.constant 0 : i32
      %dma_start3A_1169 = tpu.memref_slice %arg9[%dma_start3A_1166, %dma_start3A_1167, %dma_start3A_1168] : memref<20x2x128xi32, #tpu.memory_space<vmem>> -> memref<1x1x128xi32, #tpu.memory_space<vmem>>
      %dma_start3A_1170 = tpu.memref_squeeze %dma_start3A_1169 : memref<1x1x128xi32, #tpu.memory_space<vmem>> -> memref<128xi32, #tpu.memory_space<vmem>>
      %dma_start3A_1171 = arith.constant 0 : i32
      %dma_start3A_1172 = tpu.memref_slice %arg14[%dma_start3A_1171] : memref<16384xf32, #tpu.memory_space<vmem_shared>> -> memref<16384xf32, #tpu.memory_space<vmem_shared>>
      tpu.enqueue_indirect_dma source(%arg11 : memref<128xf32, #tpu.memory_space<vmem>>) target(%dma_start3A_1172 : memref<16384xf32, #tpu.memory_space<vmem_shared>>) offsets(%dma_start3A_1170 : memref<128xi32, #tpu.memory_space<vmem>>) semaphore(%arg17 : memref<!tpu.dma_semaphore, #tpu.memory_space<semaphore_mem>>) {add = true}
      %dma_wait3A_1173 = arith.constant 0 : i32
      %dma_wait3A_1174 = arith.constant 0 : i32
      %dma_wait3A_1175 = arith.constant 1 : i32
      %dma_wait3A_1176 = arith.constant 0 : i32
      %dma_wait3A_1177 = arith.constant 0 : i32
      %dma_wait3A_1178 = tpu.memref_slice %arg10[%dma_wait3A_1173, %dma_wait3A_1176, %dma_wait3A_1177] : memref<2x128x128xf32, #tpu.memory_space<vmem>> -> memref<1x128x128xf32, #tpu.memory_space<vmem>>
      %dma_wait3A_1179 = tpu.memref_squeeze %dma_wait3A_1178 : memref<1x128x128xf32, #tpu.memory_space<vmem>> -> memref<128x128xf32, #tpu.memory_space<vmem>>
      %dma_wait3A_1180 = arith.constant 0 : i32
      %dma_wait3A_1181 = tpu.memref_slice %arg9[%dma_wait3A_1174, %dma_wait3A_1175, %dma_wait3A_1180] : memref<20x2x128xi32, #tpu.memory_space<vmem>> -> memref<1x1x128xi32, #tpu.memory_space<vmem>>
      %dma_wait3A_1182 = tpu.memref_squeeze %dma_wait3A_1181 : memref<1x1x128xi32, #tpu.memory_space<vmem>> -> memref<128xi32, #tpu.memory_space<vmem>>
      %dma_wait3A_1183 = arith.constant 0 : i32
      %dma_wait3A_1184 = arith.constant 0 : i32
      %dma_wait3A_1185 = tpu.memref_slice %arg12[%dma_wait3A_1183, %dma_wait3A_1184] : memref<10128x128xf32, #tpu.memory_space<vmem_shared>> -> memref<10128x128xf32, #tpu.memory_space<vmem_shared>>
      tpu.wait_indirect_dma semaphore(%arg15 : memref<!tpu.dma_semaphore, #tpu.memory_space<semaphore_mem>>) src(%dma_wait3A_1179 : memref<128x128xf32, #tpu.memory_space<vmem>>) dst(%dma_wait3A_1185 : memref<10128x128xf32, #tpu.memory_space<vmem_shared>>)
      %dma_wait3A_1186 = arith.constant 0 : i32
      %dma_wait3A_1187 = arith.constant 1 : i32
      %dma_wait3A_1188 = arith.constant 0 : i32
      %dma_wait3A_1189 = tpu.memref_slice %arg9[%dma_wait3A_1186, %dma_wait3A_1187, %dma_wait3A_1188] : memref<20x2x128xi32, #tpu.memory_space<vmem>> -> memref<1x1x128xi32, #tpu.memory_space<vmem>>
      %dma_wait3A_1190 = tpu.memref_squeeze %dma_wait3A_1189 : memref<1x1x128xi32, #tpu.memory_space<vmem>> -> memref<128xi32, #tpu.memory_space<vmem>>
      %dma_wait3A_1191 = arith.constant 0 : i32
      %dma_wait3A_1192 = tpu.memref_slice %arg14[%dma_wait3A_1191] : memref<16384xf32, #tpu.memory_space<vmem_shared>> -> memref<16384xf32, #tpu.memory_space<vmem_shared>>
      tpu.wait_indirect_dma semaphore(%arg17 : memref<!tpu.dma_semaphore, #tpu.memory_space<semaphore_mem>>) src(%arg11 : memref<128xf32, #tpu.memory_space<vmem>>) dst(%dma_wait3A_1192 : memref<16384xf32, #tpu.memory_space<vmem_shared>>)
      %dma_start3A_1193 = arith.constant 18 : i32
      %dma_start3A_1194 = arith.constant 0 : i32
      %dma_start3A_1195 = arith.constant 0 : i32
      %dma_start3A_1196 = arith.constant 0 : i32
      %dma_start3A_1197 = arith.constant 0 : i32
      %dma_start3A_1198 = tpu.memref_slice %arg10[%dma_start3A_1195, %dma_start3A_1196, %dma_start3A_1197] : memref<2x128x128xf32, #tpu.memory_space<vmem>> -> memref<1x128x128xf32, #tpu.memory_space<vmem>>
      %dma_start3A_1199 = tpu.memref_squeeze %dma_start3A_1198 : memref<1x128x128xf32, #tpu.memory_space<vmem>> -> memref<128x128xf32, #tpu.memory_space<vmem>>
      %dma_start3A_1200 = arith.constant 0 : i32
      %dma_start3A_1201 = tpu.memref_slice %arg9[%dma_start3A_1193, %dma_start3A_1194, %dma_start3A_1200] : memref<20x2x128xi32, #tpu.memory_space<vmem>> -> memref<1x1x128xi32, #tpu.memory_space<vmem>>
      %dma_start3A_1202 = tpu.memref_squeeze %dma_start3A_1201 : memref<1x1x128xi32, #tpu.memory_space<vmem>> -> memref<128xi32, #tpu.memory_space<vmem>>
      %dma_start3A_1203 = arith.constant 0 : i32
      %dma_start3A_1204 = arith.constant 0 : i32
      %dma_start3A_1205 = tpu.memref_slice %arg2[%dma_start3A_1203, %dma_start3A_1204] : memref<10000x128xf32, #tpu.memory_space<hbm>> -> memref<10000x128xf32, #tpu.memory_space<hbm>>
      tpu.enqueue_indirect_dma source(%dma_start3A_1205 : memref<10000x128xf32, #tpu.memory_space<hbm>>) target(%dma_start3A_1199 : memref<128x128xf32, #tpu.memory_space<vmem>>) offsets(%dma_start3A_1202 : memref<128xi32, #tpu.memory_space<vmem>>) semaphore(%arg16 : memref<!tpu.dma_semaphore, #tpu.memory_space<semaphore_mem>>)
      %dma_wait3A_1206 = arith.constant 0 : i32
      %dma_wait3A_1207 = arith.constant 0 : i32
      %dma_wait3A_1208 = arith.constant 0 : i32
      %dma_wait3A_1209 = arith.constant 0 : i32
      %dma_wait3A_1210 = arith.constant 0 : i32
      %dma_wait3A_1211 = tpu.memref_slice %arg10[%dma_wait3A_1208, %dma_wait3A_1209, %dma_wait3A_1210] : memref<2x128x128xf32, #tpu.memory_space<vmem>> -> memref<1x128x128xf32, #tpu.memory_space<vmem>>
      %dma_wait3A_1212 = tpu.memref_squeeze %dma_wait3A_1211 : memref<1x128x128xf32, #tpu.memory_space<vmem>> -> memref<128x128xf32, #tpu.memory_space<vmem>>
      %dma_wait3A_1213 = arith.constant 0 : i32
      %dma_wait3A_1214 = tpu.memref_slice %arg9[%dma_wait3A_1206, %dma_wait3A_1207, %dma_wait3A_1213] : memref<20x2x128xi32, #tpu.memory_space<vmem>> -> memref<1x1x128xi32, #tpu.memory_space<vmem>>
      %dma_wait3A_1215 = tpu.memref_squeeze %dma_wait3A_1214 : memref<1x1x128xi32, #tpu.memory_space<vmem>> -> memref<128xi32, #tpu.memory_space<vmem>>
      %dma_wait3A_1216 = arith.constant 0 : i32
      %dma_wait3A_1217 = arith.constant 0 : i32
      %dma_wait3A_1218 = tpu.memref_slice %arg2[%dma_wait3A_1216, %dma_wait3A_1217] : memref<10000x128xf32, #tpu.memory_space<hbm>> -> memref<10000x128xf32, #tpu.memory_space<hbm>>
      tpu.wait_indirect_dma semaphore(%arg16 : memref<!tpu.dma_semaphore, #tpu.memory_space<semaphore_mem>>) src(%dma_wait3A_1218 : memref<10000x128xf32, #tpu.memory_space<hbm>>) dst(%dma_wait3A_1212 : memref<128x128xf32, #tpu.memory_space<vmem>>)
      %dma_start3A_1219 = arith.constant 1 : i32
      %dma_start3A_1220 = arith.constant 17 : i32
      %dma_start3A_1221 = arith.constant 1 : i32
      %dma_start3A_1222 = arith.constant 0 : i32
      %dma_start3A_1223 = arith.constant 0 : i32
      %dma_start3A_1224 = tpu.memref_slice %arg10[%dma_start3A_1219, %dma_start3A_1222, %dma_start3A_1223] : memref<2x128x128xf32, #tpu.memory_space<vmem>> -> memref<1x128x128xf32, #tpu.memory_space<vmem>>
      %dma_start3A_1225 = tpu.memref_squeeze %dma_start3A_1224 : memref<1x128x128xf32, #tpu.memory_space<vmem>> -> memref<128x128xf32, #tpu.memory_space<vmem>>
      %dma_start3A_1226 = arith.constant 0 : i32
      %dma_start3A_1227 = tpu.memref_slice %arg9[%dma_start3A_1220, %dma_start3A_1221, %dma_start3A_1226] : memref<20x2x128xi32, #tpu.memory_space<vmem>> -> memref<1x1x128xi32, #tpu.memory_space<vmem>>
      %dma_start3A_1228 = tpu.memref_squeeze %dma_start3A_1227 : memref<1x1x128xi32, #tpu.memory_space<vmem>> -> memref<128xi32, #tpu.memory_space<vmem>>
      %dma_start3A_1229 = arith.constant 0 : i32
      %dma_start3A_1230 = arith.constant 0 : i32
      %dma_start3A_1231 = tpu.memref_slice %arg12[%dma_start3A_1229, %dma_start3A_1230] : memref<10128x128xf32, #tpu.memory_space<vmem_shared>> -> memref<10128x128xf32, #tpu.memory_space<vmem_shared>>
      tpu.enqueue_indirect_dma source(%dma_start3A_1225 : memref<128x128xf32, #tpu.memory_space<vmem>>) target(%dma_start3A_1231 : memref<10128x128xf32, #tpu.memory_space<vmem_shared>>) offsets(%dma_start3A_1228 : memref<128xi32, #tpu.memory_space<vmem>>) semaphore(%arg15 : memref<!tpu.dma_semaphore, #tpu.memory_space<semaphore_mem>>) {add = true}
      %dma_start3A_1232 = arith.constant 17 : i32
      %dma_start3A_1233 = arith.constant 1 : i32
      %dma_start3A_1234 = arith.constant 0 : i32
      %dma_start3A_1235 = tpu.memref_slice %arg9[%dma_start3A_1232, %dma_start3A_1233, %dma_start3A_1234] : memref<20x2x128xi32, #tpu.memory_space<vmem>> -> memref<1x1x128xi32, #tpu.memory_space<vmem>>
      %dma_start3A_1236 = tpu.memref_squeeze %dma_start3A_1235 : memref<1x1x128xi32, #tpu.memory_space<vmem>> -> memref<128xi32, #tpu.memory_space<vmem>>
      %dma_start3A_1237 = arith.constant 0 : i32
      %dma_start3A_1238 = tpu.memref_slice %arg14[%dma_start3A_1237] : memref<16384xf32, #tpu.memory_space<vmem_shared>> -> memref<16384xf32, #tpu.memory_space<vmem_shared>>
      tpu.enqueue_indirect_dma source(%arg11 : memref<128xf32, #tpu.memory_space<vmem>>) target(%dma_start3A_1238 : memref<16384xf32, #tpu.memory_space<vmem_shared>>) offsets(%dma_start3A_1236 : memref<128xi32, #tpu.memory_space<vmem>>) semaphore(%arg17 : memref<!tpu.dma_semaphore, #tpu.memory_space<semaphore_mem>>) {add = true}
      %dma_wait3A_1239 = arith.constant 0 : i32
      %dma_wait3A_1240 = arith.constant 0 : i32
      %dma_wait3A_1241 = arith.constant 1 : i32
      %dma_wait3A_1242 = arith.constant 0 : i32
      %dma_wait3A_1243 = arith.constant 0 : i32
      %dma_wait3A_1244 = tpu.memref_slice %arg10[%dma_wait3A_1239, %dma_wait3A_1242, %dma_wait3A_1243] : memref<2x128x128xf32, #tpu.memory_space<vmem>> -> memref<1x128x128xf32, #tpu.memory_space<vmem>>
      %dma_wait3A_1245 = tpu.memref_squeeze %dma_wait3A_1244 : memref<1x128x128xf32, #tpu.memory_space<vmem>> -> memref<128x128xf32, #tpu.memory_space<vmem>>
      %dma_wait3A_1246 = arith.constant 0 : i32
      %dma_wait3A_1247 = tpu.memref_slice %arg9[%dma_wait3A_1240, %dma_wait3A_1241, %dma_wait3A_1246] : memref<20x2x128xi32, #tpu.memory_space<vmem>> -> memref<1x1x128xi32, #tpu.memory_space<vmem>>
      %dma_wait3A_1248 = tpu.memref_squeeze %dma_wait3A_1247 : memref<1x1x128xi32, #tpu.memory_space<vmem>> -> memref<128xi32, #tpu.memory_space<vmem>>
      %dma_wait3A_1249 = arith.constant 0 : i32
      %dma_wait3A_1250 = arith.constant 0 : i32
      %dma_wait3A_1251 = tpu.memref_slice %arg12[%dma_wait3A_1249, %dma_wait3A_1250] : memref<10128x128xf32, #tpu.memory_space<vmem_shared>> -> memref<10128x128xf32, #tpu.memory_space<vmem_shared>>
      tpu.wait_indirect_dma semaphore(%arg15 : memref<!tpu.dma_semaphore, #tpu.memory_space<semaphore_mem>>) src(%dma_wait3A_1245 : memref<128x128xf32, #tpu.memory_space<vmem>>) dst(%dma_wait3A_1251 : memref<10128x128xf32, #tpu.memory_space<vmem_shared>>)
      %dma_wait3A_1252 = arith.constant 0 : i32
      %dma_wait3A_1253 = arith.constant 1 : i32
      %dma_wait3A_1254 = arith.constant 0 : i32
      %dma_wait3A_1255 = tpu.memref_slice %arg9[%dma_wait3A_1252, %dma_wait3A_1253, %dma_wait3A_1254] : memref<20x2x128xi32, #tpu.memory_space<vmem>> -> memref<1x1x128xi32, #tpu.memory_space<vmem>>
      %dma_wait3A_1256 = tpu.memref_squeeze %dma_wait3A_1255 : memref<1x1x128xi32, #tpu.memory_space<vmem>> -> memref<128xi32, #tpu.memory_space<vmem>>
      %dma_wait3A_1257 = arith.constant 0 : i32
      %dma_wait3A_1258 = tpu.memref_slice %arg14[%dma_wait3A_1257] : memref<16384xf32, #tpu.memory_space<vmem_shared>> -> memref<16384xf32, #tpu.memory_space<vmem_shared>>
      tpu.wait_indirect_dma semaphore(%arg17 : memref<!tpu.dma_semaphore, #tpu.memory_space<semaphore_mem>>) src(%arg11 : memref<128xf32, #tpu.memory_space<vmem>>) dst(%dma_wait3A_1258 : memref<16384xf32, #tpu.memory_space<vmem_shared>>)
      %dma_start3A_1259 = arith.constant 19 : i32
      %dma_start3A_1260 = arith.constant 0 : i32
      %dma_start3A_1261 = arith.constant 1 : i32
      %dma_start3A_1262 = arith.constant 0 : i32
      %dma_start3A_1263 = arith.constant 0 : i32
      %dma_start3A_1264 = tpu.memref_slice %arg10[%dma_start3A_1261, %dma_start3A_1262, %dma_start3A_1263] : memref<2x128x128xf32, #tpu.memory_space<vmem>> -> memref<1x128x128xf32, #tpu.memory_space<vmem>>
      %dma_start3A_1265 = tpu.memref_squeeze %dma_start3A_1264 : memref<1x128x128xf32, #tpu.memory_space<vmem>> -> memref<128x128xf32, #tpu.memory_space<vmem>>
      %dma_start3A_1266 = arith.constant 0 : i32
      %dma_start3A_1267 = tpu.memref_slice %arg9[%dma_start3A_1259, %dma_start3A_1260, %dma_start3A_1266] : memref<20x2x128xi32, #tpu.memory_space<vmem>> -> memref<1x1x128xi32, #tpu.memory_space<vmem>>
      %dma_start3A_1268 = tpu.memref_squeeze %dma_start3A_1267 : memref<1x1x128xi32, #tpu.memory_space<vmem>> -> memref<128xi32, #tpu.memory_space<vmem>>
      %dma_start3A_1269 = arith.constant 0 : i32
      %dma_start3A_1270 = arith.constant 0 : i32
      %dma_start3A_1271 = tpu.memref_slice %arg2[%dma_start3A_1269, %dma_start3A_1270] : memref<10000x128xf32, #tpu.memory_space<hbm>> -> memref<10000x128xf32, #tpu.memory_space<hbm>>
      tpu.enqueue_indirect_dma source(%dma_start3A_1271 : memref<10000x128xf32, #tpu.memory_space<hbm>>) target(%dma_start3A_1265 : memref<128x128xf32, #tpu.memory_space<vmem>>) offsets(%dma_start3A_1268 : memref<128xi32, #tpu.memory_space<vmem>>) semaphore(%arg16 : memref<!tpu.dma_semaphore, #tpu.memory_space<semaphore_mem>>)
      %dma_wait3A_1272 = arith.constant 0 : i32
      %dma_wait3A_1273 = arith.constant 0 : i32
      %dma_wait3A_1274 = arith.constant 0 : i32
      %dma_wait3A_1275 = arith.constant 0 : i32
      %dma_wait3A_1276 = arith.constant 0 : i32
      %dma_wait3A_1277 = tpu.memref_slice %arg10[%dma_wait3A_1274, %dma_wait3A_1275, %dma_wait3A_1276] : memref<2x128x128xf32, #tpu.memory_space<vmem>> -> memref<1x128x128xf32, #tpu.memory_space<vmem>>
      %dma_wait3A_1278 = tpu.memref_squeeze %dma_wait3A_1277 : memref<1x128x128xf32, #tpu.memory_space<vmem>> -> memref<128x128xf32, #tpu.memory_space<vmem>>
      %dma_wait3A_1279 = arith.constant 0 : i32
      %dma_wait3A_1280 = tpu.memref_slice %arg9[%dma_wait3A_1272, %dma_wait3A_1273, %dma_wait3A_1279] : memref<20x2x128xi32, #tpu.memory_space<vmem>> -> memref<1x1x128xi32, #tpu.memory_space<vmem>>
      %dma_wait3A_1281 = tpu.memref_squeeze %dma_wait3A_1280 : memref<1x1x128xi32, #tpu.memory_space<vmem>> -> memref<128xi32, #tpu.memory_space<vmem>>
      %dma_wait3A_1282 = arith.constant 0 : i32
      %dma_wait3A_1283 = arith.constant 0 : i32
      %dma_wait3A_1284 = tpu.memref_slice %arg2[%dma_wait3A_1282, %dma_wait3A_1283] : memref<10000x128xf32, #tpu.memory_space<hbm>> -> memref<10000x128xf32, #tpu.memory_space<hbm>>
      tpu.wait_indirect_dma semaphore(%arg16 : memref<!tpu.dma_semaphore, #tpu.memory_space<semaphore_mem>>) src(%dma_wait3A_1284 : memref<10000x128xf32, #tpu.memory_space<hbm>>) dst(%dma_wait3A_1278 : memref<128x128xf32, #tpu.memory_space<vmem>>)
      %dma_start3A_1285 = arith.constant 0 : i32
      %dma_start3A_1286 = arith.constant 18 : i32
      %dma_start3A_1287 = arith.constant 1 : i32
      %dma_start3A_1288 = arith.constant 0 : i32
      %dma_start3A_1289 = arith.constant 0 : i32
      %dma_start3A_1290 = tpu.memref_slice %arg10[%dma_start3A_1285, %dma_start3A_1288, %dma_start3A_1289] : memref<2x128x128xf32, #tpu.memory_space<vmem>> -> memref<1x128x128xf32, #tpu.memory_space<vmem>>
      %dma_start3A_1291 = tpu.memref_squeeze %dma_start3A_1290 : memref<1x128x128xf32, #tpu.memory_space<vmem>> -> memref<128x128xf32, #tpu.memory_space<vmem>>
      %dma_start3A_1292 = arith.constant 0 : i32
      %dma_start3A_1293 = tpu.memref_slice %arg9[%dma_start3A_1286, %dma_start3A_1287, %dma_start3A_1292] : memref<20x2x128xi32, #tpu.memory_space<vmem>> -> memref<1x1x128xi32, #tpu.memory_space<vmem>>
      %dma_start3A_1294 = tpu.memref_squeeze %dma_start3A_1293 : memref<1x1x128xi32, #tpu.memory_space<vmem>> -> memref<128xi32, #tpu.memory_space<vmem>>
      %dma_start3A_1295 = arith.constant 0 : i32
      %dma_start3A_1296 = arith.constant 0 : i32
      %dma_start3A_1297 = tpu.memref_slice %arg12[%dma_start3A_1295, %dma_start3A_1296] : memref<10128x128xf32, #tpu.memory_space<vmem_shared>> -> memref<10128x128xf32, #tpu.memory_space<vmem_shared>>
      tpu.enqueue_indirect_dma source(%dma_start3A_1291 : memref<128x128xf32, #tpu.memory_space<vmem>>) target(%dma_start3A_1297 : memref<10128x128xf32, #tpu.memory_space<vmem_shared>>) offsets(%dma_start3A_1294 : memref<128xi32, #tpu.memory_space<vmem>>) semaphore(%arg15 : memref<!tpu.dma_semaphore, #tpu.memory_space<semaphore_mem>>) {add = true}
      %dma_start3A_1298 = arith.constant 18 : i32
      %dma_start3A_1299 = arith.constant 1 : i32
      %dma_start3A_1300 = arith.constant 0 : i32
      %dma_start3A_1301 = tpu.memref_slice %arg9[%dma_start3A_1298, %dma_start3A_1299, %dma_start3A_1300] : memref<20x2x128xi32, #tpu.memory_space<vmem>> -> memref<1x1x128xi32, #tpu.memory_space<vmem>>
      %dma_start3A_1302 = tpu.memref_squeeze %dma_start3A_1301 : memref<1x1x128xi32, #tpu.memory_space<vmem>> -> memref<128xi32, #tpu.memory_space<vmem>>
      %dma_start3A_1303 = arith.constant 0 : i32
      %dma_start3A_1304 = tpu.memref_slice %arg14[%dma_start3A_1303] : memref<16384xf32, #tpu.memory_space<vmem_shared>> -> memref<16384xf32, #tpu.memory_space<vmem_shared>>
      tpu.enqueue_indirect_dma source(%arg11 : memref<128xf32, #tpu.memory_space<vmem>>) target(%dma_start3A_1304 : memref<16384xf32, #tpu.memory_space<vmem_shared>>) offsets(%dma_start3A_1302 : memref<128xi32, #tpu.memory_space<vmem>>) semaphore(%arg17 : memref<!tpu.dma_semaphore, #tpu.memory_space<semaphore_mem>>) {add = true}
      %dma_wait3A_1305 = arith.constant 0 : i32
      %dma_wait3A_1306 = arith.constant 0 : i32
      %dma_wait3A_1307 = arith.constant 0 : i32
      %dma_wait3A_1308 = arith.constant 0 : i32
      %dma_wait3A_1309 = arith.constant 0 : i32
      %dma_wait3A_1310 = tpu.memref_slice %arg10[%dma_wait3A_1307, %dma_wait3A_1308, %dma_wait3A_1309] : memref<2x128x128xf32, #tpu.memory_space<vmem>> -> memref<1x128x128xf32, #tpu.memory_space<vmem>>
      %dma_wait3A_1311 = tpu.memref_squeeze %dma_wait3A_1310 : memref<1x128x128xf32, #tpu.memory_space<vmem>> -> memref<128x128xf32, #tpu.memory_space<vmem>>
      %dma_wait3A_1312 = arith.constant 0 : i32
      %dma_wait3A_1313 = tpu.memref_slice %arg9[%dma_wait3A_1305, %dma_wait3A_1306, %dma_wait3A_1312] : memref<20x2x128xi32, #tpu.memory_space<vmem>> -> memref<1x1x128xi32, #tpu.memory_space<vmem>>
      %dma_wait3A_1314 = tpu.memref_squeeze %dma_wait3A_1313 : memref<1x1x128xi32, #tpu.memory_space<vmem>> -> memref<128xi32, #tpu.memory_space<vmem>>
      %dma_wait3A_1315 = arith.constant 0 : i32
      %dma_wait3A_1316 = arith.constant 0 : i32
      %dma_wait3A_1317 = tpu.memref_slice %arg2[%dma_wait3A_1315, %dma_wait3A_1316] : memref<10000x128xf32, #tpu.memory_space<hbm>> -> memref<10000x128xf32, #tpu.memory_space<hbm>>
      tpu.wait_indirect_dma semaphore(%arg16 : memref<!tpu.dma_semaphore, #tpu.memory_space<semaphore_mem>>) src(%dma_wait3A_1317 : memref<10000x128xf32, #tpu.memory_space<hbm>>) dst(%dma_wait3A_1311 : memref<128x128xf32, #tpu.memory_space<vmem>>)
      %dma_start3A_1318 = arith.constant 1 : i32
      %dma_start3A_1319 = arith.constant 19 : i32
      %dma_start3A_1320 = arith.constant 1 : i32
      %dma_start3A_1321 = arith.constant 0 : i32
      %dma_start3A_1322 = arith.constant 0 : i32
      %dma_start3A_1323 = tpu.memref_slice %arg10[%dma_start3A_1318, %dma_start3A_1321, %dma_start3A_1322] : memref<2x128x128xf32, #tpu.memory_space<vmem>> -> memref<1x128x128xf32, #tpu.memory_space<vmem>>
      %dma_start3A_1324 = tpu.memref_squeeze %dma_start3A_1323 : memref<1x128x128xf32, #tpu.memory_space<vmem>> -> memref<128x128xf32, #tpu.memory_space<vmem>>
      %dma_start3A_1325 = arith.constant 0 : i32
      %dma_start3A_1326 = tpu.memref_slice %arg9[%dma_start3A_1319, %dma_start3A_1320, %dma_start3A_1325] : memref<20x2x128xi32, #tpu.memory_space<vmem>> -> memref<1x1x128xi32, #tpu.memory_space<vmem>>
      %dma_start3A_1327 = tpu.memref_squeeze %dma_start3A_1326 : memref<1x1x128xi32, #tpu.memory_space<vmem>> -> memref<128xi32, #tpu.memory_space<vmem>>
      %dma_start3A_1328 = arith.constant 0 : i32
      %dma_start3A_1329 = arith.constant 0 : i32
      %dma_start3A_1330 = tpu.memref_slice %arg12[%dma_start3A_1328, %dma_start3A_1329] : memref<10128x128xf32, #tpu.memory_space<vmem_shared>> -> memref<10128x128xf32, #tpu.memory_space<vmem_shared>>
      tpu.enqueue_indirect_dma source(%dma_start3A_1324 : memref<128x128xf32, #tpu.memory_space<vmem>>) target(%dma_start3A_1330 : memref<10128x128xf32, #tpu.memory_space<vmem_shared>>) offsets(%dma_start3A_1327 : memref<128xi32, #tpu.memory_space<vmem>>) semaphore(%arg15 : memref<!tpu.dma_semaphore, #tpu.memory_space<semaphore_mem>>) {add = true}
      %dma_start3A_1331 = arith.constant 19 : i32
      %dma_start3A_1332 = arith.constant 1 : i32
      %dma_start3A_1333 = arith.constant 0 : i32
      %dma_start3A_1334 = tpu.memref_slice %arg9[%dma_start3A_1331, %dma_start3A_1332, %dma_start3A_1333] : memref<20x2x128xi32, #tpu.memory_space<vmem>> -> memref<1x1x128xi32, #tpu.memory_space<vmem>>
      %dma_start3A_1335 = tpu.memref_squeeze %dma_start3A_1334 : memref<1x1x128xi32, #tpu.memory_space<vmem>> -> memref<128xi32, #tpu.memory_space<vmem>>
      %dma_start3A_1336 = arith.constant 0 : i32
      %dma_start3A_1337 = tpu.memref_slice %arg14[%dma_start3A_1336] : memref<16384xf32, #tpu.memory_space<vmem_shared>> -> memref<16384xf32, #tpu.memory_space<vmem_shared>>
      tpu.enqueue_indirect_dma source(%arg11 : memref<128xf32, #tpu.memory_space<vmem>>) target(%dma_start3A_1337 : memref<16384xf32, #tpu.memory_space<vmem_shared>>) offsets(%dma_start3A_1335 : memref<128xi32, #tpu.memory_space<vmem>>) semaphore(%arg17 : memref<!tpu.dma_semaphore, #tpu.memory_space<semaphore_mem>>) {add = true}
      %dma_wait3A_1338 = arith.constant 0 : i32
      %dma_wait3A_1339 = arith.constant 0 : i32
      %dma_wait3A_1340 = arith.constant 1 : i32
      %dma_wait3A_1341 = arith.constant 0 : i32
      %dma_wait3A_1342 = arith.constant 0 : i32
      %dma_wait3A_1343 = tpu.memref_slice %arg10[%dma_wait3A_1338, %dma_wait3A_1341, %dma_wait3A_1342] : memref<2x128x128xf32, #tpu.memory_space<vmem>> -> memref<1x128x128xf32, #tpu.memory_space<vmem>>
      %dma_wait3A_1344 = tpu.memref_squeeze %dma_wait3A_1343 : memref<1x128x128xf32, #tpu.memory_space<vmem>> -> memref<128x128xf32, #tpu.memory_space<vmem>>
      %dma_wait3A_1345 = arith.constant 0 : i32
      %dma_wait3A_1346 = tpu.memref_slice %arg9[%dma_wait3A_1339, %dma_wait3A_1340, %dma_wait3A_1345] : memref<20x2x128xi32, #tpu.memory_space<vmem>> -> memref<1x1x128xi32, #tpu.memory_space<vmem>>
      %dma_wait3A_1347 = tpu.memref_squeeze %dma_wait3A_1346 : memref<1x1x128xi32, #tpu.memory_space<vmem>> -> memref<128xi32, #tpu.memory_space<vmem>>
      %dma_wait3A_1348 = arith.constant 0 : i32
      %dma_wait3A_1349 = arith.constant 0 : i32
      %dma_wait3A_1350 = tpu.memref_slice %arg12[%dma_wait3A_1348, %dma_wait3A_1349] : memref<10128x128xf32, #tpu.memory_space<vmem_shared>> -> memref<10128x128xf32, #tpu.memory_space<vmem_shared>>
      tpu.wait_indirect_dma semaphore(%arg15 : memref<!tpu.dma_semaphore, #tpu.memory_space<semaphore_mem>>) src(%dma_wait3A_1344 : memref<128x128xf32, #tpu.memory_space<vmem>>) dst(%dma_wait3A_1350 : memref<10128x128xf32, #tpu.memory_space<vmem_shared>>)
      %dma_wait3A_1351 = arith.constant 0 : i32
      %dma_wait3A_1352 = arith.constant 1 : i32
      %dma_wait3A_1353 = arith.constant 0 : i32
      %dma_wait3A_1354 = tpu.memref_slice %arg9[%dma_wait3A_1351, %dma_wait3A_1352, %dma_wait3A_1353] : memref<20x2x128xi32, #tpu.memory_space<vmem>> -> memref<1x1x128xi32, #tpu.memory_space<vmem>>
      %dma_wait3A_1355 = tpu.memref_squeeze %dma_wait3A_1354 : memref<1x1x128xi32, #tpu.memory_space<vmem>> -> memref<128xi32, #tpu.memory_space<vmem>>
      %dma_wait3A_1356 = arith.constant 0 : i32
      %dma_wait3A_1357 = tpu.memref_slice %arg14[%dma_wait3A_1356] : memref<16384xf32, #tpu.memory_space<vmem_shared>> -> memref<16384xf32, #tpu.memory_space<vmem_shared>>
      tpu.wait_indirect_dma semaphore(%arg17 : memref<!tpu.dma_semaphore, #tpu.memory_space<semaphore_mem>>) src(%arg11 : memref<128xf32, #tpu.memory_space<vmem>>) dst(%dma_wait3A_1357 : memref<16384xf32, #tpu.memory_space<vmem_shared>>)
      %dma_wait3A_1358 = arith.constant 0 : i32
      %dma_wait3A_1359 = arith.constant 0 : i32
      %dma_wait3A_1360 = arith.constant 1 : i32
      %dma_wait3A_1361 = arith.constant 0 : i32
      %dma_wait3A_1362 = arith.constant 0 : i32
      %dma_wait3A_1363 = tpu.memref_slice %arg10[%dma_wait3A_1358, %dma_wait3A_1361, %dma_wait3A_1362] : memref<2x128x128xf32, #tpu.memory_space<vmem>> -> memref<1x128x128xf32, #tpu.memory_space<vmem>>
      %dma_wait3A_1364 = tpu.memref_squeeze %dma_wait3A_1363 : memref<1x128x128xf32, #tpu.memory_space<vmem>> -> memref<128x128xf32, #tpu.memory_space<vmem>>
      %dma_wait3A_1365 = arith.constant 0 : i32
      %dma_wait3A_1366 = tpu.memref_slice %arg9[%dma_wait3A_1359, %dma_wait3A_1360, %dma_wait3A_1365] : memref<20x2x128xi32, #tpu.memory_space<vmem>> -> memref<1x1x128xi32, #tpu.memory_space<vmem>>
      %dma_wait3A_1367 = tpu.memref_squeeze %dma_wait3A_1366 : memref<1x1x128xi32, #tpu.memory_space<vmem>> -> memref<128xi32, #tpu.memory_space<vmem>>
      %dma_wait3A_1368 = arith.constant 0 : i32
      %dma_wait3A_1369 = arith.constant 0 : i32
      %dma_wait3A_1370 = tpu.memref_slice %arg12[%dma_wait3A_1368, %dma_wait3A_1369] : memref<10128x128xf32, #tpu.memory_space<vmem_shared>> -> memref<10128x128xf32, #tpu.memory_space<vmem_shared>>
      tpu.wait_indirect_dma semaphore(%arg15 : memref<!tpu.dma_semaphore, #tpu.memory_space<semaphore_mem>>) src(%dma_wait3A_1364 : memref<128x128xf32, #tpu.memory_space<vmem>>) dst(%dma_wait3A_1370 : memref<10128x128xf32, #tpu.memory_space<vmem_shared>>)
      %dma_wait3A_1371 = arith.constant 0 : i32
      %dma_wait3A_1372 = arith.constant 1 : i32
      %dma_wait3A_1373 = arith.constant 0 : i32
      %dma_wait3A_1374 = tpu.memref_slice %arg9[%dma_wait3A_1371, %dma_wait3A_1372, %dma_wait3A_1373] : memref<20x2x128xi32, #tpu.memory_space<vmem>> -> memref<1x1x128xi32, #tpu.memory_space<vmem>>
      %dma_wait3A_1375 = tpu.memref_squeeze %dma_wait3A_1374 : memref<1x1x128xi32, #tpu.memory_space<vmem>> -> memref<128xi32, #tpu.memory_space<vmem>>
      %dma_wait3A_1376 = arith.constant 0 : i32
      %dma_wait3A_1377 = tpu.memref_slice %arg14[%dma_wait3A_1376] : memref<16384xf32, #tpu.memory_space<vmem_shared>> -> memref<16384xf32, #tpu.memory_space<vmem_shared>>
      tpu.wait_indirect_dma semaphore(%arg17 : memref<!tpu.dma_semaphore, #tpu.memory_space<semaphore_mem>>) src(%arg11 : memref<128xf32, #tpu.memory_space<vmem>>) dst(%dma_wait3A_1377 : memref<16384xf32, #tpu.memory_space<vmem_shared>>)
      %dma_wait3A_1378 = arith.constant 0 : i32
      %dma_wait3A_1379 = arith.constant 0 : i32
      %dma_wait3A_1380 = arith.constant 1 : i32
      %dma_wait3A_1381 = arith.constant 0 : i32
      %dma_wait3A_1382 = arith.constant 0 : i32
      %dma_wait3A_1383 = tpu.memref_slice %arg10[%dma_wait3A_1378, %dma_wait3A_1381, %dma_wait3A_1382] : memref<2x128x128xf32, #tpu.memory_space<vmem>> -> memref<1x128x128xf32, #tpu.memory_space<vmem>>
      %dma_wait3A_1384 = tpu.memref_squeeze %dma_wait3A_1383 : memref<1x128x128xf32, #tpu.memory_space<vmem>> -> memref<128x128xf32, #tpu.memory_space<vmem>>
      %dma_wait3A_1385 = arith.constant 0 : i32
      %dma_wait3A_1386 = tpu.memref_slice %arg9[%dma_wait3A_1379, %dma_wait3A_1380, %dma_wait3A_1385] : memref<20x2x128xi32, #tpu.memory_space<vmem>> -> memref<1x1x128xi32, #tpu.memory_space<vmem>>
      %dma_wait3A_1387 = tpu.memref_squeeze %dma_wait3A_1386 : memref<1x1x128xi32, #tpu.memory_space<vmem>> -> memref<128xi32, #tpu.memory_space<vmem>>
      %dma_wait3A_1388 = arith.constant 0 : i32
      %dma_wait3A_1389 = arith.constant 0 : i32
      %dma_wait3A_1390 = tpu.memref_slice %arg12[%dma_wait3A_1388, %dma_wait3A_1389] : memref<10128x128xf32, #tpu.memory_space<vmem_shared>> -> memref<10128x128xf32, #tpu.memory_space<vmem_shared>>
      tpu.wait_indirect_dma semaphore(%arg15 : memref<!tpu.dma_semaphore, #tpu.memory_space<semaphore_mem>>) src(%dma_wait3A_1384 : memref<128x128xf32, #tpu.memory_space<vmem>>) dst(%dma_wait3A_1390 : memref<10128x128xf32, #tpu.memory_space<vmem_shared>>)
      %dma_wait3A_1391 = arith.constant 0 : i32
      %dma_wait3A_1392 = arith.constant 1 : i32
      %dma_wait3A_1393 = arith.constant 0 : i32
      %dma_wait3A_1394 = tpu.memref_slice %arg9[%dma_wait3A_1391, %dma_wait3A_1392, %dma_wait3A_1393] : memref<20x2x128xi32, #tpu.memory_space<vmem>> -> memref<1x1x128xi32, #tpu.memory_space<vmem>>
      %dma_wait3A_1395 = tpu.memref_squeeze %dma_wait3A_1394 : memref<1x1x128xi32, #tpu.memory_space<vmem>> -> memref<128xi32, #tpu.memory_space<vmem>>
      %dma_wait3A_1396 = arith.constant 0 : i32
      %dma_wait3A_1397 = tpu.memref_slice %arg14[%dma_wait3A_1396] : memref<16384xf32, #tpu.memory_space<vmem_shared>> -> memref<16384xf32, #tpu.memory_space<vmem_shared>>
      tpu.wait_indirect_dma semaphore(%arg17 : memref<!tpu.dma_semaphore, #tpu.memory_space<semaphore_mem>>) src(%arg11 : memref<128xf32, #tpu.memory_space<vmem>>) dst(%dma_wait3A_1397 : memref<16384xf32, #tpu.memory_space<vmem_shared>>)
    }
    %scan3A_57 = arith.constant 4 : i32
    %barrier3A_58 = arith.constant 0 : index
    tpu.barrier barrier_id(%barrier3A_58)
    %mul3A_59 = arith.constant 633 : i32
    %mul3A_60 = arith.muli %arg1, %mul3A_59 : i32
    %mul3A_61 = arith.constant 633 : i32
    %mul3A_62 = arith.muli %arg1, %mul3A_61 : i32
    "tpu.region"() ({
      %run_scoped3A = tpu.sem_alloc : memref<!tpu.dma_semaphore, #tpu.memory_space<semaphore_mem>>
      %dma_start3A = arith.constant 0 : i32
      %dma_start3A_70 = tpu.memref_slice %arg7[%arg0, %mul3A_62, %dma_start3A] : memref<2x10128x128xf32, #tpu.memory_space<hbm>> -> memref<1x633x128xf32, #tpu.memory_space<hbm>>
      %dma_start3A_71 = tpu.memref_squeeze %dma_start3A_70 : memref<1x633x128xf32, #tpu.memory_space<hbm>> -> memref<633x128xf32, #tpu.memory_space<hbm>>
      %dma_start3A_72 = arith.constant 0 : i32
      %dma_start3A_73 = tpu.memref_slice %arg12[%mul3A_60, %dma_start3A_72] : memref<10128x128xf32, #tpu.memory_space<vmem_shared>> -> memref<633x128xf32, #tpu.memory_space<vmem_shared>>
      tpu.enqueue_dma source(%dma_start3A_73 : memref<633x128xf32, #tpu.memory_space<vmem_shared>>) target(%dma_start3A_71 : memref<633x128xf32, #tpu.memory_space<hbm>>) target_semaphore(%run_scoped3A : memref<!tpu.dma_semaphore, #tpu.memory_space<semaphore_mem>>)
      %dma_wait3A = arith.constant 0 : i32
      %dma_wait3A_74 = tpu.memref_slice %arg7[%arg0, %mul3A_62, %dma_wait3A] : memref<2x10128x128xf32, #tpu.memory_space<hbm>> -> memref<1x633x128xf32, #tpu.memory_space<hbm>>
      %dma_wait3A_75 = tpu.memref_squeeze %dma_wait3A_74 : memref<1x633x128xf32, #tpu.memory_space<hbm>> -> memref<633x128xf32, #tpu.memory_space<hbm>>
      %dma_wait3A_76 = arith.constant 0 : i32
      %dma_wait3A_77 = tpu.memref_slice %arg12[%mul3A_60, %dma_wait3A_76] : memref<10128x128xf32, #tpu.memory_space<vmem_shared>> -> memref<633x128xf32, #tpu.memory_space<vmem_shared>>
      tpu.wait_dma2 semaphore(%run_scoped3A : memref<!tpu.dma_semaphore, #tpu.memory_space<semaphore_mem>>) src(%dma_wait3A_77 : memref<633x128xf32, #tpu.memory_space<vmem_shared>>) dst(%dma_wait3A_75 : memref<633x128xf32, #tpu.memory_space<hbm>>)
      tpu.yield
    }) : () -> ()
    %mul3A_63 = arith.constant 1024 : i32
    %mul3A_64 = arith.muli %arg1, %mul3A_63 : i32
    %mul3A_65 = arith.constant 16384 : i32
    %mul3A_66 = arith.muli %arg0, %mul3A_65 : i32
    %mul3A_67 = arith.constant 1024 : i32
    %mul3A_68 = arith.muli %arg1, %mul3A_67 : i32
    %add3A_69 = arith.addi %mul3A_66, %mul3A_68 : i32
    "tpu.region"() ({
      %run_scoped3A = tpu.sem_alloc : memref<!tpu.dma_semaphore, #tpu.memory_space<semaphore_mem>>
      %dma_start3A = tpu.memref_slice %arg8[%add3A_69] : memref<32768xf32, #tpu.memory_space<hbm>> -> memref<1024xf32, #tpu.memory_space<hbm>>
      %dma_start3A_70 = tpu.memref_slice %arg14[%mul3A_64] : memref<16384xf32, #tpu.memory_space<vmem_shared>> -> memref<1024xf32, #tpu.memory_space<vmem_shared>>
      tpu.enqueue_dma source(%dma_start3A_70 : memref<1024xf32, #tpu.memory_space<vmem_shared>>) target(%dma_start3A : memref<1024xf32, #tpu.memory_space<hbm>>) target_semaphore(%run_scoped3A : memref<!tpu.dma_semaphore, #tpu.memory_space<semaphore_mem>>)
      %dma_wait3A = tpu.memref_slice %arg8[%add3A_69] : memref<32768xf32, #tpu.memory_space<hbm>> -> memref<1024xf32, #tpu.memory_space<hbm>>
      %dma_wait3A_71 = tpu.memref_slice %arg14[%mul3A_64] : memref<16384xf32, #tpu.memory_space<vmem_shared>> -> memref<1024xf32, #tpu.memory_space<vmem_shared>>
      tpu.wait_dma2 semaphore(%run_scoped3A : memref<!tpu.dma_semaphore, #tpu.memory_space<semaphore_mem>>) src(%dma_wait3A_71 : memref<1024xf32, #tpu.memory_space<vmem_shared>>) dst(%dma_wait3A : memref<1024xf32, #tpu.memory_space<hbm>>)
      tpu.yield
    }) : () -> ()
    return
  }
}

#map = affine_map<(d0, d1) -> (0, 0)>
#map1 = affine_map<(d0, d1) -> (0, 0, 0)>
#map2 = affine_map<(d0, d1) -> (0)>
module attributes {stable_mosaic.version = 14 : i64} {
  func.func @agg(%arg0: i32, %arg1: i32, %arg2: memref<10000x48xf32, #tpu.memory_space<hbm>>, %arg3: memref<2500x2x128xi32, #tpu.memory_space<hbm>>, %arg4: memref<60x2x128xi32, #tpu.memory_space<hbm>>, %arg5: memref<633x48xf32, #tpu.memory_space<hbm>>, %arg6: memref<1024xf32, #tpu.memory_space<hbm>>, %arg7: memref<2x10128x48xf32, #tpu.memory_space<hbm>>, %arg8: memref<20x2x128xi32, #tpu.memory_space<vmem>>, %arg9: memref<3x128x48xf32, #tpu.memory_space<vmem>>, %arg10: memref<128xf32, #tpu.memory_space<vmem>>, %arg11: memref<10128x48xf32, #tpu.memory_space<vmem_shared>>, %arg12: memref<10000x48xf32, #tpu.memory_space<vmem_shared>>, %arg13: memref<16xf32, #tpu.memory_space<vmem_shared>>, %arg14: memref<!tpu.dma_semaphore, #tpu.memory_space<semaphore_mem>>, %arg15: memref<!tpu.dma_semaphore, #tpu.memory_space<semaphore_mem>>, %arg16: memref<!tpu.dma_semaphore, #tpu.memory_space<semaphore_mem>>) attributes {dimension_semantics = [#tpu.dimension_semantics<core_parallel>, #tpu.dimension_semantics<subcore_parallel>], iteration_bounds = array<i64: 2, 16>, scalar_prefetch = 0 : i64, scratch_operands = 9 : i64, tpu.core_type = #tpu.core_type<sc_vector_subcore>, window_params = [{transform_indices = #map}, {transform_indices = #map1}, {transform_indices = #map1}, {transform_indices = #map}, {transform_indices = #map2}, {transform_indices = #map1}]} {
    %mul3A = arith.constant 16 : i32
    %mul3A_0 = arith.muli %arg0, %mul3A : i32
    %add3A = arith.addi %mul3A_0, %arg1 : i32
    %mul3A_1 = arith.constant 633 : i32
    %mul3A_2 = arith.muli %arg1, %mul3A_1 : i32
    "tpu.region"() ({
      %run_scoped3A = tpu.sem_alloc : memref<!tpu.dma_semaphore, #tpu.memory_space<semaphore_mem>>
      %dma_start3A = arith.constant 0 : i32
      %dma_start3A_19 = tpu.memref_slice %arg11[%mul3A_2, %dma_start3A] : memref<10128x48xf32, #tpu.memory_space<vmem_shared>> -> memref<633x48xf32, #tpu.memory_space<vmem_shared>>
      tpu.enqueue_dma source(%arg5 : memref<633x48xf32, #tpu.memory_space<hbm>>) target(%dma_start3A_19 : memref<633x48xf32, #tpu.memory_space<vmem_shared>>) target_semaphore(%run_scoped3A : memref<!tpu.dma_semaphore, #tpu.memory_space<semaphore_mem>>)
      %dma_wait3A = arith.constant 0 : i32
      %dma_wait3A_20 = tpu.memref_slice %arg11[%mul3A_2, %dma_wait3A] : memref<10128x48xf32, #tpu.memory_space<vmem_shared>> -> memref<633x48xf32, #tpu.memory_space<vmem_shared>>
      tpu.wait_dma2 semaphore(%run_scoped3A : memref<!tpu.dma_semaphore, #tpu.memory_space<semaphore_mem>>) src(%arg5 : memref<633x48xf32, #tpu.memory_space<hbm>>) dst(%dma_wait3A_20 : memref<633x48xf32, #tpu.memory_space<vmem_shared>>)
      tpu.yield
    }) : () -> ()
    %mul3A_3 = arith.constant 625 : i32
    %mul3A_4 = arith.muli %arg1, %mul3A_3 : i32
    %mul3A_5 = arith.constant 625 : i32
    %mul3A_6 = arith.muli %arg1, %mul3A_5 : i32
    "tpu.region"() ({
      %run_scoped3A = tpu.sem_alloc : memref<!tpu.dma_semaphore, #tpu.memory_space<semaphore_mem>>
      %dma_start3A = arith.constant 0 : i32
      %dma_start3A_19 = tpu.memref_slice %arg12[%mul3A_6, %dma_start3A] : memref<10000x48xf32, #tpu.memory_space<vmem_shared>> -> memref<625x48xf32, #tpu.memory_space<vmem_shared>>
      %dma_start3A_20 = arith.constant 0 : i32
      %dma_start3A_21 = tpu.memref_slice %arg2[%mul3A_4, %dma_start3A_20] : memref<10000x48xf32, #tpu.memory_space<hbm>> -> memref<625x48xf32, #tpu.memory_space<hbm>>
      tpu.enqueue_dma source(%dma_start3A_21 : memref<625x48xf32, #tpu.memory_space<hbm>>) target(%dma_start3A_19 : memref<625x48xf32, #tpu.memory_space<vmem_shared>>) target_semaphore(%run_scoped3A : memref<!tpu.dma_semaphore, #tpu.memory_space<semaphore_mem>>)
      %dma_wait3A = arith.constant 0 : i32
      %dma_wait3A_22 = tpu.memref_slice %arg12[%mul3A_6, %dma_wait3A] : memref<10000x48xf32, #tpu.memory_space<vmem_shared>> -> memref<625x48xf32, #tpu.memory_space<vmem_shared>>
      %dma_wait3A_23 = arith.constant 0 : i32
      %dma_wait3A_24 = tpu.memref_slice %arg2[%mul3A_4, %dma_wait3A_23] : memref<10000x48xf32, #tpu.memory_space<hbm>> -> memref<625x48xf32, #tpu.memory_space<hbm>>
      tpu.wait_dma2 semaphore(%run_scoped3A : memref<!tpu.dma_semaphore, #tpu.memory_space<semaphore_mem>>) src(%dma_wait3A_24 : memref<625x48xf32, #tpu.memory_space<hbm>>) dst(%dma_wait3A_22 : memref<625x48xf32, #tpu.memory_space<vmem_shared>>)
      tpu.yield
    }) : () -> ()
    %barrier3A = arith.constant 0 : index
    tpu.barrier barrier_id(%barrier3A)
    %mul3A_7 = arith.constant 80 : i32
    %mul3A_8 = arith.muli %add3A, %mul3A_7 : i32
    %scan3A = arith.constant 0 : i32
    %scan3A_9 = arith.constant 0 : i32
    %scan3A_10 = arith.constant 4 : i32
    %scan3A_11 = arith.addi %scan3A_9, %scan3A_10 : i32
    %scan3A_12 = arith.constant 1 : i32
    scf.for %scan3A_19 = %scan3A_9 to %scan3A_11 step %scan3A_12  : i32 {
      %mul3A_20 = arith.constant 20 : i32
      %mul3A_21 = arith.muli %scan3A_19, %mul3A_20 : i32
      %add3A_22 = arith.addi %mul3A_8, %mul3A_21 : i32
      %lt3A = arith.constant 2500 : i32
      %lt3A_23 = arith.cmpi slt, %add3A_22, %lt3A : i32
      %convert_element_type3A = arith.extui %lt3A_23 : i1 to i32
      %cond3A = arith.constant 0 : i32
      %cond3A_24 = arith.cmpi ne, %convert_element_type3A, %cond3A : i32
      scf.if %cond3A_24 {
        "tpu.region"() ({
          %run_scoped3A = tpu.sem_alloc : memref<!tpu.dma_semaphore, #tpu.memory_space<semaphore_mem>>
          %dma_start3A_1067 = arith.constant 0 : i32
          %dma_start3A_1068 = arith.constant 0 : i32
          %dma_start3A_1069 = tpu.memref_slice %arg3[%add3A_22, %dma_start3A_1067, %dma_start3A_1068] : memref<2500x2x128xi32, #tpu.memory_space<hbm>> -> memref<20x2x128xi32, #tpu.memory_space<hbm>>
          %dma_start3A_1070 = arith.constant 0 : i32
          %dma_start3A_1071 = arith.constant 0 : i32
          %dma_start3A_1072 = tpu.memref_slice %arg3[%add3A_22, %dma_start3A_1070, %dma_start3A_1071] : memref<2500x2x128xi32, #tpu.memory_space<hbm>> -> memref<20x2x128xi32, #tpu.memory_space<hbm>>
          tpu.enqueue_dma source(%dma_start3A_1072 : memref<20x2x128xi32, #tpu.memory_space<hbm>>) target(%arg8 : memref<20x2x128xi32, #tpu.memory_space<vmem>>) target_semaphore(%run_scoped3A : memref<!tpu.dma_semaphore, #tpu.memory_space<semaphore_mem>>)
          %dma_wait3A_1073 = arith.constant 0 : i32
          %dma_wait3A_1074 = arith.constant 0 : i32
          %dma_wait3A_1075 = tpu.memref_slice %arg3[%add3A_22, %dma_wait3A_1073, %dma_wait3A_1074] : memref<2500x2x128xi32, #tpu.memory_space<hbm>> -> memref<20x2x128xi32, #tpu.memory_space<hbm>>
          %dma_wait3A_1076 = arith.constant 0 : i32
          %dma_wait3A_1077 = arith.constant 0 : i32
          %dma_wait3A_1078 = tpu.memref_slice %arg3[%add3A_22, %dma_wait3A_1076, %dma_wait3A_1077] : memref<2500x2x128xi32, #tpu.memory_space<hbm>> -> memref<20x2x128xi32, #tpu.memory_space<hbm>>
          tpu.wait_dma2 semaphore(%run_scoped3A : memref<!tpu.dma_semaphore, #tpu.memory_space<semaphore_mem>>) src(%dma_wait3A_1078 : memref<20x2x128xi32, #tpu.memory_space<hbm>>) dst(%arg8 : memref<20x2x128xi32, #tpu.memory_space<vmem>>)
          tpu.yield
        }) : () -> ()
      } else {
      }
      %ge3A = arith.constant 2500 : i32
      %ge3A_25 = arith.cmpi sge, %add3A_22, %ge3A : i32
      %convert_element_type3A_26 = arith.extui %ge3A_25 : i1 to i32
      %cond3A_27 = arith.constant 0 : i32
      %cond3A_28 = arith.cmpi ne, %convert_element_type3A_26, %cond3A_27 : i32
      scf.if %cond3A_28 {
        %sub3A = arith.constant 2500 : i32
        %sub3A_1067 = arith.subi %add3A_22, %sub3A : i32
        "tpu.region"() ({
          %run_scoped3A = tpu.sem_alloc : memref<!tpu.dma_semaphore, #tpu.memory_space<semaphore_mem>>
          %dma_start3A_1068 = arith.constant 0 : i32
          %dma_start3A_1069 = arith.constant 0 : i32
          %dma_start3A_1070 = tpu.memref_slice %arg4[%sub3A_1067, %dma_start3A_1068, %dma_start3A_1069] : memref<60x2x128xi32, #tpu.memory_space<hbm>> -> memref<20x2x128xi32, #tpu.memory_space<hbm>>
          %dma_start3A_1071 = arith.constant 0 : i32
          %dma_start3A_1072 = arith.constant 0 : i32
          %dma_start3A_1073 = tpu.memref_slice %arg4[%sub3A_1067, %dma_start3A_1071, %dma_start3A_1072] : memref<60x2x128xi32, #tpu.memory_space<hbm>> -> memref<20x2x128xi32, #tpu.memory_space<hbm>>
          tpu.enqueue_dma source(%dma_start3A_1073 : memref<20x2x128xi32, #tpu.memory_space<hbm>>) target(%arg8 : memref<20x2x128xi32, #tpu.memory_space<vmem>>) target_semaphore(%run_scoped3A : memref<!tpu.dma_semaphore, #tpu.memory_space<semaphore_mem>>)
          %dma_wait3A_1074 = arith.constant 0 : i32
          %dma_wait3A_1075 = arith.constant 0 : i32
          %dma_wait3A_1076 = tpu.memref_slice %arg4[%sub3A_1067, %dma_wait3A_1074, %dma_wait3A_1075] : memref<60x2x128xi32, #tpu.memory_space<hbm>> -> memref<20x2x128xi32, #tpu.memory_space<hbm>>
          %dma_wait3A_1077 = arith.constant 0 : i32
          %dma_wait3A_1078 = arith.constant 0 : i32
          %dma_wait3A_1079 = tpu.memref_slice %arg4[%sub3A_1067, %dma_wait3A_1077, %dma_wait3A_1078] : memref<60x2x128xi32, #tpu.memory_space<hbm>> -> memref<20x2x128xi32, #tpu.memory_space<hbm>>
          tpu.wait_dma2 semaphore(%run_scoped3A : memref<!tpu.dma_semaphore, #tpu.memory_space<semaphore_mem>>) src(%dma_wait3A_1079 : memref<20x2x128xi32, #tpu.memory_space<hbm>>) dst(%arg8 : memref<20x2x128xi32, #tpu.memory_space<vmem>>)
          tpu.yield
        }) : () -> ()
      } else {
      }
      %dma_start3A = arith.constant 0 : i32
      %dma_start3A_29 = arith.constant 0 : i32
      %dma_start3A_30 = arith.constant 0 : i32
      %dma_start3A_31 = arith.constant 0 : i32
      %dma_start3A_32 = arith.constant 0 : i32
      %dma_start3A_33 = tpu.memref_slice %arg9[%dma_start3A_30, %dma_start3A_31, %dma_start3A_32] : memref<3x128x48xf32, #tpu.memory_space<vmem>> -> memref<1x128x48xf32, #tpu.memory_space<vmem>>
      %dma_start3A_34 = tpu.memref_squeeze %dma_start3A_33 : memref<1x128x48xf32, #tpu.memory_space<vmem>> -> memref<128x48xf32, #tpu.memory_space<vmem>>
      %dma_start3A_35 = arith.constant 0 : i32
      %dma_start3A_36 = tpu.memref_slice %arg8[%dma_start3A, %dma_start3A_29, %dma_start3A_35] : memref<20x2x128xi32, #tpu.memory_space<vmem>> -> memref<1x1x128xi32, #tpu.memory_space<vmem>>
      %dma_start3A_37 = tpu.memref_squeeze %dma_start3A_36 : memref<1x1x128xi32, #tpu.memory_space<vmem>> -> memref<128xi32, #tpu.memory_space<vmem>>
      %dma_start3A_38 = arith.constant 0 : i32
      %dma_start3A_39 = arith.constant 0 : i32
      %dma_start3A_40 = tpu.memref_slice %arg12[%dma_start3A_38, %dma_start3A_39] : memref<10000x48xf32, #tpu.memory_space<vmem_shared>> -> memref<10000x48xf32, #tpu.memory_space<vmem_shared>>
      tpu.enqueue_indirect_dma source(%dma_start3A_40 : memref<10000x48xf32, #tpu.memory_space<vmem_shared>>) target(%dma_start3A_34 : memref<128x48xf32, #tpu.memory_space<vmem>>) offsets(%dma_start3A_37 : memref<128xi32, #tpu.memory_space<vmem>>) semaphore(%arg15 : memref<!tpu.dma_semaphore, #tpu.memory_space<semaphore_mem>>)
      %dma_start3A_41 = arith.constant 1 : i32
      %dma_start3A_42 = arith.constant 0 : i32
      %dma_start3A_43 = arith.constant 1 : i32
      %dma_start3A_44 = arith.constant 0 : i32
      %dma_start3A_45 = arith.constant 0 : i32
      %dma_start3A_46 = tpu.memref_slice %arg9[%dma_start3A_43, %dma_start3A_44, %dma_start3A_45] : memref<3x128x48xf32, #tpu.memory_space<vmem>> -> memref<1x128x48xf32, #tpu.memory_space<vmem>>
      %dma_start3A_47 = tpu.memref_squeeze %dma_start3A_46 : memref<1x128x48xf32, #tpu.memory_space<vmem>> -> memref<128x48xf32, #tpu.memory_space<vmem>>
      %dma_start3A_48 = arith.constant 0 : i32
      %dma_start3A_49 = tpu.memref_slice %arg8[%dma_start3A_41, %dma_start3A_42, %dma_start3A_48] : memref<20x2x128xi32, #tpu.memory_space<vmem>> -> memref<1x1x128xi32, #tpu.memory_space<vmem>>
      %dma_start3A_50 = tpu.memref_squeeze %dma_start3A_49 : memref<1x1x128xi32, #tpu.memory_space<vmem>> -> memref<128xi32, #tpu.memory_space<vmem>>
      %dma_start3A_51 = arith.constant 0 : i32
      %dma_start3A_52 = arith.constant 0 : i32
      %dma_start3A_53 = tpu.memref_slice %arg12[%dma_start3A_51, %dma_start3A_52] : memref<10000x48xf32, #tpu.memory_space<vmem_shared>> -> memref<10000x48xf32, #tpu.memory_space<vmem_shared>>
      tpu.enqueue_indirect_dma source(%dma_start3A_53 : memref<10000x48xf32, #tpu.memory_space<vmem_shared>>) target(%dma_start3A_47 : memref<128x48xf32, #tpu.memory_space<vmem>>) offsets(%dma_start3A_50 : memref<128xi32, #tpu.memory_space<vmem>>) semaphore(%arg15 : memref<!tpu.dma_semaphore, #tpu.memory_space<semaphore_mem>>)
      %dma_wait3A = arith.constant 0 : i32
      %dma_wait3A_54 = arith.constant 0 : i32
      %dma_wait3A_55 = arith.constant 0 : i32
      %dma_wait3A_56 = arith.constant 0 : i32
      %dma_wait3A_57 = arith.constant 0 : i32
      %dma_wait3A_58 = tpu.memref_slice %arg9[%dma_wait3A_55, %dma_wait3A_56, %dma_wait3A_57] : memref<3x128x48xf32, #tpu.memory_space<vmem>> -> memref<1x128x48xf32, #tpu.memory_space<vmem>>
      %dma_wait3A_59 = tpu.memref_squeeze %dma_wait3A_58 : memref<1x128x48xf32, #tpu.memory_space<vmem>> -> memref<128x48xf32, #tpu.memory_space<vmem>>
      %dma_wait3A_60 = arith.constant 0 : i32
      %dma_wait3A_61 = tpu.memref_slice %arg8[%dma_wait3A, %dma_wait3A_54, %dma_wait3A_60] : memref<20x2x128xi32, #tpu.memory_space<vmem>> -> memref<1x1x128xi32, #tpu.memory_space<vmem>>
      %dma_wait3A_62 = tpu.memref_squeeze %dma_wait3A_61 : memref<1x1x128xi32, #tpu.memory_space<vmem>> -> memref<128xi32, #tpu.memory_space<vmem>>
      %dma_wait3A_63 = arith.constant 0 : i32
      %dma_wait3A_64 = arith.constant 0 : i32
      %dma_wait3A_65 = tpu.memref_slice %arg12[%dma_wait3A_63, %dma_wait3A_64] : memref<10000x48xf32, #tpu.memory_space<vmem_shared>> -> memref<10000x48xf32, #tpu.memory_space<vmem_shared>>
      tpu.wait_indirect_dma semaphore(%arg15 : memref<!tpu.dma_semaphore, #tpu.memory_space<semaphore_mem>>) src(%dma_wait3A_65 : memref<10000x48xf32, #tpu.memory_space<vmem_shared>>) dst(%dma_wait3A_59 : memref<128x48xf32, #tpu.memory_space<vmem>>)
      %dma_start3A_66 = arith.constant 0 : i32
      %dma_start3A_67 = arith.constant 0 : i32
      %dma_start3A_68 = arith.constant 1 : i32
      %dma_start3A_69 = arith.constant 0 : i32
      %dma_start3A_70 = arith.constant 0 : i32
      %dma_start3A_71 = tpu.memref_slice %arg9[%dma_start3A_66, %dma_start3A_69, %dma_start3A_70] : memref<3x128x48xf32, #tpu.memory_space<vmem>> -> memref<1x128x48xf32, #tpu.memory_space<vmem>>
      %dma_start3A_72 = tpu.memref_squeeze %dma_start3A_71 : memref<1x128x48xf32, #tpu.memory_space<vmem>> -> memref<128x48xf32, #tpu.memory_space<vmem>>
      %dma_start3A_73 = arith.constant 0 : i32
      %dma_start3A_74 = tpu.memref_slice %arg8[%dma_start3A_67, %dma_start3A_68, %dma_start3A_73] : memref<20x2x128xi32, #tpu.memory_space<vmem>> -> memref<1x1x128xi32, #tpu.memory_space<vmem>>
      %dma_start3A_75 = tpu.memref_squeeze %dma_start3A_74 : memref<1x1x128xi32, #tpu.memory_space<vmem>> -> memref<128xi32, #tpu.memory_space<vmem>>
      %dma_start3A_76 = arith.constant 0 : i32
      %dma_start3A_77 = arith.constant 0 : i32
      %dma_start3A_78 = tpu.memref_slice %arg11[%dma_start3A_76, %dma_start3A_77] : memref<10128x48xf32, #tpu.memory_space<vmem_shared>> -> memref<10128x48xf32, #tpu.memory_space<vmem_shared>>
      tpu.enqueue_indirect_dma source(%dma_start3A_72 : memref<128x48xf32, #tpu.memory_space<vmem>>) target(%dma_start3A_78 : memref<10128x48xf32, #tpu.memory_space<vmem_shared>>) offsets(%dma_start3A_75 : memref<128xi32, #tpu.memory_space<vmem>>) semaphore(%arg14 : memref<!tpu.dma_semaphore, #tpu.memory_space<semaphore_mem>>) {add = true}
      %dma_start3A_79 = arith.constant 2 : i32
      %dma_start3A_80 = arith.constant 0 : i32
      %dma_start3A_81 = arith.constant 2 : i32
      %dma_start3A_82 = arith.constant 0 : i32
      %dma_start3A_83 = arith.constant 0 : i32
      %dma_start3A_84 = tpu.memref_slice %arg9[%dma_start3A_81, %dma_start3A_82, %dma_start3A_83] : memref<3x128x48xf32, #tpu.memory_space<vmem>> -> memref<1x128x48xf32, #tpu.memory_space<vmem>>
      %dma_start3A_85 = tpu.memref_squeeze %dma_start3A_84 : memref<1x128x48xf32, #tpu.memory_space<vmem>> -> memref<128x48xf32, #tpu.memory_space<vmem>>
      %dma_start3A_86 = arith.constant 0 : i32
      %dma_start3A_87 = tpu.memref_slice %arg8[%dma_start3A_79, %dma_start3A_80, %dma_start3A_86] : memref<20x2x128xi32, #tpu.memory_space<vmem>> -> memref<1x1x128xi32, #tpu.memory_space<vmem>>
      %dma_start3A_88 = tpu.memref_squeeze %dma_start3A_87 : memref<1x1x128xi32, #tpu.memory_space<vmem>> -> memref<128xi32, #tpu.memory_space<vmem>>
      %dma_start3A_89 = arith.constant 0 : i32
      %dma_start3A_90 = arith.constant 0 : i32
      %dma_start3A_91 = tpu.memref_slice %arg12[%dma_start3A_89, %dma_start3A_90] : memref<10000x48xf32, #tpu.memory_space<vmem_shared>> -> memref<10000x48xf32, #tpu.memory_space<vmem_shared>>
      tpu.enqueue_indirect_dma source(%dma_start3A_91 : memref<10000x48xf32, #tpu.memory_space<vmem_shared>>) target(%dma_start3A_85 : memref<128x48xf32, #tpu.memory_space<vmem>>) offsets(%dma_start3A_88 : memref<128xi32, #tpu.memory_space<vmem>>) semaphore(%arg15 : memref<!tpu.dma_semaphore, #tpu.memory_space<semaphore_mem>>)
      %dma_wait3A_92 = arith.constant 0 : i32
      %dma_wait3A_93 = arith.constant 0 : i32
      %dma_wait3A_94 = arith.constant 0 : i32
      %dma_wait3A_95 = arith.constant 0 : i32
      %dma_wait3A_96 = arith.constant 0 : i32
      %dma_wait3A_97 = tpu.memref_slice %arg9[%dma_wait3A_94, %dma_wait3A_95, %dma_wait3A_96] : memref<3x128x48xf32, #tpu.memory_space<vmem>> -> memref<1x128x48xf32, #tpu.memory_space<vmem>>
      %dma_wait3A_98 = tpu.memref_squeeze %dma_wait3A_97 : memref<1x128x48xf32, #tpu.memory_space<vmem>> -> memref<128x48xf32, #tpu.memory_space<vmem>>
      %dma_wait3A_99 = arith.constant 0 : i32
      %dma_wait3A_100 = tpu.memref_slice %arg8[%dma_wait3A_92, %dma_wait3A_93, %dma_wait3A_99] : memref<20x2x128xi32, #tpu.memory_space<vmem>> -> memref<1x1x128xi32, #tpu.memory_space<vmem>>
      %dma_wait3A_101 = tpu.memref_squeeze %dma_wait3A_100 : memref<1x1x128xi32, #tpu.memory_space<vmem>> -> memref<128xi32, #tpu.memory_space<vmem>>
      %dma_wait3A_102 = arith.constant 0 : i32
      %dma_wait3A_103 = arith.constant 0 : i32
      %dma_wait3A_104 = tpu.memref_slice %arg12[%dma_wait3A_102, %dma_wait3A_103] : memref<10000x48xf32, #tpu.memory_space<vmem_shared>> -> memref<10000x48xf32, #tpu.memory_space<vmem_shared>>
      tpu.wait_indirect_dma semaphore(%arg15 : memref<!tpu.dma_semaphore, #tpu.memory_space<semaphore_mem>>) src(%dma_wait3A_104 : memref<10000x48xf32, #tpu.memory_space<vmem_shared>>) dst(%dma_wait3A_98 : memref<128x48xf32, #tpu.memory_space<vmem>>)
      %dma_start3A_105 = arith.constant 1 : i32
      %dma_start3A_106 = arith.constant 1 : i32
      %dma_start3A_107 = arith.constant 1 : i32
      %dma_start3A_108 = arith.constant 0 : i32
      %dma_start3A_109 = arith.constant 0 : i32
      %dma_start3A_110 = tpu.memref_slice %arg9[%dma_start3A_105, %dma_start3A_108, %dma_start3A_109] : memref<3x128x48xf32, #tpu.memory_space<vmem>> -> memref<1x128x48xf32, #tpu.memory_space<vmem>>
      %dma_start3A_111 = tpu.memref_squeeze %dma_start3A_110 : memref<1x128x48xf32, #tpu.memory_space<vmem>> -> memref<128x48xf32, #tpu.memory_space<vmem>>
      %dma_start3A_112 = arith.constant 0 : i32
      %dma_start3A_113 = tpu.memref_slice %arg8[%dma_start3A_106, %dma_start3A_107, %dma_start3A_112] : memref<20x2x128xi32, #tpu.memory_space<vmem>> -> memref<1x1x128xi32, #tpu.memory_space<vmem>>
      %dma_start3A_114 = tpu.memref_squeeze %dma_start3A_113 : memref<1x1x128xi32, #tpu.memory_space<vmem>> -> memref<128xi32, #tpu.memory_space<vmem>>
      %dma_start3A_115 = arith.constant 0 : i32
      %dma_start3A_116 = arith.constant 0 : i32
      %dma_start3A_117 = tpu.memref_slice %arg11[%dma_start3A_115, %dma_start3A_116] : memref<10128x48xf32, #tpu.memory_space<vmem_shared>> -> memref<10128x48xf32, #tpu.memory_space<vmem_shared>>
      tpu.enqueue_indirect_dma source(%dma_start3A_111 : memref<128x48xf32, #tpu.memory_space<vmem>>) target(%dma_start3A_117 : memref<10128x48xf32, #tpu.memory_space<vmem_shared>>) offsets(%dma_start3A_114 : memref<128xi32, #tpu.memory_space<vmem>>) semaphore(%arg14 : memref<!tpu.dma_semaphore, #tpu.memory_space<semaphore_mem>>) {add = true}
      %dma_wait3A_118 = arith.constant 0 : i32
      %dma_wait3A_119 = arith.constant 0 : i32
      %dma_wait3A_120 = arith.constant 1 : i32
      %dma_wait3A_121 = arith.constant 0 : i32
      %dma_wait3A_122 = arith.constant 0 : i32
      %dma_wait3A_123 = tpu.memref_slice %arg9[%dma_wait3A_118, %dma_wait3A_121, %dma_wait3A_122] : memref<3x128x48xf32, #tpu.memory_space<vmem>> -> memref<1x128x48xf32, #tpu.memory_space<vmem>>
      %dma_wait3A_124 = tpu.memref_squeeze %dma_wait3A_123 : memref<1x128x48xf32, #tpu.memory_space<vmem>> -> memref<128x48xf32, #tpu.memory_space<vmem>>
      %dma_wait3A_125 = arith.constant 0 : i32
      %dma_wait3A_126 = tpu.memref_slice %arg8[%dma_wait3A_119, %dma_wait3A_120, %dma_wait3A_125] : memref<20x2x128xi32, #tpu.memory_space<vmem>> -> memref<1x1x128xi32, #tpu.memory_space<vmem>>
      %dma_wait3A_127 = tpu.memref_squeeze %dma_wait3A_126 : memref<1x1x128xi32, #tpu.memory_space<vmem>> -> memref<128xi32, #tpu.memory_space<vmem>>
      %dma_wait3A_128 = arith.constant 0 : i32
      %dma_wait3A_129 = arith.constant 0 : i32
      %dma_wait3A_130 = tpu.memref_slice %arg11[%dma_wait3A_128, %dma_wait3A_129] : memref<10128x48xf32, #tpu.memory_space<vmem_shared>> -> memref<10128x48xf32, #tpu.memory_space<vmem_shared>>
      tpu.wait_indirect_dma semaphore(%arg14 : memref<!tpu.dma_semaphore, #tpu.memory_space<semaphore_mem>>) src(%dma_wait3A_124 : memref<128x48xf32, #tpu.memory_space<vmem>>) dst(%dma_wait3A_130 : memref<10128x48xf32, #tpu.memory_space<vmem_shared>>)
      %dma_start3A_131 = arith.constant 3 : i32
      %dma_start3A_132 = arith.constant 0 : i32
      %dma_start3A_133 = arith.constant 0 : i32
      %dma_start3A_134 = arith.constant 0 : i32
      %dma_start3A_135 = arith.constant 0 : i32
      %dma_start3A_136 = tpu.memref_slice %arg9[%dma_start3A_133, %dma_start3A_134, %dma_start3A_135] : memref<3x128x48xf32, #tpu.memory_space<vmem>> -> memref<1x128x48xf32, #tpu.memory_space<vmem>>
      %dma_start3A_137 = tpu.memref_squeeze %dma_start3A_136 : memref<1x128x48xf32, #tpu.memory_space<vmem>> -> memref<128x48xf32, #tpu.memory_space<vmem>>
      %dma_start3A_138 = arith.constant 0 : i32
      %dma_start3A_139 = tpu.memref_slice %arg8[%dma_start3A_131, %dma_start3A_132, %dma_start3A_138] : memref<20x2x128xi32, #tpu.memory_space<vmem>> -> memref<1x1x128xi32, #tpu.memory_space<vmem>>
      %dma_start3A_140 = tpu.memref_squeeze %dma_start3A_139 : memref<1x1x128xi32, #tpu.memory_space<vmem>> -> memref<128xi32, #tpu.memory_space<vmem>>
      %dma_start3A_141 = arith.constant 0 : i32
      %dma_start3A_142 = arith.constant 0 : i32
      %dma_start3A_143 = tpu.memref_slice %arg12[%dma_start3A_141, %dma_start3A_142] : memref<10000x48xf32, #tpu.memory_space<vmem_shared>> -> memref<10000x48xf32, #tpu.memory_space<vmem_shared>>
      tpu.enqueue_indirect_dma source(%dma_start3A_143 : memref<10000x48xf32, #tpu.memory_space<vmem_shared>>) target(%dma_start3A_137 : memref<128x48xf32, #tpu.memory_space<vmem>>) offsets(%dma_start3A_140 : memref<128xi32, #tpu.memory_space<vmem>>) semaphore(%arg15 : memref<!tpu.dma_semaphore, #tpu.memory_space<semaphore_mem>>)
      %dma_wait3A_144 = arith.constant 0 : i32
      %dma_wait3A_145 = arith.constant 0 : i32
      %dma_wait3A_146 = arith.constant 0 : i32
      %dma_wait3A_147 = arith.constant 0 : i32
      %dma_wait3A_148 = arith.constant 0 : i32
      %dma_wait3A_149 = tpu.memref_slice %arg9[%dma_wait3A_146, %dma_wait3A_147, %dma_wait3A_148] : memref<3x128x48xf32, #tpu.memory_space<vmem>> -> memref<1x128x48xf32, #tpu.memory_space<vmem>>
      %dma_wait3A_150 = tpu.memref_squeeze %dma_wait3A_149 : memref<1x128x48xf32, #tpu.memory_space<vmem>> -> memref<128x48xf32, #tpu.memory_space<vmem>>
      %dma_wait3A_151 = arith.constant 0 : i32
      %dma_wait3A_152 = tpu.memref_slice %arg8[%dma_wait3A_144, %dma_wait3A_145, %dma_wait3A_151] : memref<20x2x128xi32, #tpu.memory_space<vmem>> -> memref<1x1x128xi32, #tpu.memory_space<vmem>>
      %dma_wait3A_153 = tpu.memref_squeeze %dma_wait3A_152 : memref<1x1x128xi32, #tpu.memory_space<vmem>> -> memref<128xi32, #tpu.memory_space<vmem>>
      %dma_wait3A_154 = arith.constant 0 : i32
      %dma_wait3A_155 = arith.constant 0 : i32
      %dma_wait3A_156 = tpu.memref_slice %arg12[%dma_wait3A_154, %dma_wait3A_155] : memref<10000x48xf32, #tpu.memory_space<vmem_shared>> -> memref<10000x48xf32, #tpu.memory_space<vmem_shared>>
      tpu.wait_indirect_dma semaphore(%arg15 : memref<!tpu.dma_semaphore, #tpu.memory_space<semaphore_mem>>) src(%dma_wait3A_156 : memref<10000x48xf32, #tpu.memory_space<vmem_shared>>) dst(%dma_wait3A_150 : memref<128x48xf32, #tpu.memory_space<vmem>>)
      %dma_start3A_157 = arith.constant 2 : i32
      %dma_start3A_158 = arith.constant 2 : i32
      %dma_start3A_159 = arith.constant 1 : i32
      %dma_start3A_160 = arith.constant 0 : i32
      %dma_start3A_161 = arith.constant 0 : i32
      %dma_start3A_162 = tpu.memref_slice %arg9[%dma_start3A_157, %dma_start3A_160, %dma_start3A_161] : memref<3x128x48xf32, #tpu.memory_space<vmem>> -> memref<1x128x48xf32, #tpu.memory_space<vmem>>
      %dma_start3A_163 = tpu.memref_squeeze %dma_start3A_162 : memref<1x128x48xf32, #tpu.memory_space<vmem>> -> memref<128x48xf32, #tpu.memory_space<vmem>>
      %dma_start3A_164 = arith.constant 0 : i32
      %dma_start3A_165 = tpu.memref_slice %arg8[%dma_start3A_158, %dma_start3A_159, %dma_start3A_164] : memref<20x2x128xi32, #tpu.memory_space<vmem>> -> memref<1x1x128xi32, #tpu.memory_space<vmem>>
      %dma_start3A_166 = tpu.memref_squeeze %dma_start3A_165 : memref<1x1x128xi32, #tpu.memory_space<vmem>> -> memref<128xi32, #tpu.memory_space<vmem>>
      %dma_start3A_167 = arith.constant 0 : i32
      %dma_start3A_168 = arith.constant 0 : i32
      %dma_start3A_169 = tpu.memref_slice %arg11[%dma_start3A_167, %dma_start3A_168] : memref<10128x48xf32, #tpu.memory_space<vmem_shared>> -> memref<10128x48xf32, #tpu.memory_space<vmem_shared>>
      tpu.enqueue_indirect_dma source(%dma_start3A_163 : memref<128x48xf32, #tpu.memory_space<vmem>>) target(%dma_start3A_169 : memref<10128x48xf32, #tpu.memory_space<vmem_shared>>) offsets(%dma_start3A_166 : memref<128xi32, #tpu.memory_space<vmem>>) semaphore(%arg14 : memref<!tpu.dma_semaphore, #tpu.memory_space<semaphore_mem>>) {add = true}
      %dma_wait3A_170 = arith.constant 0 : i32
      %dma_wait3A_171 = arith.constant 0 : i32
      %dma_wait3A_172 = arith.constant 1 : i32
      %dma_wait3A_173 = arith.constant 0 : i32
      %dma_wait3A_174 = arith.constant 0 : i32
      %dma_wait3A_175 = tpu.memref_slice %arg9[%dma_wait3A_170, %dma_wait3A_173, %dma_wait3A_174] : memref<3x128x48xf32, #tpu.memory_space<vmem>> -> memref<1x128x48xf32, #tpu.memory_space<vmem>>
      %dma_wait3A_176 = tpu.memref_squeeze %dma_wait3A_175 : memref<1x128x48xf32, #tpu.memory_space<vmem>> -> memref<128x48xf32, #tpu.memory_space<vmem>>
      %dma_wait3A_177 = arith.constant 0 : i32
      %dma_wait3A_178 = tpu.memref_slice %arg8[%dma_wait3A_171, %dma_wait3A_172, %dma_wait3A_177] : memref<20x2x128xi32, #tpu.memory_space<vmem>> -> memref<1x1x128xi32, #tpu.memory_space<vmem>>
      %dma_wait3A_179 = tpu.memref_squeeze %dma_wait3A_178 : memref<1x1x128xi32, #tpu.memory_space<vmem>> -> memref<128xi32, #tpu.memory_space<vmem>>
      %dma_wait3A_180 = arith.constant 0 : i32
      %dma_wait3A_181 = arith.constant 0 : i32
      %dma_wait3A_182 = tpu.memref_slice %arg11[%dma_wait3A_180, %dma_wait3A_181] : memref<10128x48xf32, #tpu.memory_space<vmem_shared>> -> memref<10128x48xf32, #tpu.memory_space<vmem_shared>>
      tpu.wait_indirect_dma semaphore(%arg14 : memref<!tpu.dma_semaphore, #tpu.memory_space<semaphore_mem>>) src(%dma_wait3A_176 : memref<128x48xf32, #tpu.memory_space<vmem>>) dst(%dma_wait3A_182 : memref<10128x48xf32, #tpu.memory_space<vmem_shared>>)
      %dma_start3A_183 = arith.constant 4 : i32
      %dma_start3A_184 = arith.constant 0 : i32
      %dma_start3A_185 = arith.constant 1 : i32
      %dma_start3A_186 = arith.constant 0 : i32
      %dma_start3A_187 = arith.constant 0 : i32
      %dma_start3A_188 = tpu.memref_slice %arg9[%dma_start3A_185, %dma_start3A_186, %dma_start3A_187] : memref<3x128x48xf32, #tpu.memory_space<vmem>> -> memref<1x128x48xf32, #tpu.memory_space<vmem>>
      %dma_start3A_189 = tpu.memref_squeeze %dma_start3A_188 : memref<1x128x48xf32, #tpu.memory_space<vmem>> -> memref<128x48xf32, #tpu.memory_space<vmem>>
      %dma_start3A_190 = arith.constant 0 : i32
      %dma_start3A_191 = tpu.memref_slice %arg8[%dma_start3A_183, %dma_start3A_184, %dma_start3A_190] : memref<20x2x128xi32, #tpu.memory_space<vmem>> -> memref<1x1x128xi32, #tpu.memory_space<vmem>>
      %dma_start3A_192 = tpu.memref_squeeze %dma_start3A_191 : memref<1x1x128xi32, #tpu.memory_space<vmem>> -> memref<128xi32, #tpu.memory_space<vmem>>
      %dma_start3A_193 = arith.constant 0 : i32
      %dma_start3A_194 = arith.constant 0 : i32
      %dma_start3A_195 = tpu.memref_slice %arg12[%dma_start3A_193, %dma_start3A_194] : memref<10000x48xf32, #tpu.memory_space<vmem_shared>> -> memref<10000x48xf32, #tpu.memory_space<vmem_shared>>
      tpu.enqueue_indirect_dma source(%dma_start3A_195 : memref<10000x48xf32, #tpu.memory_space<vmem_shared>>) target(%dma_start3A_189 : memref<128x48xf32, #tpu.memory_space<vmem>>) offsets(%dma_start3A_192 : memref<128xi32, #tpu.memory_space<vmem>>) semaphore(%arg15 : memref<!tpu.dma_semaphore, #tpu.memory_space<semaphore_mem>>)
      %dma_wait3A_196 = arith.constant 0 : i32
      %dma_wait3A_197 = arith.constant 0 : i32
      %dma_wait3A_198 = arith.constant 0 : i32
      %dma_wait3A_199 = arith.constant 0 : i32
      %dma_wait3A_200 = arith.constant 0 : i32
      %dma_wait3A_201 = tpu.memref_slice %arg9[%dma_wait3A_198, %dma_wait3A_199, %dma_wait3A_200] : memref<3x128x48xf32, #tpu.memory_space<vmem>> -> memref<1x128x48xf32, #tpu.memory_space<vmem>>
      %dma_wait3A_202 = tpu.memref_squeeze %dma_wait3A_201 : memref<1x128x48xf32, #tpu.memory_space<vmem>> -> memref<128x48xf32, #tpu.memory_space<vmem>>
      %dma_wait3A_203 = arith.constant 0 : i32
      %dma_wait3A_204 = tpu.memref_slice %arg8[%dma_wait3A_196, %dma_wait3A_197, %dma_wait3A_203] : memref<20x2x128xi32, #tpu.memory_space<vmem>> -> memref<1x1x128xi32, #tpu.memory_space<vmem>>
      %dma_wait3A_205 = tpu.memref_squeeze %dma_wait3A_204 : memref<1x1x128xi32, #tpu.memory_space<vmem>> -> memref<128xi32, #tpu.memory_space<vmem>>
      %dma_wait3A_206 = arith.constant 0 : i32
      %dma_wait3A_207 = arith.constant 0 : i32
      %dma_wait3A_208 = tpu.memref_slice %arg12[%dma_wait3A_206, %dma_wait3A_207] : memref<10000x48xf32, #tpu.memory_space<vmem_shared>> -> memref<10000x48xf32, #tpu.memory_space<vmem_shared>>
      tpu.wait_indirect_dma semaphore(%arg15 : memref<!tpu.dma_semaphore, #tpu.memory_space<semaphore_mem>>) src(%dma_wait3A_208 : memref<10000x48xf32, #tpu.memory_space<vmem_shared>>) dst(%dma_wait3A_202 : memref<128x48xf32, #tpu.memory_space<vmem>>)
      %dma_start3A_209 = arith.constant 0 : i32
      %dma_start3A_210 = arith.constant 3 : i32
      %dma_start3A_211 = arith.constant 1 : i32
      %dma_start3A_212 = arith.constant 0 : i32
      %dma_start3A_213 = arith.constant 0 : i32
      %dma_start3A_214 = tpu.memref_slice %arg9[%dma_start3A_209, %dma_start3A_212, %dma_start3A_213] : memref<3x128x48xf32, #tpu.memory_space<vmem>> -> memref<1x128x48xf32, #tpu.memory_space<vmem>>
      %dma_start3A_215 = tpu.memref_squeeze %dma_start3A_214 : memref<1x128x48xf32, #tpu.memory_space<vmem>> -> memref<128x48xf32, #tpu.memory_space<vmem>>
      %dma_start3A_216 = arith.constant 0 : i32
      %dma_start3A_217 = tpu.memref_slice %arg8[%dma_start3A_210, %dma_start3A_211, %dma_start3A_216] : memref<20x2x128xi32, #tpu.memory_space<vmem>> -> memref<1x1x128xi32, #tpu.memory_space<vmem>>
      %dma_start3A_218 = tpu.memref_squeeze %dma_start3A_217 : memref<1x1x128xi32, #tpu.memory_space<vmem>> -> memref<128xi32, #tpu.memory_space<vmem>>
      %dma_start3A_219 = arith.constant 0 : i32
      %dma_start3A_220 = arith.constant 0 : i32
      %dma_start3A_221 = tpu.memref_slice %arg11[%dma_start3A_219, %dma_start3A_220] : memref<10128x48xf32, #tpu.memory_space<vmem_shared>> -> memref<10128x48xf32, #tpu.memory_space<vmem_shared>>
      tpu.enqueue_indirect_dma source(%dma_start3A_215 : memref<128x48xf32, #tpu.memory_space<vmem>>) target(%dma_start3A_221 : memref<10128x48xf32, #tpu.memory_space<vmem_shared>>) offsets(%dma_start3A_218 : memref<128xi32, #tpu.memory_space<vmem>>) semaphore(%arg14 : memref<!tpu.dma_semaphore, #tpu.memory_space<semaphore_mem>>) {add = true}
      %dma_wait3A_222 = arith.constant 0 : i32
      %dma_wait3A_223 = arith.constant 0 : i32
      %dma_wait3A_224 = arith.constant 1 : i32
      %dma_wait3A_225 = arith.constant 0 : i32
      %dma_wait3A_226 = arith.constant 0 : i32
      %dma_wait3A_227 = tpu.memref_slice %arg9[%dma_wait3A_222, %dma_wait3A_225, %dma_wait3A_226] : memref<3x128x48xf32, #tpu.memory_space<vmem>> -> memref<1x128x48xf32, #tpu.memory_space<vmem>>
      %dma_wait3A_228 = tpu.memref_squeeze %dma_wait3A_227 : memref<1x128x48xf32, #tpu.memory_space<vmem>> -> memref<128x48xf32, #tpu.memory_space<vmem>>
      %dma_wait3A_229 = arith.constant 0 : i32
      %dma_wait3A_230 = tpu.memref_slice %arg8[%dma_wait3A_223, %dma_wait3A_224, %dma_wait3A_229] : memref<20x2x128xi32, #tpu.memory_space<vmem>> -> memref<1x1x128xi32, #tpu.memory_space<vmem>>
      %dma_wait3A_231 = tpu.memref_squeeze %dma_wait3A_230 : memref<1x1x128xi32, #tpu.memory_space<vmem>> -> memref<128xi32, #tpu.memory_space<vmem>>
      %dma_wait3A_232 = arith.constant 0 : i32
      %dma_wait3A_233 = arith.constant 0 : i32
      %dma_wait3A_234 = tpu.memref_slice %arg11[%dma_wait3A_232, %dma_wait3A_233] : memref<10128x48xf32, #tpu.memory_space<vmem_shared>> -> memref<10128x48xf32, #tpu.memory_space<vmem_shared>>
      tpu.wait_indirect_dma semaphore(%arg14 : memref<!tpu.dma_semaphore, #tpu.memory_space<semaphore_mem>>) src(%dma_wait3A_228 : memref<128x48xf32, #tpu.memory_space<vmem>>) dst(%dma_wait3A_234 : memref<10128x48xf32, #tpu.memory_space<vmem_shared>>)
      %dma_start3A_235 = arith.constant 5 : i32
      %dma_start3A_236 = arith.constant 0 : i32
      %dma_start3A_237 = arith.constant 2 : i32
      %dma_start3A_238 = arith.constant 0 : i32
      %dma_start3A_239 = arith.constant 0 : i32
      %dma_start3A_240 = tpu.memref_slice %arg9[%dma_start3A_237, %dma_start3A_238, %dma_start3A_239] : memref<3x128x48xf32, #tpu.memory_space<vmem>> -> memref<1x128x48xf32, #tpu.memory_space<vmem>>
      %dma_start3A_241 = tpu.memref_squeeze %dma_start3A_240 : memref<1x128x48xf32, #tpu.memory_space<vmem>> -> memref<128x48xf32, #tpu.memory_space<vmem>>
      %dma_start3A_242 = arith.constant 0 : i32
      %dma_start3A_243 = tpu.memref_slice %arg8[%dma_start3A_235, %dma_start3A_236, %dma_start3A_242] : memref<20x2x128xi32, #tpu.memory_space<vmem>> -> memref<1x1x128xi32, #tpu.memory_space<vmem>>
      %dma_start3A_244 = tpu.memref_squeeze %dma_start3A_243 : memref<1x1x128xi32, #tpu.memory_space<vmem>> -> memref<128xi32, #tpu.memory_space<vmem>>
      %dma_start3A_245 = arith.constant 0 : i32
      %dma_start3A_246 = arith.constant 0 : i32
      %dma_start3A_247 = tpu.memref_slice %arg12[%dma_start3A_245, %dma_start3A_246] : memref<10000x48xf32, #tpu.memory_space<vmem_shared>> -> memref<10000x48xf32, #tpu.memory_space<vmem_shared>>
      tpu.enqueue_indirect_dma source(%dma_start3A_247 : memref<10000x48xf32, #tpu.memory_space<vmem_shared>>) target(%dma_start3A_241 : memref<128x48xf32, #tpu.memory_space<vmem>>) offsets(%dma_start3A_244 : memref<128xi32, #tpu.memory_space<vmem>>) semaphore(%arg15 : memref<!tpu.dma_semaphore, #tpu.memory_space<semaphore_mem>>)
      %dma_wait3A_248 = arith.constant 0 : i32
      %dma_wait3A_249 = arith.constant 0 : i32
      %dma_wait3A_250 = arith.constant 0 : i32
      %dma_wait3A_251 = arith.constant 0 : i32
      %dma_wait3A_252 = arith.constant 0 : i32
      %dma_wait3A_253 = tpu.memref_slice %arg9[%dma_wait3A_250, %dma_wait3A_251, %dma_wait3A_252] : memref<3x128x48xf32, #tpu.memory_space<vmem>> -> memref<1x128x48xf32, #tpu.memory_space<vmem>>
      %dma_wait3A_254 = tpu.memref_squeeze %dma_wait3A_253 : memref<1x128x48xf32, #tpu.memory_space<vmem>> -> memref<128x48xf32, #tpu.memory_space<vmem>>
      %dma_wait3A_255 = arith.constant 0 : i32
      %dma_wait3A_256 = tpu.memref_slice %arg8[%dma_wait3A_248, %dma_wait3A_249, %dma_wait3A_255] : memref<20x2x128xi32, #tpu.memory_space<vmem>> -> memref<1x1x128xi32, #tpu.memory_space<vmem>>
      %dma_wait3A_257 = tpu.memref_squeeze %dma_wait3A_256 : memref<1x1x128xi32, #tpu.memory_space<vmem>> -> memref<128xi32, #tpu.memory_space<vmem>>
      %dma_wait3A_258 = arith.constant 0 : i32
      %dma_wait3A_259 = arith.constant 0 : i32
      %dma_wait3A_260 = tpu.memref_slice %arg12[%dma_wait3A_258, %dma_wait3A_259] : memref<10000x48xf32, #tpu.memory_space<vmem_shared>> -> memref<10000x48xf32, #tpu.memory_space<vmem_shared>>
      tpu.wait_indirect_dma semaphore(%arg15 : memref<!tpu.dma_semaphore, #tpu.memory_space<semaphore_mem>>) src(%dma_wait3A_260 : memref<10000x48xf32, #tpu.memory_space<vmem_shared>>) dst(%dma_wait3A_254 : memref<128x48xf32, #tpu.memory_space<vmem>>)
      %dma_start3A_261 = arith.constant 1 : i32
      %dma_start3A_262 = arith.constant 4 : i32
      %dma_start3A_263 = arith.constant 1 : i32
      %dma_start3A_264 = arith.constant 0 : i32
      %dma_start3A_265 = arith.constant 0 : i32
      %dma_start3A_266 = tpu.memref_slice %arg9[%dma_start3A_261, %dma_start3A_264, %dma_start3A_265] : memref<3x128x48xf32, #tpu.memory_space<vmem>> -> memref<1x128x48xf32, #tpu.memory_space<vmem>>
      %dma_start3A_267 = tpu.memref_squeeze %dma_start3A_266 : memref<1x128x48xf32, #tpu.memory_space<vmem>> -> memref<128x48xf32, #tpu.memory_space<vmem>>
      %dma_start3A_268 = arith.constant 0 : i32
      %dma_start3A_269 = tpu.memref_slice %arg8[%dma_start3A_262, %dma_start3A_263, %dma_start3A_268] : memref<20x2x128xi32, #tpu.memory_space<vmem>> -> memref<1x1x128xi32, #tpu.memory_space<vmem>>
      %dma_start3A_270 = tpu.memref_squeeze %dma_start3A_269 : memref<1x1x128xi32, #tpu.memory_space<vmem>> -> memref<128xi32, #tpu.memory_space<vmem>>
      %dma_start3A_271 = arith.constant 0 : i32
      %dma_start3A_272 = arith.constant 0 : i32
      %dma_start3A_273 = tpu.memref_slice %arg11[%dma_start3A_271, %dma_start3A_272] : memref<10128x48xf32, #tpu.memory_space<vmem_shared>> -> memref<10128x48xf32, #tpu.memory_space<vmem_shared>>
      tpu.enqueue_indirect_dma source(%dma_start3A_267 : memref<128x48xf32, #tpu.memory_space<vmem>>) target(%dma_start3A_273 : memref<10128x48xf32, #tpu.memory_space<vmem_shared>>) offsets(%dma_start3A_270 : memref<128xi32, #tpu.memory_space<vmem>>) semaphore(%arg14 : memref<!tpu.dma_semaphore, #tpu.memory_space<semaphore_mem>>) {add = true}
      %dma_wait3A_274 = arith.constant 0 : i32
      %dma_wait3A_275 = arith.constant 0 : i32
      %dma_wait3A_276 = arith.constant 1 : i32
      %dma_wait3A_277 = arith.constant 0 : i32
      %dma_wait3A_278 = arith.constant 0 : i32
      %dma_wait3A_279 = tpu.memref_slice %arg9[%dma_wait3A_274, %dma_wait3A_277, %dma_wait3A_278] : memref<3x128x48xf32, #tpu.memory_space<vmem>> -> memref<1x128x48xf32, #tpu.memory_space<vmem>>
      %dma_wait3A_280 = tpu.memref_squeeze %dma_wait3A_279 : memref<1x128x48xf32, #tpu.memory_space<vmem>> -> memref<128x48xf32, #tpu.memory_space<vmem>>
      %dma_wait3A_281 = arith.constant 0 : i32
      %dma_wait3A_282 = tpu.memref_slice %arg8[%dma_wait3A_275, %dma_wait3A_276, %dma_wait3A_281] : memref<20x2x128xi32, #tpu.memory_space<vmem>> -> memref<1x1x128xi32, #tpu.memory_space<vmem>>
      %dma_wait3A_283 = tpu.memref_squeeze %dma_wait3A_282 : memref<1x1x128xi32, #tpu.memory_space<vmem>> -> memref<128xi32, #tpu.memory_space<vmem>>
      %dma_wait3A_284 = arith.constant 0 : i32
      %dma_wait3A_285 = arith.constant 0 : i32
      %dma_wait3A_286 = tpu.memref_slice %arg11[%dma_wait3A_284, %dma_wait3A_285] : memref<10128x48xf32, #tpu.memory_space<vmem_shared>> -> memref<10128x48xf32, #tpu.memory_space<vmem_shared>>
      tpu.wait_indirect_dma semaphore(%arg14 : memref<!tpu.dma_semaphore, #tpu.memory_space<semaphore_mem>>) src(%dma_wait3A_280 : memref<128x48xf32, #tpu.memory_space<vmem>>) dst(%dma_wait3A_286 : memref<10128x48xf32, #tpu.memory_space<vmem_shared>>)
      %dma_start3A_287 = arith.constant 6 : i32
      %dma_start3A_288 = arith.constant 0 : i32
      %dma_start3A_289 = arith.constant 0 : i32
      %dma_start3A_290 = arith.constant 0 : i32
      %dma_start3A_291 = arith.constant 0 : i32
      %dma_start3A_292 = tpu.memref_slice %arg9[%dma_start3A_289, %dma_start3A_290, %dma_start3A_291] : memref<3x128x48xf32, #tpu.memory_space<vmem>> -> memref<1x128x48xf32, #tpu.memory_space<vmem>>
      %dma_start3A_293 = tpu.memref_squeeze %dma_start3A_292 : memref<1x128x48xf32, #tpu.memory_space<vmem>> -> memref<128x48xf32, #tpu.memory_space<vmem>>
      %dma_start3A_294 = arith.constant 0 : i32
      %dma_start3A_295 = tpu.memref_slice %arg8[%dma_start3A_287, %dma_start3A_288, %dma_start3A_294] : memref<20x2x128xi32, #tpu.memory_space<vmem>> -> memref<1x1x128xi32, #tpu.memory_space<vmem>>
      %dma_start3A_296 = tpu.memref_squeeze %dma_start3A_295 : memref<1x1x128xi32, #tpu.memory_space<vmem>> -> memref<128xi32, #tpu.memory_space<vmem>>
      %dma_start3A_297 = arith.constant 0 : i32
      %dma_start3A_298 = arith.constant 0 : i32
      %dma_start3A_299 = tpu.memref_slice %arg12[%dma_start3A_297, %dma_start3A_298] : memref<10000x48xf32, #tpu.memory_space<vmem_shared>> -> memref<10000x48xf32, #tpu.memory_space<vmem_shared>>
      tpu.enqueue_indirect_dma source(%dma_start3A_299 : memref<10000x48xf32, #tpu.memory_space<vmem_shared>>) target(%dma_start3A_293 : memref<128x48xf32, #tpu.memory_space<vmem>>) offsets(%dma_start3A_296 : memref<128xi32, #tpu.memory_space<vmem>>) semaphore(%arg15 : memref<!tpu.dma_semaphore, #tpu.memory_space<semaphore_mem>>)
      %dma_wait3A_300 = arith.constant 0 : i32
      %dma_wait3A_301 = arith.constant 0 : i32
      %dma_wait3A_302 = arith.constant 0 : i32
      %dma_wait3A_303 = arith.constant 0 : i32
      %dma_wait3A_304 = arith.constant 0 : i32
      %dma_wait3A_305 = tpu.memref_slice %arg9[%dma_wait3A_302, %dma_wait3A_303, %dma_wait3A_304] : memref<3x128x48xf32, #tpu.memory_space<vmem>> -> memref<1x128x48xf32, #tpu.memory_space<vmem>>
      %dma_wait3A_306 = tpu.memref_squeeze %dma_wait3A_305 : memref<1x128x48xf32, #tpu.memory_space<vmem>> -> memref<128x48xf32, #tpu.memory_space<vmem>>
      %dma_wait3A_307 = arith.constant 0 : i32
      %dma_wait3A_308 = tpu.memref_slice %arg8[%dma_wait3A_300, %dma_wait3A_301, %dma_wait3A_307] : memref<20x2x128xi32, #tpu.memory_space<vmem>> -> memref<1x1x128xi32, #tpu.memory_space<vmem>>
      %dma_wait3A_309 = tpu.memref_squeeze %dma_wait3A_308 : memref<1x1x128xi32, #tpu.memory_space<vmem>> -> memref<128xi32, #tpu.memory_space<vmem>>
      %dma_wait3A_310 = arith.constant 0 : i32
      %dma_wait3A_311 = arith.constant 0 : i32
      %dma_wait3A_312 = tpu.memref_slice %arg12[%dma_wait3A_310, %dma_wait3A_311] : memref<10000x48xf32, #tpu.memory_space<vmem_shared>> -> memref<10000x48xf32, #tpu.memory_space<vmem_shared>>
      tpu.wait_indirect_dma semaphore(%arg15 : memref<!tpu.dma_semaphore, #tpu.memory_space<semaphore_mem>>) src(%dma_wait3A_312 : memref<10000x48xf32, #tpu.memory_space<vmem_shared>>) dst(%dma_wait3A_306 : memref<128x48xf32, #tpu.memory_space<vmem>>)
      %dma_start3A_313 = arith.constant 2 : i32
      %dma_start3A_314 = arith.constant 5 : i32
      %dma_start3A_315 = arith.constant 1 : i32
      %dma_start3A_316 = arith.constant 0 : i32
      %dma_start3A_317 = arith.constant 0 : i32
      %dma_start3A_318 = tpu.memref_slice %arg9[%dma_start3A_313, %dma_start3A_316, %dma_start3A_317] : memref<3x128x48xf32, #tpu.memory_space<vmem>> -> memref<1x128x48xf32, #tpu.memory_space<vmem>>
      %dma_start3A_319 = tpu.memref_squeeze %dma_start3A_318 : memref<1x128x48xf32, #tpu.memory_space<vmem>> -> memref<128x48xf32, #tpu.memory_space<vmem>>
      %dma_start3A_320 = arith.constant 0 : i32
      %dma_start3A_321 = tpu.memref_slice %arg8[%dma_start3A_314, %dma_start3A_315, %dma_start3A_320] : memref<20x2x128xi32, #tpu.memory_space<vmem>> -> memref<1x1x128xi32, #tpu.memory_space<vmem>>
      %dma_start3A_322 = tpu.memref_squeeze %dma_start3A_321 : memref<1x1x128xi32, #tpu.memory_space<vmem>> -> memref<128xi32, #tpu.memory_space<vmem>>
      %dma_start3A_323 = arith.constant 0 : i32
      %dma_start3A_324 = arith.constant 0 : i32
      %dma_start3A_325 = tpu.memref_slice %arg11[%dma_start3A_323, %dma_start3A_324] : memref<10128x48xf32, #tpu.memory_space<vmem_shared>> -> memref<10128x48xf32, #tpu.memory_space<vmem_shared>>
      tpu.enqueue_indirect_dma source(%dma_start3A_319 : memref<128x48xf32, #tpu.memory_space<vmem>>) target(%dma_start3A_325 : memref<10128x48xf32, #tpu.memory_space<vmem_shared>>) offsets(%dma_start3A_322 : memref<128xi32, #tpu.memory_space<vmem>>) semaphore(%arg14 : memref<!tpu.dma_semaphore, #tpu.memory_space<semaphore_mem>>) {add = true}
      %dma_wait3A_326 = arith.constant 0 : i32
      %dma_wait3A_327 = arith.constant 0 : i32
      %dma_wait3A_328 = arith.constant 1 : i32
      %dma_wait3A_329 = arith.constant 0 : i32
      %dma_wait3A_330 = arith.constant 0 : i32
      %dma_wait3A_331 = tpu.memref_slice %arg9[%dma_wait3A_326, %dma_wait3A_329, %dma_wait3A_330] : memref<3x128x48xf32, #tpu.memory_space<vmem>> -> memref<1x128x48xf32, #tpu.memory_space<vmem>>
      %dma_wait3A_332 = tpu.memref_squeeze %dma_wait3A_331 : memref<1x128x48xf32, #tpu.memory_space<vmem>> -> memref<128x48xf32, #tpu.memory_space<vmem>>
      %dma_wait3A_333 = arith.constant 0 : i32
      %dma_wait3A_334 = tpu.memref_slice %arg8[%dma_wait3A_327, %dma_wait3A_328, %dma_wait3A_333] : memref<20x2x128xi32, #tpu.memory_space<vmem>> -> memref<1x1x128xi32, #tpu.memory_space<vmem>>
      %dma_wait3A_335 = tpu.memref_squeeze %dma_wait3A_334 : memref<1x1x128xi32, #tpu.memory_space<vmem>> -> memref<128xi32, #tpu.memory_space<vmem>>
      %dma_wait3A_336 = arith.constant 0 : i32
      %dma_wait3A_337 = arith.constant 0 : i32
      %dma_wait3A_338 = tpu.memref_slice %arg11[%dma_wait3A_336, %dma_wait3A_337] : memref<10128x48xf32, #tpu.memory_space<vmem_shared>> -> memref<10128x48xf32, #tpu.memory_space<vmem_shared>>
      tpu.wait_indirect_dma semaphore(%arg14 : memref<!tpu.dma_semaphore, #tpu.memory_space<semaphore_mem>>) src(%dma_wait3A_332 : memref<128x48xf32, #tpu.memory_space<vmem>>) dst(%dma_wait3A_338 : memref<10128x48xf32, #tpu.memory_space<vmem_shared>>)
      %dma_start3A_339 = arith.constant 7 : i32
      %dma_start3A_340 = arith.constant 0 : i32
      %dma_start3A_341 = arith.constant 1 : i32
      %dma_start3A_342 = arith.constant 0 : i32
      %dma_start3A_343 = arith.constant 0 : i32
      %dma_start3A_344 = tpu.memref_slice %arg9[%dma_start3A_341, %dma_start3A_342, %dma_start3A_343] : memref<3x128x48xf32, #tpu.memory_space<vmem>> -> memref<1x128x48xf32, #tpu.memory_space<vmem>>
      %dma_start3A_345 = tpu.memref_squeeze %dma_start3A_344 : memref<1x128x48xf32, #tpu.memory_space<vmem>> -> memref<128x48xf32, #tpu.memory_space<vmem>>
      %dma_start3A_346 = arith.constant 0 : i32
      %dma_start3A_347 = tpu.memref_slice %arg8[%dma_start3A_339, %dma_start3A_340, %dma_start3A_346] : memref<20x2x128xi32, #tpu.memory_space<vmem>> -> memref<1x1x128xi32, #tpu.memory_space<vmem>>
      %dma_start3A_348 = tpu.memref_squeeze %dma_start3A_347 : memref<1x1x128xi32, #tpu.memory_space<vmem>> -> memref<128xi32, #tpu.memory_space<vmem>>
      %dma_start3A_349 = arith.constant 0 : i32
      %dma_start3A_350 = arith.constant 0 : i32
      %dma_start3A_351 = tpu.memref_slice %arg12[%dma_start3A_349, %dma_start3A_350] : memref<10000x48xf32, #tpu.memory_space<vmem_shared>> -> memref<10000x48xf32, #tpu.memory_space<vmem_shared>>
      tpu.enqueue_indirect_dma source(%dma_start3A_351 : memref<10000x48xf32, #tpu.memory_space<vmem_shared>>) target(%dma_start3A_345 : memref<128x48xf32, #tpu.memory_space<vmem>>) offsets(%dma_start3A_348 : memref<128xi32, #tpu.memory_space<vmem>>) semaphore(%arg15 : memref<!tpu.dma_semaphore, #tpu.memory_space<semaphore_mem>>)
      %dma_wait3A_352 = arith.constant 0 : i32
      %dma_wait3A_353 = arith.constant 0 : i32
      %dma_wait3A_354 = arith.constant 0 : i32
      %dma_wait3A_355 = arith.constant 0 : i32
      %dma_wait3A_356 = arith.constant 0 : i32
      %dma_wait3A_357 = tpu.memref_slice %arg9[%dma_wait3A_354, %dma_wait3A_355, %dma_wait3A_356] : memref<3x128x48xf32, #tpu.memory_space<vmem>> -> memref<1x128x48xf32, #tpu.memory_space<vmem>>
      %dma_wait3A_358 = tpu.memref_squeeze %dma_wait3A_357 : memref<1x128x48xf32, #tpu.memory_space<vmem>> -> memref<128x48xf32, #tpu.memory_space<vmem>>
      %dma_wait3A_359 = arith.constant 0 : i32
      %dma_wait3A_360 = tpu.memref_slice %arg8[%dma_wait3A_352, %dma_wait3A_353, %dma_wait3A_359] : memref<20x2x128xi32, #tpu.memory_space<vmem>> -> memref<1x1x128xi32, #tpu.memory_space<vmem>>
      %dma_wait3A_361 = tpu.memref_squeeze %dma_wait3A_360 : memref<1x1x128xi32, #tpu.memory_space<vmem>> -> memref<128xi32, #tpu.memory_space<vmem>>
      %dma_wait3A_362 = arith.constant 0 : i32
      %dma_wait3A_363 = arith.constant 0 : i32
      %dma_wait3A_364 = tpu.memref_slice %arg12[%dma_wait3A_362, %dma_wait3A_363] : memref<10000x48xf32, #tpu.memory_space<vmem_shared>> -> memref<10000x48xf32, #tpu.memory_space<vmem_shared>>
      tpu.wait_indirect_dma semaphore(%arg15 : memref<!tpu.dma_semaphore, #tpu.memory_space<semaphore_mem>>) src(%dma_wait3A_364 : memref<10000x48xf32, #tpu.memory_space<vmem_shared>>) dst(%dma_wait3A_358 : memref<128x48xf32, #tpu.memory_space<vmem>>)
      %dma_start3A_365 = arith.constant 0 : i32
      %dma_start3A_366 = arith.constant 6 : i32
      %dma_start3A_367 = arith.constant 1 : i32
      %dma_start3A_368 = arith.constant 0 : i32
      %dma_start3A_369 = arith.constant 0 : i32
      %dma_start3A_370 = tpu.memref_slice %arg9[%dma_start3A_365, %dma_start3A_368, %dma_start3A_369] : memref<3x128x48xf32, #tpu.memory_space<vmem>> -> memref<1x128x48xf32, #tpu.memory_space<vmem>>
      %dma_start3A_371 = tpu.memref_squeeze %dma_start3A_370 : memref<1x128x48xf32, #tpu.memory_space<vmem>> -> memref<128x48xf32, #tpu.memory_space<vmem>>
      %dma_start3A_372 = arith.constant 0 : i32
      %dma_start3A_373 = tpu.memref_slice %arg8[%dma_start3A_366, %dma_start3A_367, %dma_start3A_372] : memref<20x2x128xi32, #tpu.memory_space<vmem>> -> memref<1x1x128xi32, #tpu.memory_space<vmem>>
      %dma_start3A_374 = tpu.memref_squeeze %dma_start3A_373 : memref<1x1x128xi32, #tpu.memory_space<vmem>> -> memref<128xi32, #tpu.memory_space<vmem>>
      %dma_start3A_375 = arith.constant 0 : i32
      %dma_start3A_376 = arith.constant 0 : i32
      %dma_start3A_377 = tpu.memref_slice %arg11[%dma_start3A_375, %dma_start3A_376] : memref<10128x48xf32, #tpu.memory_space<vmem_shared>> -> memref<10128x48xf32, #tpu.memory_space<vmem_shared>>
      tpu.enqueue_indirect_dma source(%dma_start3A_371 : memref<128x48xf32, #tpu.memory_space<vmem>>) target(%dma_start3A_377 : memref<10128x48xf32, #tpu.memory_space<vmem_shared>>) offsets(%dma_start3A_374 : memref<128xi32, #tpu.memory_space<vmem>>) semaphore(%arg14 : memref<!tpu.dma_semaphore, #tpu.memory_space<semaphore_mem>>) {add = true}
      %dma_wait3A_378 = arith.constant 0 : i32
      %dma_wait3A_379 = arith.constant 0 : i32
      %dma_wait3A_380 = arith.constant 1 : i32
      %dma_wait3A_381 = arith.constant 0 : i32
      %dma_wait3A_382 = arith.constant 0 : i32
      %dma_wait3A_383 = tpu.memref_slice %arg9[%dma_wait3A_378, %dma_wait3A_381, %dma_wait3A_382] : memref<3x128x48xf32, #tpu.memory_space<vmem>> -> memref<1x128x48xf32, #tpu.memory_space<vmem>>
      %dma_wait3A_384 = tpu.memref_squeeze %dma_wait3A_383 : memref<1x128x48xf32, #tpu.memory_space<vmem>> -> memref<128x48xf32, #tpu.memory_space<vmem>>
      %dma_wait3A_385 = arith.constant 0 : i32
      %dma_wait3A_386 = tpu.memref_slice %arg8[%dma_wait3A_379, %dma_wait3A_380, %dma_wait3A_385] : memref<20x2x128xi32, #tpu.memory_space<vmem>> -> memref<1x1x128xi32, #tpu.memory_space<vmem>>
      %dma_wait3A_387 = tpu.memref_squeeze %dma_wait3A_386 : memref<1x1x128xi32, #tpu.memory_space<vmem>> -> memref<128xi32, #tpu.memory_space<vmem>>
      %dma_wait3A_388 = arith.constant 0 : i32
      %dma_wait3A_389 = arith.constant 0 : i32
      %dma_wait3A_390 = tpu.memref_slice %arg11[%dma_wait3A_388, %dma_wait3A_389] : memref<10128x48xf32, #tpu.memory_space<vmem_shared>> -> memref<10128x48xf32, #tpu.memory_space<vmem_shared>>
      tpu.wait_indirect_dma semaphore(%arg14 : memref<!tpu.dma_semaphore, #tpu.memory_space<semaphore_mem>>) src(%dma_wait3A_384 : memref<128x48xf32, #tpu.memory_space<vmem>>) dst(%dma_wait3A_390 : memref<10128x48xf32, #tpu.memory_space<vmem_shared>>)
      %dma_start3A_391 = arith.constant 8 : i32
      %dma_start3A_392 = arith.constant 0 : i32
      %dma_start3A_393 = arith.constant 2 : i32
      %dma_start3A_394 = arith.constant 0 : i32
      %dma_start3A_395 = arith.constant 0 : i32
      %dma_start3A_396 = tpu.memref_slice %arg9[%dma_start3A_393, %dma_start3A_394, %dma_start3A_395] : memref<3x128x48xf32, #tpu.memory_space<vmem>> -> memref<1x128x48xf32, #tpu.memory_space<vmem>>
      %dma_start3A_397 = tpu.memref_squeeze %dma_start3A_396 : memref<1x128x48xf32, #tpu.memory_space<vmem>> -> memref<128x48xf32, #tpu.memory_space<vmem>>
      %dma_start3A_398 = arith.constant 0 : i32
      %dma_start3A_399 = tpu.memref_slice %arg8[%dma_start3A_391, %dma_start3A_392, %dma_start3A_398] : memref<20x2x128xi32, #tpu.memory_space<vmem>> -> memref<1x1x128xi32, #tpu.memory_space<vmem>>
      %dma_start3A_400 = tpu.memref_squeeze %dma_start3A_399 : memref<1x1x128xi32, #tpu.memory_space<vmem>> -> memref<128xi32, #tpu.memory_space<vmem>>
      %dma_start3A_401 = arith.constant 0 : i32
      %dma_start3A_402 = arith.constant 0 : i32
      %dma_start3A_403 = tpu.memref_slice %arg12[%dma_start3A_401, %dma_start3A_402] : memref<10000x48xf32, #tpu.memory_space<vmem_shared>> -> memref<10000x48xf32, #tpu.memory_space<vmem_shared>>
      tpu.enqueue_indirect_dma source(%dma_start3A_403 : memref<10000x48xf32, #tpu.memory_space<vmem_shared>>) target(%dma_start3A_397 : memref<128x48xf32, #tpu.memory_space<vmem>>) offsets(%dma_start3A_400 : memref<128xi32, #tpu.memory_space<vmem>>) semaphore(%arg15 : memref<!tpu.dma_semaphore, #tpu.memory_space<semaphore_mem>>)
      %dma_wait3A_404 = arith.constant 0 : i32
      %dma_wait3A_405 = arith.constant 0 : i32
      %dma_wait3A_406 = arith.constant 0 : i32
      %dma_wait3A_407 = arith.constant 0 : i32
      %dma_wait3A_408 = arith.constant 0 : i32
      %dma_wait3A_409 = tpu.memref_slice %arg9[%dma_wait3A_406, %dma_wait3A_407, %dma_wait3A_408] : memref<3x128x48xf32, #tpu.memory_space<vmem>> -> memref<1x128x48xf32, #tpu.memory_space<vmem>>
      %dma_wait3A_410 = tpu.memref_squeeze %dma_wait3A_409 : memref<1x128x48xf32, #tpu.memory_space<vmem>> -> memref<128x48xf32, #tpu.memory_space<vmem>>
      %dma_wait3A_411 = arith.constant 0 : i32
      %dma_wait3A_412 = tpu.memref_slice %arg8[%dma_wait3A_404, %dma_wait3A_405, %dma_wait3A_411] : memref<20x2x128xi32, #tpu.memory_space<vmem>> -> memref<1x1x128xi32, #tpu.memory_space<vmem>>
      %dma_wait3A_413 = tpu.memref_squeeze %dma_wait3A_412 : memref<1x1x128xi32, #tpu.memory_space<vmem>> -> memref<128xi32, #tpu.memory_space<vmem>>
      %dma_wait3A_414 = arith.constant 0 : i32
      %dma_wait3A_415 = arith.constant 0 : i32
      %dma_wait3A_416 = tpu.memref_slice %arg12[%dma_wait3A_414, %dma_wait3A_415] : memref<10000x48xf32, #tpu.memory_space<vmem_shared>> -> memref<10000x48xf32, #tpu.memory_space<vmem_shared>>
      tpu.wait_indirect_dma semaphore(%arg15 : memref<!tpu.dma_semaphore, #tpu.memory_space<semaphore_mem>>) src(%dma_wait3A_416 : memref<10000x48xf32, #tpu.memory_space<vmem_shared>>) dst(%dma_wait3A_410 : memref<128x48xf32, #tpu.memory_space<vmem>>)
      %dma_start3A_417 = arith.constant 1 : i32
      %dma_start3A_418 = arith.constant 7 : i32
      %dma_start3A_419 = arith.constant 1 : i32
      %dma_start3A_420 = arith.constant 0 : i32
      %dma_start3A_421 = arith.constant 0 : i32
      %dma_start3A_422 = tpu.memref_slice %arg9[%dma_start3A_417, %dma_start3A_420, %dma_start3A_421] : memref<3x128x48xf32, #tpu.memory_space<vmem>> -> memref<1x128x48xf32, #tpu.memory_space<vmem>>
      %dma_start3A_423 = tpu.memref_squeeze %dma_start3A_422 : memref<1x128x48xf32, #tpu.memory_space<vmem>> -> memref<128x48xf32, #tpu.memory_space<vmem>>
      %dma_start3A_424 = arith.constant 0 : i32
      %dma_start3A_425 = tpu.memref_slice %arg8[%dma_start3A_418, %dma_start3A_419, %dma_start3A_424] : memref<20x2x128xi32, #tpu.memory_space<vmem>> -> memref<1x1x128xi32, #tpu.memory_space<vmem>>
      %dma_start3A_426 = tpu.memref_squeeze %dma_start3A_425 : memref<1x1x128xi32, #tpu.memory_space<vmem>> -> memref<128xi32, #tpu.memory_space<vmem>>
      %dma_start3A_427 = arith.constant 0 : i32
      %dma_start3A_428 = arith.constant 0 : i32
      %dma_start3A_429 = tpu.memref_slice %arg11[%dma_start3A_427, %dma_start3A_428] : memref<10128x48xf32, #tpu.memory_space<vmem_shared>> -> memref<10128x48xf32, #tpu.memory_space<vmem_shared>>
      tpu.enqueue_indirect_dma source(%dma_start3A_423 : memref<128x48xf32, #tpu.memory_space<vmem>>) target(%dma_start3A_429 : memref<10128x48xf32, #tpu.memory_space<vmem_shared>>) offsets(%dma_start3A_426 : memref<128xi32, #tpu.memory_space<vmem>>) semaphore(%arg14 : memref<!tpu.dma_semaphore, #tpu.memory_space<semaphore_mem>>) {add = true}
      %dma_wait3A_430 = arith.constant 0 : i32
      %dma_wait3A_431 = arith.constant 0 : i32
      %dma_wait3A_432 = arith.constant 1 : i32
      %dma_wait3A_433 = arith.constant 0 : i32
      %dma_wait3A_434 = arith.constant 0 : i32
      %dma_wait3A_435 = tpu.memref_slice %arg9[%dma_wait3A_430, %dma_wait3A_433, %dma_wait3A_434] : memref<3x128x48xf32, #tpu.memory_space<vmem>> -> memref<1x128x48xf32, #tpu.memory_space<vmem>>
      %dma_wait3A_436 = tpu.memref_squeeze %dma_wait3A_435 : memref<1x128x48xf32, #tpu.memory_space<vmem>> -> memref<128x48xf32, #tpu.memory_space<vmem>>
      %dma_wait3A_437 = arith.constant 0 : i32
      %dma_wait3A_438 = tpu.memref_slice %arg8[%dma_wait3A_431, %dma_wait3A_432, %dma_wait3A_437] : memref<20x2x128xi32, #tpu.memory_space<vmem>> -> memref<1x1x128xi32, #tpu.memory_space<vmem>>
      %dma_wait3A_439 = tpu.memref_squeeze %dma_wait3A_438 : memref<1x1x128xi32, #tpu.memory_space<vmem>> -> memref<128xi32, #tpu.memory_space<vmem>>
      %dma_wait3A_440 = arith.constant 0 : i32
      %dma_wait3A_441 = arith.constant 0 : i32
      %dma_wait3A_442 = tpu.memref_slice %arg11[%dma_wait3A_440, %dma_wait3A_441] : memref<10128x48xf32, #tpu.memory_space<vmem_shared>> -> memref<10128x48xf32, #tpu.memory_space<vmem_shared>>
      tpu.wait_indirect_dma semaphore(%arg14 : memref<!tpu.dma_semaphore, #tpu.memory_space<semaphore_mem>>) src(%dma_wait3A_436 : memref<128x48xf32, #tpu.memory_space<vmem>>) dst(%dma_wait3A_442 : memref<10128x48xf32, #tpu.memory_space<vmem_shared>>)
      %dma_start3A_443 = arith.constant 9 : i32
      %dma_start3A_444 = arith.constant 0 : i32
      %dma_start3A_445 = arith.constant 0 : i32
      %dma_start3A_446 = arith.constant 0 : i32
      %dma_start3A_447 = arith.constant 0 : i32
      %dma_start3A_448 = tpu.memref_slice %arg9[%dma_start3A_445, %dma_start3A_446, %dma_start3A_447] : memref<3x128x48xf32, #tpu.memory_space<vmem>> -> memref<1x128x48xf32, #tpu.memory_space<vmem>>
      %dma_start3A_449 = tpu.memref_squeeze %dma_start3A_448 : memref<1x128x48xf32, #tpu.memory_space<vmem>> -> memref<128x48xf32, #tpu.memory_space<vmem>>
      %dma_start3A_450 = arith.constant 0 : i32
      %dma_start3A_451 = tpu.memref_slice %arg8[%dma_start3A_443, %dma_start3A_444, %dma_start3A_450] : memref<20x2x128xi32, #tpu.memory_space<vmem>> -> memref<1x1x128xi32, #tpu.memory_space<vmem>>
      %dma_start3A_452 = tpu.memref_squeeze %dma_start3A_451 : memref<1x1x128xi32, #tpu.memory_space<vmem>> -> memref<128xi32, #tpu.memory_space<vmem>>
      %dma_start3A_453 = arith.constant 0 : i32
      %dma_start3A_454 = arith.constant 0 : i32
      %dma_start3A_455 = tpu.memref_slice %arg12[%dma_start3A_453, %dma_start3A_454] : memref<10000x48xf32, #tpu.memory_space<vmem_shared>> -> memref<10000x48xf32, #tpu.memory_space<vmem_shared>>
      tpu.enqueue_indirect_dma source(%dma_start3A_455 : memref<10000x48xf32, #tpu.memory_space<vmem_shared>>) target(%dma_start3A_449 : memref<128x48xf32, #tpu.memory_space<vmem>>) offsets(%dma_start3A_452 : memref<128xi32, #tpu.memory_space<vmem>>) semaphore(%arg15 : memref<!tpu.dma_semaphore, #tpu.memory_space<semaphore_mem>>)
      %dma_wait3A_456 = arith.constant 0 : i32
      %dma_wait3A_457 = arith.constant 0 : i32
      %dma_wait3A_458 = arith.constant 0 : i32
      %dma_wait3A_459 = arith.constant 0 : i32
      %dma_wait3A_460 = arith.constant 0 : i32
      %dma_wait3A_461 = tpu.memref_slice %arg9[%dma_wait3A_458, %dma_wait3A_459, %dma_wait3A_460] : memref<3x128x48xf32, #tpu.memory_space<vmem>> -> memref<1x128x48xf32, #tpu.memory_space<vmem>>
      %dma_wait3A_462 = tpu.memref_squeeze %dma_wait3A_461 : memref<1x128x48xf32, #tpu.memory_space<vmem>> -> memref<128x48xf32, #tpu.memory_space<vmem>>
      %dma_wait3A_463 = arith.constant 0 : i32
      %dma_wait3A_464 = tpu.memref_slice %arg8[%dma_wait3A_456, %dma_wait3A_457, %dma_wait3A_463] : memref<20x2x128xi32, #tpu.memory_space<vmem>> -> memref<1x1x128xi32, #tpu.memory_space<vmem>>
      %dma_wait3A_465 = tpu.memref_squeeze %dma_wait3A_464 : memref<1x1x128xi32, #tpu.memory_space<vmem>> -> memref<128xi32, #tpu.memory_space<vmem>>
      %dma_wait3A_466 = arith.constant 0 : i32
      %dma_wait3A_467 = arith.constant 0 : i32
      %dma_wait3A_468 = tpu.memref_slice %arg12[%dma_wait3A_466, %dma_wait3A_467] : memref<10000x48xf32, #tpu.memory_space<vmem_shared>> -> memref<10000x48xf32, #tpu.memory_space<vmem_shared>>
      tpu.wait_indirect_dma semaphore(%arg15 : memref<!tpu.dma_semaphore, #tpu.memory_space<semaphore_mem>>) src(%dma_wait3A_468 : memref<10000x48xf32, #tpu.memory_space<vmem_shared>>) dst(%dma_wait3A_462 : memref<128x48xf32, #tpu.memory_space<vmem>>)
      %dma_start3A_469 = arith.constant 2 : i32
      %dma_start3A_470 = arith.constant 8 : i32
      %dma_start3A_471 = arith.constant 1 : i32
      %dma_start3A_472 = arith.constant 0 : i32
      %dma_start3A_473 = arith.constant 0 : i32
      %dma_start3A_474 = tpu.memref_slice %arg9[%dma_start3A_469, %dma_start3A_472, %dma_start3A_473] : memref<3x128x48xf32, #tpu.memory_space<vmem>> -> memref<1x128x48xf32, #tpu.memory_space<vmem>>
      %dma_start3A_475 = tpu.memref_squeeze %dma_start3A_474 : memref<1x128x48xf32, #tpu.memory_space<vmem>> -> memref<128x48xf32, #tpu.memory_space<vmem>>
      %dma_start3A_476 = arith.constant 0 : i32
      %dma_start3A_477 = tpu.memref_slice %arg8[%dma_start3A_470, %dma_start3A_471, %dma_start3A_476] : memref<20x2x128xi32, #tpu.memory_space<vmem>> -> memref<1x1x128xi32, #tpu.memory_space<vmem>>
      %dma_start3A_478 = tpu.memref_squeeze %dma_start3A_477 : memref<1x1x128xi32, #tpu.memory_space<vmem>> -> memref<128xi32, #tpu.memory_space<vmem>>
      %dma_start3A_479 = arith.constant 0 : i32
      %dma_start3A_480 = arith.constant 0 : i32
      %dma_start3A_481 = tpu.memref_slice %arg11[%dma_start3A_479, %dma_start3A_480] : memref<10128x48xf32, #tpu.memory_space<vmem_shared>> -> memref<10128x48xf32, #tpu.memory_space<vmem_shared>>
      tpu.enqueue_indirect_dma source(%dma_start3A_475 : memref<128x48xf32, #tpu.memory_space<vmem>>) target(%dma_start3A_481 : memref<10128x48xf32, #tpu.memory_space<vmem_shared>>) offsets(%dma_start3A_478 : memref<128xi32, #tpu.memory_space<vmem>>) semaphore(%arg14 : memref<!tpu.dma_semaphore, #tpu.memory_space<semaphore_mem>>) {add = true}
      %dma_wait3A_482 = arith.constant 0 : i32
      %dma_wait3A_483 = arith.constant 0 : i32
      %dma_wait3A_484 = arith.constant 1 : i32
      %dma_wait3A_485 = arith.constant 0 : i32
      %dma_wait3A_486 = arith.constant 0 : i32
      %dma_wait3A_487 = tpu.memref_slice %arg9[%dma_wait3A_482, %dma_wait3A_485, %dma_wait3A_486] : memref<3x128x48xf32, #tpu.memory_space<vmem>> -> memref<1x128x48xf32, #tpu.memory_space<vmem>>
      %dma_wait3A_488 = tpu.memref_squeeze %dma_wait3A_487 : memref<1x128x48xf32, #tpu.memory_space<vmem>> -> memref<128x48xf32, #tpu.memory_space<vmem>>
      %dma_wait3A_489 = arith.constant 0 : i32
      %dma_wait3A_490 = tpu.memref_slice %arg8[%dma_wait3A_483, %dma_wait3A_484, %dma_wait3A_489] : memref<20x2x128xi32, #tpu.memory_space<vmem>> -> memref<1x1x128xi32, #tpu.memory_space<vmem>>
      %dma_wait3A_491 = tpu.memref_squeeze %dma_wait3A_490 : memref<1x1x128xi32, #tpu.memory_space<vmem>> -> memref<128xi32, #tpu.memory_space<vmem>>
      %dma_wait3A_492 = arith.constant 0 : i32
      %dma_wait3A_493 = arith.constant 0 : i32
      %dma_wait3A_494 = tpu.memref_slice %arg11[%dma_wait3A_492, %dma_wait3A_493] : memref<10128x48xf32, #tpu.memory_space<vmem_shared>> -> memref<10128x48xf32, #tpu.memory_space<vmem_shared>>
      tpu.wait_indirect_dma semaphore(%arg14 : memref<!tpu.dma_semaphore, #tpu.memory_space<semaphore_mem>>) src(%dma_wait3A_488 : memref<128x48xf32, #tpu.memory_space<vmem>>) dst(%dma_wait3A_494 : memref<10128x48xf32, #tpu.memory_space<vmem_shared>>)
      %dma_start3A_495 = arith.constant 10 : i32
      %dma_start3A_496 = arith.constant 0 : i32
      %dma_start3A_497 = arith.constant 1 : i32
      %dma_start3A_498 = arith.constant 0 : i32
      %dma_start3A_499 = arith.constant 0 : i32
      %dma_start3A_500 = tpu.memref_slice %arg9[%dma_start3A_497, %dma_start3A_498, %dma_start3A_499] : memref<3x128x48xf32, #tpu.memory_space<vmem>> -> memref<1x128x48xf32, #tpu.memory_space<vmem>>
      %dma_start3A_501 = tpu.memref_squeeze %dma_start3A_500 : memref<1x128x48xf32, #tpu.memory_space<vmem>> -> memref<128x48xf32, #tpu.memory_space<vmem>>
      %dma_start3A_502 = arith.constant 0 : i32
      %dma_start3A_503 = tpu.memref_slice %arg8[%dma_start3A_495, %dma_start3A_496, %dma_start3A_502] : memref<20x2x128xi32, #tpu.memory_space<vmem>> -> memref<1x1x128xi32, #tpu.memory_space<vmem>>
      %dma_start3A_504 = tpu.memref_squeeze %dma_start3A_503 : memref<1x1x128xi32, #tpu.memory_space<vmem>> -> memref<128xi32, #tpu.memory_space<vmem>>
      %dma_start3A_505 = arith.constant 0 : i32
      %dma_start3A_506 = arith.constant 0 : i32
      %dma_start3A_507 = tpu.memref_slice %arg12[%dma_start3A_505, %dma_start3A_506] : memref<10000x48xf32, #tpu.memory_space<vmem_shared>> -> memref<10000x48xf32, #tpu.memory_space<vmem_shared>>
      tpu.enqueue_indirect_dma source(%dma_start3A_507 : memref<10000x48xf32, #tpu.memory_space<vmem_shared>>) target(%dma_start3A_501 : memref<128x48xf32, #tpu.memory_space<vmem>>) offsets(%dma_start3A_504 : memref<128xi32, #tpu.memory_space<vmem>>) semaphore(%arg15 : memref<!tpu.dma_semaphore, #tpu.memory_space<semaphore_mem>>)
      %dma_wait3A_508 = arith.constant 0 : i32
      %dma_wait3A_509 = arith.constant 0 : i32
      %dma_wait3A_510 = arith.constant 0 : i32
      %dma_wait3A_511 = arith.constant 0 : i32
      %dma_wait3A_512 = arith.constant 0 : i32
      %dma_wait3A_513 = tpu.memref_slice %arg9[%dma_wait3A_510, %dma_wait3A_511, %dma_wait3A_512] : memref<3x128x48xf32, #tpu.memory_space<vmem>> -> memref<1x128x48xf32, #tpu.memory_space<vmem>>
      %dma_wait3A_514 = tpu.memref_squeeze %dma_wait3A_513 : memref<1x128x48xf32, #tpu.memory_space<vmem>> -> memref<128x48xf32, #tpu.memory_space<vmem>>
      %dma_wait3A_515 = arith.constant 0 : i32
      %dma_wait3A_516 = tpu.memref_slice %arg8[%dma_wait3A_508, %dma_wait3A_509, %dma_wait3A_515] : memref<20x2x128xi32, #tpu.memory_space<vmem>> -> memref<1x1x128xi32, #tpu.memory_space<vmem>>
      %dma_wait3A_517 = tpu.memref_squeeze %dma_wait3A_516 : memref<1x1x128xi32, #tpu.memory_space<vmem>> -> memref<128xi32, #tpu.memory_space<vmem>>
      %dma_wait3A_518 = arith.constant 0 : i32
      %dma_wait3A_519 = arith.constant 0 : i32
      %dma_wait3A_520 = tpu.memref_slice %arg12[%dma_wait3A_518, %dma_wait3A_519] : memref<10000x48xf32, #tpu.memory_space<vmem_shared>> -> memref<10000x48xf32, #tpu.memory_space<vmem_shared>>
      tpu.wait_indirect_dma semaphore(%arg15 : memref<!tpu.dma_semaphore, #tpu.memory_space<semaphore_mem>>) src(%dma_wait3A_520 : memref<10000x48xf32, #tpu.memory_space<vmem_shared>>) dst(%dma_wait3A_514 : memref<128x48xf32, #tpu.memory_space<vmem>>)
      %dma_start3A_521 = arith.constant 0 : i32
      %dma_start3A_522 = arith.constant 9 : i32
      %dma_start3A_523 = arith.constant 1 : i32
      %dma_start3A_524 = arith.constant 0 : i32
      %dma_start3A_525 = arith.constant 0 : i32
      %dma_start3A_526 = tpu.memref_slice %arg9[%dma_start3A_521, %dma_start3A_524, %dma_start3A_525] : memref<3x128x48xf32, #tpu.memory_space<vmem>> -> memref<1x128x48xf32, #tpu.memory_space<vmem>>
      %dma_start3A_527 = tpu.memref_squeeze %dma_start3A_526 : memref<1x128x48xf32, #tpu.memory_space<vmem>> -> memref<128x48xf32, #tpu.memory_space<vmem>>
      %dma_start3A_528 = arith.constant 0 : i32
      %dma_start3A_529 = tpu.memref_slice %arg8[%dma_start3A_522, %dma_start3A_523, %dma_start3A_528] : memref<20x2x128xi32, #tpu.memory_space<vmem>> -> memref<1x1x128xi32, #tpu.memory_space<vmem>>
      %dma_start3A_530 = tpu.memref_squeeze %dma_start3A_529 : memref<1x1x128xi32, #tpu.memory_space<vmem>> -> memref<128xi32, #tpu.memory_space<vmem>>
      %dma_start3A_531 = arith.constant 0 : i32
      %dma_start3A_532 = arith.constant 0 : i32
      %dma_start3A_533 = tpu.memref_slice %arg11[%dma_start3A_531, %dma_start3A_532] : memref<10128x48xf32, #tpu.memory_space<vmem_shared>> -> memref<10128x48xf32, #tpu.memory_space<vmem_shared>>
      tpu.enqueue_indirect_dma source(%dma_start3A_527 : memref<128x48xf32, #tpu.memory_space<vmem>>) target(%dma_start3A_533 : memref<10128x48xf32, #tpu.memory_space<vmem_shared>>) offsets(%dma_start3A_530 : memref<128xi32, #tpu.memory_space<vmem>>) semaphore(%arg14 : memref<!tpu.dma_semaphore, #tpu.memory_space<semaphore_mem>>) {add = true}
      %dma_wait3A_534 = arith.constant 0 : i32
      %dma_wait3A_535 = arith.constant 0 : i32
      %dma_wait3A_536 = arith.constant 1 : i32
      %dma_wait3A_537 = arith.constant 0 : i32
      %dma_wait3A_538 = arith.constant 0 : i32
      %dma_wait3A_539 = tpu.memref_slice %arg9[%dma_wait3A_534, %dma_wait3A_537, %dma_wait3A_538] : memref<3x128x48xf32, #tpu.memory_space<vmem>> -> memref<1x128x48xf32, #tpu.memory_space<vmem>>
      %dma_wait3A_540 = tpu.memref_squeeze %dma_wait3A_539 : memref<1x128x48xf32, #tpu.memory_space<vmem>> -> memref<128x48xf32, #tpu.memory_space<vmem>>
      %dma_wait3A_541 = arith.constant 0 : i32
      %dma_wait3A_542 = tpu.memref_slice %arg8[%dma_wait3A_535, %dma_wait3A_536, %dma_wait3A_541] : memref<20x2x128xi32, #tpu.memory_space<vmem>> -> memref<1x1x128xi32, #tpu.memory_space<vmem>>
      %dma_wait3A_543 = tpu.memref_squeeze %dma_wait3A_542 : memref<1x1x128xi32, #tpu.memory_space<vmem>> -> memref<128xi32, #tpu.memory_space<vmem>>
      %dma_wait3A_544 = arith.constant 0 : i32
      %dma_wait3A_545 = arith.constant 0 : i32
      %dma_wait3A_546 = tpu.memref_slice %arg11[%dma_wait3A_544, %dma_wait3A_545] : memref<10128x48xf32, #tpu.memory_space<vmem_shared>> -> memref<10128x48xf32, #tpu.memory_space<vmem_shared>>
      tpu.wait_indirect_dma semaphore(%arg14 : memref<!tpu.dma_semaphore, #tpu.memory_space<semaphore_mem>>) src(%dma_wait3A_540 : memref<128x48xf32, #tpu.memory_space<vmem>>) dst(%dma_wait3A_546 : memref<10128x48xf32, #tpu.memory_space<vmem_shared>>)
      %dma_start3A_547 = arith.constant 11 : i32
      %dma_start3A_548 = arith.constant 0 : i32
      %dma_start3A_549 = arith.constant 2 : i32
      %dma_start3A_550 = arith.constant 0 : i32
      %dma_start3A_551 = arith.constant 0 : i32
      %dma_start3A_552 = tpu.memref_slice %arg9[%dma_start3A_549, %dma_start3A_550, %dma_start3A_551] : memref<3x128x48xf32, #tpu.memory_space<vmem>> -> memref<1x128x48xf32, #tpu.memory_space<vmem>>
      %dma_start3A_553 = tpu.memref_squeeze %dma_start3A_552 : memref<1x128x48xf32, #tpu.memory_space<vmem>> -> memref<128x48xf32, #tpu.memory_space<vmem>>
      %dma_start3A_554 = arith.constant 0 : i32
      %dma_start3A_555 = tpu.memref_slice %arg8[%dma_start3A_547, %dma_start3A_548, %dma_start3A_554] : memref<20x2x128xi32, #tpu.memory_space<vmem>> -> memref<1x1x128xi32, #tpu.memory_space<vmem>>
      %dma_start3A_556 = tpu.memref_squeeze %dma_start3A_555 : memref<1x1x128xi32, #tpu.memory_space<vmem>> -> memref<128xi32, #tpu.memory_space<vmem>>
      %dma_start3A_557 = arith.constant 0 : i32
      %dma_start3A_558 = arith.constant 0 : i32
      %dma_start3A_559 = tpu.memref_slice %arg12[%dma_start3A_557, %dma_start3A_558] : memref<10000x48xf32, #tpu.memory_space<vmem_shared>> -> memref<10000x48xf32, #tpu.memory_space<vmem_shared>>
      tpu.enqueue_indirect_dma source(%dma_start3A_559 : memref<10000x48xf32, #tpu.memory_space<vmem_shared>>) target(%dma_start3A_553 : memref<128x48xf32, #tpu.memory_space<vmem>>) offsets(%dma_start3A_556 : memref<128xi32, #tpu.memory_space<vmem>>) semaphore(%arg15 : memref<!tpu.dma_semaphore, #tpu.memory_space<semaphore_mem>>)
      %dma_wait3A_560 = arith.constant 0 : i32
      %dma_wait3A_561 = arith.constant 0 : i32
      %dma_wait3A_562 = arith.constant 0 : i32
      %dma_wait3A_563 = arith.constant 0 : i32
      %dma_wait3A_564 = arith.constant 0 : i32
      %dma_wait3A_565 = tpu.memref_slice %arg9[%dma_wait3A_562, %dma_wait3A_563, %dma_wait3A_564] : memref<3x128x48xf32, #tpu.memory_space<vmem>> -> memref<1x128x48xf32, #tpu.memory_space<vmem>>
      %dma_wait3A_566 = tpu.memref_squeeze %dma_wait3A_565 : memref<1x128x48xf32, #tpu.memory_space<vmem>> -> memref<128x48xf32, #tpu.memory_space<vmem>>
      %dma_wait3A_567 = arith.constant 0 : i32
      %dma_wait3A_568 = tpu.memref_slice %arg8[%dma_wait3A_560, %dma_wait3A_561, %dma_wait3A_567] : memref<20x2x128xi32, #tpu.memory_space<vmem>> -> memref<1x1x128xi32, #tpu.memory_space<vmem>>
      %dma_wait3A_569 = tpu.memref_squeeze %dma_wait3A_568 : memref<1x1x128xi32, #tpu.memory_space<vmem>> -> memref<128xi32, #tpu.memory_space<vmem>>
      %dma_wait3A_570 = arith.constant 0 : i32
      %dma_wait3A_571 = arith.constant 0 : i32
      %dma_wait3A_572 = tpu.memref_slice %arg12[%dma_wait3A_570, %dma_wait3A_571] : memref<10000x48xf32, #tpu.memory_space<vmem_shared>> -> memref<10000x48xf32, #tpu.memory_space<vmem_shared>>
      tpu.wait_indirect_dma semaphore(%arg15 : memref<!tpu.dma_semaphore, #tpu.memory_space<semaphore_mem>>) src(%dma_wait3A_572 : memref<10000x48xf32, #tpu.memory_space<vmem_shared>>) dst(%dma_wait3A_566 : memref<128x48xf32, #tpu.memory_space<vmem>>)
      %dma_start3A_573 = arith.constant 1 : i32
      %dma_start3A_574 = arith.constant 10 : i32
      %dma_start3A_575 = arith.constant 1 : i32
      %dma_start3A_576 = arith.constant 0 : i32
      %dma_start3A_577 = arith.constant 0 : i32
      %dma_start3A_578 = tpu.memref_slice %arg9[%dma_start3A_573, %dma_start3A_576, %dma_start3A_577] : memref<3x128x48xf32, #tpu.memory_space<vmem>> -> memref<1x128x48xf32, #tpu.memory_space<vmem>>
      %dma_start3A_579 = tpu.memref_squeeze %dma_start3A_578 : memref<1x128x48xf32, #tpu.memory_space<vmem>> -> memref<128x48xf32, #tpu.memory_space<vmem>>
      %dma_start3A_580 = arith.constant 0 : i32
      %dma_start3A_581 = tpu.memref_slice %arg8[%dma_start3A_574, %dma_start3A_575, %dma_start3A_580] : memref<20x2x128xi32, #tpu.memory_space<vmem>> -> memref<1x1x128xi32, #tpu.memory_space<vmem>>
      %dma_start3A_582 = tpu.memref_squeeze %dma_start3A_581 : memref<1x1x128xi32, #tpu.memory_space<vmem>> -> memref<128xi32, #tpu.memory_space<vmem>>
      %dma_start3A_583 = arith.constant 0 : i32
      %dma_start3A_584 = arith.constant 0 : i32
      %dma_start3A_585 = tpu.memref_slice %arg11[%dma_start3A_583, %dma_start3A_584] : memref<10128x48xf32, #tpu.memory_space<vmem_shared>> -> memref<10128x48xf32, #tpu.memory_space<vmem_shared>>
      tpu.enqueue_indirect_dma source(%dma_start3A_579 : memref<128x48xf32, #tpu.memory_space<vmem>>) target(%dma_start3A_585 : memref<10128x48xf32, #tpu.memory_space<vmem_shared>>) offsets(%dma_start3A_582 : memref<128xi32, #tpu.memory_space<vmem>>) semaphore(%arg14 : memref<!tpu.dma_semaphore, #tpu.memory_space<semaphore_mem>>) {add = true}
      %dma_wait3A_586 = arith.constant 0 : i32
      %dma_wait3A_587 = arith.constant 0 : i32
      %dma_wait3A_588 = arith.constant 1 : i32
      %dma_wait3A_589 = arith.constant 0 : i32
      %dma_wait3A_590 = arith.constant 0 : i32
      %dma_wait3A_591 = tpu.memref_slice %arg9[%dma_wait3A_586, %dma_wait3A_589, %dma_wait3A_590] : memref<3x128x48xf32, #tpu.memory_space<vmem>> -> memref<1x128x48xf32, #tpu.memory_space<vmem>>
      %dma_wait3A_592 = tpu.memref_squeeze %dma_wait3A_591 : memref<1x128x48xf32, #tpu.memory_space<vmem>> -> memref<128x48xf32, #tpu.memory_space<vmem>>
      %dma_wait3A_593 = arith.constant 0 : i32
      %dma_wait3A_594 = tpu.memref_slice %arg8[%dma_wait3A_587, %dma_wait3A_588, %dma_wait3A_593] : memref<20x2x128xi32, #tpu.memory_space<vmem>> -> memref<1x1x128xi32, #tpu.memory_space<vmem>>
      %dma_wait3A_595 = tpu.memref_squeeze %dma_wait3A_594 : memref<1x1x128xi32, #tpu.memory_space<vmem>> -> memref<128xi32, #tpu.memory_space<vmem>>
      %dma_wait3A_596 = arith.constant 0 : i32
      %dma_wait3A_597 = arith.constant 0 : i32
      %dma_wait3A_598 = tpu.memref_slice %arg11[%dma_wait3A_596, %dma_wait3A_597] : memref<10128x48xf32, #tpu.memory_space<vmem_shared>> -> memref<10128x48xf32, #tpu.memory_space<vmem_shared>>
      tpu.wait_indirect_dma semaphore(%arg14 : memref<!tpu.dma_semaphore, #tpu.memory_space<semaphore_mem>>) src(%dma_wait3A_592 : memref<128x48xf32, #tpu.memory_space<vmem>>) dst(%dma_wait3A_598 : memref<10128x48xf32, #tpu.memory_space<vmem_shared>>)
      %dma_start3A_599 = arith.constant 12 : i32
      %dma_start3A_600 = arith.constant 0 : i32
      %dma_start3A_601 = arith.constant 0 : i32
      %dma_start3A_602 = arith.constant 0 : i32
      %dma_start3A_603 = arith.constant 0 : i32
      %dma_start3A_604 = tpu.memref_slice %arg9[%dma_start3A_601, %dma_start3A_602, %dma_start3A_603] : memref<3x128x48xf32, #tpu.memory_space<vmem>> -> memref<1x128x48xf32, #tpu.memory_space<vmem>>
      %dma_start3A_605 = tpu.memref_squeeze %dma_start3A_604 : memref<1x128x48xf32, #tpu.memory_space<vmem>> -> memref<128x48xf32, #tpu.memory_space<vmem>>
      %dma_start3A_606 = arith.constant 0 : i32
      %dma_start3A_607 = tpu.memref_slice %arg8[%dma_start3A_599, %dma_start3A_600, %dma_start3A_606] : memref<20x2x128xi32, #tpu.memory_space<vmem>> -> memref<1x1x128xi32, #tpu.memory_space<vmem>>
      %dma_start3A_608 = tpu.memref_squeeze %dma_start3A_607 : memref<1x1x128xi32, #tpu.memory_space<vmem>> -> memref<128xi32, #tpu.memory_space<vmem>>
      %dma_start3A_609 = arith.constant 0 : i32
      %dma_start3A_610 = arith.constant 0 : i32
      %dma_start3A_611 = tpu.memref_slice %arg12[%dma_start3A_609, %dma_start3A_610] : memref<10000x48xf32, #tpu.memory_space<vmem_shared>> -> memref<10000x48xf32, #tpu.memory_space<vmem_shared>>
      tpu.enqueue_indirect_dma source(%dma_start3A_611 : memref<10000x48xf32, #tpu.memory_space<vmem_shared>>) target(%dma_start3A_605 : memref<128x48xf32, #tpu.memory_space<vmem>>) offsets(%dma_start3A_608 : memref<128xi32, #tpu.memory_space<vmem>>) semaphore(%arg15 : memref<!tpu.dma_semaphore, #tpu.memory_space<semaphore_mem>>)
      %dma_wait3A_612 = arith.constant 0 : i32
      %dma_wait3A_613 = arith.constant 0 : i32
      %dma_wait3A_614 = arith.constant 0 : i32
      %dma_wait3A_615 = arith.constant 0 : i32
      %dma_wait3A_616 = arith.constant 0 : i32
      %dma_wait3A_617 = tpu.memref_slice %arg9[%dma_wait3A_614, %dma_wait3A_615, %dma_wait3A_616] : memref<3x128x48xf32, #tpu.memory_space<vmem>> -> memref<1x128x48xf32, #tpu.memory_space<vmem>>
      %dma_wait3A_618 = tpu.memref_squeeze %dma_wait3A_617 : memref<1x128x48xf32, #tpu.memory_space<vmem>> -> memref<128x48xf32, #tpu.memory_space<vmem>>
      %dma_wait3A_619 = arith.constant 0 : i32
      %dma_wait3A_620 = tpu.memref_slice %arg8[%dma_wait3A_612, %dma_wait3A_613, %dma_wait3A_619] : memref<20x2x128xi32, #tpu.memory_space<vmem>> -> memref<1x1x128xi32, #tpu.memory_space<vmem>>
      %dma_wait3A_621 = tpu.memref_squeeze %dma_wait3A_620 : memref<1x1x128xi32, #tpu.memory_space<vmem>> -> memref<128xi32, #tpu.memory_space<vmem>>
      %dma_wait3A_622 = arith.constant 0 : i32
      %dma_wait3A_623 = arith.constant 0 : i32
      %dma_wait3A_624 = tpu.memref_slice %arg12[%dma_wait3A_622, %dma_wait3A_623] : memref<10000x48xf32, #tpu.memory_space<vmem_shared>> -> memref<10000x48xf32, #tpu.memory_space<vmem_shared>>
      tpu.wait_indirect_dma semaphore(%arg15 : memref<!tpu.dma_semaphore, #tpu.memory_space<semaphore_mem>>) src(%dma_wait3A_624 : memref<10000x48xf32, #tpu.memory_space<vmem_shared>>) dst(%dma_wait3A_618 : memref<128x48xf32, #tpu.memory_space<vmem>>)
      %dma_start3A_625 = arith.constant 2 : i32
      %dma_start3A_626 = arith.constant 11 : i32
      %dma_start3A_627 = arith.constant 1 : i32
      %dma_start3A_628 = arith.constant 0 : i32
      %dma_start3A_629 = arith.constant 0 : i32
      %dma_start3A_630 = tpu.memref_slice %arg9[%dma_start3A_625, %dma_start3A_628, %dma_start3A_629] : memref<3x128x48xf32, #tpu.memory_space<vmem>> -> memref<1x128x48xf32, #tpu.memory_space<vmem>>
      %dma_start3A_631 = tpu.memref_squeeze %dma_start3A_630 : memref<1x128x48xf32, #tpu.memory_space<vmem>> -> memref<128x48xf32, #tpu.memory_space<vmem>>
      %dma_start3A_632 = arith.constant 0 : i32
      %dma_start3A_633 = tpu.memref_slice %arg8[%dma_start3A_626, %dma_start3A_627, %dma_start3A_632] : memref<20x2x128xi32, #tpu.memory_space<vmem>> -> memref<1x1x128xi32, #tpu.memory_space<vmem>>
      %dma_start3A_634 = tpu.memref_squeeze %dma_start3A_633 : memref<1x1x128xi32, #tpu.memory_space<vmem>> -> memref<128xi32, #tpu.memory_space<vmem>>
      %dma_start3A_635 = arith.constant 0 : i32
      %dma_start3A_636 = arith.constant 0 : i32
      %dma_start3A_637 = tpu.memref_slice %arg11[%dma_start3A_635, %dma_start3A_636] : memref<10128x48xf32, #tpu.memory_space<vmem_shared>> -> memref<10128x48xf32, #tpu.memory_space<vmem_shared>>
      tpu.enqueue_indirect_dma source(%dma_start3A_631 : memref<128x48xf32, #tpu.memory_space<vmem>>) target(%dma_start3A_637 : memref<10128x48xf32, #tpu.memory_space<vmem_shared>>) offsets(%dma_start3A_634 : memref<128xi32, #tpu.memory_space<vmem>>) semaphore(%arg14 : memref<!tpu.dma_semaphore, #tpu.memory_space<semaphore_mem>>) {add = true}
      %dma_wait3A_638 = arith.constant 0 : i32
      %dma_wait3A_639 = arith.constant 0 : i32
      %dma_wait3A_640 = arith.constant 1 : i32
      %dma_wait3A_641 = arith.constant 0 : i32
      %dma_wait3A_642 = arith.constant 0 : i32
      %dma_wait3A_643 = tpu.memref_slice %arg9[%dma_wait3A_638, %dma_wait3A_641, %dma_wait3A_642] : memref<3x128x48xf32, #tpu.memory_space<vmem>> -> memref<1x128x48xf32, #tpu.memory_space<vmem>>
      %dma_wait3A_644 = tpu.memref_squeeze %dma_wait3A_643 : memref<1x128x48xf32, #tpu.memory_space<vmem>> -> memref<128x48xf32, #tpu.memory_space<vmem>>
      %dma_wait3A_645 = arith.constant 0 : i32
      %dma_wait3A_646 = tpu.memref_slice %arg8[%dma_wait3A_639, %dma_wait3A_640, %dma_wait3A_645] : memref<20x2x128xi32, #tpu.memory_space<vmem>> -> memref<1x1x128xi32, #tpu.memory_space<vmem>>
      %dma_wait3A_647 = tpu.memref_squeeze %dma_wait3A_646 : memref<1x1x128xi32, #tpu.memory_space<vmem>> -> memref<128xi32, #tpu.memory_space<vmem>>
      %dma_wait3A_648 = arith.constant 0 : i32
      %dma_wait3A_649 = arith.constant 0 : i32
      %dma_wait3A_650 = tpu.memref_slice %arg11[%dma_wait3A_648, %dma_wait3A_649] : memref<10128x48xf32, #tpu.memory_space<vmem_shared>> -> memref<10128x48xf32, #tpu.memory_space<vmem_shared>>
      tpu.wait_indirect_dma semaphore(%arg14 : memref<!tpu.dma_semaphore, #tpu.memory_space<semaphore_mem>>) src(%dma_wait3A_644 : memref<128x48xf32, #tpu.memory_space<vmem>>) dst(%dma_wait3A_650 : memref<10128x48xf32, #tpu.memory_space<vmem_shared>>)
      %dma_start3A_651 = arith.constant 13 : i32
      %dma_start3A_652 = arith.constant 0 : i32
      %dma_start3A_653 = arith.constant 1 : i32
      %dma_start3A_654 = arith.constant 0 : i32
      %dma_start3A_655 = arith.constant 0 : i32
      %dma_start3A_656 = tpu.memref_slice %arg9[%dma_start3A_653, %dma_start3A_654, %dma_start3A_655] : memref<3x128x48xf32, #tpu.memory_space<vmem>> -> memref<1x128x48xf32, #tpu.memory_space<vmem>>
      %dma_start3A_657 = tpu.memref_squeeze %dma_start3A_656 : memref<1x128x48xf32, #tpu.memory_space<vmem>> -> memref<128x48xf32, #tpu.memory_space<vmem>>
      %dma_start3A_658 = arith.constant 0 : i32
      %dma_start3A_659 = tpu.memref_slice %arg8[%dma_start3A_651, %dma_start3A_652, %dma_start3A_658] : memref<20x2x128xi32, #tpu.memory_space<vmem>> -> memref<1x1x128xi32, #tpu.memory_space<vmem>>
      %dma_start3A_660 = tpu.memref_squeeze %dma_start3A_659 : memref<1x1x128xi32, #tpu.memory_space<vmem>> -> memref<128xi32, #tpu.memory_space<vmem>>
      %dma_start3A_661 = arith.constant 0 : i32
      %dma_start3A_662 = arith.constant 0 : i32
      %dma_start3A_663 = tpu.memref_slice %arg12[%dma_start3A_661, %dma_start3A_662] : memref<10000x48xf32, #tpu.memory_space<vmem_shared>> -> memref<10000x48xf32, #tpu.memory_space<vmem_shared>>
      tpu.enqueue_indirect_dma source(%dma_start3A_663 : memref<10000x48xf32, #tpu.memory_space<vmem_shared>>) target(%dma_start3A_657 : memref<128x48xf32, #tpu.memory_space<vmem>>) offsets(%dma_start3A_660 : memref<128xi32, #tpu.memory_space<vmem>>) semaphore(%arg15 : memref<!tpu.dma_semaphore, #tpu.memory_space<semaphore_mem>>)
      %dma_wait3A_664 = arith.constant 0 : i32
      %dma_wait3A_665 = arith.constant 0 : i32
      %dma_wait3A_666 = arith.constant 0 : i32
      %dma_wait3A_667 = arith.constant 0 : i32
      %dma_wait3A_668 = arith.constant 0 : i32
      %dma_wait3A_669 = tpu.memref_slice %arg9[%dma_wait3A_666, %dma_wait3A_667, %dma_wait3A_668] : memref<3x128x48xf32, #tpu.memory_space<vmem>> -> memref<1x128x48xf32, #tpu.memory_space<vmem>>
      %dma_wait3A_670 = tpu.memref_squeeze %dma_wait3A_669 : memref<1x128x48xf32, #tpu.memory_space<vmem>> -> memref<128x48xf32, #tpu.memory_space<vmem>>
      %dma_wait3A_671 = arith.constant 0 : i32
      %dma_wait3A_672 = tpu.memref_slice %arg8[%dma_wait3A_664, %dma_wait3A_665, %dma_wait3A_671] : memref<20x2x128xi32, #tpu.memory_space<vmem>> -> memref<1x1x128xi32, #tpu.memory_space<vmem>>
      %dma_wait3A_673 = tpu.memref_squeeze %dma_wait3A_672 : memref<1x1x128xi32, #tpu.memory_space<vmem>> -> memref<128xi32, #tpu.memory_space<vmem>>
      %dma_wait3A_674 = arith.constant 0 : i32
      %dma_wait3A_675 = arith.constant 0 : i32
      %dma_wait3A_676 = tpu.memref_slice %arg12[%dma_wait3A_674, %dma_wait3A_675] : memref<10000x48xf32, #tpu.memory_space<vmem_shared>> -> memref<10000x48xf32, #tpu.memory_space<vmem_shared>>
      tpu.wait_indirect_dma semaphore(%arg15 : memref<!tpu.dma_semaphore, #tpu.memory_space<semaphore_mem>>) src(%dma_wait3A_676 : memref<10000x48xf32, #tpu.memory_space<vmem_shared>>) dst(%dma_wait3A_670 : memref<128x48xf32, #tpu.memory_space<vmem>>)
      %dma_start3A_677 = arith.constant 0 : i32
      %dma_start3A_678 = arith.constant 12 : i32
      %dma_start3A_679 = arith.constant 1 : i32
      %dma_start3A_680 = arith.constant 0 : i32
      %dma_start3A_681 = arith.constant 0 : i32
      %dma_start3A_682 = tpu.memref_slice %arg9[%dma_start3A_677, %dma_start3A_680, %dma_start3A_681] : memref<3x128x48xf32, #tpu.memory_space<vmem>> -> memref<1x128x48xf32, #tpu.memory_space<vmem>>
      %dma_start3A_683 = tpu.memref_squeeze %dma_start3A_682 : memref<1x128x48xf32, #tpu.memory_space<vmem>> -> memref<128x48xf32, #tpu.memory_space<vmem>>
      %dma_start3A_684 = arith.constant 0 : i32
      %dma_start3A_685 = tpu.memref_slice %arg8[%dma_start3A_678, %dma_start3A_679, %dma_start3A_684] : memref<20x2x128xi32, #tpu.memory_space<vmem>> -> memref<1x1x128xi32, #tpu.memory_space<vmem>>
      %dma_start3A_686 = tpu.memref_squeeze %dma_start3A_685 : memref<1x1x128xi32, #tpu.memory_space<vmem>> -> memref<128xi32, #tpu.memory_space<vmem>>
      %dma_start3A_687 = arith.constant 0 : i32
      %dma_start3A_688 = arith.constant 0 : i32
      %dma_start3A_689 = tpu.memref_slice %arg11[%dma_start3A_687, %dma_start3A_688] : memref<10128x48xf32, #tpu.memory_space<vmem_shared>> -> memref<10128x48xf32, #tpu.memory_space<vmem_shared>>
      tpu.enqueue_indirect_dma source(%dma_start3A_683 : memref<128x48xf32, #tpu.memory_space<vmem>>) target(%dma_start3A_689 : memref<10128x48xf32, #tpu.memory_space<vmem_shared>>) offsets(%dma_start3A_686 : memref<128xi32, #tpu.memory_space<vmem>>) semaphore(%arg14 : memref<!tpu.dma_semaphore, #tpu.memory_space<semaphore_mem>>) {add = true}
      %dma_wait3A_690 = arith.constant 0 : i32
      %dma_wait3A_691 = arith.constant 0 : i32
      %dma_wait3A_692 = arith.constant 1 : i32
      %dma_wait3A_693 = arith.constant 0 : i32
      %dma_wait3A_694 = arith.constant 0 : i32
      %dma_wait3A_695 = tpu.memref_slice %arg9[%dma_wait3A_690, %dma_wait3A_693, %dma_wait3A_694] : memref<3x128x48xf32, #tpu.memory_space<vmem>> -> memref<1x128x48xf32, #tpu.memory_space<vmem>>
      %dma_wait3A_696 = tpu.memref_squeeze %dma_wait3A_695 : memref<1x128x48xf32, #tpu.memory_space<vmem>> -> memref<128x48xf32, #tpu.memory_space<vmem>>
      %dma_wait3A_697 = arith.constant 0 : i32
      %dma_wait3A_698 = tpu.memref_slice %arg8[%dma_wait3A_691, %dma_wait3A_692, %dma_wait3A_697] : memref<20x2x128xi32, #tpu.memory_space<vmem>> -> memref<1x1x128xi32, #tpu.memory_space<vmem>>
      %dma_wait3A_699 = tpu.memref_squeeze %dma_wait3A_698 : memref<1x1x128xi32, #tpu.memory_space<vmem>> -> memref<128xi32, #tpu.memory_space<vmem>>
      %dma_wait3A_700 = arith.constant 0 : i32
      %dma_wait3A_701 = arith.constant 0 : i32
      %dma_wait3A_702 = tpu.memref_slice %arg11[%dma_wait3A_700, %dma_wait3A_701] : memref<10128x48xf32, #tpu.memory_space<vmem_shared>> -> memref<10128x48xf32, #tpu.memory_space<vmem_shared>>
      tpu.wait_indirect_dma semaphore(%arg14 : memref<!tpu.dma_semaphore, #tpu.memory_space<semaphore_mem>>) src(%dma_wait3A_696 : memref<128x48xf32, #tpu.memory_space<vmem>>) dst(%dma_wait3A_702 : memref<10128x48xf32, #tpu.memory_space<vmem_shared>>)
      %dma_start3A_703 = arith.constant 14 : i32
      %dma_start3A_704 = arith.constant 0 : i32
      %dma_start3A_705 = arith.constant 2 : i32
      %dma_start3A_706 = arith.constant 0 : i32
      %dma_start3A_707 = arith.constant 0 : i32
      %dma_start3A_708 = tpu.memref_slice %arg9[%dma_start3A_705, %dma_start3A_706, %dma_start3A_707] : memref<3x128x48xf32, #tpu.memory_space<vmem>> -> memref<1x128x48xf32, #tpu.memory_space<vmem>>
      %dma_start3A_709 = tpu.memref_squeeze %dma_start3A_708 : memref<1x128x48xf32, #tpu.memory_space<vmem>> -> memref<128x48xf32, #tpu.memory_space<vmem>>
      %dma_start3A_710 = arith.constant 0 : i32
      %dma_start3A_711 = tpu.memref_slice %arg8[%dma_start3A_703, %dma_start3A_704, %dma_start3A_710] : memref<20x2x128xi32, #tpu.memory_space<vmem>> -> memref<1x1x128xi32, #tpu.memory_space<vmem>>
      %dma_start3A_712 = tpu.memref_squeeze %dma_start3A_711 : memref<1x1x128xi32, #tpu.memory_space<vmem>> -> memref<128xi32, #tpu.memory_space<vmem>>
      %dma_start3A_713 = arith.constant 0 : i32
      %dma_start3A_714 = arith.constant 0 : i32
      %dma_start3A_715 = tpu.memref_slice %arg12[%dma_start3A_713, %dma_start3A_714] : memref<10000x48xf32, #tpu.memory_space<vmem_shared>> -> memref<10000x48xf32, #tpu.memory_space<vmem_shared>>
      tpu.enqueue_indirect_dma source(%dma_start3A_715 : memref<10000x48xf32, #tpu.memory_space<vmem_shared>>) target(%dma_start3A_709 : memref<128x48xf32, #tpu.memory_space<vmem>>) offsets(%dma_start3A_712 : memref<128xi32, #tpu.memory_space<vmem>>) semaphore(%arg15 : memref<!tpu.dma_semaphore, #tpu.memory_space<semaphore_mem>>)
      %dma_wait3A_716 = arith.constant 0 : i32
      %dma_wait3A_717 = arith.constant 0 : i32
      %dma_wait3A_718 = arith.constant 0 : i32
      %dma_wait3A_719 = arith.constant 0 : i32
      %dma_wait3A_720 = arith.constant 0 : i32
      %dma_wait3A_721 = tpu.memref_slice %arg9[%dma_wait3A_718, %dma_wait3A_719, %dma_wait3A_720] : memref<3x128x48xf32, #tpu.memory_space<vmem>> -> memref<1x128x48xf32, #tpu.memory_space<vmem>>
      %dma_wait3A_722 = tpu.memref_squeeze %dma_wait3A_721 : memref<1x128x48xf32, #tpu.memory_space<vmem>> -> memref<128x48xf32, #tpu.memory_space<vmem>>
      %dma_wait3A_723 = arith.constant 0 : i32
      %dma_wait3A_724 = tpu.memref_slice %arg8[%dma_wait3A_716, %dma_wait3A_717, %dma_wait3A_723] : memref<20x2x128xi32, #tpu.memory_space<vmem>> -> memref<1x1x128xi32, #tpu.memory_space<vmem>>
      %dma_wait3A_725 = tpu.memref_squeeze %dma_wait3A_724 : memref<1x1x128xi32, #tpu.memory_space<vmem>> -> memref<128xi32, #tpu.memory_space<vmem>>
      %dma_wait3A_726 = arith.constant 0 : i32
      %dma_wait3A_727 = arith.constant 0 : i32
      %dma_wait3A_728 = tpu.memref_slice %arg12[%dma_wait3A_726, %dma_wait3A_727] : memref<10000x48xf32, #tpu.memory_space<vmem_shared>> -> memref<10000x48xf32, #tpu.memory_space<vmem_shared>>
      tpu.wait_indirect_dma semaphore(%arg15 : memref<!tpu.dma_semaphore, #tpu.memory_space<semaphore_mem>>) src(%dma_wait3A_728 : memref<10000x48xf32, #tpu.memory_space<vmem_shared>>) dst(%dma_wait3A_722 : memref<128x48xf32, #tpu.memory_space<vmem>>)
      %dma_start3A_729 = arith.constant 1 : i32
      %dma_start3A_730 = arith.constant 13 : i32
      %dma_start3A_731 = arith.constant 1 : i32
      %dma_start3A_732 = arith.constant 0 : i32
      %dma_start3A_733 = arith.constant 0 : i32
      %dma_start3A_734 = tpu.memref_slice %arg9[%dma_start3A_729, %dma_start3A_732, %dma_start3A_733] : memref<3x128x48xf32, #tpu.memory_space<vmem>> -> memref<1x128x48xf32, #tpu.memory_space<vmem>>
      %dma_start3A_735 = tpu.memref_squeeze %dma_start3A_734 : memref<1x128x48xf32, #tpu.memory_space<vmem>> -> memref<128x48xf32, #tpu.memory_space<vmem>>
      %dma_start3A_736 = arith.constant 0 : i32
      %dma_start3A_737 = tpu.memref_slice %arg8[%dma_start3A_730, %dma_start3A_731, %dma_start3A_736] : memref<20x2x128xi32, #tpu.memory_space<vmem>> -> memref<1x1x128xi32, #tpu.memory_space<vmem>>
      %dma_start3A_738 = tpu.memref_squeeze %dma_start3A_737 : memref<1x1x128xi32, #tpu.memory_space<vmem>> -> memref<128xi32, #tpu.memory_space<vmem>>
      %dma_start3A_739 = arith.constant 0 : i32
      %dma_start3A_740 = arith.constant 0 : i32
      %dma_start3A_741 = tpu.memref_slice %arg11[%dma_start3A_739, %dma_start3A_740] : memref<10128x48xf32, #tpu.memory_space<vmem_shared>> -> memref<10128x48xf32, #tpu.memory_space<vmem_shared>>
      tpu.enqueue_indirect_dma source(%dma_start3A_735 : memref<128x48xf32, #tpu.memory_space<vmem>>) target(%dma_start3A_741 : memref<10128x48xf32, #tpu.memory_space<vmem_shared>>) offsets(%dma_start3A_738 : memref<128xi32, #tpu.memory_space<vmem>>) semaphore(%arg14 : memref<!tpu.dma_semaphore, #tpu.memory_space<semaphore_mem>>) {add = true}
      %dma_wait3A_742 = arith.constant 0 : i32
      %dma_wait3A_743 = arith.constant 0 : i32
      %dma_wait3A_744 = arith.constant 1 : i32
      %dma_wait3A_745 = arith.constant 0 : i32
      %dma_wait3A_746 = arith.constant 0 : i32
      %dma_wait3A_747 = tpu.memref_slice %arg9[%dma_wait3A_742, %dma_wait3A_745, %dma_wait3A_746] : memref<3x128x48xf32, #tpu.memory_space<vmem>> -> memref<1x128x48xf32, #tpu.memory_space<vmem>>
      %dma_wait3A_748 = tpu.memref_squeeze %dma_wait3A_747 : memref<1x128x48xf32, #tpu.memory_space<vmem>> -> memref<128x48xf32, #tpu.memory_space<vmem>>
      %dma_wait3A_749 = arith.constant 0 : i32
      %dma_wait3A_750 = tpu.memref_slice %arg8[%dma_wait3A_743, %dma_wait3A_744, %dma_wait3A_749] : memref<20x2x128xi32, #tpu.memory_space<vmem>> -> memref<1x1x128xi32, #tpu.memory_space<vmem>>
      %dma_wait3A_751 = tpu.memref_squeeze %dma_wait3A_750 : memref<1x1x128xi32, #tpu.memory_space<vmem>> -> memref<128xi32, #tpu.memory_space<vmem>>
      %dma_wait3A_752 = arith.constant 0 : i32
      %dma_wait3A_753 = arith.constant 0 : i32
      %dma_wait3A_754 = tpu.memref_slice %arg11[%dma_wait3A_752, %dma_wait3A_753] : memref<10128x48xf32, #tpu.memory_space<vmem_shared>> -> memref<10128x48xf32, #tpu.memory_space<vmem_shared>>
      tpu.wait_indirect_dma semaphore(%arg14 : memref<!tpu.dma_semaphore, #tpu.memory_space<semaphore_mem>>) src(%dma_wait3A_748 : memref<128x48xf32, #tpu.memory_space<vmem>>) dst(%dma_wait3A_754 : memref<10128x48xf32, #tpu.memory_space<vmem_shared>>)
      %dma_start3A_755 = arith.constant 15 : i32
      %dma_start3A_756 = arith.constant 0 : i32
      %dma_start3A_757 = arith.constant 0 : i32
      %dma_start3A_758 = arith.constant 0 : i32
      %dma_start3A_759 = arith.constant 0 : i32
      %dma_start3A_760 = tpu.memref_slice %arg9[%dma_start3A_757, %dma_start3A_758, %dma_start3A_759] : memref<3x128x48xf32, #tpu.memory_space<vmem>> -> memref<1x128x48xf32, #tpu.memory_space<vmem>>
      %dma_start3A_761 = tpu.memref_squeeze %dma_start3A_760 : memref<1x128x48xf32, #tpu.memory_space<vmem>> -> memref<128x48xf32, #tpu.memory_space<vmem>>
      %dma_start3A_762 = arith.constant 0 : i32
      %dma_start3A_763 = tpu.memref_slice %arg8[%dma_start3A_755, %dma_start3A_756, %dma_start3A_762] : memref<20x2x128xi32, #tpu.memory_space<vmem>> -> memref<1x1x128xi32, #tpu.memory_space<vmem>>
      %dma_start3A_764 = tpu.memref_squeeze %dma_start3A_763 : memref<1x1x128xi32, #tpu.memory_space<vmem>> -> memref<128xi32, #tpu.memory_space<vmem>>
      %dma_start3A_765 = arith.constant 0 : i32
      %dma_start3A_766 = arith.constant 0 : i32
      %dma_start3A_767 = tpu.memref_slice %arg12[%dma_start3A_765, %dma_start3A_766] : memref<10000x48xf32, #tpu.memory_space<vmem_shared>> -> memref<10000x48xf32, #tpu.memory_space<vmem_shared>>
      tpu.enqueue_indirect_dma source(%dma_start3A_767 : memref<10000x48xf32, #tpu.memory_space<vmem_shared>>) target(%dma_start3A_761 : memref<128x48xf32, #tpu.memory_space<vmem>>) offsets(%dma_start3A_764 : memref<128xi32, #tpu.memory_space<vmem>>) semaphore(%arg15 : memref<!tpu.dma_semaphore, #tpu.memory_space<semaphore_mem>>)
      %dma_wait3A_768 = arith.constant 0 : i32
      %dma_wait3A_769 = arith.constant 0 : i32
      %dma_wait3A_770 = arith.constant 0 : i32
      %dma_wait3A_771 = arith.constant 0 : i32
      %dma_wait3A_772 = arith.constant 0 : i32
      %dma_wait3A_773 = tpu.memref_slice %arg9[%dma_wait3A_770, %dma_wait3A_771, %dma_wait3A_772] : memref<3x128x48xf32, #tpu.memory_space<vmem>> -> memref<1x128x48xf32, #tpu.memory_space<vmem>>
      %dma_wait3A_774 = tpu.memref_squeeze %dma_wait3A_773 : memref<1x128x48xf32, #tpu.memory_space<vmem>> -> memref<128x48xf32, #tpu.memory_space<vmem>>
      %dma_wait3A_775 = arith.constant 0 : i32
      %dma_wait3A_776 = tpu.memref_slice %arg8[%dma_wait3A_768, %dma_wait3A_769, %dma_wait3A_775] : memref<20x2x128xi32, #tpu.memory_space<vmem>> -> memref<1x1x128xi32, #tpu.memory_space<vmem>>
      %dma_wait3A_777 = tpu.memref_squeeze %dma_wait3A_776 : memref<1x1x128xi32, #tpu.memory_space<vmem>> -> memref<128xi32, #tpu.memory_space<vmem>>
      %dma_wait3A_778 = arith.constant 0 : i32
      %dma_wait3A_779 = arith.constant 0 : i32
      %dma_wait3A_780 = tpu.memref_slice %arg12[%dma_wait3A_778, %dma_wait3A_779] : memref<10000x48xf32, #tpu.memory_space<vmem_shared>> -> memref<10000x48xf32, #tpu.memory_space<vmem_shared>>
      tpu.wait_indirect_dma semaphore(%arg15 : memref<!tpu.dma_semaphore, #tpu.memory_space<semaphore_mem>>) src(%dma_wait3A_780 : memref<10000x48xf32, #tpu.memory_space<vmem_shared>>) dst(%dma_wait3A_774 : memref<128x48xf32, #tpu.memory_space<vmem>>)
      %dma_start3A_781 = arith.constant 2 : i32
      %dma_start3A_782 = arith.constant 14 : i32
      %dma_start3A_783 = arith.constant 1 : i32
      %dma_start3A_784 = arith.constant 0 : i32
      %dma_start3A_785 = arith.constant 0 : i32
      %dma_start3A_786 = tpu.memref_slice %arg9[%dma_start3A_781, %dma_start3A_784, %dma_start3A_785] : memref<3x128x48xf32, #tpu.memory_space<vmem>> -> memref<1x128x48xf32, #tpu.memory_space<vmem>>
      %dma_start3A_787 = tpu.memref_squeeze %dma_start3A_786 : memref<1x128x48xf32, #tpu.memory_space<vmem>> -> memref<128x48xf32, #tpu.memory_space<vmem>>
      %dma_start3A_788 = arith.constant 0 : i32
      %dma_start3A_789 = tpu.memref_slice %arg8[%dma_start3A_782, %dma_start3A_783, %dma_start3A_788] : memref<20x2x128xi32, #tpu.memory_space<vmem>> -> memref<1x1x128xi32, #tpu.memory_space<vmem>>
      %dma_start3A_790 = tpu.memref_squeeze %dma_start3A_789 : memref<1x1x128xi32, #tpu.memory_space<vmem>> -> memref<128xi32, #tpu.memory_space<vmem>>
      %dma_start3A_791 = arith.constant 0 : i32
      %dma_start3A_792 = arith.constant 0 : i32
      %dma_start3A_793 = tpu.memref_slice %arg11[%dma_start3A_791, %dma_start3A_792] : memref<10128x48xf32, #tpu.memory_space<vmem_shared>> -> memref<10128x48xf32, #tpu.memory_space<vmem_shared>>
      tpu.enqueue_indirect_dma source(%dma_start3A_787 : memref<128x48xf32, #tpu.memory_space<vmem>>) target(%dma_start3A_793 : memref<10128x48xf32, #tpu.memory_space<vmem_shared>>) offsets(%dma_start3A_790 : memref<128xi32, #tpu.memory_space<vmem>>) semaphore(%arg14 : memref<!tpu.dma_semaphore, #tpu.memory_space<semaphore_mem>>) {add = true}
      %dma_wait3A_794 = arith.constant 0 : i32
      %dma_wait3A_795 = arith.constant 0 : i32
      %dma_wait3A_796 = arith.constant 1 : i32
      %dma_wait3A_797 = arith.constant 0 : i32
      %dma_wait3A_798 = arith.constant 0 : i32
      %dma_wait3A_799 = tpu.memref_slice %arg9[%dma_wait3A_794, %dma_wait3A_797, %dma_wait3A_798] : memref<3x128x48xf32, #tpu.memory_space<vmem>> -> memref<1x128x48xf32, #tpu.memory_space<vmem>>
      %dma_wait3A_800 = tpu.memref_squeeze %dma_wait3A_799 : memref<1x128x48xf32, #tpu.memory_space<vmem>> -> memref<128x48xf32, #tpu.memory_space<vmem>>
      %dma_wait3A_801 = arith.constant 0 : i32
      %dma_wait3A_802 = tpu.memref_slice %arg8[%dma_wait3A_795, %dma_wait3A_796, %dma_wait3A_801] : memref<20x2x128xi32, #tpu.memory_space<vmem>> -> memref<1x1x128xi32, #tpu.memory_space<vmem>>
      %dma_wait3A_803 = tpu.memref_squeeze %dma_wait3A_802 : memref<1x1x128xi32, #tpu.memory_space<vmem>> -> memref<128xi32, #tpu.memory_space<vmem>>
      %dma_wait3A_804 = arith.constant 0 : i32
      %dma_wait3A_805 = arith.constant 0 : i32
      %dma_wait3A_806 = tpu.memref_slice %arg11[%dma_wait3A_804, %dma_wait3A_805] : memref<10128x48xf32, #tpu.memory_space<vmem_shared>> -> memref<10128x48xf32, #tpu.memory_space<vmem_shared>>
      tpu.wait_indirect_dma semaphore(%arg14 : memref<!tpu.dma_semaphore, #tpu.memory_space<semaphore_mem>>) src(%dma_wait3A_800 : memref<128x48xf32, #tpu.memory_space<vmem>>) dst(%dma_wait3A_806 : memref<10128x48xf32, #tpu.memory_space<vmem_shared>>)
      %dma_start3A_807 = arith.constant 16 : i32
      %dma_start3A_808 = arith.constant 0 : i32
      %dma_start3A_809 = arith.constant 1 : i32
      %dma_start3A_810 = arith.constant 0 : i32
      %dma_start3A_811 = arith.constant 0 : i32
      %dma_start3A_812 = tpu.memref_slice %arg9[%dma_start3A_809, %dma_start3A_810, %dma_start3A_811] : memref<3x128x48xf32, #tpu.memory_space<vmem>> -> memref<1x128x48xf32, #tpu.memory_space<vmem>>
      %dma_start3A_813 = tpu.memref_squeeze %dma_start3A_812 : memref<1x128x48xf32, #tpu.memory_space<vmem>> -> memref<128x48xf32, #tpu.memory_space<vmem>>
      %dma_start3A_814 = arith.constant 0 : i32
      %dma_start3A_815 = tpu.memref_slice %arg8[%dma_start3A_807, %dma_start3A_808, %dma_start3A_814] : memref<20x2x128xi32, #tpu.memory_space<vmem>> -> memref<1x1x128xi32, #tpu.memory_space<vmem>>
      %dma_start3A_816 = tpu.memref_squeeze %dma_start3A_815 : memref<1x1x128xi32, #tpu.memory_space<vmem>> -> memref<128xi32, #tpu.memory_space<vmem>>
      %dma_start3A_817 = arith.constant 0 : i32
      %dma_start3A_818 = arith.constant 0 : i32
      %dma_start3A_819 = tpu.memref_slice %arg12[%dma_start3A_817, %dma_start3A_818] : memref<10000x48xf32, #tpu.memory_space<vmem_shared>> -> memref<10000x48xf32, #tpu.memory_space<vmem_shared>>
      tpu.enqueue_indirect_dma source(%dma_start3A_819 : memref<10000x48xf32, #tpu.memory_space<vmem_shared>>) target(%dma_start3A_813 : memref<128x48xf32, #tpu.memory_space<vmem>>) offsets(%dma_start3A_816 : memref<128xi32, #tpu.memory_space<vmem>>) semaphore(%arg15 : memref<!tpu.dma_semaphore, #tpu.memory_space<semaphore_mem>>)
      %dma_wait3A_820 = arith.constant 0 : i32
      %dma_wait3A_821 = arith.constant 0 : i32
      %dma_wait3A_822 = arith.constant 0 : i32
      %dma_wait3A_823 = arith.constant 0 : i32
      %dma_wait3A_824 = arith.constant 0 : i32
      %dma_wait3A_825 = tpu.memref_slice %arg9[%dma_wait3A_822, %dma_wait3A_823, %dma_wait3A_824] : memref<3x128x48xf32, #tpu.memory_space<vmem>> -> memref<1x128x48xf32, #tpu.memory_space<vmem>>
      %dma_wait3A_826 = tpu.memref_squeeze %dma_wait3A_825 : memref<1x128x48xf32, #tpu.memory_space<vmem>> -> memref<128x48xf32, #tpu.memory_space<vmem>>
      %dma_wait3A_827 = arith.constant 0 : i32
      %dma_wait3A_828 = tpu.memref_slice %arg8[%dma_wait3A_820, %dma_wait3A_821, %dma_wait3A_827] : memref<20x2x128xi32, #tpu.memory_space<vmem>> -> memref<1x1x128xi32, #tpu.memory_space<vmem>>
      %dma_wait3A_829 = tpu.memref_squeeze %dma_wait3A_828 : memref<1x1x128xi32, #tpu.memory_space<vmem>> -> memref<128xi32, #tpu.memory_space<vmem>>
      %dma_wait3A_830 = arith.constant 0 : i32
      %dma_wait3A_831 = arith.constant 0 : i32
      %dma_wait3A_832 = tpu.memref_slice %arg12[%dma_wait3A_830, %dma_wait3A_831] : memref<10000x48xf32, #tpu.memory_space<vmem_shared>> -> memref<10000x48xf32, #tpu.memory_space<vmem_shared>>
      tpu.wait_indirect_dma semaphore(%arg15 : memref<!tpu.dma_semaphore, #tpu.memory_space<semaphore_mem>>) src(%dma_wait3A_832 : memref<10000x48xf32, #tpu.memory_space<vmem_shared>>) dst(%dma_wait3A_826 : memref<128x48xf32, #tpu.memory_space<vmem>>)
      %dma_start3A_833 = arith.constant 0 : i32
      %dma_start3A_834 = arith.constant 15 : i32
      %dma_start3A_835 = arith.constant 1 : i32
      %dma_start3A_836 = arith.constant 0 : i32
      %dma_start3A_837 = arith.constant 0 : i32
      %dma_start3A_838 = tpu.memref_slice %arg9[%dma_start3A_833, %dma_start3A_836, %dma_start3A_837] : memref<3x128x48xf32, #tpu.memory_space<vmem>> -> memref<1x128x48xf32, #tpu.memory_space<vmem>>
      %dma_start3A_839 = tpu.memref_squeeze %dma_start3A_838 : memref<1x128x48xf32, #tpu.memory_space<vmem>> -> memref<128x48xf32, #tpu.memory_space<vmem>>
      %dma_start3A_840 = arith.constant 0 : i32
      %dma_start3A_841 = tpu.memref_slice %arg8[%dma_start3A_834, %dma_start3A_835, %dma_start3A_840] : memref<20x2x128xi32, #tpu.memory_space<vmem>> -> memref<1x1x128xi32, #tpu.memory_space<vmem>>
      %dma_start3A_842 = tpu.memref_squeeze %dma_start3A_841 : memref<1x1x128xi32, #tpu.memory_space<vmem>> -> memref<128xi32, #tpu.memory_space<vmem>>
      %dma_start3A_843 = arith.constant 0 : i32
      %dma_start3A_844 = arith.constant 0 : i32
      %dma_start3A_845 = tpu.memref_slice %arg11[%dma_start3A_843, %dma_start3A_844] : memref<10128x48xf32, #tpu.memory_space<vmem_shared>> -> memref<10128x48xf32, #tpu.memory_space<vmem_shared>>
      tpu.enqueue_indirect_dma source(%dma_start3A_839 : memref<128x48xf32, #tpu.memory_space<vmem>>) target(%dma_start3A_845 : memref<10128x48xf32, #tpu.memory_space<vmem_shared>>) offsets(%dma_start3A_842 : memref<128xi32, #tpu.memory_space<vmem>>) semaphore(%arg14 : memref<!tpu.dma_semaphore, #tpu.memory_space<semaphore_mem>>) {add = true}
      %dma_wait3A_846 = arith.constant 0 : i32
      %dma_wait3A_847 = arith.constant 0 : i32
      %dma_wait3A_848 = arith.constant 1 : i32
      %dma_wait3A_849 = arith.constant 0 : i32
      %dma_wait3A_850 = arith.constant 0 : i32
      %dma_wait3A_851 = tpu.memref_slice %arg9[%dma_wait3A_846, %dma_wait3A_849, %dma_wait3A_850] : memref<3x128x48xf32, #tpu.memory_space<vmem>> -> memref<1x128x48xf32, #tpu.memory_space<vmem>>
      %dma_wait3A_852 = tpu.memref_squeeze %dma_wait3A_851 : memref<1x128x48xf32, #tpu.memory_space<vmem>> -> memref<128x48xf32, #tpu.memory_space<vmem>>
      %dma_wait3A_853 = arith.constant 0 : i32
      %dma_wait3A_854 = tpu.memref_slice %arg8[%dma_wait3A_847, %dma_wait3A_848, %dma_wait3A_853] : memref<20x2x128xi32, #tpu.memory_space<vmem>> -> memref<1x1x128xi32, #tpu.memory_space<vmem>>
      %dma_wait3A_855 = tpu.memref_squeeze %dma_wait3A_854 : memref<1x1x128xi32, #tpu.memory_space<vmem>> -> memref<128xi32, #tpu.memory_space<vmem>>
      %dma_wait3A_856 = arith.constant 0 : i32
      %dma_wait3A_857 = arith.constant 0 : i32
      %dma_wait3A_858 = tpu.memref_slice %arg11[%dma_wait3A_856, %dma_wait3A_857] : memref<10128x48xf32, #tpu.memory_space<vmem_shared>> -> memref<10128x48xf32, #tpu.memory_space<vmem_shared>>
      tpu.wait_indirect_dma semaphore(%arg14 : memref<!tpu.dma_semaphore, #tpu.memory_space<semaphore_mem>>) src(%dma_wait3A_852 : memref<128x48xf32, #tpu.memory_space<vmem>>) dst(%dma_wait3A_858 : memref<10128x48xf32, #tpu.memory_space<vmem_shared>>)
      %dma_start3A_859 = arith.constant 17 : i32
      %dma_start3A_860 = arith.constant 0 : i32
      %dma_start3A_861 = arith.constant 2 : i32
      %dma_start3A_862 = arith.constant 0 : i32
      %dma_start3A_863 = arith.constant 0 : i32
      %dma_start3A_864 = tpu.memref_slice %arg9[%dma_start3A_861, %dma_start3A_862, %dma_start3A_863] : memref<3x128x48xf32, #tpu.memory_space<vmem>> -> memref<1x128x48xf32, #tpu.memory_space<vmem>>
      %dma_start3A_865 = tpu.memref_squeeze %dma_start3A_864 : memref<1x128x48xf32, #tpu.memory_space<vmem>> -> memref<128x48xf32, #tpu.memory_space<vmem>>
      %dma_start3A_866 = arith.constant 0 : i32
      %dma_start3A_867 = tpu.memref_slice %arg8[%dma_start3A_859, %dma_start3A_860, %dma_start3A_866] : memref<20x2x128xi32, #tpu.memory_space<vmem>> -> memref<1x1x128xi32, #tpu.memory_space<vmem>>
      %dma_start3A_868 = tpu.memref_squeeze %dma_start3A_867 : memref<1x1x128xi32, #tpu.memory_space<vmem>> -> memref<128xi32, #tpu.memory_space<vmem>>
      %dma_start3A_869 = arith.constant 0 : i32
      %dma_start3A_870 = arith.constant 0 : i32
      %dma_start3A_871 = tpu.memref_slice %arg12[%dma_start3A_869, %dma_start3A_870] : memref<10000x48xf32, #tpu.memory_space<vmem_shared>> -> memref<10000x48xf32, #tpu.memory_space<vmem_shared>>
      tpu.enqueue_indirect_dma source(%dma_start3A_871 : memref<10000x48xf32, #tpu.memory_space<vmem_shared>>) target(%dma_start3A_865 : memref<128x48xf32, #tpu.memory_space<vmem>>) offsets(%dma_start3A_868 : memref<128xi32, #tpu.memory_space<vmem>>) semaphore(%arg15 : memref<!tpu.dma_semaphore, #tpu.memory_space<semaphore_mem>>)
      %dma_wait3A_872 = arith.constant 0 : i32
      %dma_wait3A_873 = arith.constant 0 : i32
      %dma_wait3A_874 = arith.constant 0 : i32
      %dma_wait3A_875 = arith.constant 0 : i32
      %dma_wait3A_876 = arith.constant 0 : i32
      %dma_wait3A_877 = tpu.memref_slice %arg9[%dma_wait3A_874, %dma_wait3A_875, %dma_wait3A_876] : memref<3x128x48xf32, #tpu.memory_space<vmem>> -> memref<1x128x48xf32, #tpu.memory_space<vmem>>
      %dma_wait3A_878 = tpu.memref_squeeze %dma_wait3A_877 : memref<1x128x48xf32, #tpu.memory_space<vmem>> -> memref<128x48xf32, #tpu.memory_space<vmem>>
      %dma_wait3A_879 = arith.constant 0 : i32
      %dma_wait3A_880 = tpu.memref_slice %arg8[%dma_wait3A_872, %dma_wait3A_873, %dma_wait3A_879] : memref<20x2x128xi32, #tpu.memory_space<vmem>> -> memref<1x1x128xi32, #tpu.memory_space<vmem>>
      %dma_wait3A_881 = tpu.memref_squeeze %dma_wait3A_880 : memref<1x1x128xi32, #tpu.memory_space<vmem>> -> memref<128xi32, #tpu.memory_space<vmem>>
      %dma_wait3A_882 = arith.constant 0 : i32
      %dma_wait3A_883 = arith.constant 0 : i32
      %dma_wait3A_884 = tpu.memref_slice %arg12[%dma_wait3A_882, %dma_wait3A_883] : memref<10000x48xf32, #tpu.memory_space<vmem_shared>> -> memref<10000x48xf32, #tpu.memory_space<vmem_shared>>
      tpu.wait_indirect_dma semaphore(%arg15 : memref<!tpu.dma_semaphore, #tpu.memory_space<semaphore_mem>>) src(%dma_wait3A_884 : memref<10000x48xf32, #tpu.memory_space<vmem_shared>>) dst(%dma_wait3A_878 : memref<128x48xf32, #tpu.memory_space<vmem>>)
      %dma_start3A_885 = arith.constant 1 : i32
      %dma_start3A_886 = arith.constant 16 : i32
      %dma_start3A_887 = arith.constant 1 : i32
      %dma_start3A_888 = arith.constant 0 : i32
      %dma_start3A_889 = arith.constant 0 : i32
      %dma_start3A_890 = tpu.memref_slice %arg9[%dma_start3A_885, %dma_start3A_888, %dma_start3A_889] : memref<3x128x48xf32, #tpu.memory_space<vmem>> -> memref<1x128x48xf32, #tpu.memory_space<vmem>>
      %dma_start3A_891 = tpu.memref_squeeze %dma_start3A_890 : memref<1x128x48xf32, #tpu.memory_space<vmem>> -> memref<128x48xf32, #tpu.memory_space<vmem>>
      %dma_start3A_892 = arith.constant 0 : i32
      %dma_start3A_893 = tpu.memref_slice %arg8[%dma_start3A_886, %dma_start3A_887, %dma_start3A_892] : memref<20x2x128xi32, #tpu.memory_space<vmem>> -> memref<1x1x128xi32, #tpu.memory_space<vmem>>
      %dma_start3A_894 = tpu.memref_squeeze %dma_start3A_893 : memref<1x1x128xi32, #tpu.memory_space<vmem>> -> memref<128xi32, #tpu.memory_space<vmem>>
      %dma_start3A_895 = arith.constant 0 : i32
      %dma_start3A_896 = arith.constant 0 : i32
      %dma_start3A_897 = tpu.memref_slice %arg11[%dma_start3A_895, %dma_start3A_896] : memref<10128x48xf32, #tpu.memory_space<vmem_shared>> -> memref<10128x48xf32, #tpu.memory_space<vmem_shared>>
      tpu.enqueue_indirect_dma source(%dma_start3A_891 : memref<128x48xf32, #tpu.memory_space<vmem>>) target(%dma_start3A_897 : memref<10128x48xf32, #tpu.memory_space<vmem_shared>>) offsets(%dma_start3A_894 : memref<128xi32, #tpu.memory_space<vmem>>) semaphore(%arg14 : memref<!tpu.dma_semaphore, #tpu.memory_space<semaphore_mem>>) {add = true}
      %dma_wait3A_898 = arith.constant 0 : i32
      %dma_wait3A_899 = arith.constant 0 : i32
      %dma_wait3A_900 = arith.constant 1 : i32
      %dma_wait3A_901 = arith.constant 0 : i32
      %dma_wait3A_902 = arith.constant 0 : i32
      %dma_wait3A_903 = tpu.memref_slice %arg9[%dma_wait3A_898, %dma_wait3A_901, %dma_wait3A_902] : memref<3x128x48xf32, #tpu.memory_space<vmem>> -> memref<1x128x48xf32, #tpu.memory_space<vmem>>
      %dma_wait3A_904 = tpu.memref_squeeze %dma_wait3A_903 : memref<1x128x48xf32, #tpu.memory_space<vmem>> -> memref<128x48xf32, #tpu.memory_space<vmem>>
      %dma_wait3A_905 = arith.constant 0 : i32
      %dma_wait3A_906 = tpu.memref_slice %arg8[%dma_wait3A_899, %dma_wait3A_900, %dma_wait3A_905] : memref<20x2x128xi32, #tpu.memory_space<vmem>> -> memref<1x1x128xi32, #tpu.memory_space<vmem>>
      %dma_wait3A_907 = tpu.memref_squeeze %dma_wait3A_906 : memref<1x1x128xi32, #tpu.memory_space<vmem>> -> memref<128xi32, #tpu.memory_space<vmem>>
      %dma_wait3A_908 = arith.constant 0 : i32
      %dma_wait3A_909 = arith.constant 0 : i32
      %dma_wait3A_910 = tpu.memref_slice %arg11[%dma_wait3A_908, %dma_wait3A_909] : memref<10128x48xf32, #tpu.memory_space<vmem_shared>> -> memref<10128x48xf32, #tpu.memory_space<vmem_shared>>
      tpu.wait_indirect_dma semaphore(%arg14 : memref<!tpu.dma_semaphore, #tpu.memory_space<semaphore_mem>>) src(%dma_wait3A_904 : memref<128x48xf32, #tpu.memory_space<vmem>>) dst(%dma_wait3A_910 : memref<10128x48xf32, #tpu.memory_space<vmem_shared>>)
      %dma_start3A_911 = arith.constant 18 : i32
      %dma_start3A_912 = arith.constant 0 : i32
      %dma_start3A_913 = arith.constant 0 : i32
      %dma_start3A_914 = arith.constant 0 : i32
      %dma_start3A_915 = arith.constant 0 : i32
      %dma_start3A_916 = tpu.memref_slice %arg9[%dma_start3A_913, %dma_start3A_914, %dma_start3A_915] : memref<3x128x48xf32, #tpu.memory_space<vmem>> -> memref<1x128x48xf32, #tpu.memory_space<vmem>>
      %dma_start3A_917 = tpu.memref_squeeze %dma_start3A_916 : memref<1x128x48xf32, #tpu.memory_space<vmem>> -> memref<128x48xf32, #tpu.memory_space<vmem>>
      %dma_start3A_918 = arith.constant 0 : i32
      %dma_start3A_919 = tpu.memref_slice %arg8[%dma_start3A_911, %dma_start3A_912, %dma_start3A_918] : memref<20x2x128xi32, #tpu.memory_space<vmem>> -> memref<1x1x128xi32, #tpu.memory_space<vmem>>
      %dma_start3A_920 = tpu.memref_squeeze %dma_start3A_919 : memref<1x1x128xi32, #tpu.memory_space<vmem>> -> memref<128xi32, #tpu.memory_space<vmem>>
      %dma_start3A_921 = arith.constant 0 : i32
      %dma_start3A_922 = arith.constant 0 : i32
      %dma_start3A_923 = tpu.memref_slice %arg12[%dma_start3A_921, %dma_start3A_922] : memref<10000x48xf32, #tpu.memory_space<vmem_shared>> -> memref<10000x48xf32, #tpu.memory_space<vmem_shared>>
      tpu.enqueue_indirect_dma source(%dma_start3A_923 : memref<10000x48xf32, #tpu.memory_space<vmem_shared>>) target(%dma_start3A_917 : memref<128x48xf32, #tpu.memory_space<vmem>>) offsets(%dma_start3A_920 : memref<128xi32, #tpu.memory_space<vmem>>) semaphore(%arg15 : memref<!tpu.dma_semaphore, #tpu.memory_space<semaphore_mem>>)
      %dma_wait3A_924 = arith.constant 0 : i32
      %dma_wait3A_925 = arith.constant 0 : i32
      %dma_wait3A_926 = arith.constant 0 : i32
      %dma_wait3A_927 = arith.constant 0 : i32
      %dma_wait3A_928 = arith.constant 0 : i32
      %dma_wait3A_929 = tpu.memref_slice %arg9[%dma_wait3A_926, %dma_wait3A_927, %dma_wait3A_928] : memref<3x128x48xf32, #tpu.memory_space<vmem>> -> memref<1x128x48xf32, #tpu.memory_space<vmem>>
      %dma_wait3A_930 = tpu.memref_squeeze %dma_wait3A_929 : memref<1x128x48xf32, #tpu.memory_space<vmem>> -> memref<128x48xf32, #tpu.memory_space<vmem>>
      %dma_wait3A_931 = arith.constant 0 : i32
      %dma_wait3A_932 = tpu.memref_slice %arg8[%dma_wait3A_924, %dma_wait3A_925, %dma_wait3A_931] : memref<20x2x128xi32, #tpu.memory_space<vmem>> -> memref<1x1x128xi32, #tpu.memory_space<vmem>>
      %dma_wait3A_933 = tpu.memref_squeeze %dma_wait3A_932 : memref<1x1x128xi32, #tpu.memory_space<vmem>> -> memref<128xi32, #tpu.memory_space<vmem>>
      %dma_wait3A_934 = arith.constant 0 : i32
      %dma_wait3A_935 = arith.constant 0 : i32
      %dma_wait3A_936 = tpu.memref_slice %arg12[%dma_wait3A_934, %dma_wait3A_935] : memref<10000x48xf32, #tpu.memory_space<vmem_shared>> -> memref<10000x48xf32, #tpu.memory_space<vmem_shared>>
      tpu.wait_indirect_dma semaphore(%arg15 : memref<!tpu.dma_semaphore, #tpu.memory_space<semaphore_mem>>) src(%dma_wait3A_936 : memref<10000x48xf32, #tpu.memory_space<vmem_shared>>) dst(%dma_wait3A_930 : memref<128x48xf32, #tpu.memory_space<vmem>>)
      %dma_start3A_937 = arith.constant 2 : i32
      %dma_start3A_938 = arith.constant 17 : i32
      %dma_start3A_939 = arith.constant 1 : i32
      %dma_start3A_940 = arith.constant 0 : i32
      %dma_start3A_941 = arith.constant 0 : i32
      %dma_start3A_942 = tpu.memref_slice %arg9[%dma_start3A_937, %dma_start3A_940, %dma_start3A_941] : memref<3x128x48xf32, #tpu.memory_space<vmem>> -> memref<1x128x48xf32, #tpu.memory_space<vmem>>
      %dma_start3A_943 = tpu.memref_squeeze %dma_start3A_942 : memref<1x128x48xf32, #tpu.memory_space<vmem>> -> memref<128x48xf32, #tpu.memory_space<vmem>>
      %dma_start3A_944 = arith.constant 0 : i32
      %dma_start3A_945 = tpu.memref_slice %arg8[%dma_start3A_938, %dma_start3A_939, %dma_start3A_944] : memref<20x2x128xi32, #tpu.memory_space<vmem>> -> memref<1x1x128xi32, #tpu.memory_space<vmem>>
      %dma_start3A_946 = tpu.memref_squeeze %dma_start3A_945 : memref<1x1x128xi32, #tpu.memory_space<vmem>> -> memref<128xi32, #tpu.memory_space<vmem>>
      %dma_start3A_947 = arith.constant 0 : i32
      %dma_start3A_948 = arith.constant 0 : i32
      %dma_start3A_949 = tpu.memref_slice %arg11[%dma_start3A_947, %dma_start3A_948] : memref<10128x48xf32, #tpu.memory_space<vmem_shared>> -> memref<10128x48xf32, #tpu.memory_space<vmem_shared>>
      tpu.enqueue_indirect_dma source(%dma_start3A_943 : memref<128x48xf32, #tpu.memory_space<vmem>>) target(%dma_start3A_949 : memref<10128x48xf32, #tpu.memory_space<vmem_shared>>) offsets(%dma_start3A_946 : memref<128xi32, #tpu.memory_space<vmem>>) semaphore(%arg14 : memref<!tpu.dma_semaphore, #tpu.memory_space<semaphore_mem>>) {add = true}
      %dma_wait3A_950 = arith.constant 0 : i32
      %dma_wait3A_951 = arith.constant 0 : i32
      %dma_wait3A_952 = arith.constant 1 : i32
      %dma_wait3A_953 = arith.constant 0 : i32
      %dma_wait3A_954 = arith.constant 0 : i32
      %dma_wait3A_955 = tpu.memref_slice %arg9[%dma_wait3A_950, %dma_wait3A_953, %dma_wait3A_954] : memref<3x128x48xf32, #tpu.memory_space<vmem>> -> memref<1x128x48xf32, #tpu.memory_space<vmem>>
      %dma_wait3A_956 = tpu.memref_squeeze %dma_wait3A_955 : memref<1x128x48xf32, #tpu.memory_space<vmem>> -> memref<128x48xf32, #tpu.memory_space<vmem>>
      %dma_wait3A_957 = arith.constant 0 : i32
      %dma_wait3A_958 = tpu.memref_slice %arg8[%dma_wait3A_951, %dma_wait3A_952, %dma_wait3A_957] : memref<20x2x128xi32, #tpu.memory_space<vmem>> -> memref<1x1x128xi32, #tpu.memory_space<vmem>>
      %dma_wait3A_959 = tpu.memref_squeeze %dma_wait3A_958 : memref<1x1x128xi32, #tpu.memory_space<vmem>> -> memref<128xi32, #tpu.memory_space<vmem>>
      %dma_wait3A_960 = arith.constant 0 : i32
      %dma_wait3A_961 = arith.constant 0 : i32
      %dma_wait3A_962 = tpu.memref_slice %arg11[%dma_wait3A_960, %dma_wait3A_961] : memref<10128x48xf32, #tpu.memory_space<vmem_shared>> -> memref<10128x48xf32, #tpu.memory_space<vmem_shared>>
      tpu.wait_indirect_dma semaphore(%arg14 : memref<!tpu.dma_semaphore, #tpu.memory_space<semaphore_mem>>) src(%dma_wait3A_956 : memref<128x48xf32, #tpu.memory_space<vmem>>) dst(%dma_wait3A_962 : memref<10128x48xf32, #tpu.memory_space<vmem_shared>>)
      %dma_start3A_963 = arith.constant 19 : i32
      %dma_start3A_964 = arith.constant 0 : i32
      %dma_start3A_965 = arith.constant 1 : i32
      %dma_start3A_966 = arith.constant 0 : i32
      %dma_start3A_967 = arith.constant 0 : i32
      %dma_start3A_968 = tpu.memref_slice %arg9[%dma_start3A_965, %dma_start3A_966, %dma_start3A_967] : memref<3x128x48xf32, #tpu.memory_space<vmem>> -> memref<1x128x48xf32, #tpu.memory_space<vmem>>
      %dma_start3A_969 = tpu.memref_squeeze %dma_start3A_968 : memref<1x128x48xf32, #tpu.memory_space<vmem>> -> memref<128x48xf32, #tpu.memory_space<vmem>>
      %dma_start3A_970 = arith.constant 0 : i32
      %dma_start3A_971 = tpu.memref_slice %arg8[%dma_start3A_963, %dma_start3A_964, %dma_start3A_970] : memref<20x2x128xi32, #tpu.memory_space<vmem>> -> memref<1x1x128xi32, #tpu.memory_space<vmem>>
      %dma_start3A_972 = tpu.memref_squeeze %dma_start3A_971 : memref<1x1x128xi32, #tpu.memory_space<vmem>> -> memref<128xi32, #tpu.memory_space<vmem>>
      %dma_start3A_973 = arith.constant 0 : i32
      %dma_start3A_974 = arith.constant 0 : i32
      %dma_start3A_975 = tpu.memref_slice %arg12[%dma_start3A_973, %dma_start3A_974] : memref<10000x48xf32, #tpu.memory_space<vmem_shared>> -> memref<10000x48xf32, #tpu.memory_space<vmem_shared>>
      tpu.enqueue_indirect_dma source(%dma_start3A_975 : memref<10000x48xf32, #tpu.memory_space<vmem_shared>>) target(%dma_start3A_969 : memref<128x48xf32, #tpu.memory_space<vmem>>) offsets(%dma_start3A_972 : memref<128xi32, #tpu.memory_space<vmem>>) semaphore(%arg15 : memref<!tpu.dma_semaphore, #tpu.memory_space<semaphore_mem>>)
      %dma_wait3A_976 = arith.constant 0 : i32
      %dma_wait3A_977 = arith.constant 0 : i32
      %dma_wait3A_978 = arith.constant 0 : i32
      %dma_wait3A_979 = arith.constant 0 : i32
      %dma_wait3A_980 = arith.constant 0 : i32
      %dma_wait3A_981 = tpu.memref_slice %arg9[%dma_wait3A_978, %dma_wait3A_979, %dma_wait3A_980] : memref<3x128x48xf32, #tpu.memory_space<vmem>> -> memref<1x128x48xf32, #tpu.memory_space<vmem>>
      %dma_wait3A_982 = tpu.memref_squeeze %dma_wait3A_981 : memref<1x128x48xf32, #tpu.memory_space<vmem>> -> memref<128x48xf32, #tpu.memory_space<vmem>>
      %dma_wait3A_983 = arith.constant 0 : i32
      %dma_wait3A_984 = tpu.memref_slice %arg8[%dma_wait3A_976, %dma_wait3A_977, %dma_wait3A_983] : memref<20x2x128xi32, #tpu.memory_space<vmem>> -> memref<1x1x128xi32, #tpu.memory_space<vmem>>
      %dma_wait3A_985 = tpu.memref_squeeze %dma_wait3A_984 : memref<1x1x128xi32, #tpu.memory_space<vmem>> -> memref<128xi32, #tpu.memory_space<vmem>>
      %dma_wait3A_986 = arith.constant 0 : i32
      %dma_wait3A_987 = arith.constant 0 : i32
      %dma_wait3A_988 = tpu.memref_slice %arg12[%dma_wait3A_986, %dma_wait3A_987] : memref<10000x48xf32, #tpu.memory_space<vmem_shared>> -> memref<10000x48xf32, #tpu.memory_space<vmem_shared>>
      tpu.wait_indirect_dma semaphore(%arg15 : memref<!tpu.dma_semaphore, #tpu.memory_space<semaphore_mem>>) src(%dma_wait3A_988 : memref<10000x48xf32, #tpu.memory_space<vmem_shared>>) dst(%dma_wait3A_982 : memref<128x48xf32, #tpu.memory_space<vmem>>)
      %dma_start3A_989 = arith.constant 0 : i32
      %dma_start3A_990 = arith.constant 18 : i32
      %dma_start3A_991 = arith.constant 1 : i32
      %dma_start3A_992 = arith.constant 0 : i32
      %dma_start3A_993 = arith.constant 0 : i32
      %dma_start3A_994 = tpu.memref_slice %arg9[%dma_start3A_989, %dma_start3A_992, %dma_start3A_993] : memref<3x128x48xf32, #tpu.memory_space<vmem>> -> memref<1x128x48xf32, #tpu.memory_space<vmem>>
      %dma_start3A_995 = tpu.memref_squeeze %dma_start3A_994 : memref<1x128x48xf32, #tpu.memory_space<vmem>> -> memref<128x48xf32, #tpu.memory_space<vmem>>
      %dma_start3A_996 = arith.constant 0 : i32
      %dma_start3A_997 = tpu.memref_slice %arg8[%dma_start3A_990, %dma_start3A_991, %dma_start3A_996] : memref<20x2x128xi32, #tpu.memory_space<vmem>> -> memref<1x1x128xi32, #tpu.memory_space<vmem>>
      %dma_start3A_998 = tpu.memref_squeeze %dma_start3A_997 : memref<1x1x128xi32, #tpu.memory_space<vmem>> -> memref<128xi32, #tpu.memory_space<vmem>>
      %dma_start3A_999 = arith.constant 0 : i32
      %dma_start3A_1000 = arith.constant 0 : i32
      %dma_start3A_1001 = tpu.memref_slice %arg11[%dma_start3A_999, %dma_start3A_1000] : memref<10128x48xf32, #tpu.memory_space<vmem_shared>> -> memref<10128x48xf32, #tpu.memory_space<vmem_shared>>
      tpu.enqueue_indirect_dma source(%dma_start3A_995 : memref<128x48xf32, #tpu.memory_space<vmem>>) target(%dma_start3A_1001 : memref<10128x48xf32, #tpu.memory_space<vmem_shared>>) offsets(%dma_start3A_998 : memref<128xi32, #tpu.memory_space<vmem>>) semaphore(%arg14 : memref<!tpu.dma_semaphore, #tpu.memory_space<semaphore_mem>>) {add = true}
      %dma_wait3A_1002 = arith.constant 0 : i32
      %dma_wait3A_1003 = arith.constant 0 : i32
      %dma_wait3A_1004 = arith.constant 0 : i32
      %dma_wait3A_1005 = arith.constant 0 : i32
      %dma_wait3A_1006 = arith.constant 0 : i32
      %dma_wait3A_1007 = tpu.memref_slice %arg9[%dma_wait3A_1004, %dma_wait3A_1005, %dma_wait3A_1006] : memref<3x128x48xf32, #tpu.memory_space<vmem>> -> memref<1x128x48xf32, #tpu.memory_space<vmem>>
      %dma_wait3A_1008 = tpu.memref_squeeze %dma_wait3A_1007 : memref<1x128x48xf32, #tpu.memory_space<vmem>> -> memref<128x48xf32, #tpu.memory_space<vmem>>
      %dma_wait3A_1009 = arith.constant 0 : i32
      %dma_wait3A_1010 = tpu.memref_slice %arg8[%dma_wait3A_1002, %dma_wait3A_1003, %dma_wait3A_1009] : memref<20x2x128xi32, #tpu.memory_space<vmem>> -> memref<1x1x128xi32, #tpu.memory_space<vmem>>
      %dma_wait3A_1011 = tpu.memref_squeeze %dma_wait3A_1010 : memref<1x1x128xi32, #tpu.memory_space<vmem>> -> memref<128xi32, #tpu.memory_space<vmem>>
      %dma_wait3A_1012 = arith.constant 0 : i32
      %dma_wait3A_1013 = arith.constant 0 : i32
      %dma_wait3A_1014 = tpu.memref_slice %arg12[%dma_wait3A_1012, %dma_wait3A_1013] : memref<10000x48xf32, #tpu.memory_space<vmem_shared>> -> memref<10000x48xf32, #tpu.memory_space<vmem_shared>>
      tpu.wait_indirect_dma semaphore(%arg15 : memref<!tpu.dma_semaphore, #tpu.memory_space<semaphore_mem>>) src(%dma_wait3A_1014 : memref<10000x48xf32, #tpu.memory_space<vmem_shared>>) dst(%dma_wait3A_1008 : memref<128x48xf32, #tpu.memory_space<vmem>>)
      %dma_start3A_1015 = arith.constant 1 : i32
      %dma_start3A_1016 = arith.constant 19 : i32
      %dma_start3A_1017 = arith.constant 1 : i32
      %dma_start3A_1018 = arith.constant 0 : i32
      %dma_start3A_1019 = arith.constant 0 : i32
      %dma_start3A_1020 = tpu.memref_slice %arg9[%dma_start3A_1015, %dma_start3A_1018, %dma_start3A_1019] : memref<3x128x48xf32, #tpu.memory_space<vmem>> -> memref<1x128x48xf32, #tpu.memory_space<vmem>>
      %dma_start3A_1021 = tpu.memref_squeeze %dma_start3A_1020 : memref<1x128x48xf32, #tpu.memory_space<vmem>> -> memref<128x48xf32, #tpu.memory_space<vmem>>
      %dma_start3A_1022 = arith.constant 0 : i32
      %dma_start3A_1023 = tpu.memref_slice %arg8[%dma_start3A_1016, %dma_start3A_1017, %dma_start3A_1022] : memref<20x2x128xi32, #tpu.memory_space<vmem>> -> memref<1x1x128xi32, #tpu.memory_space<vmem>>
      %dma_start3A_1024 = tpu.memref_squeeze %dma_start3A_1023 : memref<1x1x128xi32, #tpu.memory_space<vmem>> -> memref<128xi32, #tpu.memory_space<vmem>>
      %dma_start3A_1025 = arith.constant 0 : i32
      %dma_start3A_1026 = arith.constant 0 : i32
      %dma_start3A_1027 = tpu.memref_slice %arg11[%dma_start3A_1025, %dma_start3A_1026] : memref<10128x48xf32, #tpu.memory_space<vmem_shared>> -> memref<10128x48xf32, #tpu.memory_space<vmem_shared>>
      tpu.enqueue_indirect_dma source(%dma_start3A_1021 : memref<128x48xf32, #tpu.memory_space<vmem>>) target(%dma_start3A_1027 : memref<10128x48xf32, #tpu.memory_space<vmem_shared>>) offsets(%dma_start3A_1024 : memref<128xi32, #tpu.memory_space<vmem>>) semaphore(%arg14 : memref<!tpu.dma_semaphore, #tpu.memory_space<semaphore_mem>>) {add = true}
      %dma_wait3A_1028 = arith.constant 0 : i32
      %dma_wait3A_1029 = arith.constant 0 : i32
      %dma_wait3A_1030 = arith.constant 1 : i32
      %dma_wait3A_1031 = arith.constant 0 : i32
      %dma_wait3A_1032 = arith.constant 0 : i32
      %dma_wait3A_1033 = tpu.memref_slice %arg9[%dma_wait3A_1028, %dma_wait3A_1031, %dma_wait3A_1032] : memref<3x128x48xf32, #tpu.memory_space<vmem>> -> memref<1x128x48xf32, #tpu.memory_space<vmem>>
      %dma_wait3A_1034 = tpu.memref_squeeze %dma_wait3A_1033 : memref<1x128x48xf32, #tpu.memory_space<vmem>> -> memref<128x48xf32, #tpu.memory_space<vmem>>
      %dma_wait3A_1035 = arith.constant 0 : i32
      %dma_wait3A_1036 = tpu.memref_slice %arg8[%dma_wait3A_1029, %dma_wait3A_1030, %dma_wait3A_1035] : memref<20x2x128xi32, #tpu.memory_space<vmem>> -> memref<1x1x128xi32, #tpu.memory_space<vmem>>
      %dma_wait3A_1037 = tpu.memref_squeeze %dma_wait3A_1036 : memref<1x1x128xi32, #tpu.memory_space<vmem>> -> memref<128xi32, #tpu.memory_space<vmem>>
      %dma_wait3A_1038 = arith.constant 0 : i32
      %dma_wait3A_1039 = arith.constant 0 : i32
      %dma_wait3A_1040 = tpu.memref_slice %arg11[%dma_wait3A_1038, %dma_wait3A_1039] : memref<10128x48xf32, #tpu.memory_space<vmem_shared>> -> memref<10128x48xf32, #tpu.memory_space<vmem_shared>>
      tpu.wait_indirect_dma semaphore(%arg14 : memref<!tpu.dma_semaphore, #tpu.memory_space<semaphore_mem>>) src(%dma_wait3A_1034 : memref<128x48xf32, #tpu.memory_space<vmem>>) dst(%dma_wait3A_1040 : memref<10128x48xf32, #tpu.memory_space<vmem_shared>>)
      %dma_wait3A_1041 = arith.constant 0 : i32
      %dma_wait3A_1042 = arith.constant 0 : i32
      %dma_wait3A_1043 = arith.constant 1 : i32
      %dma_wait3A_1044 = arith.constant 0 : i32
      %dma_wait3A_1045 = arith.constant 0 : i32
      %dma_wait3A_1046 = tpu.memref_slice %arg9[%dma_wait3A_1041, %dma_wait3A_1044, %dma_wait3A_1045] : memref<3x128x48xf32, #tpu.memory_space<vmem>> -> memref<1x128x48xf32, #tpu.memory_space<vmem>>
      %dma_wait3A_1047 = tpu.memref_squeeze %dma_wait3A_1046 : memref<1x128x48xf32, #tpu.memory_space<vmem>> -> memref<128x48xf32, #tpu.memory_space<vmem>>
      %dma_wait3A_1048 = arith.constant 0 : i32
      %dma_wait3A_1049 = tpu.memref_slice %arg8[%dma_wait3A_1042, %dma_wait3A_1043, %dma_wait3A_1048] : memref<20x2x128xi32, #tpu.memory_space<vmem>> -> memref<1x1x128xi32, #tpu.memory_space<vmem>>
      %dma_wait3A_1050 = tpu.memref_squeeze %dma_wait3A_1049 : memref<1x1x128xi32, #tpu.memory_space<vmem>> -> memref<128xi32, #tpu.memory_space<vmem>>
      %dma_wait3A_1051 = arith.constant 0 : i32
      %dma_wait3A_1052 = arith.constant 0 : i32
      %dma_wait3A_1053 = tpu.memref_slice %arg11[%dma_wait3A_1051, %dma_wait3A_1052] : memref<10128x48xf32, #tpu.memory_space<vmem_shared>> -> memref<10128x48xf32, #tpu.memory_space<vmem_shared>>
      tpu.wait_indirect_dma semaphore(%arg14 : memref<!tpu.dma_semaphore, #tpu.memory_space<semaphore_mem>>) src(%dma_wait3A_1047 : memref<128x48xf32, #tpu.memory_space<vmem>>) dst(%dma_wait3A_1053 : memref<10128x48xf32, #tpu.memory_space<vmem_shared>>)
      %dma_wait3A_1054 = arith.constant 0 : i32
      %dma_wait3A_1055 = arith.constant 0 : i32
      %dma_wait3A_1056 = arith.constant 1 : i32
      %dma_wait3A_1057 = arith.constant 0 : i32
      %dma_wait3A_1058 = arith.constant 0 : i32
      %dma_wait3A_1059 = tpu.memref_slice %arg9[%dma_wait3A_1054, %dma_wait3A_1057, %dma_wait3A_1058] : memref<3x128x48xf32, #tpu.memory_space<vmem>> -> memref<1x128x48xf32, #tpu.memory_space<vmem>>
      %dma_wait3A_1060 = tpu.memref_squeeze %dma_wait3A_1059 : memref<1x128x48xf32, #tpu.memory_space<vmem>> -> memref<128x48xf32, #tpu.memory_space<vmem>>
      %dma_wait3A_1061 = arith.constant 0 : i32
      %dma_wait3A_1062 = tpu.memref_slice %arg8[%dma_wait3A_1055, %dma_wait3A_1056, %dma_wait3A_1061] : memref<20x2x128xi32, #tpu.memory_space<vmem>> -> memref<1x1x128xi32, #tpu.memory_space<vmem>>
      %dma_wait3A_1063 = tpu.memref_squeeze %dma_wait3A_1062 : memref<1x1x128xi32, #tpu.memory_space<vmem>> -> memref<128xi32, #tpu.memory_space<vmem>>
      %dma_wait3A_1064 = arith.constant 0 : i32
      %dma_wait3A_1065 = arith.constant 0 : i32
      %dma_wait3A_1066 = tpu.memref_slice %arg11[%dma_wait3A_1064, %dma_wait3A_1065] : memref<10128x48xf32, #tpu.memory_space<vmem_shared>> -> memref<10128x48xf32, #tpu.memory_space<vmem_shared>>
      tpu.wait_indirect_dma semaphore(%arg14 : memref<!tpu.dma_semaphore, #tpu.memory_space<semaphore_mem>>) src(%dma_wait3A_1060 : memref<128x48xf32, #tpu.memory_space<vmem>>) dst(%dma_wait3A_1066 : memref<10128x48xf32, #tpu.memory_space<vmem_shared>>)
    }
    %scan3A_13 = arith.constant 4 : i32
    %barrier3A_14 = arith.constant 0 : index
    tpu.barrier barrier_id(%barrier3A_14)
    %mul3A_15 = arith.constant 633 : i32
    %mul3A_16 = arith.muli %arg1, %mul3A_15 : i32
    %mul3A_17 = arith.constant 633 : i32
    %mul3A_18 = arith.muli %arg1, %mul3A_17 : i32
    "tpu.region"() ({
      %run_scoped3A = tpu.sem_alloc : memref<!tpu.dma_semaphore, #tpu.memory_space<semaphore_mem>>
      %dma_start3A = arith.constant 0 : i32
      %dma_start3A_19 = tpu.memref_slice %arg7[%arg0, %mul3A_18, %dma_start3A] : memref<2x10128x48xf32, #tpu.memory_space<hbm>> -> memref<1x633x48xf32, #tpu.memory_space<hbm>>
      %dma_start3A_20 = tpu.memref_squeeze %dma_start3A_19 : memref<1x633x48xf32, #tpu.memory_space<hbm>> -> memref<633x48xf32, #tpu.memory_space<hbm>>
      %dma_start3A_21 = arith.constant 0 : i32
      %dma_start3A_22 = tpu.memref_slice %arg11[%mul3A_16, %dma_start3A_21] : memref<10128x48xf32, #tpu.memory_space<vmem_shared>> -> memref<633x48xf32, #tpu.memory_space<vmem_shared>>
      tpu.enqueue_dma source(%dma_start3A_22 : memref<633x48xf32, #tpu.memory_space<vmem_shared>>) target(%dma_start3A_20 : memref<633x48xf32, #tpu.memory_space<hbm>>) target_semaphore(%run_scoped3A : memref<!tpu.dma_semaphore, #tpu.memory_space<semaphore_mem>>)
      %dma_wait3A = arith.constant 0 : i32
      %dma_wait3A_23 = tpu.memref_slice %arg7[%arg0, %mul3A_18, %dma_wait3A] : memref<2x10128x48xf32, #tpu.memory_space<hbm>> -> memref<1x633x48xf32, #tpu.memory_space<hbm>>
      %dma_wait3A_24 = tpu.memref_squeeze %dma_wait3A_23 : memref<1x633x48xf32, #tpu.memory_space<hbm>> -> memref<633x48xf32, #tpu.memory_space<hbm>>
      %dma_wait3A_25 = arith.constant 0 : i32
      %dma_wait3A_26 = tpu.memref_slice %arg11[%mul3A_16, %dma_wait3A_25] : memref<10128x48xf32, #tpu.memory_space<vmem_shared>> -> memref<633x48xf32, #tpu.memory_space<vmem_shared>>
      tpu.wait_dma2 semaphore(%run_scoped3A : memref<!tpu.dma_semaphore, #tpu.memory_space<semaphore_mem>>) src(%dma_wait3A_26 : memref<633x48xf32, #tpu.memory_space<vmem_shared>>) dst(%dma_wait3A_24 : memref<633x48xf32, #tpu.memory_space<hbm>>)
      tpu.yield
    }) : () -> ()
    return
  }
}

module attributes {stable_mosaic.version = 14 : i64} {
  func.func @body(%arg0: i32, %arg1: memref<2048x128xf32, #tpu.memory_space<vmem>>, %arg2: memref<2x2048x128xf32, #tpu.memory_space<vmem>>, %arg3: memref<2048xf32, #tpu.memory_space<vmem>>, %arg4: memref<2048xf32, #tpu.memory_space<vmem>>, %arg5: memref<128x128xf32, #tpu.memory_space<vmem>>, %arg6: memref<1x128xf32, #tpu.memory_space<vmem>>, %arg7: memref<128x128xf32, #tpu.memory_space<vmem>>, %arg8: memref<128x48xf32, #tpu.memory_space<vmem>>, %arg9: memref<128x40xf32, #tpu.memory_space<vmem>>, %arg10: memref<2048x128xf32, #tpu.memory_space<vmem>>, %arg11: memref<2048x48xf32, #tpu.memory_space<vmem>>, %arg12: memref<2048x40xf32, #tpu.memory_space<vmem>>) attributes {dimension_semantics = [#tpu.dimension_semantics<arbitrary>], iteration_bounds = array<i64: 5>, scalar_prefetch = 0 : i64, scratch_operands = 0 : i64, tpu.core_type = #tpu.core_type<tc>, window_params = [{transform_indices = @transform_0, window_bounds = array<i64: 2048, 128>}, {transform_indices = @transform_1, window_bounds = array<i64: 2, 2048, 128>}, {transform_indices = @transform_2, window_bounds = array<i64: 2048>}, {transform_indices = @transform_3, window_bounds = array<i64: 2048>}, {pipeline_mode = #tpu.pipeline_mode<synchronous>, transform_indices = @transform_4, window_bounds = array<i64: 128, 128>}, {pipeline_mode = #tpu.pipeline_mode<synchronous>, transform_indices = @transform_5, window_bounds = array<i64: 1, 128>}, {pipeline_mode = #tpu.pipeline_mode<synchronous>, transform_indices = @transform_6, window_bounds = array<i64: 128, 128>}, {pipeline_mode = #tpu.pipeline_mode<synchronous>, transform_indices = @transform_7, window_bounds = array<i64: 128, 48>}, {pipeline_mode = #tpu.pipeline_mode<synchronous>, transform_indices = @transform_8, window_bounds = array<i64: 128, 40>}, {transform_indices = @transform_9, window_bounds = array<i64: 2048, 128>}, {transform_indices = @transform_10, window_bounds = array<i64: 2048, 48>}, {transform_indices = @transform_11, window_bounds = array<i64: 2048, 40>}]} {
    %get3A = arith.constant 0 : index
    %get3A_0 = vector.load %arg3[%get3A] : memref<2048xf32, #tpu.memory_space<vmem>>, vector<2048xf32>
    %get3A_1 = arith.constant 0 : index
    %get3A_2 = vector.load %arg4[%get3A_1] : memref<2048xf32, #tpu.memory_space<vmem>>, vector<2048xf32>
    %add3A = arith.addf %get3A_0, %get3A_2 : vector<2048xf32>
    %max3A = arith.constant 1.000000e+00 : f32
    %max3A_3 = vector.broadcast %max3A : f32 to vector<2048xf32>
    %max3A_4 = arith.maximumf %add3A, %max3A_3 : vector<2048xf32>
    %div3A = arith.constant 1.000000e+00 : f32
    %div3A_5 = vector.broadcast %div3A : f32 to vector<2048xf32>
    %div3A_6 = arith.divf %div3A_5, %max3A_4 : vector<2048xf32>
    %reshape3A = vector.shape_cast %div3A_6 : vector<2048xf32> to vector<2048x1xf32>
    %get3A_7 = arith.constant 0 : index
    %get3A_8 = arith.constant 0 : index
    %get3A_9 = arith.constant 0 : index
    %get3A_10 = vector.load %arg2[%get3A_7, %get3A_8, %get3A_9] : memref<2x2048x128xf32, #tpu.memory_space<vmem>>, vector<1x2048x128xf32>
    %get3A_11 = vector.shape_cast %get3A_10 : vector<1x2048x128xf32> to vector<2048x128xf32>
    %get3A_12 = arith.constant 1 : index
    %get3A_13 = arith.constant 0 : index
    %get3A_14 = arith.constant 0 : index
    %get3A_15 = vector.load %arg2[%get3A_12, %get3A_13, %get3A_14] : memref<2x2048x128xf32, #tpu.memory_space<vmem>>, vector<1x2048x128xf32>
    %get3A_16 = vector.shape_cast %get3A_15 : vector<1x2048x128xf32> to vector<2048x128xf32>
    %add3A_17 = arith.addf %get3A_11, %get3A_16 : vector<2048x128xf32>
    %mul3A = vector.broadcast %reshape3A : vector<2048x1xf32> to vector<2048x128xf32>
    %mul3A_18 = arith.mulf %add3A_17, %mul3A : vector<2048x128xf32>
    %get3A_19 = arith.constant 0 : index
    %get3A_20 = arith.constant 0 : index
    %get3A_21 = vector.load %arg1[%get3A_19, %get3A_20] : memref<2048x128xf32, #tpu.memory_space<vmem>>, vector<2048x128xf32>
    %get3A_22 = arith.constant 0 : index
    %get3A_23 = arith.constant 0 : index
    %get3A_24 = vector.load %arg5[%get3A_22, %get3A_23] : memref<128x128xf32, #tpu.memory_space<vmem>>, vector<128x128xf32>
    %dot_general3A = arith.constant dense<0.000000e+00> : vector<2048x128xf32>
    %dot_general3A_25 = tpu.matmul %get3A_21, %get3A_24, %dot_general3A {dimension_numbers = #tpu.dot_dimension_numbers<[1], [0], [0], [1], [0, 0, 1, 1], [], []>, transpose_lhs_hint = false} : vector<2048x128xf32>, vector<128x128xf32>, vector<2048x128xf32> -> vector<2048x128xf32>
    %get3A_26 = arith.constant 0 : index
    %get3A_27 = arith.constant 0 : index
    %get3A_28 = vector.load %arg7[%get3A_26, %get3A_27] : memref<128x128xf32, #tpu.memory_space<vmem>>, vector<128x128xf32>
    %dot_general3A_29 = arith.constant dense<0.000000e+00> : vector<2048x128xf32>
    %dot_general3A_30 = tpu.matmul %mul3A_18, %get3A_28, %dot_general3A_29 {dimension_numbers = #tpu.dot_dimension_numbers<[1], [0], [0], [1], [0, 0, 1, 1], [], []>, transpose_lhs_hint = false} : vector<2048x128xf32>, vector<128x128xf32>, vector<2048x128xf32> -> vector<2048x128xf32>
    %add3A_31 = arith.addf %dot_general3A_25, %dot_general3A_30 : vector<2048x128xf32>
    %get3A_32 = arith.constant 0 : index
    %get3A_33 = arith.constant 0 : index
    %get3A_34 = vector.load %arg6[%get3A_32, %get3A_33] : memref<1x128xf32, #tpu.memory_space<vmem>>, vector<1x128xf32>
    %add3A_35 = vector.broadcast %get3A_34 : vector<1x128xf32> to vector<2048x128xf32>
    %add3A_36 = arith.addf %add3A_31, %add3A_35 : vector<2048x128xf32>
    %max3A_37 = arith.constant 0.000000e+00 : f32
    %max3A_38 = vector.broadcast %max3A_37 : f32 to vector<2048x128xf32>
    %max3A_39 = arith.maximumf %add3A_36, %max3A_38 : vector<2048x128xf32>
    %swap3A = arith.constant 0 : index
    %swap3A_40 = arith.constant 0 : index
    %swap3A_41 = vector.load %arg10[%swap3A, %swap3A_40] : memref<2048x128xf32, #tpu.memory_space<vmem>>, vector<2048x128xf32>
    tpu.vector_store %arg10[%swap3A, %swap3A_40], %max3A_39 {strides = array<i32>} : memref<2048x128xf32, #tpu.memory_space<vmem>>, vector<2048x128xf32>,
    %get3A_42 = arith.constant 0 : index
    %get3A_43 = arith.constant 0 : index
    %get3A_44 = vector.load %arg8[%get3A_42, %get3A_43] : memref<128x48xf32, #tpu.memory_space<vmem>>, vector<128x48xf32>
    %dot_general3A_45 = arith.constant dense<0.000000e+00> : vector<2048x48xf32>
    %dot_general3A_46 = tpu.matmul %max3A_39, %get3A_44, %dot_general3A_45 {dimension_numbers = #tpu.dot_dimension_numbers<[1], [0], [0], [1], [0, 0, 1, 1], [], []>, transpose_lhs_hint = false} : vector<2048x128xf32>, vector<128x48xf32>, vector<2048x48xf32> -> vector<2048x48xf32>
    %swap3A_47 = arith.constant 0 : index
    %swap3A_48 = arith.constant 0 : index
    %swap3A_49 = vector.load %arg11[%swap3A_47, %swap3A_48] : memref<2048x48xf32, #tpu.memory_space<vmem>>, vector<2048x48xf32>
    tpu.vector_store %arg11[%swap3A_47, %swap3A_48], %dot_general3A_46 {strides = array<i32>} : memref<2048x48xf32, #tpu.memory_space<vmem>>, vector<2048x48xf32>,
    %get3A_50 = arith.constant 0 : index
    %get3A_51 = arith.constant 0 : index
    %get3A_52 = vector.load %arg9[%get3A_50, %get3A_51] : memref<128x40xf32, #tpu.memory_space<vmem>>, vector<128x40xf32>
    %dot_general3A_53 = arith.constant dense<0.000000e+00> : vector<2048x40xf32>
    %dot_general3A_54 = tpu.matmul %max3A_39, %get3A_52, %dot_general3A_53 {dimension_numbers = #tpu.dot_dimension_numbers<[1], [0], [0], [1], [0, 0, 1, 1], [], []>, transpose_lhs_hint = false} : vector<2048x128xf32>, vector<128x40xf32>, vector<2048x40xf32> -> vector<2048x40xf32>
    %swap3A_55 = arith.constant 0 : index
    %swap3A_56 = arith.constant 0 : index
    %swap3A_57 = vector.load %arg12[%swap3A_55, %swap3A_56] : memref<2048x40xf32, #tpu.memory_space<vmem>>, vector<2048x40xf32>
    tpu.vector_store %arg12[%swap3A_55, %swap3A_56], %dot_general3A_54 {strides = array<i32>} : memref<2048x40xf32, #tpu.memory_space<vmem>>, vector<2048x40xf32>,
    return
  }
  func.func @transform_0(%arg0: i32) -> (i32, i32) {
    %c0_i32 = arith.constant 0 : i32
    %c0_i32_0 = arith.constant 0 : i32
    return %arg0, %c0_i32 : i32, i32
  }
  func.func @transform_1(%arg0: i32) -> (i32, i32, i32) {
    %c0_i32 = arith.constant 0 : i32
    %c0_i32_0 = arith.constant 0 : i32
    %c0_i32_1 = arith.constant 0 : i32
    return %c0_i32, %arg0, %c0_i32_0 : i32, i32, i32
  }
  func.func @transform_2(%arg0: i32) -> i32 {
    %c0_i32 = arith.constant 0 : i32
    return %arg0 : i32
  }
  func.func @transform_3(%arg0: i32) -> i32 {
    %add3A = arith.constant 8 : i32
    %add3A_0 = arith.addi %arg0, %add3A : i32
    %c0_i32 = arith.constant 0 : i32
    return %add3A_0 : i32
  }
  func.func @transform_4(%arg0: i32) -> (i32, i32) {
    %c0_i32 = arith.constant 0 : i32
    %c0_i32_0 = arith.constant 0 : i32
    %c0_i32_1 = arith.constant 0 : i32
    return %c0_i32, %c0_i32_0 : i32, i32
  }
  func.func @transform_5(%arg0: i32) -> (i32, i32) {
    %c0_i32 = arith.constant 0 : i32
    %c0_i32_0 = arith.constant 0 : i32
    %c0_i32_1 = arith.constant 0 : i32
    return %c0_i32, %c0_i32_0 : i32, i32
  }
  func.func @transform_6(%arg0: i32) -> (i32, i32) {
    %c0_i32 = arith.constant 0 : i32
    %c0_i32_0 = arith.constant 0 : i32
    %c0_i32_1 = arith.constant 0 : i32
    return %c0_i32, %c0_i32_0 : i32, i32
  }
  func.func @transform_7(%arg0: i32) -> (i32, i32) {
    %c0_i32 = arith.constant 0 : i32
    %c0_i32_0 = arith.constant 0 : i32
    %c0_i32_1 = arith.constant 0 : i32
    return %c0_i32, %c0_i32_0 : i32, i32
  }
  func.func @transform_8(%arg0: i32) -> (i32, i32) {
    %c0_i32 = arith.constant 0 : i32
    %c0_i32_0 = arith.constant 0 : i32
    %c0_i32_1 = arith.constant 0 : i32
    return %c0_i32, %c0_i32_0 : i32, i32
  }
  func.func @transform_9(%arg0: i32) -> (i32, i32) {
    %c0_i32 = arith.constant 0 : i32
    %c0_i32_0 = arith.constant 0 : i32
    return %arg0, %c0_i32 : i32, i32
  }
  func.func @transform_10(%arg0: i32) -> (i32, i32) {
    %c0_i32 = arith.constant 0 : i32
    %c0_i32_0 = arith.constant 0 : i32
    return %arg0, %c0_i32 : i32, i32
  }
  func.func @transform_11(%arg0: i32) -> (i32, i32) {
    %c0_i32 = arith.constant 0 : i32
    %c0_i32_0 = arith.constant 0 : i32
    return %arg0, %c0_i32 : i32, i32
  }
}

module attributes {stable_mosaic.version = 14 : i64} {
  func.func @body(%arg0: i32, %arg1: memref<2048x40xf32, #tpu.memory_space<vmem>>, %arg2: memref<2x2048x48xf32, #tpu.memory_space<vmem>>, %arg3: memref<2048xf32, #tpu.memory_space<vmem>>, %arg4: memref<2048xf32, #tpu.memory_space<vmem>>, %arg5: memref<1x40xf32, #tpu.memory_space<vmem>>, %arg6: memref<2048x40xf32, #tpu.memory_space<vmem>>) attributes {dimension_semantics = [#tpu.dimension_semantics<arbitrary>], iteration_bounds = array<i64: 5>, scalar_prefetch = 0 : i64, scratch_operands = 0 : i64, tpu.core_type = #tpu.core_type<tc>, window_params = [{transform_indices = @transform_0, window_bounds = array<i64: 2048, 40>}, {transform_indices = @transform_1, window_bounds = array<i64: 2, 2048, 48>}, {transform_indices = @transform_2, window_bounds = array<i64: 2048>}, {transform_indices = @transform_3, window_bounds = array<i64: 2048>}, {pipeline_mode = #tpu.pipeline_mode<synchronous>, transform_indices = @transform_4, window_bounds = array<i64: 1, 40>}, {transform_indices = @transform_5, window_bounds = array<i64: 2048, 40>}]} {
    %get3A = arith.constant 0 : index
    %get3A_0 = vector.load %arg3[%get3A] : memref<2048xf32, #tpu.memory_space<vmem>>, vector<2048xf32>
    %get3A_1 = arith.constant 0 : index
    %get3A_2 = vector.load %arg4[%get3A_1] : memref<2048xf32, #tpu.memory_space<vmem>>, vector<2048xf32>
    %add3A = arith.addf %get3A_0, %get3A_2 : vector<2048xf32>
    %max3A = arith.constant 1.000000e+00 : f32
    %max3A_3 = vector.broadcast %max3A : f32 to vector<2048xf32>
    %max3A_4 = arith.maximumf %add3A, %max3A_3 : vector<2048xf32>
    %div3A = arith.constant 1.000000e+00 : f32
    %div3A_5 = vector.broadcast %div3A : f32 to vector<2048xf32>
    %div3A_6 = arith.divf %div3A_5, %max3A_4 : vector<2048xf32>
    %reshape3A = vector.shape_cast %div3A_6 : vector<2048xf32> to vector<2048x1xf32>
    %get3A_7 = arith.constant 0 : index
    %get3A_8 = arith.constant 0 : index
    %get3A_9 = arith.constant 0 : index
    %get3A_10 = vector.load %arg2[%get3A_7, %get3A_8, %get3A_9] : memref<2x2048x48xf32, #tpu.memory_space<vmem>>, vector<1x2048x48xf32>
    %get3A_11 = vector.shape_cast %get3A_10 : vector<1x2048x48xf32> to vector<2048x48xf32>
    %get3A_12 = arith.constant 1 : index
    %get3A_13 = arith.constant 0 : index
    %get3A_14 = arith.constant 0 : index
    %get3A_15 = vector.load %arg2[%get3A_12, %get3A_13, %get3A_14] : memref<2x2048x48xf32, #tpu.memory_space<vmem>>, vector<1x2048x48xf32>
    %get3A_16 = vector.shape_cast %get3A_15 : vector<1x2048x48xf32> to vector<2048x48xf32>
    %add3A_17 = arith.addf %get3A_11, %get3A_16 : vector<2048x48xf32>
    %get3A_18 = arith.constant 0 : index
    %get3A_19 = arith.constant 0 : index
    %get3A_20 = vector.load %arg1[%get3A_18, %get3A_19] : memref<2048x40xf32, #tpu.memory_space<vmem>>, vector<2048x40xf32>
    %slice3A = vector.extract_strided_slice %add3A_17 {offsets = [0, 0], sizes = [2048, 40], strides = [1, 1]} : vector<2048x48xf32> to vector<2048x40xf32>
    %mul3A = vector.broadcast %reshape3A : vector<2048x1xf32> to vector<2048x40xf32>
    %mul3A_21 = arith.mulf %slice3A, %mul3A : vector<2048x40xf32>
    %add3A_22 = arith.addf %get3A_20, %mul3A_21 : vector<2048x40xf32>
    %get3A_23 = arith.constant 0 : index
    %get3A_24 = arith.constant 0 : index
    %get3A_25 = vector.load %arg5[%get3A_23, %get3A_24] : memref<1x40xf32, #tpu.memory_space<vmem>>, vector<1x40xf32>
    %add3A_26 = vector.broadcast %get3A_25 : vector<1x40xf32> to vector<2048x40xf32>
    %add3A_27 = arith.addf %add3A_22, %add3A_26 : vector<2048x40xf32>
    %swap3A = arith.constant 0 : index
    %swap3A_28 = arith.constant 0 : index
    %swap3A_29 = vector.load %arg6[%swap3A, %swap3A_28] : memref<2048x40xf32, #tpu.memory_space<vmem>>, vector<2048x40xf32>
    tpu.vector_store %arg6[%swap3A, %swap3A_28], %add3A_27 {strides = array<i32>} : memref<2048x40xf32, #tpu.memory_space<vmem>>, vector<2048x40xf32>,
    return
  }
  func.func @transform_0(%arg0: i32) -> (i32, i32) {
    %c0_i32 = arith.constant 0 : i32
    %c0_i32_0 = arith.constant 0 : i32
    return %arg0, %c0_i32 : i32, i32
  }
  func.func @transform_1(%arg0: i32) -> (i32, i32, i32) {
    %c0_i32 = arith.constant 0 : i32
    %c0_i32_0 = arith.constant 0 : i32
    %c0_i32_1 = arith.constant 0 : i32
    return %c0_i32, %arg0, %c0_i32_0 : i32, i32, i32
  }
  func.func @transform_2(%arg0: i32) -> i32 {
    %c0_i32 = arith.constant 0 : i32
    return %arg0 : i32
  }
  func.func @transform_3(%arg0: i32) -> i32 {
    %add3A = arith.constant 8 : i32
    %add3A_0 = arith.addi %arg0, %add3A : i32
    %c0_i32 = arith.constant 0 : i32
    return %add3A_0 : i32
  }
  func.func @transform_4(%arg0: i32) -> (i32, i32) {
    %c0_i32 = arith.constant 0 : i32
    %c0_i32_0 = arith.constant 0 : i32
    %c0_i32_1 = arith.constant 0 : i32
    return %c0_i32, %c0_i32_0 : i32, i32
  }
  func.func @transform_5(%arg0: i32) -> (i32, i32) {
    %c0_i32 = arith.constant 0 : i32
    %c0_i32_0 = arith.constant 0 : i32
    return %arg0, %c0_i32 : i32, i32
  }
}

</mosaic_0001>

<sc_bundles>
// kernel: kernel.6.cloned.1.call-start
scs
__scs_entry_jumppad:
0x0: {  	(pc) =	sbr.rel $0x88, $3  }
0x1: {  	(tag) =	ssettag $0x0;
	lr =	simm.s32 $0x1  }
0x2: {  	[smem:$0x3F99] =	sst lr;
	_ =	strace $0xD0000000  }
0x3: {  	_ = 	snop  }
0x4: {  	_ = 	snop  }
0x5: {  	_ = 	snop  }
0x6: {  	_ = 	snop  }
0x7: {  	_ = 	snop  }
__scs_overlays_trampoline_lowered:
0x8: {  	[smem:$0x3FA8] =	sst s0  }
0x9: {  	[smem:$0x3FA9] =	sst s1  }
0xa: {  	[smem:$0x3FAA] =	sst s2  }
0xb: {  	[smem:$0x3FAB] =	sst s3  }
0xc: {  	[smem:$0x3FAC] =	sst s4  }
0xd: {  	[smem:$0x3FAD] =	sst s5  }
0xe: {  	[smem:$0x3FAE] =	sst s6  }
0xf: {  	[smem:$0x3FAF] =	sst s7  }
0x10: {  	[smem:$0x3FB0] =	sst s8  }
0x11: {  	[smem:$0x3FB1] =	sst s9;
	s0 =	simm.s32 @!p0 $0x0  }
0x12: {  	s1 =	sld [smem:$0x3F97];
	s0 =	simm.s32 @p0 $0x1  }
0x13: {  	[smem:$0x3FB2] =	sst s0;
	s0 =	simm.s32 @!p1 $0x0  }
0x14: {  	s2 =	sld [smem:$0x3F96];
	s0 =	simm.s32 @p1 $0x1  }
0x15: {  	[smem:$0x3FB3] =	sst s0;
	s0 =	simm.s32 @!p2 $0x0  }
0x16: {  	s3 =	sld [smem:$0x3FDB];
	s0 =	simm.s32 @p2 $0x1  }
0x17: {  	s4 =	simm.s32 $0x1BF5;
	[smem:$0x3FB5] =	sst s0  }
0x18: {  	s0 =	sld [smem:$0x3F98];
	_ =	swait.ge [sflag:s4], $0x0  }
0x19: {  	s7 =	sld [smem:$0x3F99]  }
0x1a: {  	s8 =	sadd.s32 $0xFFFFE003, lr  }
0x1b: {  	s9 =	sadd.s32 $0xFFFFFEF7, lr;
	s5 =	simm.s32 $0xFFFFFFFF;
	p2 =	slt.u32 s8, $0xFFFFF086  }
0x1c: {  	p1 =	slt.u32 s9, $0xF7A;
	s5 =	simm.s32 @!p2 $0x0  }
0x1d: {  	s5 =	simm.s32 @p1 $0x1;
	p0 =	seq.s32 s7, s2  }
0x1e: {  	s7 =	smul.u32 @!p0 $0xF7A, s2;
	p2 =	seq.s32 @!p0 s5, $0x0  }
0x1f: {  	s9 =	smul.u32 $0xF7A, s1;
	s8 =	simm.s32 @!p0 $0x1BF5;
	p2 =	por !p2, p0  }
0x20: {  	[sflag:s8] =	ssyncset.s32 @!p0 $0xFFFFF086;
	s6 =	sadd.s32 @!p0 s3, s7;
	s7 =	simm.s32 @!p0 $0x108  }
0x21: {  	s3 =	sadd.s32 s3, s9;
	s6 =	sadd.s32 @!p0 $0x88, s6;
	s7 =	simm.s32 @p2 $0x1082  }
0x22: {  	[simem:s7], [sflag:s8] =	dma.local @!p0 [hbm:s6], $0xF7A  }
0x23: {  	s9 =	sor.u32 $0xD0000000, s2;
	s6 =	simm.s32 $0x108;
	_ =	swait.ge @!p0 [sflag:s8], $0x0  }
0x24: {  	s3 =	sadd.s32 $0x88, s3;
	s6 =	simm.s32 @!p1 $0x1082;
	[sflag:s4] =	ssyncset.s32 $0xFFFFF086  }
0x25: {  	[simem:s6], [sflag:s4] =	dma.local [hbm:s3], $0xF7A  }
0x26: {  	[smem:$0x3F99] =	sst s1;
	(tag) =	ssettag s2;
	_ =	strace s9  }
0x27: {  	s1 =	sld [smem:$0x3FA9]  }
0x28: {  	s2 =	sld [smem:$0x3FAA]  }
0x29: {  	s4 =	sld [smem:$0x3FAC]  }
0x2a: {  	p0 =	seq.s32 s5, $0x0;
	s5 =	sld [smem:$0x3FAD]  }
0x2b: {  	s6 =	sld [smem:$0x3FAE]  }
0x2c: {  	s7 =	sld [smem:$0x3FAF]  }
0x2d: {  	s3 =	simm.s32 $0x108;
	s8 =	sld [smem:$0x3FB0]  }
0x2e: {  	s3 =	simm.s32 @!p0 $0x1082;
	s9 =	sld [smem:$0x3FB1]  }
0x2f: {  	lr =	sadd.s32 s0, s3;
	s0 =	sld [smem:$0x3FA8]  }
0x30: {  	s3 =	sld [smem:$0x3FAB]  }
0x31: {  	[smem:$0x3FB4] =	sst s10  }
0x32: {  	s10 =	sld [smem:$0x3FB2];
	_ =	sdelay $0x3  }
0x33: {  	p0 =	seq.s32 s10, $0x1;
	s10 =	sld [smem:$0x3FB4];
	_ =	sdelay $0x3  }
0x34: {  	[smem:$0x3FB4] =	sst s10  }
0x35: {  	s10 =	sld [smem:$0x3FB3];
	_ =	sdelay $0x3  }
0x36: {  	p1 =	seq.s32 s10, $0x1;
	s10 =	sld [smem:$0x3FB4];
	_ =	sdelay $0x3  }
0x37: {  	[smem:$0x3FB4] =	sst s10  }
0x38: {  	s10 =	sld [smem:$0x3FB5]  }
0x39: {  	_ = 	snop;
	(pc) =	sbr.ind lr, $3  }
0x3a: {  	_ = 	snop  }
0x3b: {  	_ = 	snop  }
0x3c: {  	p2 =	seq.s32 s10, $0x1;
	s10 =	sld [smem:$0x3FB4]  }
0x3d: {  	_ =	shalt  }
0x3e: {  	_ =	shalt  }
0x3f: {  	_ =	shalt  }
0x40: {  	_ =	shalt  }
0x41: {  	_ =	shalt  }
0x42: {  	_ =	shalt  }
0x43: {  	_ =	shalt  }
0x44: {  	_ =	shalt  }
0x45: {  	_ =	shalt  }
0x46: {  	_ =	shalt  }
0x47: {  	_ =	shalt  }
0x48: {  	_ =	shalt  }
0x49: {  	_ =	shalt  }
0x4a: {  	_ =	shalt  }
0x4b: {  	_ =	shalt  }
0x4c: {  	_ =	shalt  }
0x4d: {  	_ =	shalt  }
0x4e: {  	_ =	shalt  }
0x4f: {  	_ =	shalt  }
0x50: {  	_ =	shalt  }
0x51: {  	_ =	shalt  }
0x52: {  	_ =	shalt  }
0x53: {  	_ =	shalt  }
0x54: {  	_ =	shalt  }
0x55: {  	_ =	shalt  }
0x56: {  	_ =	shalt  }
0x57: {  	_ =	shalt  }
0x58: {  	_ =	shalt  }
0x59: {  	_ =	shalt  }
0x5a: {  	_ =	shalt  }
0x5b: {  	_ =	shalt  }
0x5c: {  	_ =	shalt  }
0x5d: {  	_ =	shalt  }
0x5e: {  	_ =	shalt  }
0x5f: {  	_ =	shalt  }
0x60: {  	_ =	shalt  }
0x61: {  	_ =	shalt  }
0x62: {  	_ =	shalt  }
0x63: {  	_ =	shalt  }
0x64: {  	_ =	shalt  }
0x65: {  	_ =	shalt  }
0x66: {  	_ =	shalt  }
0x67: {  	_ =	shalt  }
0x68: {  	_ =	shalt  }
0x69: {  	_ =	shalt  }
0x6a: {  	_ =	shalt  }
0x6b: {  	_ =	shalt  }
0x6c: {  	_ =	shalt  }
0x6d: {  	_ =	shalt  }
0x6e: {  	_ =	shalt  }
0x6f: {  	_ =	shalt  }
0x70: {  	_ =	shalt  }
0x71: {  	_ =	shalt  }
0x72: {  	_ =	shalt  }
0x73: {  	_ =	shalt  }
0x74: {  	_ =	shalt  }
0x75: {  	_ =	shalt  }
0x76: {  	_ =	shalt  }
0x77: {  	_ =	shalt  }
0x78: {  	_ =	shalt  }
0x79: {  	_ =	shalt  }
0x7a: {  	_ =	shalt  }
0x7b: {  	_ =	shalt  }
0x7c: {  	_ =	shalt  }
0x7d: {  	_ =	shalt  }
0x7e: {  	_ =	shalt  }
0x7f: {  	_ =	shalt  }
0x80: {  	_ =	shalt  }
0x81: {  	_ =	shalt  }
0x82: {  	_ =	shalt  }
0x83: {  	_ =	shalt  }
0x84: {  	_ =	shalt  }
0x85: {  	_ =	shalt  }
0x86: {  	_ =	shalt  }
0x87: {  	_ =	shalt  }
.Lfunc_end0:
.L_simem_size_0:
called_computation_lowered:
.L_overlay_start_0:
0x88: {  	s2 =	sld [smem:$0x3FD9]  }
0x89: {  	s3 =	sld [smem:$0x3FFE];
	_ =	sdelay $0x1  }
0x8a: {  	s1 =	srdreg.scid  }
0x8b: {  	s0 =	sand.u32 $0x1, s1  }
0x8c: {  	s14 =	sshll.u32 s0, $0xA;
	s2 =	sadd.s32 s3, s2  }
0x8d: {  	s2 =	sadd.s32 s2, s14  }
0x8e: {  	[smem:$0x3FC0] =	sst s2  }
0x8f: {  	_ = 	snop  }
0x90: {  	s2 =	sld [smem:$0x3FD0];
	_ =	sdelay $0x1  }
0x91: {  	s15 =	sld [smem:$0x3FC9]  }
0x92: {  	s5 =	simm.s32 $0xA;
	s6 =	simm.s32 $0x10;
	s4 =	sld [smem:$0x3FC8]  }
0x93: {  	[smem:s6], [sflag:s5] =	dma.local [hbm:s2], $0x1  }
0x94: {  	_ =	swait.eq [sflag:s5], $0x1  }
0x95: {  	s16 =	sld [smem:$0x10];
	[sflag:s5] =	ssyncset.done $0x0  }
0x96: {  	s17 =	sld [smem:$0x12];
	[sflag:s5] =	ssyncadd.s32 $0xFFFFFFFF  }
0x97: {  	s18 =	sld [smem:$0x13];
	(tm) =	ssettm $0x1  }
0x98: {  	s7 =	sld [smem:$0x3FFB];
	_ =	sdelay $0x3  }
0x99: {  	_ =	strace s7  }
0x9a: {  	s7 =	sld [smem:$0x3FFC];
	_ =	sdelay $0x3  }
0x9b: {  	_ =	strace s7  }
0x9c: {  	s7 =	sld [smem:$0x3FFD];
	_ =	sdelay $0x3  }
0x9d: {  	_ =	strace s7  }
0x9e: {  	_ =	strace $0x8FFFFFFF  }
0x9f: {  	s19 =	sld [smem:$0x3FDB];
	_ =	sdelay $0x1  }
0xa0: {  	s8 =	simm.s32 $_scs_section_size  }
0xa1: {  	s9 =	simm.s32 $_size__tile_overlayer_lowered;
	s10 =	simm.s32 $_tile_overlayer_lowered  }
0xa2: {  	s22 =	simm.s32 $0x1BFF;
	s21 =	sshll.u32 s10, $0x1;
	s7 =	sadd.s32 s8, s19  }
0xa3: {  	s11 =	simm.s32 $0x0;
	s20 =	sshll.u32 s9, $0x1;
	s9 =	sadd.s32 s21, s7  }
0xa4: {  	[timem:s11], [sflag:s22] =	dma.local [hbm:s9], s20  }
0xa5: {  	_ =	swait.ge [sflag:s22], s20  }
0xa6: {  	s8 =	ssub.s32 $0x0, s20;
	[sflag:s22] =	ssyncset.done $0x0  }
0xa7: {  	[sflag:s22] =	ssyncadd.s32 s8;
	_ =	sdelay $0x1  }
0xa8: {  	s23 =	simm.s32 $0x1B8B  }
0xa9: {  	_ =	swait.ge [sflag:s23], $0x1  }
0xaa: {  	[sflag:s23] =	ssyncset.done $0x0  }
0xab: {  	s25 =	simm.s32 $0x1B8E;
	s24 =	sld [smem:$0x3FFE];
	[sflag:s23] =	ssyncadd.s32 $0xFFFFFFFF  }
0xac: {  	s26 =	simm.s32 $execute0_lowered;
	[smem:$0x3FD2] =	sst s25  }
0xad: {  	s9 =	sshll.u32 s26, $0x1;
	_ =	strace $0x80000046;
	[dreg:$0x1] =	wrdreg $0xFFFFFFFF  }
0xae: {  	s28 =	simm.s32 $_size_execute0_lowered;
	s7 =	sadd.s32 s7, s9;
	[dreg:$0x0] =	wrdreg $0x0  }
0xaf: {  	s9 =	sshll.u32 s28, $0x1;
	[dreg:$0x2] =	wrdreg s7  }
0xb0: {  	[dreg:$0x3] =	wrdreg s9  }
0xb1: {  	[dreg:$0x4] =	wrdreg $0xC0  }
0xb2: {  	_ =	task [dreg:s11], $0x5FFFF  }
0xb3: {  	[dreg:$0x1] =	wrdreg $0xFFFFFFFF  }
0xb4: {  	[dreg:$0x0] =	wrdreg $0x60  }
0xb5: {  	[dreg:$0x2] =	wrdreg s15  }
0xb6: {  	[dreg:$0x3] =	wrdreg s4  }
0xb7: {  	[dreg:$0x4] =	wrdreg s18  }
0xb8: {  	[dreg:$0x5] =	wrdreg s17  }
0xb9: {  	[dreg:$0x6] =	wrdreg s24  }
0xba: {  	[dreg:$0x7] =	wrdreg s16  }
0xbb: {  	[dreg:$0x8] =	wrdreg $0x94800  }
0xbc: {  	[dreg:$0x9] =	wrdreg $0x1D1000  }
0xbd: {  	[dreg:$0xa] =	wrdreg $0x9  }
0xbe: {  	_ =	task.clear_ibuf [dreg:s11], $0xBFFFF;
	_ =	strace $0x90000046  }
0xbf: {  	s29 =	simm.s32 $0x9;
	_ =	strace $0x80000048  }
0xc0: {  	_ =	swait.ge [sflag:s29], $0x1  }
0xc1: {  	[sflag:s29] =	ssyncadd.s32 $0xFFFFFFFF  }
0xc2: {  	_ =	strace $0x90000048  }
0xc3: {  	_ =	sfence  }
0xc4: {  	s30 =	sld [smem:$0x0];
	_ =	sdelay $0x2  }
0xc5: {  	s31 =	sshll.u32 s1, $0xD;
	s1 =	sshrl.u32 s1, $0x2  }
0xc6: {  	s3 =	sand.u32 $0x4000, s31;
	s1 =	sadd.s32 s1, s30  }
0xc7: {  	s0 =	sor.u32 s3, s0;
	s1 =	sshll.u32 s1, $0x11  }
0xc8: {  	s0 =	sor.u32 s1, s0  }
0xc9: {  	s0 =	sadd.s32 $0x8F2B, s0  }
0xca: {  	[sflag:s0] =	ssyncadd.remote.s32 $0x1  }
0xcb: {  	_ =	sfence.sel $0xFFFF  }
0xcc: {  	[dreg:$0x0] =	wrdreg $0xFFFFFFFF;
	(pc) =	sbr.abs _section_cstart, $3  }
0xcd: {  	[dreg:$0x1] =	wrdreg $0xFFFFFFFF  }
0xce: {  	_ =	task.clear_ibuf [dreg:s11], $0x2FFFF;
	_ =	strace $0x9FFFFFFF  }
0xcf: {  	(tm) =	ssettm $0x7FFFFFFF  }
tec
execute0_lowered:
.L_overlay_start_1:
0x0: {  	(tag) =	ssettag $0x1  }
0x1: {  	s0 =	rddreg [dreg:$0x0]  }
0x2: {  	s1 =	rddreg [dreg:$0x1]  }
0x3: {  	s2 =	rddreg [dreg:$0x2]  }
0x4: {  	s17 =	rddreg [dreg:$0x4]  }
0x5: {  	s3 =	rddreg [dreg:$0x5]  }
0x6: {  	s4 =	rddreg [dreg:$0x6]  }
0x7: {  	s6 =	srdreg.scid;
	s14 =	stileid.u32  }
0x8: {  	s5 =	rddreg [dreg:$0x7];
	s9 =	simm.s32 $0x0;
	s26 =	simm.s32 $0x100  }
0x9: {  	s30 =	simm.s32 $0x200;
	s31 =	simm.s32 $0x300;
	s15 =	simm.s32 $0x800  }
0xa: {  	s16 =	simm.s32 $0x900;
	s28 =	simm.s32 $0x0;
	[dreg:$0x9] =	wrdreg s2  }
0xb: {  	s6 =	sand.u32 $0x1, s6;
	[smem:$0x7FF] =	sst s9;
	s10 =	sadd.s32 $0x2E00, s17  }
0xc: {  	s7 =	smul.u32 $0x13C80, s14;
	_ =	strace $0x80000047;
	[dreg:$0x1e] =	wrdreg s10  }
0xd: {  	s21 =	sshll.u32 s14, $0xA;
	s13 =	smul.u32 $0x50, s14;
	[dreg:$0xb] =	wrdreg s26  }
0xe: {  	s12 =	sshll.u32 s14, $0x6;
	s29 =	smul.u32 $0x5000, s14;
	[dreg:$0xc] =	wrdreg s30  }
0xf: {  	s8 =	smul.u32 $0x13C800, s6;
	s18 =	ssub.s32 $0x2, s6;
	[dreg:$0xd] =	wrdreg s31  }
0x10: {  	s22 =	sshll.u32 s6, $0xE;
	s11 =	smul.u32 $0x500, s6;
	[dreg:$0x12] =	wrdreg s15  }
0x11: {  	s9 =	sadd.s32 s21, s5;
	s25 =	smul.u32 $0x50000, s6;
	[dreg:$0x13] =	wrdreg s16  }
0x12: {  	s15 =	simm.s32 $0x4;
	s30 =	simm.s32 $0x1200;
	s31 =	simm.s32 $0x1300  }
0x13: {  	s16 =	simm.s32 $0x1280;
	s19 =	sshrl.u32 s18, $0x1;
	s10 =	sor.u32 s21, s22  }
0x14: {  	s22 =	sor.u32 $0x1C04, s12;
	s12 =	simm.s32 $0x600;
	[dreg:$0x1c] =	wrdreg s30  }
0x15: {  	s26 =	sshrl.u32 s9, $0x3;
	s21 =	simm.s32 $0xE00;
	[dreg:$0x1d] =	wrdreg s31  }
0x16: {  	s9 =	simm.s32 $0xC80;
	s8 =	sadd.s32 s7, s8;
	[dreg:$0x10] =	wrdreg s12  }
0x17: {  	s20 =	ssub.s32 s18, s19;
	s7 =	sadd.s32 s7, s4;
	[dreg:$0x18] =	wrdreg s21  }
0x18: {  	s24 =	sadd.s32 s13, s11;
	s11 =	smul.u32 $0xA000, s6;
	[dreg:$0x1f] =	wrdreg s22  }
0x19: {  	s10 =	sshrl.u32 s10, $0x3;
	s13 =	smul.u32 $0xA00, s14;
	[smem:$0x7FD] =	sst s26  }
0x1a: {  	s14 =	simm.s32 $0x700;
	s18 =	simm.s32 $0xB00;
	[dreg:$0xa] =	wrdreg s24  }
0x1b: {  	s19 =	simm.s32 $0xC00;
	s21 =	simm.s32 $0x9400;
	[dreg:$0x11] =	wrdreg s14  }
0x1c: {  	s12 =	simm.s32 $0x1080;
	s8 =	sshrl.u32 s8, $0x3;
	[dreg:$0x15] =	wrdreg s18  }
0x1d: {  	s23 =	sadd.s32 s3, s10;
	s3 =	sadd.s32 s29, s25;
	[dreg:$0x16] =	wrdreg s19  }
0x1e: {  	s10 =	simm.s32 $0x500;
	s25 =	sshrl.u32 s7, $0x3;
	[smem:$0x7F8] =	sst s23  }
0x1f: {  	s18 =	simm.s32 $0x1400;
	s24 =	simm.s32 $0x1000;
	[dreg:$0xf] =	wrdreg s10  }
0x20: {  	s19 =	simm.s32 $0x5400;
	s29 =	simm.s32 $0x1100;
	[dreg:$0x1a] =	wrdreg s24  }
0x21: {  	s7 =	simm.s32 $0xB80;
	s14 =	simm.s32 $0x1180;
	[dreg:$0x1b] =	wrdreg s29  }
0x22: {  	s2 =	sadd.s32 s8, s17;
	s8 =	smax.u32 s20, $0x1;
	[smem:$0x7FC] =	sst s25  }
0x23: {  	s3 =	sadd.s32 $0xFFF63C00, s3;
	s1 =	sadd.s32 s11, s1;
	[smem:$0x7F9] =	sst s8  }
0x24: {  	s17 =	simm.s32 $0xA00;
	s20 =	simm.s32 $0xD00;
	[smem:$0x7FA] =	sst s3  }
0x25: {  	s23 =	simm.s32 $0xF00;
	s24 =	simm.s32 $0x3;
	[dreg:$0x14] =	wrdreg s17  }
0x26: {  	s10 =	simm.s32 $0xD80;
	s11 =	simm.s32 $0xE80;
	[dreg:$0x17] =	wrdreg s20  }
0x27: {  	s2 =	sadd.s32 $0x3800, s2;
	s8 =	simm.s32 $0x400;
	[dreg:$0x19] =	wrdreg s23  }
0x28: {  	s1 =	sadd.s32 s13, s1;
	s17 =	simm.s32 $0x80;
	[smem:$0x7F7] =	sst s2  }
0x29: {  	s20 =	simm.s32 $0x2;
	s23 =	simm.s32 $0x1;
	[dreg:$0xe] =	wrdreg s8  }
0x2a: {  	s3 =	simm.s32 $0x880;
	s13 =	simm.s32 $0xF80;
	[smem:$0x7FB] =	sst s1  }
0x2b: {  	v0 =	vimm.f32 $1.000000000e+00;
	s2 =	simm.s32 $0x980;
	s1 =	simm.s32 $0xA80;
	s8 =	simm.s32 $0x1380  }
.LBB2_1:
0x2c: {  	[smem:$0x7F6] =	sst s28  }
0x2d: {  	s6 =	rddreg [dreg:$0x3]  }
0x2e: {  	[spmem:s25], [sflag:s22] =	dma.local [hbm:s6], $0x2790  }
0x2f: {  	_ =	swait.ge [sflag:s15], $0x2790  }
0x30: {  	[sflag:s15] =	ssyncset.done $0x0  }
0x31: {  	[sflag:s15] =	ssyncadd.s32 $0xFFFFD870  }
0x32: {  	[tilespmem:$0x9400] =	vst v0  }
0x33: {  	[tilespmem:$0x9410] =	vst v0  }
0x34: {  	[tilespmem:$0x9420] =	vst v0  }
0x35: {  	[tilespmem:$0x9430] =	vst v0  }
0x36: {  	[tilespmem:$0x9440] =	vst v0  }
0x37: {  	[tilespmem:$0x9450] =	vst v0  }
0x38: {  	[tilespmem:$0x9460] =	vst v0  }
0x39: {  	s25 =	rddreg [dreg:$0x1e];
	[tilespmem:$0x9470] =	vst v0  }
0x3a: {  	[spmem:s26], [sflag:s22] =	dma.local [hbm:s25], $0x80  }
0x3b: {  	_ =	swait.ge [sflag:s15], $0x80  }
0x3c: {  	[sflag:s15] =	ssyncset.done $0x0  }
0x3d: {  	[sflag:s15] =	ssyncadd.s32 $0xFFFFFF80  }
0x3e: {  	[bflag:$0x0] =	sbarrier.arrive $0xFFFF  }
0x3f: {  	s26 =	sld [smem:$0x7FA]  }
0x40: {  	s29 =	rddreg [dreg:$0xa]  }
0x41: {  	s6 =	sadd.s32 $0x0, s29;
	s29 =	sld [smem:$0x7FB]  }
0x42: {  	s30 =	rddreg [dreg:$0x9];
	s31 =	sshrl.u32 s26, $0x3  }
0x43: {  	p0 =	slt.u32 s6, $0x9C4;
	s6 =	sadd.s32 s30, s31  }
0x44: {  	s25 =	simm.s32 $0x0;
	s6 =	smov.u32 @p0 s29  }
0x45: {  	[tilespmem:s25], [sflag:$0x4] =	stream.linear.gather [hbm4b:s6+s25], $0x1400, $0x38;
	[tilespmem:$0x1D500] =	vst v63  }
0x46: {  	_ =	swait.ge [sflag:s15], $0x1400  }
0x47: {  	[sflag:s15] =	ssyncset.done $0x0  }
0x48: {  	[sflag:s15] =	ssyncadd.s32 $0xFFFFEC00  }
0x49: {  	[tilespmem:s18], [sflag:$0x2] =	stream.indirect.gather [hbm4b:s0+s17], $0x80, s25, s17, $0xb8;
	[tilespmem:$0x1D500] =	vst v63  }
0x4a: {  	s30 =	rddreg [dreg:$0xb]  }
0x4b: {  	[tilespmem:s19], [sflag:$0x2] =	stream.indirect.gather [hbm4b:s0+s17], $0x80, s30, s17, $0xb8;
	[tilespmem:$0x1D500] =	vst v63  }
0x4c: {  	_ =	swait.ge [sflag:s20], $0x4000  }
0x4d: {  	[sflag:s20] =	ssyncset.done $0x0  }
0x4e: {  	[sflag:s20] =	ssyncadd.s32 $0xFFFFC000  }
0x4f: {  	[spmem:s4] =	stream.indirect.scatter.add.f32 [tilespmem:s18], [sflag:$0x1], $0x80, s17, s17, $0xb8;
	[tilespmem:$0x1D500] =	vst v63  }
0x50: {  	_ = 	snop  }
0x51: {  	[spmem:s5] =	stream.indirect.scatter.add.f32 [tilespmem:s21], [sflag:$0x3], $0x1, s17, s17, $0xb8;
	[tilespmem:$0x1D500] =	vst v63  }
0x52: {  	s31 =	rddreg [dreg:$0xc]  }
0x53: {  	[tilespmem:s18], [sflag:$0x2] =	stream.indirect.gather [hbm4b:s0+s17], $0x80, s31, s17, $0xb8;
	[tilespmem:$0x1D500] =	vst v63  }
0x54: {  	_ =	swait.ge [sflag:s20], $0x4000  }
0x55: {  	[sflag:s20] =	ssyncset.done $0x0  }
0x56: {  	s22 =	simm.s32 $0x180;
	[sflag:s20] =	ssyncadd.s32 $0xFFFFC000  }
0x57: {  	[spmem:s4] =	stream.indirect.scatter.add.f32 [tilespmem:s19], [sflag:$0x1], $0x80, s22, s17, $0xb8;
	[tilespmem:$0x1D500] =	vst v63  }
0x58: {  	_ = 	snop  }
0x59: {  	[spmem:s5] =	stream.indirect.scatter.add.f32 [tilespmem:s21], [sflag:$0x3], $0x1, s22, s17, $0xb8;
	[tilespmem:$0x1D500] =	vst v63  }
0x5a: {  	_ =	swait.ge [sflag:s23], $0x4000  }
0x5b: {  	[sflag:s23] =	ssyncset.done $0x0  }
0x5c: {  	[sflag:s23] =	ssyncadd.s32 $0xFFFFC000  }
0x5d: {  	_ =	swait.ge [sflag:s24], $0x80  }
0x5e: {  	[sflag:s24] =	ssyncset.done $0x0  }
0x5f: {  	s25 =	rddreg [dreg:$0xd];
	[sflag:s24] =	ssyncadd.s32 $0xFFFFFF80  }
0x60: {  	[tilespmem:s19], [sflag:$0x2] =	stream.indirect.gather [hbm4b:s0+s17], $0x80, s25, s17, $0xb8;
	[tilespmem:$0x1D500] =	vst v63  }
0x61: {  	_ =	swait.ge [sflag:s20], $0x4000  }
0x62: {  	[sflag:s20] =	ssyncset.done $0x0  }
0x63: {  	s30 =	simm.s32 $0x280;
	[sflag:s20] =	ssyncadd.s32 $0xFFFFC000  }
0x64: {  	[spmem:s4] =	stream.indirect.scatter.add.f32 [tilespmem:s18], [sflag:$0x1], $0x80, s30, s17, $0xb8;
	[tilespmem:$0x1D500] =	vst v63  }
0x65: {  	_ = 	snop  }
0x66: {  	[spmem:s5] =	stream.indirect.scatter.add.f32 [tilespmem:s21], [sflag:$0x3], $0x1, s30, s17, $0xb8;
	[tilespmem:$0x1D500] =	vst v63  }
0x67: {  	_ =	swait.ge [sflag:s23], $0x4000  }
0x68: {  	[sflag:s23] =	ssyncset.done $0x0  }
0x69: {  	[sflag:s23] =	ssyncadd.s32 $0xFFFFC000  }
0x6a: {  	_ =	swait.ge [sflag:s24], $0x80  }
0x6b: {  	[sflag:s24] =	ssyncset.done $0x0  }
0x6c: {  	s31 =	rddreg [dreg:$0xe];
	[sflag:s24] =	ssyncadd.s32 $0xFFFFFF80  }
0x6d: {  	[tilespmem:s18], [sflag:$0x2] =	stream.indirect.gather [hbm4b:s0+s17], $0x80, s31, s17, $0xb8;
	[tilespmem:$0x1D500] =	vst v63  }
0x6e: {  	_ =	swait.ge [sflag:s20], $0x4000  }
0x6f: {  	[sflag:s20] =	ssyncset.done $0x0  }
0x70: {  	s22 =	simm.s32 $0x380;
	[sflag:s20] =	ssyncadd.s32 $0xFFFFC000  }
0x71: {  	[spmem:s4] =	stream.indirect.scatter.add.f32 [tilespmem:s19], [sflag:$0x1], $0x80, s22, s17, $0xb8;
	[tilespmem:$0x1D500] =	vst v63  }
0x72: {  	_ = 	snop  }
0x73: {  	[spmem:s5] =	stream.indirect.scatter.add.f32 [tilespmem:s21], [sflag:$0x3], $0x1, s22, s17, $0xb8;
	[tilespmem:$0x1D500] =	vst v63  }
0x74: {  	_ =	swait.ge [sflag:s23], $0x4000  }
0x75: {  	[sflag:s23] =	ssyncset.done $0x0  }
0x76: {  	[sflag:s23] =	ssyncadd.s32 $0xFFFFC000  }
0x77: {  	_ =	swait.ge [sflag:s24], $0x80  }
0x78: {  	[sflag:s24] =	ssyncset.done $0x0  }
0x79: {  	s25 =	rddreg [dreg:$0xf];
	[sflag:s24] =	ssyncadd.s32 $0xFFFFFF80  }
0x7a: {  	[tilespmem:s19], [sflag:$0x2] =	stream.indirect.gather [hbm4b:s0+s17], $0x80, s25, s17, $0xb8;
	[tilespmem:$0x1D500] =	vst v63  }
0x7b: {  	_ =	swait.ge [sflag:s20], $0x4000  }
0x7c: {  	[sflag:s20] =	ssyncset.done $0x0  }
0x7d: {  	s30 =	simm.s32 $0x480;
	[sflag:s20] =	ssyncadd.s32 $0xFFFFC000  }
0x7e: {  	[spmem:s4] =	stream.indirect.scatter.add.f32 [tilespmem:s18], [sflag:$0x1], $0x80, s30, s17, $0xb8;
	[tilespmem:$0x1D500] =	vst v63  }
0x7f: {  	_ = 	snop  }
0x80: {  	[spmem:s5] =	stream.indirect.scatter.add.f32 [tilespmem:s21], [sflag:$0x3], $0x1, s30, s17, $0xb8;
	[tilespmem:$0x1D500] =	vst v63  }
0x81: {  	_ =	swait.ge [sflag:s23], $0x4000  }
0x82: {  	[sflag:s23] =	ssyncset.done $0x0  }
0x83: {  	[sflag:s23] =	ssyncadd.s32 $0xFFFFC000  }
0x84: {  	_ =	swait.ge [sflag:s24], $0x80  }
0x85: {  	[sflag:s24] =	ssyncset.done $0x0  }
0x86: {  	s31 =	rddreg [dreg:$0x10];
	[sflag:s24] =	ssyncadd.s32 $0xFFFFFF80  }
0x87: {  	[tilespmem:s18], [sflag:$0x2] =	stream.indirect.gather [hbm4b:s0+s17], $0x80, s31, s17, $0xb8;
	[tilespmem:$0x1D500] =	vst v63  }
0x88: {  	_ =	swait.ge [sflag:s20], $0x4000  }
0x89: {  	[sflag:s20] =	ssyncset.done $0x0  }
0x8a: {  	s22 =	simm.s32 $0x580;
	[sflag:s20] =	ssyncadd.s32 $0xFFFFC000  }
0x8b: {  	[spmem:s4] =	stream.indirect.scatter.add.f32 [tilespmem:s19], [sflag:$0x1], $0x80, s22, s17, $0xb8;
	[tilespmem:$0x1D500] =	vst v63  }
0x8c: {  	_ = 	snop  }
0x8d: {  	[spmem:s5] =	stream.indirect.scatter.add.f32 [tilespmem:s21], [sflag:$0x3], $0x1, s22, s17, $0xb8;
	[tilespmem:$0x1D500] =	vst v63  }
0x8e: {  	_ =	swait.ge [sflag:s23], $0x4000  }
0x8f: {  	[sflag:s23] =	ssyncset.done $0x0  }
0x90: {  	[sflag:s23] =	ssyncadd.s32 $0xFFFFC000  }
0x91: {  	_ =	swait.ge [sflag:s24], $0x80  }
0x92: {  	[sflag:s24] =	ssyncset.done $0x0  }
0x93: {  	s25 =	rddreg [dreg:$0x11];
	[sflag:s24] =	ssyncadd.s32 $0xFFFFFF80  }
0x94: {  	[tilespmem:s19], [sflag:$0x2] =	stream.indirect.gather [hbm4b:s0+s17], $0x80, s25, s17, $0xb8;
	[tilespmem:$0x1D500] =	vst v63  }
0x95: {  	_ =	swait.ge [sflag:s20], $0x4000  }
0x96: {  	[sflag:s20] =	ssyncset.done $0x0  }
0x97: {  	s30 =	simm.s32 $0x680;
	[sflag:s20] =	ssyncadd.s32 $0xFFFFC000  }
0x98: {  	[spmem:s4] =	stream.indirect.scatter.add.f32 [tilespmem:s18], [sflag:$0x1], $0x80, s30, s17, $0xb8;
	[tilespmem:$0x1D500] =	vst v63  }
0x99: {  	_ = 	snop  }
0x9a: {  	[spmem:s5] =	stream.indirect.scatter.add.f32 [tilespmem:s21], [sflag:$0x3], $0x1, s30, s17, $0xb8;
	[tilespmem:$0x1D500] =	vst v63  }
0x9b: {  	_ =	swait.ge [sflag:s23], $0x4000  }
0x9c: {  	[sflag:s23] =	ssyncset.done $0x0  }
0x9d: {  	[sflag:s23] =	ssyncadd.s32 $0xFFFFC000  }
0x9e: {  	_ =	swait.ge [sflag:s24], $0x80  }
0x9f: {  	[sflag:s24] =	ssyncset.done $0x0  }
0xa0: {  	s31 =	rddreg [dreg:$0x12];
	[sflag:s24] =	ssyncadd.s32 $0xFFFFFF80  }
0xa1: {  	[tilespmem:s18], [sflag:$0x2] =	stream.indirect.gather [hbm4b:s0+s17], $0x80, s31, s17, $0xb8;
	[tilespmem:$0x1D500] =	vst v63  }
0xa2: {  	_ =	swait.ge [sflag:s20], $0x4000  }
0xa3: {  	[sflag:s20] =	ssyncset.done $0x0  }
0xa4: {  	s22 =	simm.s32 $0x780;
	[sflag:s20] =	ssyncadd.s32 $0xFFFFC000  }
0xa5: {  	[spmem:s4] =	stream.indirect.scatter.add.f32 [tilespmem:s19], [sflag:$0x1], $0x80, s22, s17, $0xb8;
	[tilespmem:$0x1D500] =	vst v63  }
0xa6: {  	_ = 	snop  }
0xa7: {  	[spmem:s5] =	stream.indirect.scatter.add.f32 [tilespmem:s21], [sflag:$0x3], $0x1, s22, s17, $0xb8;
	[tilespmem:$0x1D500] =	vst v63  }
0xa8: {  	_ =	swait.ge [sflag:s23], $0x4000  }
0xa9: {  	[sflag:s23] =	ssyncset.done $0x0  }
0xaa: {  	[sflag:s23] =	ssyncadd.s32 $0xFFFFC000  }
0xab: {  	_ =	swait.ge [sflag:s24], $0x80  }
0xac: {  	[sflag:s24] =	ssyncset.done $0x0  }
0xad: {  	s25 =	rddreg [dreg:$0x13];
	[sflag:s24] =	ssyncadd.s32 $0xFFFFFF80  }
0xae: {  	[tilespmem:s19], [sflag:$0x2] =	stream.indirect.gather [hbm4b:s0+s17], $0x80, s25, s17, $0xb8;
	[tilespmem:$0x1D500] =	vst v63  }
0xaf: {  	_ =	swait.ge [sflag:s20], $0x4000  }
0xb0: {  	[sflag:s20] =	ssyncset.done $0x0  }
0xb1: {  	[sflag:s20] =	ssyncadd.s32 $0xFFFFC000  }
0xb2: {  	[spmem:s4] =	stream.indirect.scatter.add.f32 [tilespmem:s18], [sflag:$0x1], $0x80, s3, s17, $0xb8;
	[tilespmem:$0x1D500] =	vst v63  }
0xb3: {  	_ = 	snop  }
0xb4: {  	[spmem:s5] =	stream.indirect.scatter.add.f32 [tilespmem:s21], [sflag:$0x3], $0x1, s3, s17, $0xb8;
	[tilespmem:$0x1D500] =	vst v63  }
0xb5: {  	_ =	swait.ge [sflag:s23], $0x4000  }
0xb6: {  	[sflag:s23] =	ssyncset.done $0x0  }
0xb7: {  	[sflag:s23] =	ssyncadd.s32 $0xFFFFC000  }
0xb8: {  	_ =	swait.ge [sflag:s24], $0x80  }
0xb9: {  	[sflag:s24] =	ssyncset.done $0x0  }
0xba: {  	s30 =	rddreg [dreg:$0x14];
	[sflag:s24] =	ssyncadd.s32 $0xFFFFFF80  }
0xbb: {  	[tilespmem:s18], [sflag:$0x2] =	stream.indirect.gather [hbm4b:s0+s17], $0x80, s30, s17, $0xb8;
	[tilespmem:$0x1D500] =	vst v63  }
0xbc: {  	_ =	swait.ge [sflag:s20], $0x4000  }
0xbd: {  	[sflag:s20] =	ssyncset.done $0x0  }
0xbe: {  	[sflag:s20] =	ssyncadd.s32 $0xFFFFC000  }
0xbf: {  	[spmem:s4] =	stream.indirect.scatter.add.f32 [tilespmem:s19], [sflag:$0x1], $0x80, s2, s17, $0xb8;
	[tilespmem:$0x1D500] =	vst v63  }
0xc0: {  	_ = 	snop  }
0xc1: {  	[spmem:s5] =	stream.indirect.scatter.add.f32 [tilespmem:s21], [sflag:$0x3], $0x1, s2, s17, $0xb8;
	[tilespmem:$0x1D500] =	vst v63  }
0xc2: {  	_ =	swait.ge [sflag:s23], $0x4000  }
0xc3: {  	[sflag:s23] =	ssyncset.done $0x0  }
0xc4: {  	[sflag:s23] =	ssyncadd.s32 $0xFFFFC000  }
0xc5: {  	_ =	swait.ge [sflag:s24], $0x80  }
0xc6: {  	[sflag:s24] =	ssyncset.done $0x0  }
0xc7: {  	s31 =	rddreg [dreg:$0x15];
	[sflag:s24] =	ssyncadd.s32 $0xFFFFFF80  }
0xc8: {  	[tilespmem:s19], [sflag:$0x2] =	stream.indirect.gather [hbm4b:s0+s17], $0x80, s31, s17, $0xb8;
	[tilespmem:$0x1D500] =	vst v63  }
0xc9: {  	_ =	swait.ge [sflag:s20], $0x4000  }
0xca: {  	[sflag:s20] =	ssyncset.done $0x0  }
0xcb: {  	[sflag:s20] =	ssyncadd.s32 $0xFFFFC000  }
0xcc: {  	[spmem:s4] =	stream.indirect.scatter.add.f32 [tilespmem:s18], [sflag:$0x1], $0x80, s1, s17, $0xb8;
	[tilespmem:$0x1D500] =	vst v63  }
0xcd: {  	_ = 	snop  }
0xce: {  	[spmem:s5] =	stream.indirect.scatter.add.f32 [tilespmem:s21], [sflag:$0x3], $0x1, s1, s17, $0xb8;
	[tilespmem:$0x1D500] =	vst v63  }
0xcf: {  	_ =	swait.ge [sflag:s23], $0x4000  }
0xd0: {  	[sflag:s23] =	ssyncset.done $0x0  }
0xd1: {  	[sflag:s23] =	ssyncadd.s32 $0xFFFFC000  }
0xd2: {  	_ =	swait.ge [sflag:s24], $0x80  }
0xd3: {  	[sflag:s24] =	ssyncset.done $0x0  }
0xd4: {  	s22 =	rddreg [dreg:$0x16];
	[sflag:s24] =	ssyncadd.s32 $0xFFFFFF80  }
0xd5: {  	[tilespmem:s18], [sflag:$0x2] =	stream.indirect.gather [hbm4b:s0+s17], $0x80, s22, s17, $0xb8;
	[tilespmem:$0x1D500] =	vst v63  }
0xd6: {  	_ =	swait.ge [sflag:s20], $0x4000  }
0xd7: {  	[sflag:s20] =	ssyncset.done $0x0  }
0xd8: {  	[sflag:s20] =	ssyncadd.s32 $0xFFFFC000  }
0xd9: {  	[spmem:s4] =	stream.indirect.scatter.add.f32 [tilespmem:s19], [sflag:$0x1], $0x80, s7, s17, $0xb8;
	[tilespmem:$0x1D500] =	vst v63  }
0xda: {  	_ = 	snop  }
0xdb: {  	[spmem:s5] =	stream.indirect.scatter.add.f32 [tilespmem:s21], [sflag:$0x3], $0x1, s7, s17, $0xb8;
	[tilespmem:$0x1D500] =	vst v63  }
0xdc: {  	_ =	swait.ge [sflag:s23], $0x4000  }
0xdd: {  	[sflag:s23] =	ssyncset.done $0x0  }
0xde: {  	[sflag:s23] =	ssyncadd.s32 $0xFFFFC000  }
0xdf: {  	_ =	swait.ge [sflag:s24], $0x80  }
0xe0: {  	[sflag:s24] =	ssyncset.done $0x0  }
0xe1: {  	s25 =	rddreg [dreg:$0x17];
	[sflag:s24] =	ssyncadd.s32 $0xFFFFFF80  }
0xe2: {  	[tilespmem:s19], [sflag:$0x2] =	stream.indirect.gather [hbm4b:s0+s17], $0x80, s25, s17, $0xb8;
	[tilespmem:$0x1D500] =	vst v63  }
0xe3: {  	_ =	swait.ge [sflag:s20], $0x4000  }
0xe4: {  	[sflag:s20] =	ssyncset.done $0x0  }
0xe5: {  	[sflag:s20] =	ssyncadd.s32 $0xFFFFC000  }
0xe6: {  	[spmem:s4] =	stream.indirect.scatter.add.f32 [tilespmem:s18], [sflag:$0x1], $0x80, s9, s17, $0xb8;
	[tilespmem:$0x1D500] =	vst v63  }
0xe7: {  	_ = 	snop  }
0xe8: {  	[spmem:s5] =	stream.indirect.scatter.add.f32 [tilespmem:s21], [sflag:$0x3], $0x1, s9, s17, $0xb8;
	[tilespmem:$0x1D500] =	vst v63  }
0xe9: {  	_ =	swait.ge [sflag:s23], $0x4000  }
0xea: {  	[sflag:s23] =	ssyncset.done $0x0  }
0xeb: {  	[sflag:s23] =	ssyncadd.s32 $0xFFFFC000  }
0xec: {  	_ =	swait.ge [sflag:s24], $0x80  }
0xed: {  	[sflag:s24] =	ssyncset.done $0x0  }
0xee: {  	s30 =	rddreg [dreg:$0x18];
	[sflag:s24] =	ssyncadd.s32 $0xFFFFFF80  }
0xef: {  	[tilespmem:s18], [sflag:$0x2] =	stream.indirect.gather [hbm4b:s0+s17], $0x80, s30, s17, $0xb8;
	[tilespmem:$0x1D500] =	vst v63  }
0xf0: {  	_ =	swait.ge [sflag:s20], $0x4000  }
0xf1: {  	[sflag:s20] =	ssyncset.done $0x0  }
0xf2: {  	[sflag:s20] =	ssyncadd.s32 $0xFFFFC000  }
0xf3: {  	[spmem:s4] =	stream.indirect.scatter.add.f32 [tilespmem:s19], [sflag:$0x1], $0x80, s10, s17, $0xb8;
	[tilespmem:$0x1D500] =	vst v63  }
0xf4: {  	_ = 	snop  }
0xf5: {  	[spmem:s5] =	stream.indirect.scatter.add.f32 [tilespmem:s21], [sflag:$0x3], $0x1, s10, s17, $0xb8;
	[tilespmem:$0x1D500] =	vst v63  }
0xf6: {  	_ =	swait.ge [sflag:s23], $0x4000  }
0xf7: {  	[sflag:s23] =	ssyncset.done $0x0  }
0xf8: {  	[sflag:s23] =	ssyncadd.s32 $0xFFFFC000  }
0xf9: {  	_ =	swait.ge [sflag:s24], $0x80  }
0xfa: {  	[sflag:s24] =	ssyncset.done $0x0  }
0xfb: {  	s31 =	rddreg [dreg:$0x19];
	[sflag:s24] =	ssyncadd.s32 $0xFFFFFF80  }
0xfc: {  	[tilespmem:s19], [sflag:$0x2] =	stream.indirect.gather [hbm4b:s0+s17], $0x80, s31, s17, $0xb8;
	[tilespmem:$0x1D500] =	vst v63  }
0xfd: {  	_ =	swait.ge [sflag:s20], $0x4000  }
0xfe: {  	[sflag:s20] =	ssyncset.done $0x0  }
0xff: {  	[sflag:s20] =	ssyncadd.s32 $0xFFFFC000  }
0x100: {  	[spmem:s4] =	stream.indirect.scatter.add.f32 [tilespmem:s18], [sflag:$0x1], $0x80, s11, s17, $0xb8;
	[tilespmem:$0x1D500] =	vst v63  }
0x101: {  	_ = 	snop  }
0x102: {  	[spmem:s5] =	stream.indirect.scatter.add.f32 [tilespmem:s21], [sflag:$0x3], $0x1, s11, s17, $0xb8;
	[tilespmem:$0x1D500] =	vst v63  }
0x103: {  	_ =	swait.ge [sflag:s23], $0x4000  }
0x104: {  	[sflag:s23] =	ssyncset.done $0x0  }
0x105: {  	[sflag:s23] =	ssyncadd.s32 $0xFFFFC000  }
0x106: {  	_ =	swait.ge [sflag:s24], $0x80  }
0x107: {  	[sflag:s24] =	ssyncset.done $0x0  }
0x108: {  	s22 =	rddreg [dreg:$0x1a];
	[sflag:s24] =	ssyncadd.s32 $0xFFFFFF80  }
0x109: {  	[tilespmem:s18], [sflag:$0x2] =	stream.indirect.gather [hbm4b:s0+s17], $0x80, s22, s17, $0xb8;
	[tilespmem:$0x1D500] =	vst v63  }
0x10a: {  	_ =	swait.ge [sflag:s20], $0x4000  }
0x10b: {  	[sflag:s20] =	ssyncset.done $0x0  }
0x10c: {  	[sflag:s20] =	ssyncadd.s32 $0xFFFFC000  }
0x10d: {  	[spmem:s4] =	stream.indirect.scatter.add.f32 [tilespmem:s19], [sflag:$0x1], $0x80, s13, s17, $0xb8;
	[tilespmem:$0x1D500] =	vst v63  }
0x10e: {  	_ = 	snop  }
0x10f: {  	[spmem:s5] =	stream.indirect.scatter.add.f32 [tilespmem:s21], [sflag:$0x3], $0x1, s13, s17, $0xb8;
	[tilespmem:$0x1D500] =	vst v63  }
0x110: {  	_ =	swait.ge [sflag:s23], $0x4000  }
0x111: {  	[sflag:s23] =	ssyncset.done $0x0  }
0x112: {  	[sflag:s23] =	ssyncadd.s32 $0xFFFFC000  }
0x113: {  	_ =	swait.ge [sflag:s24], $0x80  }
0x114: {  	[sflag:s24] =	ssyncset.done $0x0  }
0x115: {  	s25 =	rddreg [dreg:$0x1b];
	[sflag:s24] =	ssyncadd.s32 $0xFFFFFF80  }
0x116: {  	[tilespmem:s19], [sflag:$0x2] =	stream.indirect.gather [hbm4b:s0+s17], $0x80, s25, s17, $0xb8;
	[tilespmem:$0x1D500] =	vst v63  }
0x117: {  	_ =	swait.ge [sflag:s20], $0x4000  }
0x118: {  	[sflag:s20] =	ssyncset.done $0x0  }
0x119: {  	[sflag:s20] =	ssyncadd.s32 $0xFFFFC000  }
0x11a: {  	[spmem:s4] =	stream.indirect.scatter.add.f32 [tilespmem:s18], [sflag:$0x1], $0x80, s12, s17, $0xb8;
	[tilespmem:$0x1D500] =	vst v63  }
0x11b: {  	_ = 	snop  }
0x11c: {  	[spmem:s5] =	stream.indirect.scatter.add.f32 [tilespmem:s21], [sflag:$0x3], $0x1, s12, s17, $0xb8;
	[tilespmem:$0x1D500] =	vst v63  }
0x11d: {  	_ =	swait.ge [sflag:s23], $0x4000  }
0x11e: {  	[sflag:s23] =	ssyncset.done $0x0  }
0x11f: {  	[sflag:s23] =	ssyncadd.s32 $0xFFFFC000  }
0x120: {  	_ =	swait.ge [sflag:s24], $0x80  }
0x121: {  	[sflag:s24] =	ssyncset.done $0x0  }
0x122: {  	s30 =	rddreg [dreg:$0x1c];
	[sflag:s24] =	ssyncadd.s32 $0xFFFFFF80  }
0x123: {  	[tilespmem:s18], [sflag:$0x2] =	stream.indirect.gather [hbm4b:s0+s17], $0x80, s30, s17, $0xb8;
	[tilespmem:$0x1D500] =	vst v63  }
0x124: {  	_ =	swait.ge [sflag:s20], $0x4000  }
0x125: {  	[sflag:s20] =	ssyncset.done $0x0  }
0x126: {  	[sflag:s20] =	ssyncadd.s32 $0xFFFFC000  }
0x127: {  	[spmem:s4] =	stream.indirect.scatter.add.f32 [tilespmem:s19], [sflag:$0x1], $0x80, s14, s17, $0xb8;
	[tilespmem:$0x1D500] =	vst v63  }
0x128: {  	_ = 	snop  }
0x129: {  	[spmem:s5] =	stream.indirect.scatter.add.f32 [tilespmem:s21], [sflag:$0x3], $0x1, s14, s17, $0xb8;
	[tilespmem:$0x1D500] =	vst v63  }
0x12a: {  	_ =	swait.ge [sflag:s23], $0x4000  }
0x12b: {  	[sflag:s23] =	ssyncset.done $0x0  }
0x12c: {  	[sflag:s23] =	ssyncadd.s32 $0xFFFFC000  }
0x12d: {  	_ =	swait.ge [sflag:s24], $0x80  }
0x12e: {  	[sflag:s24] =	ssyncset.done $0x0  }
0x12f: {  	s31 =	rddreg [dreg:$0x1d];
	[sflag:s24] =	ssyncadd.s32 $0xFFFFFF80  }
0x130: {  	[tilespmem:s19], [sflag:$0x2] =	stream.indirect.gather [hbm4b:s0+s17], $0x80, s31, s17, $0xb8;
	[tilespmem:$0x1D500] =	vst v63  }
0x131: {  	_ =	swait.ge [sflag:s20], $0x4000  }
0x132: {  	[sflag:s20] =	ssyncset.done $0x0  }
0x133: {  	[sflag:s20] =	ssyncadd.s32 $0xFFFFC000  }
0x134: {  	[spmem:s4] =	stream.indirect.scatter.add.f32 [tilespmem:s18], [sflag:$0x1], $0x80, s16, s17, $0xb8;
	[tilespmem:$0x1D500] =	vst v63  }
0x135: {  	_ = 	snop  }
0x136: {  	[spmem:s5] =	stream.indirect.scatter.add.f32 [tilespmem:s21], [sflag:$0x3], $0x1, s16, s17, $0xb8;
	[tilespmem:$0x1D500] =	vst v63  }
0x137: {  	_ =	swait.ge [sflag:s20], $0x4000  }
0x138: {  	[sflag:s20] =	ssyncset.done $0x0  }
0x139: {  	[sflag:s20] =	ssyncadd.s32 $0xFFFFC000  }
0x13a: {  	[spmem:s4] =	stream.indirect.scatter.add.f32 [tilespmem:s19], [sflag:$0x1], $0x80, s8, s17, $0xb8;
	[tilespmem:$0x1D500] =	vst v63  }
0x13b: {  	_ = 	snop  }
0x13c: {  	[spmem:s5] =	stream.indirect.scatter.add.f32 [tilespmem:s21], [sflag:$0x3], $0x1, s8, s17, $0xb8;
	[tilespmem:$0x1D500] =	vst v63  }
0x13d: {  	_ =	swait.ge [sflag:s23], $0x4000  }
0x13e: {  	[sflag:s23] =	ssyncset.done $0x0  }
0x13f: {  	[sflag:s23] =	ssyncadd.s32 $0xFFFFC000  }
0x140: {  	_ =	swait.ge [sflag:s24], $0x80  }
0x141: {  	[sflag:s24] =	ssyncset.done $0x0  }
0x142: {  	[sflag:s24] =	ssyncadd.s32 $0xFFFFFF80  }
0x143: {  	_ =	swait.ge [sflag:s23], $0x4000  }
0x144: {  	[sflag:s23] =	ssyncset.done $0x0  }
0x145: {  	[sflag:s23] =	ssyncadd.s32 $0xFFFFC000  }
0x146: {  	_ =	swait.ge [sflag:s24], $0x80  }
0x147: {  	[sflag:s24] =	ssyncset.done $0x0  }
0x148: {  	[sflag:s24] =	ssyncadd.s32 $0xFFFFFF80  }
0x149: {  	_ =	swait.ge [sflag:s23], $0x4000  }
0x14a: {  	[sflag:s23] =	ssyncset.done $0x0  }
0x14b: {  	[sflag:s23] =	ssyncadd.s32 $0xFFFFC000  }
0x14c: {  	s6 =	sadd.s32 $0x280, s29;
	s22 =	simm.s32 $0x14;
	_ =	swait.ge [sflag:s24], $0x80  }
0x14d: {  	s25 =	simm.s32 $0x28;
	s28 =	rddreg [dreg:$0xa];
	[sflag:s24] =	ssyncset.done $0x0  }
.LBB2_2:
0x14e: {  	s26 =	sadd.s32 $0x1400, s26  }
0x14f: {  	s29 =	rddreg [dreg:$0x9];
	s28 =	sadd.s32 s22, s28;
	s31 =	sshrl.u32 s26, $0x3  }
0x150: {  	p1 =	slt.u32 s28, $0x9C4;
	s28 =	sadd.s32 s29, s31  }
0x151: {  	[sflag:s24] =	ssyncadd.s32 $0xFFFFFF80;
	s31 =	simm.s32 $0x0;
	s28 =	smov.u32 @p1 s6  }
0x152: {  	[tilespmem:s31], [sflag:$0x4] =	stream.linear.gather [hbm4b:s28+s31], $0x1400, $0x38;
	[tilespmem:$0x1D500] =	vst v63  }
0x153: {  	_ =	swait.ge [sflag:s15], $0x1400  }
0x154: {  	[sflag:s15] =	ssyncset.done $0x0  }
0x155: {  	[sflag:s15] =	ssyncadd.s32 $0xFFFFEC00  }
0x156: {  	[tilespmem:s18], [sflag:$0x2] =	stream.indirect.gather [hbm4b:s0+s17], $0x80, s31, s17, $0xb8;
	[tilespmem:$0x1D500] =	vst v63  }
0x157: {  	s28 =	rddreg [dreg:$0xb]  }
0x158: {  	[tilespmem:s19], [sflag:$0x2] =	stream.indirect.gather [hbm4b:s0+s17], $0x80, s28, s17, $0xb8;
	[tilespmem:$0x1D500] =	vst v63  }
0x159: {  	_ =	swait.ge [sflag:s20], $0x4000  }
0x15a: {  	[sflag:s20] =	ssyncset.done $0x0  }
0x15b: {  	[sflag:s20] =	ssyncadd.s32 $0xFFFFC000  }
0x15c: {  	[spmem:s4] =	stream.indirect.scatter.add.f32 [tilespmem:s18], [sflag:$0x1], $0x80, s17, s17, $0xb8;
	[tilespmem:$0x1D500] =	vst v63  }
0x15d: {  	_ = 	snop  }
0x15e: {  	[spmem:s5] =	stream.indirect.scatter.add.f32 [tilespmem:s21], [sflag:$0x3], $0x1, s17, s17, $0xb8;
	[tilespmem:$0x1D500] =	vst v63  }
0x15f: {  	s28 =	rddreg [dreg:$0xc]  }
0x160: {  	[tilespmem:s18], [sflag:$0x2] =	stream.indirect.gather [hbm4b:s0+s17], $0x80, s28, s17, $0xb8;
	[tilespmem:$0x1D500] =	vst v63  }
0x161: {  	_ =	swait.ge [sflag:s20], $0x4000  }
0x162: {  	[sflag:s20] =	ssyncset.done $0x0  }
0x163: {  	s28 =	simm.s32 $0x180;
	[sflag:s20] =	ssyncadd.s32 $0xFFFFC000  }
0x164: {  	[spmem:s4] =	stream.indirect.scatter.add.f32 [tilespmem:s19], [sflag:$0x1], $0x80, s28, s17, $0xb8;
	[tilespmem:$0x1D500] =	vst v63  }
0x165: {  	_ = 	snop  }
0x166: {  	[spmem:s5] =	stream.indirect.scatter.add.f32 [tilespmem:s21], [sflag:$0x3], $0x1, s28, s17, $0xb8;
	[tilespmem:$0x1D500] =	vst v63  }
0x167: {  	_ =	swait.ge [sflag:s23], $0x4000  }
0x168: {  	[sflag:s23] =	ssyncset.done $0x0  }
0x169: {  	[sflag:s23] =	ssyncadd.s32 $0xFFFFC000  }
0x16a: {  	_ =	swait.ge [sflag:s24], $0x80  }
0x16b: {  	[sflag:s24] =	ssyncset.done $0x0  }
0x16c: {  	s28 =	rddreg [dreg:$0xd];
	[sflag:s24] =	ssyncadd.s32 $0xFFFFFF80  }
0x16d: {  	[tilespmem:s19], [sflag:$0x2] =	stream.indirect.gather [hbm4b:s0+s17], $0x80, s28, s17, $0xb8;
	[tilespmem:$0x1D500] =	vst v63  }
0x16e: {  	_ =	swait.ge [sflag:s20], $0x4000  }
0x16f: {  	[sflag:s20] =	ssyncset.done $0x0  }
0x170: {  	s28 =	simm.s32 $0x280;
	[sflag:s20] =	ssyncadd.s32 $0xFFFFC000  }
0x171: {  	[spmem:s4] =	stream.indirect.scatter.add.f32 [tilespmem:s18], [sflag:$0x1], $0x80, s28, s17, $0xb8;
	[tilespmem:$0x1D500] =	vst v63  }
0x172: {  	_ = 	snop  }
0x173: {  	[spmem:s5] =	stream.indirect.scatter.add.f32 [tilespmem:s21], [sflag:$0x3], $0x1, s28, s17, $0xb8;
	[tilespmem:$0x1D500] =	vst v63  }
0x174: {  	_ =	swait.ge [sflag:s23], $0x4000  }
0x175: {  	[sflag:s23] =	ssyncset.done $0x0  }
0x176: {  	[sflag:s23] =	ssyncadd.s32 $0xFFFFC000  }
0x177: {  	_ =	swait.ge [sflag:s24], $0x80  }
0x178: {  	[sflag:s24] =	ssyncset.done $0x0  }
0x179: {  	s28 =	rddreg [dreg:$0xe];
	[sflag:s24] =	ssyncadd.s32 $0xFFFFFF80  }
0x17a: {  	[tilespmem:s18], [sflag:$0x2] =	stream.indirect.gather [hbm4b:s0+s17], $0x80, s28, s17, $0xb8;
	[tilespmem:$0x1D500] =	vst v63  }
0x17b: {  	_ =	swait.ge [sflag:s20], $0x4000  }
0x17c: {  	[sflag:s20] =	ssyncset.done $0x0  }
0x17d: {  	s28 =	simm.s32 $0x380;
	[sflag:s20] =	ssyncadd.s32 $0xFFFFC000  }
0x17e: {  	[spmem:s4] =	stream.indirect.scatter.add.f32 [tilespmem:s19], [sflag:$0x1], $0x80, s28, s17, $0xb8;
	[tilespmem:$0x1D500] =	vst v63  }
0x17f: {  	_ = 	snop  }
0x180: {  	[spmem:s5] =	stream.indirect.scatter.add.f32 [tilespmem:s21], [sflag:$0x3], $0x1, s28, s17, $0xb8;
	[tilespmem:$0x1D500] =	vst v63  }
0x181: {  	_ =	swait.ge [sflag:s23], $0x4000  }
0x182: {  	[sflag:s23] =	ssyncset.done $0x0  }
0x183: {  	[sflag:s23] =	ssyncadd.s32 $0xFFFFC000  }
0x184: {  	_ =	swait.ge [sflag:s24], $0x80  }
0x185: {  	[sflag:s24] =	ssyncset.done $0x0  }
0x186: {  	s28 =	rddreg [dreg:$0xf];
	[sflag:s24] =	ssyncadd.s32 $0xFFFFFF80  }
0x187: {  	[tilespmem:s19], [sflag:$0x2] =	stream.indirect.gather [hbm4b:s0+s17], $0x80, s28, s17, $0xb8;
	[tilespmem:$0x1D500] =	vst v63  }
0x188: {  	_ =	swait.ge [sflag:s20], $0x4000  }
0x189: {  	[sflag:s20] =	ssyncset.done $0x0  }
0x18a: {  	s28 =	simm.s32 $0x480;
	[sflag:s20] =	ssyncadd.s32 $0xFFFFC000  }
0x18b: {  	[spmem:s4] =	stream.indirect.scatter.add.f32 [tilespmem:s18], [sflag:$0x1], $0x80, s28, s17, $0xb8;
	[tilespmem:$0x1D500] =	vst v63  }
0x18c: {  	_ = 	snop  }
0x18d: {  	[spmem:s5] =	stream.indirect.scatter.add.f32 [tilespmem:s21], [sflag:$0x3], $0x1, s28, s17, $0xb8;
	[tilespmem:$0x1D500] =	vst v63  }
0x18e: {  	_ =	swait.ge [sflag:s23], $0x4000  }
0x18f: {  	[sflag:s23] =	ssyncset.done $0x0  }
0x190: {  	[sflag:s23] =	ssyncadd.s32 $0xFFFFC000  }
0x191: {  	_ =	swait.ge [sflag:s24], $0x80  }
0x192: {  	[sflag:s24] =	ssyncset.done $0x0  }
0x193: {  	s28 =	rddreg [dreg:$0x10];
	[sflag:s24] =	ssyncadd.s32 $0xFFFFFF80  }
0x194: {  	[tilespmem:s18], [sflag:$0x2] =	stream.indirect.gather [hbm4b:s0+s17], $0x80, s28, s17, $0xb8;
	[tilespmem:$0x1D500] =	vst v63  }
0x195: {  	_ =	swait.ge [sflag:s20], $0x4000  }
0x196: {  	[sflag:s20] =	ssyncset.done $0x0  }
0x197: {  	s28 =	simm.s32 $0x580;
	[sflag:s20] =	ssyncadd.s32 $0xFFFFC000  }
0x198: {  	[spmem:s4] =	stream.indirect.scatter.add.f32 [tilespmem:s19], [sflag:$0x1], $0x80, s28, s17, $0xb8;
	[tilespmem:$0x1D500] =	vst v63  }
0x199: {  	_ = 	snop  }
0x19a: {  	[spmem:s5] =	stream.indirect.scatter.add.f32 [tilespmem:s21], [sflag:$0x3], $0x1, s28, s17, $0xb8;
	[tilespmem:$0x1D500] =	vst v63  }
0x19b: {  	_ =	swait.ge [sflag:s23], $0x4000  }
0x19c: {  	[sflag:s23] =	ssyncset.done $0x0  }
0x19d: {  	[sflag:s23] =	ssyncadd.s32 $0xFFFFC000  }
0x19e: {  	_ =	swait.ge [sflag:s24], $0x80  }
0x19f: {  	[sflag:s24] =	ssyncset.done $0x0  }
0x1a0: {  	s28 =	rddreg [dreg:$0x11];
	[sflag:s24] =	ssyncadd.s32 $0xFFFFFF80  }
0x1a1: {  	[tilespmem:s19], [sflag:$0x2] =	stream.indirect.gather [hbm4b:s0+s17], $0x80, s28, s17, $0xb8;
	[tilespmem:$0x1D500] =	vst v63  }
0x1a2: {  	_ =	swait.ge [sflag:s20], $0x4000  }
0x1a3: {  	[sflag:s20] =	ssyncset.done $0x0  }
0x1a4: {  	s28 =	simm.s32 $0x680;
	[sflag:s20] =	ssyncadd.s32 $0xFFFFC000  }
0x1a5: {  	[spmem:s4] =	stream.indirect.scatter.add.f32 [tilespmem:s18], [sflag:$0x1], $0x80, s28, s17, $0xb8;
	[tilespmem:$0x1D500] =	vst v63  }
0x1a6: {  	_ = 	snop  }
0x1a7: {  	[spmem:s5] =	stream.indirect.scatter.add.f32 [tilespmem:s21], [sflag:$0x3], $0x1, s28, s17, $0xb8;
	[tilespmem:$0x1D500] =	vst v63  }
0x1a8: {  	_ =	swait.ge [sflag:s23], $0x4000  }
0x1a9: {  	[sflag:s23] =	ssyncset.done $0x0  }
0x1aa: {  	[sflag:s23] =	ssyncadd.s32 $0xFFFFC000  }
0x1ab: {  	_ =	swait.ge [sflag:s24], $0x80  }
0x1ac: {  	[sflag:s24] =	ssyncset.done $0x0  }
0x1ad: {  	s28 =	rddreg [dreg:$0x12];
	[sflag:s24] =	ssyncadd.s32 $0xFFFFFF80  }
0x1ae: {  	[tilespmem:s18], [sflag:$0x2] =	stream.indirect.gather [hbm4b:s0+s17], $0x80, s28, s17, $0xb8;
	[tilespmem:$0x1D500] =	vst v63  }
0x1af: {  	_ =	swait.ge [sflag:s20], $0x4000  }
0x1b0: {  	[sflag:s20] =	ssyncset.done $0x0  }
0x1b1: {  	s28 =	simm.s32 $0x780;
	[sflag:s20] =	ssyncadd.s32 $0xFFFFC000  }
0x1b2: {  	[spmem:s4] =	stream.indirect.scatter.add.f32 [tilespmem:s19], [sflag:$0x1], $0x80, s28, s17, $0xb8;
	[tilespmem:$0x1D500] =	vst v63  }
0x1b3: {  	_ = 	snop  }
0x1b4: {  	[spmem:s5] =	stream.indirect.scatter.add.f32 [tilespmem:s21], [sflag:$0x3], $0x1, s28, s17, $0xb8;
	[tilespmem:$0x1D500] =	vst v63  }
0x1b5: {  	_ =	swait.ge [sflag:s23], $0x4000  }
0x1b6: {  	[sflag:s23] =	ssyncset.done $0x0  }
0x1b7: {  	[sflag:s23] =	ssyncadd.s32 $0xFFFFC000  }
0x1b8: {  	_ =	swait.ge [sflag:s24], $0x80  }
0x1b9: {  	[sflag:s24] =	ssyncset.done $0x0  }
0x1ba: {  	s28 =	rddreg [dreg:$0x13];
	[sflag:s24] =	ssyncadd.s32 $0xFFFFFF80  }
0x1bb: {  	[tilespmem:s19], [sflag:$0x2] =	stream.indirect.gather [hbm4b:s0+s17], $0x80, s28, s17, $0xb8;
	[tilespmem:$0x1D500] =	vst v63  }
0x1bc: {  	_ =	swait.ge [sflag:s20], $0x4000  }
0x1bd: {  	[sflag:s20] =	ssyncset.done $0x0  }
0x1be: {  	[sflag:s20] =	ssyncadd.s32 $0xFFFFC000  }
0x1bf: {  	[spmem:s4] =	stream.indirect.scatter.add.f32 [tilespmem:s18], [sflag:$0x1], $0x80, s3, s17, $0xb8;
	[tilespmem:$0x1D500] =	vst v63  }
0x1c0: {  	_ = 	snop  }
0x1c1: {  	[spmem:s5] =	stream.indirect.scatter.add.f32 [tilespmem:s21], [sflag:$0x3], $0x1, s3, s17, $0xb8;
	[tilespmem:$0x1D500] =	vst v63  }
0x1c2: {  	_ =	swait.ge [sflag:s23], $0x4000  }
0x1c3: {  	[sflag:s23] =	ssyncset.done $0x0  }
0x1c4: {  	[sflag:s23] =	ssyncadd.s32 $0xFFFFC000  }
0x1c5: {  	_ =	swait.ge [sflag:s24], $0x80  }
0x1c6: {  	[sflag:s24] =	ssyncset.done $0x0  }
0x1c7: {  	s28 =	rddreg [dreg:$0x14];
	[sflag:s24] =	ssyncadd.s32 $0xFFFFFF80  }
0x1c8: {  	[tilespmem:s18], [sflag:$0x2] =	stream.indirect.gather [hbm4b:s0+s17], $0x80, s28, s17, $0xb8;
	[tilespmem:$0x1D500] =	vst v63  }
0x1c9: {  	_ =	swait.ge [sflag:s20], $0x4000  }
0x1ca: {  	[sflag:s20] =	ssyncset.done $0x0  }
0x1cb: {  	[sflag:s20] =	ssyncadd.s32 $0xFFFFC000  }
0x1cc: {  	[spmem:s4] =	stream.indirect.scatter.add.f32 [tilespmem:s19], [sflag:$0x1], $0x80, s2, s17, $0xb8;
	[tilespmem:$0x1D500] =	vst v63  }
0x1cd: {  	_ = 	snop  }
0x1ce: {  	[spmem:s5] =	stream.indirect.scatter.add.f32 [tilespmem:s21], [sflag:$0x3], $0x1, s2, s17, $0xb8;
	[tilespmem:$0x1D500] =	vst v63  }
0x1cf: {  	_ =	swait.ge [sflag:s23], $0x4000  }
0x1d0: {  	[sflag:s23] =	ssyncset.done $0x0  }
0x1d1: {  	[sflag:s23] =	ssyncadd.s32 $0xFFFFC000  }
0x1d2: {  	_ =	swait.ge [sflag:s24], $0x80  }
0x1d3: {  	[sflag:s24] =	ssyncset.done $0x0  }
0x1d4: {  	s28 =	rddreg [dreg:$0x15];
	[sflag:s24] =	ssyncadd.s32 $0xFFFFFF80  }
0x1d5: {  	[tilespmem:s19], [sflag:$0x2] =	stream.indirect.gather [hbm4b:s0+s17], $0x80, s28, s17, $0xb8;
	[tilespmem:$0x1D500] =	vst v63  }
0x1d6: {  	_ =	swait.ge [sflag:s20], $0x4000  }
0x1d7: {  	[sflag:s20] =	ssyncset.done $0x0  }
0x1d8: {  	[sflag:s20] =	ssyncadd.s32 $0xFFFFC000  }
0x1d9: {  	[spmem:s4] =	stream.indirect.scatter.add.f32 [tilespmem:s18], [sflag:$0x1], $0x80, s1, s17, $0xb8;
	[tilespmem:$0x1D500] =	vst v63  }
0x1da: {  	_ = 	snop  }
0x1db: {  	[spmem:s5] =	stream.indirect.scatter.add.f32 [tilespmem:s21], [sflag:$0x3], $0x1, s1, s17, $0xb8;
	[tilespmem:$0x1D500] =	vst v63  }
0x1dc: {  	_ =	swait.ge [sflag:s23], $0x4000  }
0x1dd: {  	[sflag:s23] =	ssyncset.done $0x0  }
0x1de: {  	[sflag:s23] =	ssyncadd.s32 $0xFFFFC000  }
0x1df: {  	_ =	swait.ge [sflag:s24], $0x80  }
0x1e0: {  	[sflag:s24] =	ssyncset.done $0x0  }
0x1e1: {  	s28 =	rddreg [dreg:$0x16];
	[sflag:s24] =	ssyncadd.s32 $0xFFFFFF80  }
0x1e2: {  	[tilespmem:s18], [sflag:$0x2] =	stream.indirect.gather [hbm4b:s0+s17], $0x80, s28, s17, $0xb8;
	[tilespmem:$0x1D500] =	vst v63  }
0x1e3: {  	_ =	swait.ge [sflag:s20], $0x4000  }
0x1e4: {  	[sflag:s20] =	ssyncset.done $0x0  }
0x1e5: {  	[sflag:s20] =	ssyncadd.s32 $0xFFFFC000  }
0x1e6: {  	[spmem:s4] =	stream.indirect.scatter.add.f32 [tilespmem:s19], [sflag:$0x1], $0x80, s7, s17, $0xb8;
	[tilespmem:$0x1D500] =	vst v63  }
0x1e7: {  	_ = 	snop  }
0x1e8: {  	[spmem:s5] =	stream.indirect.scatter.add.f32 [tilespmem:s21], [sflag:$0x3], $0x1, s7, s17, $0xb8;
	[tilespmem:$0x1D500] =	vst v63  }
0x1e9: {  	_ =	swait.ge [sflag:s23], $0x4000  }
0x1ea: {  	[sflag:s23] =	ssyncset.done $0x0  }
0x1eb: {  	[sflag:s23] =	ssyncadd.s32 $0xFFFFC000  }
0x1ec: {  	_ =	swait.ge [sflag:s24], $0x80  }
0x1ed: {  	[sflag:s24] =	ssyncset.done $0x0  }
0x1ee: {  	s28 =	rddreg [dreg:$0x17];
	[sflag:s24] =	ssyncadd.s32 $0xFFFFFF80  }
0x1ef: {  	[tilespmem:s19], [sflag:$0x2] =	stream.indirect.gather [hbm4b:s0+s17], $0x80, s28, s17, $0xb8;
	[tilespmem:$0x1D500] =	vst v63  }
0x1f0: {  	_ =	swait.ge [sflag:s20], $0x4000  }
0x1f1: {  	[sflag:s20] =	ssyncset.done $0x0  }
0x1f2: {  	[sflag:s20] =	ssyncadd.s32 $0xFFFFC000  }
0x1f3: {  	[spmem:s4] =	stream.indirect.scatter.add.f32 [tilespmem:s18], [sflag:$0x1], $0x80, s9, s17, $0xb8;
	[tilespmem:$0x1D500] =	vst v63  }
0x1f4: {  	_ = 	snop  }
0x1f5: {  	[spmem:s5] =	stream.indirect.scatter.add.f32 [tilespmem:s21], [sflag:$0x3], $0x1, s9, s17, $0xb8;
	[tilespmem:$0x1D500] =	vst v63  }
0x1f6: {  	_ =	swait.ge [sflag:s23], $0x4000  }
0x1f7: {  	[sflag:s23] =	ssyncset.done $0x0  }
0x1f8: {  	[sflag:s23] =	ssyncadd.s32 $0xFFFFC000  }
0x1f9: {  	_ =	swait.ge [sflag:s24], $0x80  }
0x1fa: {  	[sflag:s24] =	ssyncset.done $0x0  }
0x1fb: {  	s28 =	rddreg [dreg:$0x18];
	[sflag:s24] =	ssyncadd.s32 $0xFFFFFF80  }
0x1fc: {  	[tilespmem:s18], [sflag:$0x2] =	stream.indirect.gather [hbm4b:s0+s17], $0x80, s28, s17, $0xb8;
	[tilespmem:$0x1D500] =	vst v63  }
0x1fd: {  	_ =	swait.ge [sflag:s20], $0x4000  }
0x1fe: {  	[sflag:s20] =	ssyncset.done $0x0  }
0x1ff: {  	[sflag:s20] =	ssyncadd.s32 $0xFFFFC000  }
0x200: {  	[spmem:s4] =	stream.indirect.scatter.add.f32 [tilespmem:s19], [sflag:$0x1], $0x80, s10, s17, $0xb8;
	[tilespmem:$0x1D500] =	vst v63  }
0x201: {  	_ = 	snop  }
0x202: {  	[spmem:s5] =	stream.indirect.scatter.add.f32 [tilespmem:s21], [sflag:$0x3], $0x1, s10, s17, $0xb8;
	[tilespmem:$0x1D500] =	vst v63  }
0x203: {  	_ =	swait.ge [sflag:s23], $0x4000  }
0x204: {  	[sflag:s23] =	ssyncset.done $0x0  }
0x205: {  	[sflag:s23] =	ssyncadd.s32 $0xFFFFC000  }
0x206: {  	_ =	swait.ge [sflag:s24], $0x80  }
0x207: {  	[sflag:s24] =	ssyncset.done $0x0  }
0x208: {  	s28 =	rddreg [dreg:$0x19];
	[sflag:s24] =	ssyncadd.s32 $0xFFFFFF80  }
0x209: {  	[tilespmem:s19], [sflag:$0x2] =	stream.indirect.gather [hbm4b:s0+s17], $0x80, s28, s17, $0xb8;
	[tilespmem:$0x1D500] =	vst v63  }
0x20a: {  	_ =	swait.ge [sflag:s20], $0x4000  }
0x20b: {  	[sflag:s20] =	ssyncset.done $0x0  }
0x20c: {  	[sflag:s20] =	ssyncadd.s32 $0xFFFFC000  }
0x20d: {  	[spmem:s4] =	stream.indirect.scatter.add.f32 [tilespmem:s18], [sflag:$0x1], $0x80, s11, s17, $0xb8;
	[tilespmem:$0x1D500] =	vst v63  }
0x20e: {  	_ = 	snop  }
0x20f: {  	[spmem:s5] =	stream.indirect.scatter.add.f32 [tilespmem:s21], [sflag:$0x3], $0x1, s11, s17, $0xb8;
	[tilespmem:$0x1D500] =	vst v63  }
0x210: {  	_ =	swait.ge [sflag:s23], $0x4000  }
0x211: {  	[sflag:s23] =	ssyncset.done $0x0  }
0x212: {  	[sflag:s23] =	ssyncadd.s32 $0xFFFFC000  }
0x213: {  	_ =	swait.ge [sflag:s24], $0x80  }
0x214: {  	[sflag:s24] =	ssyncset.done $0x0  }
0x215: {  	s28 =	rddreg [dreg:$0x1a];
	[sflag:s24] =	ssyncadd.s32 $0xFFFFFF80  }
0x216: {  	[tilespmem:s18], [sflag:$0x2] =	stream.indirect.gather [hbm4b:s0+s17], $0x80, s28, s17, $0xb8;
	[tilespmem:$0x1D500] =	vst v63  }
0x217: {  	_ =	swait.ge [sflag:s20], $0x4000  }
0x218: {  	[sflag:s20] =	ssyncset.done $0x0  }
0x219: {  	[sflag:s20] =	ssyncadd.s32 $0xFFFFC000  }
0x21a: {  	[spmem:s4] =	stream.indirect.scatter.add.f32 [tilespmem:s19], [sflag:$0x1], $0x80, s13, s17, $0xb8;
	[tilespmem:$0x1D500] =	vst v63  }
0x21b: {  	_ = 	snop  }
0x21c: {  	[spmem:s5] =	stream.indirect.scatter.add.f32 [tilespmem:s21], [sflag:$0x3], $0x1, s13, s17, $0xb8;
	[tilespmem:$0x1D500] =	vst v63  }
0x21d: {  	_ =	swait.ge [sflag:s23], $0x4000  }
0x21e: {  	[sflag:s23] =	ssyncset.done $0x0  }
0x21f: {  	[sflag:s23] =	ssyncadd.s32 $0xFFFFC000  }
0x220: {  	_ =	swait.ge [sflag:s24], $0x80  }
0x221: {  	[sflag:s24] =	ssyncset.done $0x0  }
0x222: {  	s28 =	rddreg [dreg:$0x1b];
	[sflag:s24] =	ssyncadd.s32 $0xFFFFFF80  }
0x223: {  	[tilespmem:s19], [sflag:$0x2] =	stream.indirect.gather [hbm4b:s0+s17], $0x80, s28, s17, $0xb8;
	[tilespmem:$0x1D500] =	vst v63  }
0x224: {  	_ =	swait.ge [sflag:s20], $0x4000  }
0x225: {  	[sflag:s20] =	ssyncset.done $0x0  }
0x226: {  	[sflag:s20] =	ssyncadd.s32 $0xFFFFC000  }
0x227: {  	[spmem:s4] =	stream.indirect.scatter.add.f32 [tilespmem:s18], [sflag:$0x1], $0x80, s12, s17, $0xb8;
	[tilespmem:$0x1D500] =	vst v63  }
0x228: {  	_ = 	snop  }
0x229: {  	[spmem:s5] =	stream.indirect.scatter.add.f32 [tilespmem:s21], [sflag:$0x3], $0x1, s12, s17, $0xb8;
	[tilespmem:$0x1D500] =	vst v63  }
0x22a: {  	_ =	swait.ge [sflag:s23], $0x4000  }
0x22b: {  	[sflag:s23] =	ssyncset.done $0x0  }
0x22c: {  	[sflag:s23] =	ssyncadd.s32 $0xFFFFC000  }
0x22d: {  	_ =	swait.ge [sflag:s24], $0x80  }
0x22e: {  	[sflag:s24] =	ssyncset.done $0x0  }
0x22f: {  	s28 =	rddreg [dreg:$0x1c];
	[sflag:s24] =	ssyncadd.s32 $0xFFFFFF80  }
0x230: {  	[tilespmem:s18], [sflag:$0x2] =	stream.indirect.gather [hbm4b:s0+s17], $0x80, s28, s17, $0xb8;
	[tilespmem:$0x1D500] =	vst v63  }
0x231: {  	_ =	swait.ge [sflag:s20], $0x4000  }
0x232: {  	[sflag:s20] =	ssyncset.done $0x0  }
0x233: {  	[sflag:s20] =	ssyncadd.s32 $0xFFFFC000  }
0x234: {  	[spmem:s4] =	stream.indirect.scatter.add.f32 [tilespmem:s19], [sflag:$0x1], $0x80, s14, s17, $0xb8;
	[tilespmem:$0x1D500] =	vst v63  }
0x235: {  	_ = 	snop  }
0x236: {  	[spmem:s5] =	stream.indirect.scatter.add.f32 [tilespmem:s21], [sflag:$0x3], $0x1, s14, s17, $0xb8;
	[tilespmem:$0x1D500] =	vst v63  }
0x237: {  	_ =	swait.ge [sflag:s23], $0x4000  }
0x238: {  	[sflag:s23] =	ssyncset.done $0x0  }
0x239: {  	[sflag:s23] =	ssyncadd.s32 $0xFFFFC000  }
0x23a: {  	_ =	swait.ge [sflag:s24], $0x80  }
0x23b: {  	[sflag:s24] =	ssyncset.done $0x0  }
0x23c: {  	s28 =	rddreg [dreg:$0x1d];
	[sflag:s24] =	ssyncadd.s32 $0xFFFFFF80  }
0x23d: {  	[tilespmem:s19], [sflag:$0x2] =	stream.indirect.gather [hbm4b:s0+s17], $0x80, s28, s17, $0xb8;
	[tilespmem:$0x1D500] =	vst v63  }
0x23e: {  	_ =	swait.ge [sflag:s20], $0x4000  }
0x23f: {  	[sflag:s20] =	ssyncset.done $0x0  }
0x240: {  	[sflag:s20] =	ssyncadd.s32 $0xFFFFC000  }
0x241: {  	[spmem:s4] =	stream.indirect.scatter.add.f32 [tilespmem:s18], [sflag:$0x1], $0x80, s16, s17, $0xb8;
	[tilespmem:$0x1D500] =	vst v63  }
0x242: {  	_ = 	snop  }
0x243: {  	[spmem:s5] =	stream.indirect.scatter.add.f32 [tilespmem:s21], [sflag:$0x3], $0x1, s16, s17, $0xb8;
	[tilespmem:$0x1D500] =	vst v63  }
0x244: {  	_ =	swait.ge [sflag:s20], $0x4000  }
0x245: {  	[sflag:s20] =	ssyncset.done $0x0  }
0x246: {  	[sflag:s20] =	ssyncadd.s32 $0xFFFFC000  }
0x247: {  	[spmem:s4] =	stream.indirect.scatter.add.f32 [tilespmem:s19], [sflag:$0x1], $0x80, s8, s17, $0xb8;
	[tilespmem:$0x1D500] =	vst v63  }
0x248: {  	_ = 	snop  }
0x249: {  	[spmem:s5] =	stream.indirect.scatter.add.f32 [tilespmem:s21], [sflag:$0x3], $0x1, s8, s17, $0xb8;
	[tilespmem:$0x1D500] =	vst v63  }
0x24a: {  	_ =	swait.ge [sflag:s23], $0x4000  }
0x24b: {  	[sflag:s23] =	ssyncset.done $0x0  }
0x24c: {  	[sflag:s23] =	ssyncadd.s32 $0xFFFFC000  }
0x24d: {  	_ =	swait.ge [sflag:s24], $0x80  }
0x24e: {  	[sflag:s24] =	ssyncset.done $0x0  }
0x24f: {  	[sflag:s24] =	ssyncadd.s32 $0xFFFFFF80  }
0x250: {  	_ =	swait.ge [sflag:s23], $0x4000  }
0x251: {  	[sflag:s23] =	ssyncset.done $0x0  }
0x252: {  	[sflag:s23] =	ssyncadd.s32 $0xFFFFC000  }
0x253: {  	_ =	swait.ge [sflag:s24], $0x80  }
0x254: {  	[sflag:s24] =	ssyncset.done $0x0  }
0x255: {  	p0 =	sne.s32 s25, $0x3C;
	[sflag:s24] =	ssyncadd.s32 $0xFFFFFF80  }
.Ltmp0:
0x256: {  	_ =	swait.ge [sflag:s23], $0x4000;
	(pc) =	sbr.rel @p0 .LBB2_2-.Ltmp0, $4  }
0x257: {  	[sflag:s23] =	ssyncset.done $0x0  }
0x258: {  	s30 =	smov.u32 s25;
	[sflag:s23] =	ssyncadd.s32 $0xFFFFC000  }
0x259: {  	s25 =	sadd.s32 $0x14, s25;
	s22 =	smov.u32 s30;
	_ =	swait.ge [sflag:s24], $0x80  }
0x25a: {  	s6 =	sadd.s32 $0x280, s6;
	s28 =	rddreg [dreg:$0xa];
	[sflag:s24] =	ssyncset.done $0x0  }
0x25b: {  	s26 =	sadd.s32 $0x1400, s26  }
0x25c: {  	s25 =	rddreg [dreg:$0x9];
	s22 =	sadd.s32 s22, s28;
	s26 =	sshrl.u32 s26, $0x3  }
0x25d: {  	p0 =	slt.u32 s22, $0x9C4;
	s22 =	sadd.s32 s25, s26  }
0x25e: {  	[sflag:s24] =	ssyncadd.s32 $0xFFFFFF80;
	s22 =	smov.u32 @p0 s6;
	s6 =	simm.s32 $0x0  }
0x25f: {  	[tilespmem:s6], [sflag:$0x4] =	stream.linear.gather [hbm4b:s22+s6], $0x1400, $0x38;
	[tilespmem:$0x1D500] =	vst v63  }
0x260: {  	_ =	swait.ge [sflag:s15], $0x1400  }
0x261: {  	[sflag:s15] =	ssyncset.done $0x0  }
0x262: {  	[sflag:s15] =	ssyncadd.s32 $0xFFFFEC00  }
0x263: {  	[tilespmem:s18], [sflag:$0x2] =	stream.indirect.gather [hbm4b:s0+s17], $0x80, s6, s17, $0xb8;
	[tilespmem:$0x1D500] =	vst v63  }
0x264: {  	s22 =	rddreg [dreg:$0xb]  }
0x265: {  	[tilespmem:s19], [sflag:$0x2] =	stream.indirect.gather [hbm4b:s0+s17], $0x80, s22, s17, $0xb8;
	[tilespmem:$0x1D500] =	vst v63  }
0x266: {  	_ =	swait.ge [sflag:s20], $0x4000  }
0x267: {  	[sflag:s20] =	ssyncset.done $0x0  }
0x268: {  	[sflag:s20] =	ssyncadd.s32 $0xFFFFC000  }
0x269: {  	[spmem:s4] =	stream.indirect.scatter.add.f32 [tilespmem:s18], [sflag:$0x1], $0x80, s17, s17, $0xb8;
	[tilespmem:$0x1D500] =	vst v63  }
0x26a: {  	_ = 	snop  }
0x26b: {  	[spmem:s5] =	stream.indirect.scatter.add.f32 [tilespmem:s21], [sflag:$0x3], $0x1, s17, s17, $0xb8;
	[tilespmem:$0x1D500] =	vst v63  }
0x26c: {  	s26 =	rddreg [dreg:$0xc]  }
0x26d: {  	[tilespmem:s18], [sflag:$0x2] =	stream.indirect.gather [hbm4b:s0+s17], $0x80, s26, s17, $0xb8;
	[tilespmem:$0x1D500] =	vst v63  }
0x26e: {  	_ =	swait.ge [sflag:s20], $0x4000  }
0x26f: {  	[sflag:s20] =	ssyncset.done $0x0  }
0x270: {  	s29 =	simm.s32 $0x180;
	[sflag:s20] =	ssyncadd.s32 $0xFFFFC000  }
0x271: {  	[spmem:s4] =	stream.indirect.scatter.add.f32 [tilespmem:s19], [sflag:$0x1], $0x80, s29, s17, $0xb8;
	[tilespmem:$0x1D500] =	vst v63  }
0x272: {  	_ = 	snop  }
0x273: {  	[spmem:s5] =	stream.indirect.scatter.add.f32 [tilespmem:s21], [sflag:$0x3], $0x1, s29, s17, $0xb8;
	[tilespmem:$0x1D500] =	vst v63  }
0x274: {  	_ =	swait.ge [sflag:s23], $0x4000  }
0x275: {  	[sflag:s23] =	ssyncset.done $0x0  }
0x276: {  	[sflag:s23] =	ssyncadd.s32 $0xFFFFC000  }
0x277: {  	_ =	swait.ge [sflag:s24], $0x80  }
0x278: {  	[sflag:s24] =	ssyncset.done $0x0  }
0x279: {  	s30 =	rddreg [dreg:$0xd];
	[sflag:s24] =	ssyncadd.s32 $0xFFFFFF80  }
0x27a: {  	[tilespmem:s19], [sflag:$0x2] =	stream.indirect.gather [hbm4b:s0+s17], $0x80, s30, s17, $0xb8;
	[tilespmem:$0x1D500] =	vst v63  }
0x27b: {  	_ =	swait.ge [sflag:s20], $0x4000  }
0x27c: {  	[sflag:s20] =	ssyncset.done $0x0  }
0x27d: {  	s31 =	simm.s32 $0x280;
	[sflag:s20] =	ssyncadd.s32 $0xFFFFC000  }
0x27e: {  	[spmem:s4] =	stream.indirect.scatter.add.f32 [tilespmem:s18], [sflag:$0x1], $0x80, s31, s17, $0xb8;
	[tilespmem:$0x1D500] =	vst v63  }
0x27f: {  	_ = 	snop  }
0x280: {  	[spmem:s5] =	stream.indirect.scatter.add.f32 [tilespmem:s21], [sflag:$0x3], $0x1, s31, s17, $0xb8;
	[tilespmem:$0x1D500] =	vst v63  }
0x281: {  	_ =	swait.ge [sflag:s23], $0x4000  }
0x282: {  	[sflag:s23] =	ssyncset.done $0x0  }
0x283: {  	[sflag:s23] =	ssyncadd.s32 $0xFFFFC000  }
0x284: {  	_ =	swait.ge [sflag:s24], $0x80  }
0x285: {  	[sflag:s24] =	ssyncset.done $0x0  }
0x286: {  	s22 =	rddreg [dreg:$0xe];
	[sflag:s24] =	ssyncadd.s32 $0xFFFFFF80  }
0x287: {  	[tilespmem:s18], [sflag:$0x2] =	stream.indirect.gather [hbm4b:s0+s17], $0x80, s22, s17, $0xb8;
	[tilespmem:$0x1D500] =	vst v63  }
0x288: {  	_ =	swait.ge [sflag:s20], $0x4000  }
0x289: {  	[sflag:s20] =	ssyncset.done $0x0  }
0x28a: {  	s25 =	simm.s32 $0x380;
	[sflag:s20] =	ssyncadd.s32 $0xFFFFC000  }
0x28b: {  	[spmem:s4] =	stream.indirect.scatter.add.f32 [tilespmem:s19], [sflag:$0x1], $0x80, s25, s17, $0xb8;
	[tilespmem:$0x1D500] =	vst v63  }
0x28c: {  	_ = 	snop  }
0x28d: {  	[spmem:s5] =	stream.indirect.scatter.add.f32 [tilespmem:s21], [sflag:$0x3], $0x1, s25, s17, $0xb8;
	[tilespmem:$0x1D500] =	vst v63  }
0x28e: {  	_ =	swait.ge [sflag:s23], $0x4000  }
0x28f: {  	[sflag:s23] =	ssyncset.done $0x0  }
0x290: {  	[sflag:s23] =	ssyncadd.s32 $0xFFFFC000  }
0x291: {  	_ =	swait.ge [sflag:s24], $0x80  }
0x292: {  	[sflag:s24] =	ssyncset.done $0x0  }
0x293: {  	s26 =	rddreg [dreg:$0xf];
	[sflag:s24] =	ssyncadd.s32 $0xFFFFFF80  }
0x294: {  	[tilespmem:s19], [sflag:$0x2] =	stream.indirect.gather [hbm4b:s0+s17], $0x80, s26, s17, $0xb8;
	[tilespmem:$0x1D500] =	vst v63  }
0x295: {  	_ =	swait.ge [sflag:s20], $0x4000  }
0x296: {  	[sflag:s20] =	ssyncset.done $0x0  }
0x297: {  	s29 =	simm.s32 $0x480;
	[sflag:s20] =	ssyncadd.s32 $0xFFFFC000  }
0x298: {  	[spmem:s4] =	stream.indirect.scatter.add.f32 [tilespmem:s18], [sflag:$0x1], $0x80, s29, s17, $0xb8;
	[tilespmem:$0x1D500] =	vst v63  }
0x299: {  	_ = 	snop  }
0x29a: {  	[spmem:s5] =	stream.indirect.scatter.add.f32 [tilespmem:s21], [sflag:$0x3], $0x1, s29, s17, $0xb8;
	[tilespmem:$0x1D500] =	vst v63  }
0x29b: {  	_ =	swait.ge [sflag:s23], $0x4000  }
0x29c: {  	[sflag:s23] =	ssyncset.done $0x0  }
0x29d: {  	[sflag:s23] =	ssyncadd.s32 $0xFFFFC000  }
0x29e: {  	_ =	swait.ge [sflag:s24], $0x80  }
0x29f: {  	[sflag:s24] =	ssyncset.done $0x0  }
0x2a0: {  	s30 =	rddreg [dreg:$0x10];
	[sflag:s24] =	ssyncadd.s32 $0xFFFFFF80  }
0x2a1: {  	[tilespmem:s18], [sflag:$0x2] =	stream.indirect.gather [hbm4b:s0+s17], $0x80, s30, s17, $0xb8;
	[tilespmem:$0x1D500] =	vst v63  }
0x2a2: {  	_ =	swait.ge [sflag:s20], $0x4000  }
0x2a3: {  	[sflag:s20] =	ssyncset.done $0x0  }
0x2a4: {  	s31 =	simm.s32 $0x580;
	[sflag:s20] =	ssyncadd.s32 $0xFFFFC000  }
0x2a5: {  	[spmem:s4] =	stream.indirect.scatter.add.f32 [tilespmem:s19], [sflag:$0x1], $0x80, s31, s17, $0xb8;
	[tilespmem:$0x1D500] =	vst v63  }
0x2a6: {  	_ = 	snop  }
0x2a7: {  	[spmem:s5] =	stream.indirect.scatter.add.f32 [tilespmem:s21], [sflag:$0x3], $0x1, s31, s17, $0xb8;
	[tilespmem:$0x1D500] =	vst v63  }
0x2a8: {  	_ =	swait.ge [sflag:s23], $0x4000  }
0x2a9: {  	[sflag:s23] =	ssyncset.done $0x0  }
0x2aa: {  	[sflag:s23] =	ssyncadd.s32 $0xFFFFC000  }
0x2ab: {  	_ =	swait.ge [sflag:s24], $0x80  }
0x2ac: {  	[sflag:s24] =	ssyncset.done $0x0  }
0x2ad: {  	s22 =	rddreg [dreg:$0x11];
	[sflag:s24] =	ssyncadd.s32 $0xFFFFFF80  }
0x2ae: {  	[tilespmem:s19], [sflag:$0x2] =	stream.indirect.gather [hbm4b:s0+s17], $0x80, s22, s17, $0xb8;
	[tilespmem:$0x1D500] =	vst v63  }
0x2af: {  	_ =	swait.ge [sflag:s20], $0x4000  }
0x2b0: {  	[sflag:s20] =	ssyncset.done $0x0  }
0x2b1: {  	s25 =	simm.s32 $0x680;
	[sflag:s20] =	ssyncadd.s32 $0xFFFFC000  }
0x2b2: {  	[spmem:s4] =	stream.indirect.scatter.add.f32 [tilespmem:s18], [sflag:$0x1], $0x80, s25, s17, $0xb8;
	[tilespmem:$0x1D500] =	vst v63  }
0x2b3: {  	_ = 	snop  }
0x2b4: {  	[spmem:s5] =	stream.indirect.scatter.add.f32 [tilespmem:s21], [sflag:$0x3], $0x1, s25, s17, $0xb8;
	[tilespmem:$0x1D500] =	vst v63  }
0x2b5: {  	_ =	swait.ge [sflag:s23], $0x4000  }
0x2b6: {  	[sflag:s23] =	ssyncset.done $0x0  }
0x2b7: {  	[sflag:s23] =	ssyncadd.s32 $0xFFFFC000  }
0x2b8: {  	_ =	swait.ge [sflag:s24], $0x80  }
0x2b9: {  	[sflag:s24] =	ssyncset.done $0x0  }
0x2ba: {  	s26 =	rddreg [dreg:$0x12];
	[sflag:s24] =	ssyncadd.s32 $0xFFFFFF80  }
0x2bb: {  	[tilespmem:s18], [sflag:$0x2] =	stream.indirect.gather [hbm4b:s0+s17], $0x80, s26, s17, $0xb8;
	[tilespmem:$0x1D500] =	vst v63  }
0x2bc: {  	_ =	swait.ge [sflag:s20], $0x4000  }
0x2bd: {  	[sflag:s20] =	ssyncset.done $0x0  }
0x2be: {  	s29 =	simm.s32 $0x780;
	[sflag:s20] =	ssyncadd.s32 $0xFFFFC000  }
0x2bf: {  	[spmem:s4] =	stream.indirect.scatter.add.f32 [tilespmem:s19], [sflag:$0x1], $0x80, s29, s17, $0xb8;
	[tilespmem:$0x1D500] =	vst v63  }
0x2c0: {  	_ = 	snop  }
0x2c1: {  	[spmem:s5] =	stream.indirect.scatter.add.f32 [tilespmem:s21], [sflag:$0x3], $0x1, s29, s17, $0xb8;
	[tilespmem:$0x1D500] =	vst v63  }
0x2c2: {  	_ =	swait.ge [sflag:s23], $0x4000  }
0x2c3: {  	[sflag:s23] =	ssyncset.done $0x0  }
0x2c4: {  	[sflag:s23] =	ssyncadd.s32 $0xFFFFC000  }
0x2c5: {  	_ =	swait.ge [sflag:s24], $0x80  }
0x2c6: {  	[sflag:s24] =	ssyncset.done $0x0  }
0x2c7: {  	s30 =	rddreg [dreg:$0x13];
	[sflag:s24] =	ssyncadd.s32 $0xFFFFFF80  }
0x2c8: {  	[tilespmem:s19], [sflag:$0x2] =	stream.indirect.gather [hbm4b:s0+s17], $0x80, s30, s17, $0xb8;
	[tilespmem:$0x1D500] =	vst v63  }
0x2c9: {  	_ =	swait.ge [sflag:s20], $0x4000  }
0x2ca: {  	[sflag:s20] =	ssyncset.done $0x0  }
0x2cb: {  	[sflag:s20] =	ssyncadd.s32 $0xFFFFC000  }
0x2cc: {  	[spmem:s4] =	stream.indirect.scatter.add.f32 [tilespmem:s18], [sflag:$0x1], $0x80, s3, s17, $0xb8;
	[tilespmem:$0x1D500] =	vst v63  }
0x2cd: {  	_ = 	snop  }
0x2ce: {  	[spmem:s5] =	stream.indirect.scatter.add.f32 [tilespmem:s21], [sflag:$0x3], $0x1, s3, s17, $0xb8;
	[tilespmem:$0x1D500] =	vst v63  }
0x2cf: {  	_ =	swait.ge [sflag:s23], $0x4000  }
0x2d0: {  	[sflag:s23] =	ssyncset.done $0x0  }
0x2d1: {  	[sflag:s23] =	ssyncadd.s32 $0xFFFFC000  }
0x2d2: {  	_ =	swait.ge [sflag:s24], $0x80  }
0x2d3: {  	[sflag:s24] =	ssyncset.done $0x0  }
0x2d4: {  	s31 =	rddreg [dreg:$0x14];
	[sflag:s24] =	ssyncadd.s32 $0xFFFFFF80  }
0x2d5: {  	[tilespmem:s18], [sflag:$0x2] =	stream.indirect.gather [hbm4b:s0+s17], $0x80, s31, s17, $0xb8;
	[tilespmem:$0x1D500] =	vst v63  }
0x2d6: {  	_ =	swait.ge [sflag:s20], $0x4000  }
0x2d7: {  	[sflag:s20] =	ssyncset.done $0x0  }
0x2d8: {  	[sflag:s20] =	ssyncadd.s32 $0xFFFFC000  }
0x2d9: {  	[spmem:s4] =	stream.indirect.scatter.add.f32 [tilespmem:s19], [sflag:$0x1], $0x80, s2, s17, $0xb8;
	[tilespmem:$0x1D500] =	vst v63  }
0x2da: {  	_ = 	snop  }
0x2db: {  	[spmem:s5] =	stream.indirect.scatter.add.f32 [tilespmem:s21], [sflag:$0x3], $0x1, s2, s17, $0xb8;
	[tilespmem:$0x1D500] =	vst v63  }
0x2dc: {  	_ =	swait.ge [sflag:s23], $0x4000  }
0x2dd: {  	[sflag:s23] =	ssyncset.done $0x0  }
0x2de: {  	[sflag:s23] =	ssyncadd.s32 $0xFFFFC000  }
0x2df: {  	_ =	swait.ge [sflag:s24], $0x80  }
0x2e0: {  	[sflag:s24] =	ssyncset.done $0x0  }
0x2e1: {  	s22 =	rddreg [dreg:$0x15];
	[sflag:s24] =	ssyncadd.s32 $0xFFFFFF80  }
0x2e2: {  	[tilespmem:s19], [sflag:$0x2] =	stream.indirect.gather [hbm4b:s0+s17], $0x80, s22, s17, $0xb8;
	[tilespmem:$0x1D500] =	vst v63  }
0x2e3: {  	_ =	swait.ge [sflag:s20], $0x4000  }
0x2e4: {  	[sflag:s20] =	ssyncset.done $0x0  }
0x2e5: {  	[sflag:s20] =	ssyncadd.s32 $0xFFFFC000  }
0x2e6: {  	[spmem:s4] =	stream.indirect.scatter.add.f32 [tilespmem:s18], [sflag:$0x1], $0x80, s1, s17, $0xb8;
	[tilespmem:$0x1D500] =	vst v63  }
0x2e7: {  	_ = 	snop  }
0x2e8: {  	[spmem:s5] =	stream.indirect.scatter.add.f32 [tilespmem:s21], [sflag:$0x3], $0x1, s1, s17, $0xb8;
	[tilespmem:$0x1D500] =	vst v63  }
0x2e9: {  	_ =	swait.ge [sflag:s23], $0x4000  }
0x2ea: {  	[sflag:s23] =	ssyncset.done $0x0  }
0x2eb: {  	[sflag:s23] =	ssyncadd.s32 $0xFFFFC000  }
0x2ec: {  	_ =	swait.ge [sflag:s24], $0x80  }
0x2ed: {  	[sflag:s24] =	ssyncset.done $0x0  }
0x2ee: {  	s25 =	rddreg [dreg:$0x16];
	[sflag:s24] =	ssyncadd.s32 $0xFFFFFF80  }
0x2ef: {  	[tilespmem:s18], [sflag:$0x2] =	stream.indirect.gather [hbm4b:s0+s17], $0x80, s25, s17, $0xb8;
	[tilespmem:$0x1D500] =	vst v63  }
0x2f0: {  	_ =	swait.ge [sflag:s20], $0x4000  }
0x2f1: {  	[sflag:s20] =	ssyncset.done $0x0  }
0x2f2: {  	[sflag:s20] =	ssyncadd.s32 $0xFFFFC000  }
0x2f3: {  	[spmem:s4] =	stream.indirect.scatter.add.f32 [tilespmem:s19], [sflag:$0x1], $0x80, s7, s17, $0xb8;
	[tilespmem:$0x1D500] =	vst v63  }
0x2f4: {  	_ = 	snop  }
0x2f5: {  	[spmem:s5] =	stream.indirect.scatter.add.f32 [tilespmem:s21], [sflag:$0x3], $0x1, s7, s17, $0xb8;
	[tilespmem:$0x1D500] =	vst v63  }
0x2f6: {  	_ =	swait.ge [sflag:s23], $0x4000  }
0x2f7: {  	[sflag:s23] =	ssyncset.done $0x0  }
0x2f8: {  	[sflag:s23] =	ssyncadd.s32 $0xFFFFC000  }
0x2f9: {  	_ =	swait.ge [sflag:s24], $0x80  }
0x2fa: {  	[sflag:s24] =	ssyncset.done $0x0  }
0x2fb: {  	s26 =	rddreg [dreg:$0x17];
	[sflag:s24] =	ssyncadd.s32 $0xFFFFFF80  }
0x2fc: {  	[tilespmem:s19], [sflag:$0x2] =	stream.indirect.gather [hbm4b:s0+s17], $0x80, s26, s17, $0xb8;
	[tilespmem:$0x1D500] =	vst v63  }
0x2fd: {  	_ =	swait.ge [sflag:s20], $0x4000  }
0x2fe: {  	[sflag:s20] =	ssyncset.done $0x0  }
0x2ff: {  	[sflag:s20] =	ssyncadd.s32 $0xFFFFC000  }
0x300: {  	[spmem:s4] =	stream.indirect.scatter.add.f32 [tilespmem:s18], [sflag:$0x1], $0x80, s9, s17, $0xb8;
	[tilespmem:$0x1D500] =	vst v63  }
0x301: {  	_ = 	snop  }
0x302: {  	[spmem:s5] =	stream.indirect.scatter.add.f32 [tilespmem:s21], [sflag:$0x3], $0x1, s9, s17, $0xb8;
	[tilespmem:$0x1D500] =	vst v63  }
0x303: {  	_ =	swait.ge [sflag:s23], $0x4000  }
0x304: {  	[sflag:s23] =	ssyncset.done $0x0  }
0x305: {  	[sflag:s23] =	ssyncadd.s32 $0xFFFFC000  }
0x306: {  	_ =	swait.ge [sflag:s24], $0x80  }
0x307: {  	[sflag:s24] =	ssyncset.done $0x0  }
0x308: {  	s29 =	rddreg [dreg:$0x18];
	[sflag:s24] =	ssyncadd.s32 $0xFFFFFF80  }
0x309: {  	[tilespmem:s18], [sflag:$0x2] =	stream.indirect.gather [hbm4b:s0+s17], $0x80, s29, s17, $0xb8;
	[tilespmem:$0x1D500] =	vst v63  }
0x30a: {  	_ =	swait.ge [sflag:s20], $0x4000  }
0x30b: {  	[sflag:s20] =	ssyncset.done $0x0  }
0x30c: {  	[sflag:s20] =	ssyncadd.s32 $0xFFFFC000  }
0x30d: {  	[spmem:s4] =	stream.indirect.scatter.add.f32 [tilespmem:s19], [sflag:$0x1], $0x80, s10, s17, $0xb8;
	[tilespmem:$0x1D500] =	vst v63  }
0x30e: {  	_ = 	snop  }
0x30f: {  	[spmem:s5] =	stream.indirect.scatter.add.f32 [tilespmem:s21], [sflag:$0x3], $0x1, s10, s17, $0xb8;
	[tilespmem:$0x1D500] =	vst v63  }
0x310: {  	_ =	swait.ge [sflag:s23], $0x4000  }
0x311: {  	[sflag:s23] =	ssyncset.done $0x0  }
0x312: {  	[sflag:s23] =	ssyncadd.s32 $0xFFFFC000  }
0x313: {  	_ =	swait.ge [sflag:s24], $0x80  }
0x314: {  	[sflag:s24] =	ssyncset.done $0x0  }
0x315: {  	s30 =	rddreg [dreg:$0x19];
	[sflag:s24] =	ssyncadd.s32 $0xFFFFFF80  }
0x316: {  	[tilespmem:s19], [sflag:$0x2] =	stream.indirect.gather [hbm4b:s0+s17], $0x80, s30, s17, $0xb8;
	[tilespmem:$0x1D500] =	vst v63  }
0x317: {  	_ =	swait.ge [sflag:s20], $0x4000  }
0x318: {  	[sflag:s20] =	ssyncset.done $0x0  }
0x319: {  	[sflag:s20] =	ssyncadd.s32 $0xFFFFC000  }
0x31a: {  	[spmem:s4] =	stream.indirect.scatter.add.f32 [tilespmem:s18], [sflag:$0x1], $0x80, s11, s17, $0xb8;
	[tilespmem:$0x1D500] =	vst v63  }
0x31b: {  	_ = 	snop  }
0x31c: {  	[spmem:s5] =	stream.indirect.scatter.add.f32 [tilespmem:s21], [sflag:$0x3], $0x1, s11, s17, $0xb8;
	[tilespmem:$0x1D500] =	vst v63  }
0x31d: {  	_ =	swait.ge [sflag:s23], $0x4000  }
0x31e: {  	[sflag:s23] =	ssyncset.done $0x0  }
0x31f: {  	[sflag:s23] =	ssyncadd.s32 $0xFFFFC000  }
0x320: {  	_ =	swait.ge [sflag:s24], $0x80  }
0x321: {  	[sflag:s24] =	ssyncset.done $0x0  }
0x322: {  	s31 =	rddreg [dreg:$0x1a];
	[sflag:s24] =	ssyncadd.s32 $0xFFFFFF80  }
0x323: {  	[tilespmem:s18], [sflag:$0x2] =	stream.indirect.gather [hbm4b:s0+s17], $0x80, s31, s17, $0xb8;
	[tilespmem:$0x1D500] =	vst v63  }
0x324: {  	_ =	swait.ge [sflag:s20], $0x4000  }
0x325: {  	[sflag:s20] =	ssyncset.done $0x0  }
0x326: {  	[sflag:s20] =	ssyncadd.s32 $0xFFFFC000  }
0x327: {  	[spmem:s4] =	stream.indirect.scatter.add.f32 [tilespmem:s19], [sflag:$0x1], $0x80, s13, s17, $0xb8;
	[tilespmem:$0x1D500] =	vst v63  }
0x328: {  	_ = 	snop  }
0x329: {  	[spmem:s5] =	stream.indirect.scatter.add.f32 [tilespmem:s21], [sflag:$0x3], $0x1, s13, s17, $0xb8;
	[tilespmem:$0x1D500] =	vst v63  }
0x32a: {  	_ =	swait.ge [sflag:s23], $0x4000  }
0x32b: {  	[sflag:s23] =	ssyncset.done $0x0  }
0x32c: {  	[sflag:s23] =	ssyncadd.s32 $0xFFFFC000  }
0x32d: {  	_ =	swait.ge [sflag:s24], $0x80  }
0x32e: {  	[sflag:s24] =	ssyncset.done $0x0  }
0x32f: {  	s22 =	rddreg [dreg:$0x1b];
	[sflag:s24] =	ssyncadd.s32 $0xFFFFFF80  }
0x330: {  	[tilespmem:s19], [sflag:$0x2] =	stream.indirect.gather [hbm4b:s0+s17], $0x80, s22, s17, $0xb8;
	[tilespmem:$0x1D500] =	vst v63  }
0x331: {  	_ =	swait.ge [sflag:s20], $0x4000  }
0x332: {  	[sflag:s20] =	ssyncset.done $0x0  }
0x333: {  	[sflag:s20] =	ssyncadd.s32 $0xFFFFC000  }
0x334: {  	[spmem:s4] =	stream.indirect.scatter.add.f32 [tilespmem:s18], [sflag:$0x1], $0x80, s12, s17, $0xb8;
	[tilespmem:$0x1D500] =	vst v63  }
0x335: {  	_ = 	snop  }
0x336: {  	[spmem:s5] =	stream.indirect.scatter.add.f32 [tilespmem:s21], [sflag:$0x3], $0x1, s12, s17, $0xb8;
	[tilespmem:$0x1D500] =	vst v63  }
0x337: {  	_ =	swait.ge [sflag:s23], $0x4000  }
0x338: {  	[sflag:s23] =	ssyncset.done $0x0  }
0x339: {  	[sflag:s23] =	ssyncadd.s32 $0xFFFFC000  }
0x33a: {  	_ =	swait.ge [sflag:s24], $0x80  }
0x33b: {  	[sflag:s24] =	ssyncset.done $0x0  }
0x33c: {  	s25 =	rddreg [dreg:$0x1c];
	[sflag:s24] =	ssyncadd.s32 $0xFFFFFF80  }
0x33d: {  	[tilespmem:s18], [sflag:$0x2] =	stream.indirect.gather [hbm4b:s0+s17], $0x80, s25, s17, $0xb8;
	[tilespmem:$0x1D500] =	vst v63  }
0x33e: {  	_ =	swait.ge [sflag:s20], $0x4000  }
0x33f: {  	[sflag:s20] =	ssyncset.done $0x0  }
0x340: {  	[sflag:s20] =	ssyncadd.s32 $0xFFFFC000  }
0x341: {  	[spmem:s4] =	stream.indirect.scatter.add.f32 [tilespmem:s19], [sflag:$0x1], $0x80, s14, s17, $0xb8;
	[tilespmem:$0x1D500] =	vst v63  }
0x342: {  	_ = 	snop  }
0x343: {  	[spmem:s5] =	stream.indirect.scatter.add.f32 [tilespmem:s21], [sflag:$0x3], $0x1, s14, s17, $0xb8;
	[tilespmem:$0x1D500] =	vst v63  }
0x344: {  	_ =	swait.ge [sflag:s23], $0x4000  }
0x345: {  	[sflag:s23] =	ssyncset.done $0x0  }
0x346: {  	[sflag:s23] =	ssyncadd.s32 $0xFFFFC000  }
0x347: {  	_ =	swait.ge [sflag:s24], $0x80  }
0x348: {  	[sflag:s24] =	ssyncset.done $0x0  }
0x349: {  	s26 =	rddreg [dreg:$0x1d];
	[sflag:s24] =	ssyncadd.s32 $0xFFFFFF80  }
0x34a: {  	[tilespmem:s19], [sflag:$0x2] =	stream.indirect.gather [hbm4b:s0+s17], $0x80, s26, s17, $0xb8;
	[tilespmem:$0x1D500] =	vst v63  }
0x34b: {  	_ =	swait.ge [sflag:s20], $0x4000  }
0x34c: {  	[sflag:s20] =	ssyncset.done $0x0  }
0x34d: {  	[sflag:s20] =	ssyncadd.s32 $0xFFFFC000  }
0x34e: {  	[spmem:s4] =	stream.indirect.scatter.add.f32 [tilespmem:s18], [sflag:$0x1], $0x80, s16, s17, $0xb8;
	[tilespmem:$0x1D500] =	vst v63  }
0x34f: {  	_ = 	snop  }
0x350: {  	[spmem:s5] =	stream.indirect.scatter.add.f32 [tilespmem:s21], [sflag:$0x3], $0x1, s16, s17, $0xb8;
	[tilespmem:$0x1D500] =	vst v63  }
0x351: {  	_ =	swait.ge [sflag:s20], $0x4000  }
0x352: {  	[sflag:s20] =	ssyncset.done $0x0  }
0x353: {  	[sflag:s20] =	ssyncadd.s32 $0xFFFFC000  }
0x354: {  	[spmem:s4] =	stream.indirect.scatter.add.f32 [tilespmem:s19], [sflag:$0x1], $0x80, s8, s17, $0xb8;
	[tilespmem:$0x1D500] =	vst v63  }
0x355: {  	_ = 	snop  }
0x356: {  	[spmem:s5] =	stream.indirect.scatter.add.f32 [tilespmem:s21], [sflag:$0x3], $0x1, s8, s17, $0xb8;
	[tilespmem:$0x1D500] =	vst v63  }
0x357: {  	_ =	swait.ge [sflag:s23], $0x4000  }
0x358: {  	[sflag:s23] =	ssyncset.done $0x0  }
0x359: {  	[sflag:s23] =	ssyncadd.s32 $0xFFFFC000  }
0x35a: {  	_ =	swait.ge [sflag:s24], $0x80  }
0x35b: {  	[sflag:s24] =	ssyncset.done $0x0  }
0x35c: {  	[sflag:s24] =	ssyncadd.s32 $0xFFFFFF80  }
0x35d: {  	_ =	swait.ge [sflag:s23], $0x4000  }
0x35e: {  	[sflag:s23] =	ssyncset.done $0x0  }
0x35f: {  	[sflag:s23] =	ssyncadd.s32 $0xFFFFC000  }
0x360: {  	_ =	swait.ge [sflag:s24], $0x80  }
0x361: {  	[sflag:s24] =	ssyncset.done $0x0  }
0x362: {  	[sflag:s24] =	ssyncadd.s32 $0xFFFFFF80  }
0x363: {  	_ =	swait.ge [sflag:s23], $0x4000  }
0x364: {  	[sflag:s23] =	ssyncset.done $0x0  }
0x365: {  	[sflag:s23] =	ssyncadd.s32 $0xFFFFC000  }
0x366: {  	_ =	swait.ge [sflag:s24], $0x80  }
0x367: {  	[sflag:s24] =	ssyncset.done $0x0  }
0x368: {  	[sflag:s24] =	ssyncadd.s32 $0xFFFFFF80  }
0x369: {  	[bflag:$0x0] =	sbarrier.arrive $0xFFFF  }
0x36a: {  	s29 =	sld [smem:$0x7F7]  }
0x36b: {  	s25 =	sld [smem:$0x7FC];
	_ =	sdelay $0x1  }
0x36c: {  	s22 =	rddreg [dreg:$0x1f]  }
0x36d: {  	[hbm:s29], [sflag:s22] =	dma.local [spmem:s25], $0x2790  }
0x36e: {  	_ =	swait.ge [sflag:s15], $0x2790  }
0x36f: {  	s30 =	sld [smem:$0x7F8]  }
0x370: {  	s26 =	sld [smem:$0x7FD]  }
0x371: {  	[sflag:s15] =	ssyncset.done $0x0  }
0x372: {  	[sflag:s15] =	ssyncadd.s32 $0xFFFFD870  }
0x373: {  	[hbm:s30], [sflag:s22] =	dma.local [spmem:s26], $0x80  }
0x374: {  	_ =	swait.ge [sflag:s15], $0x80  }
0x375: {  	s28 =	sld [smem:$0x7F6]  }
0x376: {  	s31 =	sld [smem:$0x7F9];
	_ =	sdelay $0x1  }
0x377: {  	s28 =	sadd.s32 $0x1, s28  }
0x378: {  	p0 =	sne.s32 s28, s31  }
.Ltmp1:
0x379: {  	_ = 	snop;
	(pc) =	sbr.rel @p0 .LBB2_1-.Ltmp1, $3  }
0x37a: {  	_ =	sdelay $0x1  }
0x37b: {  	[sflag:s15] =	ssyncset.done $0x0  }
0x37c: {  	[sflag:s15] =	ssyncadd.s32 $0xFFFFFF80  }
0x37d: {  	_ =	sfence.sel $0x180000  }
0x37e: {  	[bflag:$0x0] =	sbarrier.arrive $0xFFFF  }
0x37f: {  	_ =	strace $0x90000047  }
0x380: {  	s0 =	stileid.u32;
	[bflag:$0x2] =	sbarrier.arrive $0xFFFF  }
0x381: {  	p0 =	sne.s32 s0, $0x0;
	s0 =	rddreg [dreg:$0x8]  }
0x382: {  	s0 =	sadd.s32 @!p0 $0x100000, s0  }
0x383: {  	[sflag:s0] =	ssyncadd.tile.s32 @!p0 $0x1;
	_ =	shalt  }
.Lfunc_end2:
_tile_overlayer_lowered:
.L_overlay_start_2:
0x384: {  	(tag) =	ssettag $0x2  }
0x385: {  	s0 =	rddreg [dreg:$0x0];
	s2 =	stileid.u32  }
0x386: {  	s1 =	rddreg [dreg:$0x1];
	p0 =	sne.s32 s2, $0x0  }
0x387: {  	s3 =	rddreg [dreg:$0x2];
	[bflag:$0x3] =	sbarrier.arrive $0xFFFF;
	s2 =	simm.s32 @!p0 $0x1C04  }
0x388: {  	[timem:s3], [sflag:s2] =	dma.local @!p0 [hbm:s0], s1  }
0x389: {  	s0 =	simm.s32 @!p0 $0x4  }
0x38a: {  	_ =	swait.ge @!p0 [sflag:s0], s1  }
0x38b: {  	s1 =	ssub.s32 @!p0 $0x0, s1;
	[sflag:s0] =	ssyncset.done @!p0 $0x0  }
0x38c: {  	[sflag:s0] =	ssyncadd.s32 @!p0 s1  }
0x38d: {  	[bflag:$0x3] =	sbarrier.arrive $0xFFFF  }
0x38e: {  	_ =	shalt  }

// kernel: kernel.9.cloned.1.call-start
scs
__scs_entry_jumppad:
0x0: {  	(pc) =	sbr.rel $0x88, $3  }
0x1: {  	(tag) =	ssettag $0x0;
	lr =	simm.s32 $0x1  }
0x2: {  	[smem:$0x3F99] =	sst lr;
	_ =	strace $0xD0000000  }
0x3: {  	_ = 	snop  }
0x4: {  	_ = 	snop  }
0x5: {  	_ = 	snop  }
0x6: {  	_ = 	snop  }
0x7: {  	_ = 	snop  }
__scs_overlays_trampoline_lowered:
0x8: {  	[smem:$0x3FA8] =	sst s0  }
0x9: {  	[smem:$0x3FA9] =	sst s1  }
0xa: {  	[smem:$0x3FAA] =	sst s2  }
0xb: {  	[smem:$0x3FAB] =	sst s3  }
0xc: {  	[smem:$0x3FAC] =	sst s4  }
0xd: {  	[smem:$0x3FAD] =	sst s5  }
0xe: {  	[smem:$0x3FAE] =	sst s6  }
0xf: {  	[smem:$0x3FAF] =	sst s7  }
0x10: {  	[smem:$0x3FB0] =	sst s8  }
0x11: {  	[smem:$0x3FB1] =	sst s9;
	s0 =	simm.s32 @!p0 $0x0  }
0x12: {  	s1 =	sld [smem:$0x3F97];
	s0 =	simm.s32 @p0 $0x1  }
0x13: {  	[smem:$0x3FB2] =	sst s0;
	s0 =	simm.s32 @!p1 $0x0  }
0x14: {  	s2 =	sld [smem:$0x3F96];
	s0 =	simm.s32 @p1 $0x1  }
0x15: {  	[smem:$0x3FB3] =	sst s0;
	s0 =	simm.s32 @!p2 $0x0  }
0x16: {  	s3 =	sld [smem:$0x3FDB];
	s0 =	simm.s32 @p2 $0x1  }
0x17: {  	s4 =	simm.s32 $0x1BF5;
	[smem:$0x3FB5] =	sst s0  }
0x18: {  	s0 =	sld [smem:$0x3F98];
	_ =	swait.ge [sflag:s4], $0x0  }
0x19: {  	s7 =	sld [smem:$0x3F99]  }
0x1a: {  	s8 =	sadd.s32 $0xFFFFE003, lr  }
0x1b: {  	s9 =	sadd.s32 $0xFFFFFEF7, lr;
	s5 =	simm.s32 $0xFFFFFFFF;
	p2 =	slt.u32 s8, $0xFFFFF086  }
0x1c: {  	p1 =	slt.u32 s9, $0xF7A;
	s5 =	simm.s32 @!p2 $0x0  }
0x1d: {  	s5 =	simm.s32 @p1 $0x1;
	p0 =	seq.s32 s7, s2  }
0x1e: {  	s7 =	smul.u32 @!p0 $0xF7A, s2;
	p2 =	seq.s32 @!p0 s5, $0x0  }
0x1f: {  	s9 =	smul.u32 $0xF7A, s1;
	s8 =	simm.s32 @!p0 $0x1BF5;
	p2 =	por !p2, p0  }
0x20: {  	[sflag:s8] =	ssyncset.s32 @!p0 $0xFFFFF086;
	s6 =	sadd.s32 @!p0 s3, s7;
	s7 =	simm.s32 @!p0 $0x108  }
0x21: {  	s3 =	sadd.s32 s3, s9;
	s6 =	sadd.s32 @!p0 $0x88, s6;
	s7 =	simm.s32 @p2 $0x1082  }
0x22: {  	[simem:s7], [sflag:s8] =	dma.local @!p0 [hbm:s6], $0xF7A  }
0x23: {  	s9 =	sor.u32 $0xD0000000, s2;
	s6 =	simm.s32 $0x108;
	_ =	swait.ge @!p0 [sflag:s8], $0x0  }
0x24: {  	s3 =	sadd.s32 $0x88, s3;
	s6 =	simm.s32 @!p1 $0x1082;
	[sflag:s4] =	ssyncset.s32 $0xFFFFF086  }
0x25: {  	[simem:s6], [sflag:s4] =	dma.local [hbm:s3], $0xF7A  }
0x26: {  	[smem:$0x3F99] =	sst s1;
	(tag) =	ssettag s2;
	_ =	strace s9  }
0x27: {  	s1 =	sld [smem:$0x3FA9]  }
0x28: {  	s2 =	sld [smem:$0x3FAA]  }
0x29: {  	s4 =	sld [smem:$0x3FAC]  }
0x2a: {  	p0 =	seq.s32 s5, $0x0;
	s5 =	sld [smem:$0x3FAD]  }
0x2b: {  	s6 =	sld [smem:$0x3FAE]  }
0x2c: {  	s7 =	sld [smem:$0x3FAF]  }
0x2d: {  	s3 =	simm.s32 $0x108;
	s8 =	sld [smem:$0x3FB0]  }
0x2e: {  	s3 =	simm.s32 @!p0 $0x1082;
	s9 =	sld [smem:$0x3FB1]  }
0x2f: {  	lr =	sadd.s32 s0, s3;
	s0 =	sld [smem:$0x3FA8]  }
0x30: {  	s3 =	sld [smem:$0x3FAB]  }
0x31: {  	[smem:$0x3FB4] =	sst s10  }
0x32: {  	s10 =	sld [smem:$0x3FB2];
	_ =	sdelay $0x3  }
0x33: {  	p0 =	seq.s32 s10, $0x1;
	s10 =	sld [smem:$0x3FB4];
	_ =	sdelay $0x3  }
0x34: {  	[smem:$0x3FB4] =	sst s10  }
0x35: {  	s10 =	sld [smem:$0x3FB3];
	_ =	sdelay $0x3  }
0x36: {  	p1 =	seq.s32 s10, $0x1;
	s10 =	sld [smem:$0x3FB4];
	_ =	sdelay $0x3  }
0x37: {  	[smem:$0x3FB4] =	sst s10  }
0x38: {  	s10 =	sld [smem:$0x3FB5]  }
0x39: {  	_ = 	snop;
	(pc) =	sbr.ind lr, $3  }
0x3a: {  	_ = 	snop  }
0x3b: {  	_ = 	snop  }
0x3c: {  	p2 =	seq.s32 s10, $0x1;
	s10 =	sld [smem:$0x3FB4]  }
0x3d: {  	_ =	shalt  }
0x3e: {  	_ =	shalt  }
0x3f: {  	_ =	shalt  }
0x40: {  	_ =	shalt  }
0x41: {  	_ =	shalt  }
0x42: {  	_ =	shalt  }
0x43: {  	_ =	shalt  }
0x44: {  	_ =	shalt  }
0x45: {  	_ =	shalt  }
0x46: {  	_ =	shalt  }
0x47: {  	_ =	shalt  }
0x48: {  	_ =	shalt  }
0x49: {  	_ =	shalt  }
0x4a: {  	_ =	shalt  }
0x4b: {  	_ =	shalt  }
0x4c: {  	_ =	shalt  }
0x4d: {  	_ =	shalt  }
0x4e: {  	_ =	shalt  }
0x4f: {  	_ =	shalt  }
0x50: {  	_ =	shalt  }
0x51: {  	_ =	shalt  }
0x52: {  	_ =	shalt  }
0x53: {  	_ =	shalt  }
0x54: {  	_ =	shalt  }
0x55: {  	_ =	shalt  }
0x56: {  	_ =	shalt  }
0x57: {  	_ =	shalt  }
0x58: {  	_ =	shalt  }
0x59: {  	_ =	shalt  }
0x5a: {  	_ =	shalt  }
0x5b: {  	_ =	shalt  }
0x5c: {  	_ =	shalt  }
0x5d: {  	_ =	shalt  }
0x5e: {  	_ =	shalt  }
0x5f: {  	_ =	shalt  }
0x60: {  	_ =	shalt  }
0x61: {  	_ =	shalt  }
0x62: {  	_ =	shalt  }
0x63: {  	_ =	shalt  }
0x64: {  	_ =	shalt  }
0x65: {  	_ =	shalt  }
0x66: {  	_ =	shalt  }
0x67: {  	_ =	shalt  }
0x68: {  	_ =	shalt  }
0x69: {  	_ =	shalt  }
0x6a: {  	_ =	shalt  }
0x6b: {  	_ =	shalt  }
0x6c: {  	_ =	shalt  }
0x6d: {  	_ =	shalt  }
0x6e: {  	_ =	shalt  }
0x6f: {  	_ =	shalt  }
0x70: {  	_ =	shalt  }
0x71: {  	_ =	shalt  }
0x72: {  	_ =	shalt  }
0x73: {  	_ =	shalt  }
0x74: {  	_ =	shalt  }
0x75: {  	_ =	shalt  }
0x76: {  	_ =	shalt  }
0x77: {  	_ =	shalt  }
0x78: {  	_ =	shalt  }
0x79: {  	_ =	shalt  }
0x7a: {  	_ =	shalt  }
0x7b: {  	_ =	shalt  }
0x7c: {  	_ =	shalt  }
0x7d: {  	_ =	shalt  }
0x7e: {  	_ =	shalt  }
0x7f: {  	_ =	shalt  }
0x80: {  	_ =	shalt  }
0x81: {  	_ =	shalt  }
0x82: {  	_ =	shalt  }
0x83: {  	_ =	shalt  }
0x84: {  	_ =	shalt  }
0x85: {  	_ =	shalt  }
0x86: {  	_ =	shalt  }
0x87: {  	_ =	shalt  }
.Lfunc_end0:
.L_simem_size_0:
called_computation.1_lowered:
.L_overlay_start_0:
0x88: {  	s2 =	sld [smem:$0x3FD9]  }
0x89: {  	s3 =	sld [smem:$0x3FFE];
	_ =	sdelay $0x1  }
0x8a: {  	s1 =	srdreg.scid  }
0x8b: {  	s0 =	sand.u32 $0x1, s1  }
0x8c: {  	s14 =	sshll.u32 s0, $0xA;
	s2 =	sadd.s32 s3, s2  }
0x8d: {  	s2 =	sadd.s32 s2, s14  }
0x8e: {  	[smem:$0x3FC0] =	sst s2  }
0x8f: {  	_ = 	snop  }
0x90: {  	s2 =	sld [smem:$0x3FD0];
	_ =	sdelay $0x2  }
0x91: {  	s4 =	simm.s32 $0xA;
	s5 =	simm.s32 $0x10;
	s15 =	sld [smem:$0x3FC8]  }
0x92: {  	[smem:s5], [sflag:s4] =	dma.local [hbm:s2], $0x1  }
0x93: {  	_ =	swait.eq [sflag:s4], $0x1  }
0x94: {  	[sflag:s4] =	ssyncset.done $0x0  }
0x95: {  	s16 =	sld [smem:$0x12];
	[sflag:s4] =	ssyncadd.s32 $0xFFFFFFFF  }
0x96: {  	s17 =	sld [smem:$0x13];
	(tm) =	ssettm $0x1  }
0x97: {  	s18 =	sld [smem:$0x3FFB];
	_ =	sdelay $0x3  }
0x98: {  	_ =	strace s18  }
0x99: {  	s5 =	sld [smem:$0x3FFC];
	_ =	sdelay $0x3  }
0x9a: {  	_ =	strace s5  }
0x9b: {  	s5 =	sld [smem:$0x3FFD];
	_ =	sdelay $0x3  }
0x9c: {  	_ =	strace s5  }
0x9d: {  	_ =	strace $0x8FFFFFFF  }
0x9e: {  	s19 =	sld [smem:$0x3FDB];
	_ =	sdelay $0x1  }
0x9f: {  	s6 =	simm.s32 $_scs_section_size  }
0xa0: {  	s7 =	simm.s32 $_size__tile_overlayer_lowered;
	s8 =	simm.s32 $_tile_overlayer_lowered  }
0xa1: {  	s22 =	simm.s32 $0x1BFF;
	s21 =	sshll.u32 s8, $0x1;
	s5 =	sadd.s32 s6, s19  }
0xa2: {  	s9 =	simm.s32 $0x0;
	s20 =	sshll.u32 s7, $0x1;
	s7 =	sadd.s32 s21, s5  }
0xa3: {  	[timem:s9], [sflag:s22] =	dma.local [hbm:s7], s20  }
0xa4: {  	_ =	swait.ge [sflag:s22], s20  }
0xa5: {  	s6 =	ssub.s32 $0x0, s20;
	[sflag:s22] =	ssyncset.done $0x0  }
0xa6: {  	[sflag:s22] =	ssyncadd.s32 s6;
	_ =	sdelay $0x1  }
0xa7: {  	s23 =	simm.s32 $0x1B8B  }
0xa8: {  	_ =	swait.ge [sflag:s23], $0x1  }
0xa9: {  	[sflag:s23] =	ssyncset.done $0x0  }
0xaa: {  	s25 =	simm.s32 $0x1B8E;
	s24 =	sld [smem:$0x3FFE];
	[sflag:s23] =	ssyncadd.s32 $0xFFFFFFFF  }
0xab: {  	s26 =	simm.s32 $execute0_lowered;
	[smem:$0x3FD2] =	sst s25  }
0xac: {  	s7 =	sshll.u32 s26, $0x1;
	_ =	strace $0x80000049;
	[dreg:$0x1] =	wrdreg $0xFFFFFFFF  }
0xad: {  	s28 =	simm.s32 $_size_execute0_lowered;
	s5 =	sadd.s32 s5, s7;
	[dreg:$0x0] =	wrdreg $0x0  }
0xae: {  	s7 =	sshll.u32 s28, $0x1;
	[dreg:$0x2] =	wrdreg s5  }
0xaf: {  	[dreg:$0x3] =	wrdreg s7  }
0xb0: {  	[dreg:$0x4] =	wrdreg $0xC0  }
0xb1: {  	_ =	task [dreg:s9], $0x5FFFF  }
0xb2: {  	[dreg:$0x1] =	wrdreg $0xFFFFFFFF  }
0xb3: {  	[dreg:$0x0] =	wrdreg $0x60  }
0xb4: {  	[dreg:$0x2] =	wrdreg s24  }
0xb5: {  	[dreg:$0x3] =	wrdreg s15  }
0xb6: {  	[dreg:$0x4] =	wrdreg s16  }
0xb7: {  	[dreg:$0x5] =	wrdreg s17  }
0xb8: {  	[dreg:$0x6] =	wrdreg $0x5C000  }
0xb9: {  	[dreg:$0x7] =	wrdreg $0xD2B00  }
0xba: {  	[dreg:$0x8] =	wrdreg $0x9  }
0xbb: {  	_ =	task.clear_ibuf [dreg:s9], $0x9FFFF;
	_ =	strace $0x90000049  }
0xbc: {  	s29 =	simm.s32 $0x9;
	_ =	strace $0x8000004B  }
0xbd: {  	_ =	swait.ge [sflag:s29], $0x1  }
0xbe: {  	[sflag:s29] =	ssyncadd.s32 $0xFFFFFFFF  }
0xbf: {  	_ =	strace $0x9000004B  }
0xc0: {  	_ =	sfence  }
0xc1: {  	s30 =	sld [smem:$0x0];
	_ =	sdelay $0x2  }
0xc2: {  	s31 =	sshll.u32 s1, $0xD;
	s1 =	sshrl.u32 s1, $0x2  }
0xc3: {  	s3 =	sand.u32 $0x4000, s31;
	s1 =	sadd.s32 s1, s30  }
0xc4: {  	s0 =	sor.u32 s3, s0;
	s1 =	sshll.u32 s1, $0x11  }
0xc5: {  	s0 =	sor.u32 s1, s0  }
0xc6: {  	s0 =	sadd.s32 $0x8F2B, s0  }
0xc7: {  	[sflag:s0] =	ssyncadd.remote.s32 $0x1  }
0xc8: {  	_ =	sfence.sel $0xFFFF  }
0xc9: {  	[dreg:$0x0] =	wrdreg $0xFFFFFFFF;
	(pc) =	sbr.abs _section_cstart, $3  }
0xca: {  	[dreg:$0x1] =	wrdreg $0xFFFFFFFF  }
0xcb: {  	_ =	task.clear_ibuf [dreg:s9], $0x2FFFF;
	_ =	strace $0x9FFFFFFF  }
0xcc: {  	(tm) =	ssettm $0x7FFFFFFF  }
0xcd: {  	_ =	shalt  }
tec
execute0_lowered:
.L_overlay_start_1:
0x0: {  	(tag) =	ssettag $0x1  }
0x1: {  	s1 =	rddreg [dreg:$0x0]  }
0x2: {  	s0 =	rddreg [dreg:$0x1]  }
0x3: {  	s2 =	rddreg [dreg:$0x3]  }
0x4: {  	s3 =	rddreg [dreg:$0x4]  }
0x5: {  	s4 =	rddreg [dreg:$0x5]  }
0x6: {  	s14 =	stileid.u32;
	s5 =	simm.s32 $0x0;
	s6 =	srdreg.scid  }
0x7: {  	s21 =	simm.s32 $0x100;
	s23 =	simm.s32 $0x200;
	s24 =	simm.s32 $0x180  }
0x8: {  	s25 =	simm.s32 $0x300;
	s15 =	simm.s32 $0x280;
	s16 =	simm.s32 $0x400  }
0x9: {  	s28 =	simm.s32 $0x1080;
	s29 =	simm.s32 $0x1200;
	[smem:$0x7FF] =	sst s5  }
0xa: {  	s30 =	simm.s32 $0x1180;
	_ =	strace $0x8000004A;
	[dreg:$0x9] =	wrdreg s21  }
0xb: {  	s31 =	simm.s32 $0x1300;
	s7 =	smul.u32 $0x7530, s14;
	[dreg:$0xa] =	wrdreg s23  }
0xc: {  	s8 =	sand.u32 $0x1, s6;
	s11 =	smul.u32 $0x50, s14;
	[dreg:$0xb] =	wrdreg s24  }
0xd: {  	s13 =	smul.u32 $0x76B0, s14;
	s22 =	sshll.u32 s14, $0x6;
	[dreg:$0xc] =	wrdreg s25  }
0xe: {  	s9 =	smul.u32 $0x500, s8;
	s19 =	ssub.s32 $0x2, s8;
	[dreg:$0xd] =	wrdreg s15  }
0xf: {  	s6 =	sor.u32 $0x1C03, s22;
	[dreg:$0xe] =	wrdreg s16;
	s22 =	simm.s32 $0x600  }
0x10: {  	s26 =	smul.u32 $0x76B00, s8;
	s24 =	simm.s32 $0x580;
	[dreg:$0x12] =	wrdreg s22  }
0x11: {  	s21 =	smul.u32 $0x50000, s8;
	s25 =	simm.s32 $0x700;
	[dreg:$0x13] =	wrdreg s24  }
0x12: {  	s23 =	smul.u32 $0x5000, s14;
	s15 =	simm.s32 $0x900;
	[dreg:$0x14] =	wrdreg s25  }
0x13: {  	s14 =	smul.u32 $0xA00, s14;
	s16 =	simm.s32 $0x880;
	[dreg:$0x18] =	wrdreg s15  }
0x14: {  	s18 =	sshrl.u32 s7, $0x3;
	s12 =	sshrl.u32 s19, $0x1;
	[dreg:$0x19] =	wrdreg s16  }
0x15: {  	s7 =	sadd.s32 s7, s4;
	s22 =	simm.s32 $0xC00;
	[smem:$0x7FC] =	sst s6  }
0x16: {  	s15 =	simm.s32 $0x80;
	s24 =	simm.s32 $0xD00;
	[dreg:$0x1e] =	wrdreg s22  }
0x17: {  	s16 =	simm.s32 $0x1400;
	s25 =	simm.s32 $0xC80;
	[smem:$0x7F9] =	sst s24  }
0x18: {  	s10 =	sadd.s32 s18, s1;
	s1 =	sadd.s32 $0x3000, s1;
	[smem:$0x7FA] =	sst s25  }
0x19: {  	s20 =	sadd.s32 s11, s9;
	s9 =	sadd.s32 s13, s3;
	[dreg:$0x7] =	wrdreg s1  }
0x1a: {  	s17 =	sadd.s32 s13, s26;
	s18 =	simm.s32 $0x380;
	[dreg:$0x8] =	wrdreg s20  }
0x1b: {  	s26 =	sadd.s32 s23, s21;
	s13 =	simm.s32 $0x780;
	[dreg:$0xf] =	wrdreg s18  }
0x1c: {  	s21 =	simm.s32 $0xA80;
	s23 =	simm.s32 $0xB80;
	[dreg:$0x17] =	wrdreg s13  }
0x1d: {  	s22 =	simm.s32 $0xF00;
	s24 =	simm.s32 $0x1000;
	[dreg:$0x1d] =	wrdreg s21  }
0x1e: {  	s25 =	simm.s32 $0xF80;
	s10 =	sadd.s32 $0x3800, s10;
	[dreg:$0x1f] =	wrdreg s23  }
0x1f: {  	s1 =	ssub.s32 s19, s12;
	s19 =	simm.s32 $0x500;
	[smem:$0x7F3] =	sst s10  }
0x20: {  	s11 =	sshrl.u32 s17, $0x3;
	s20 =	simm.s32 $0x480;
	[dreg:$0x10] =	wrdreg s19  }
0x21: {  	s12 =	smul.u32 $0xA000, s8;
	s17 =	simm.s32 $0xA00;
	[dreg:$0x11] =	wrdreg s20  }
0x22: {  	s8 =	sshrl.u32 s9, $0x3;
	s18 =	simm.s32 $0x980;
	[dreg:$0x1a] =	wrdreg s17  }
0x23: {  	s13 =	simm.s32 $0x3;
	s21 =	simm.s32 $0xD80;
	[dreg:$0x1b] =	wrdreg s18  }
0x24: {  	s23 =	simm.s32 $0xE80;
	s2 =	sadd.s32 s2, s11;
	[smem:$0x7FD] =	sst s8  }
0x25: {  	s1 =	smax.u32 s1, $0x1;
	s10 =	simm.s32 $0x680;
	[smem:$0x7F4] =	sst s2  }
0x26: {  	s11 =	simm.s32 $0x800;
	s19 =	simm.s32 $0xB00;
	[smem:$0x7F5] =	sst s1  }
0x27: {  	s20 =	sshrl.u32 s7, $0x3;
	s7 =	smov.u32 s6;
	[dreg:$0x15] =	wrdreg s10  }
0x28: {  	s17 =	simm.s32 $0x2C00;
	s18 =	simm.s32 $0x2;
	[dreg:$0x16] =	wrdreg s11  }
0x29: {  	s2 =	sadd.s32 $0xFFF63C00, s26;
	s0 =	sadd.s32 s12, s0;
	[smem:$0x7F8] =	sst s20  }
0x2a: {  	[dreg:$0x1c] =	wrdreg s19;
	s19 =	simm.s32 $0x4400;
	s26 =	simm.s32 $0xE00  }
0x2b: {  	s20 =	simm.s32 $0x1;
	s1 =	simm.s32 $0x0;
	[smem:$0x7F6] =	sst s2  }
0x2c: {  	s0 =	sadd.s32 s14, s0;
	[smem:$0x7FB] =	sst s26;
	s26 =	simm.s32 $0x1100  }
0x2d: {  	s2 =	simm.s32 $0x1380;
	[smem:$0x7F7] =	sst s0;
	s0 =	simm.s32 $0x1280  }
.LBB2_1:
0x2e: {  	s6 =	rddreg [dreg:$0x2]  }
0x2f: {  	[spmem:s8], [sflag:s7] =	dma.local [hbm:s6], $0xED6  }
0x30: {  	_ =	swait.ge [sflag:s13], $0xED6  }
0x31: {  	s9 =	sld [smem:$0x7F3]  }
0x32: {  	s10 =	sld [smem:$0x7F8]  }
0x33: {  	[sflag:s13] =	ssyncset.done $0x0  }
0x34: {  	[sflag:s13] =	ssyncadd.s32 $0xFFFFF12A  }
0x35: {  	[spmem:s10], [sflag:s7] =	dma.local [hbm:s9], $0xEA6  }
0x36: {  	_ =	swait.ge [sflag:s13], $0xEA6  }
0x37: {  	[sflag:s13] =	ssyncset.done $0x0  }
0x38: {  	[sflag:s13] =	ssyncadd.s32 $0xFFFFF15A  }
0x39: {  	[bflag:$0x0] =	sbarrier.arrive $0xFFFF  }
0x3a: {  	s10 =	sld [smem:$0x7F6]  }
0x3b: {  	s11 =	rddreg [dreg:$0x8]  }
0x3c: {  	s6 =	sld [smem:$0x7F7]  }
0x3d: {  	s12 =	rddreg [dreg:$0x7];
	s7 =	sadd.s32 $0x0, s11;
	s9 =	sshrl.u32 s10, $0x3  }
0x3e: {  	p0 =	slt.u32 s7, $0x9C4;
	s7 =	sadd.s32 s12, s9  }
0x3f: {  	s7 =	smov.u32 @p0 s6  }
0x40: {  	[tilespmem:s5], [sflag:$0x3] =	stream.linear.gather [hbm4b:s7+s5], $0x1400, $0x38;
	[tilespmem:$0x147E0] =	vst v63  }
0x41: {  	_ =	swait.ge [sflag:s13], $0x1400  }
0x42: {  	[sflag:s13] =	ssyncset.done $0x0  }
0x43: {  	[sflag:s13] =	ssyncadd.s32 $0xFFFFEC00  }
0x44: {  	[tilespmem:s16], [sflag:$0x2] =	stream.indirect.gather [spmem:s4], $0x30, s5, s15, $0xb8;
	[tilespmem:$0x147E0] =	vst v63  }
0x45: {  	s14 =	rddreg [dreg:$0x9]  }
0x46: {  	[tilespmem:s17], [sflag:$0x2] =	stream.indirect.gather [spmem:s4], $0x30, s14, s15, $0xb8;
	[tilespmem:$0x147E0] =	vst v63  }
0x47: {  	_ =	swait.ge [sflag:s18], $0x1800  }
0x48: {  	[sflag:s18] =	ssyncset.done $0x0  }
0x49: {  	[sflag:s18] =	ssyncadd.s32 $0xFFFFE800  }
0x4a: {  	[spmem:s3] =	stream.indirect.scatter.add.f32 [tilespmem:s16], [sflag:$0x1], $0x30, s15, s15, $0xb8;
	[tilespmem:$0x147E0] =	vst v63  }
0x4b: {  	s8 =	rddreg [dreg:$0xa]  }
0x4c: {  	[tilespmem:s19], [sflag:$0x2] =	stream.indirect.gather [spmem:s4], $0x30, s8, s15, $0xb8;
	[tilespmem:$0x147E0] =	vst v63  }
0x4d: {  	_ =	swait.ge [sflag:s18], $0x1800  }
0x4e: {  	[sflag:s18] =	ssyncset.done $0x0  }
0x4f: {  	s9 =	rddreg [dreg:$0xb];
	[sflag:s18] =	ssyncadd.s32 $0xFFFFE800  }
0x50: {  	[spmem:s3] =	stream.indirect.scatter.add.f32 [tilespmem:s17], [sflag:$0x1], $0x30, s9, s15, $0xb8;
	[tilespmem:$0x147E0] =	vst v63  }
0x51: {  	_ =	swait.ge [sflag:s20], $0x1800  }
0x52: {  	[sflag:s20] =	ssyncset.done $0x0  }
0x53: {  	s11 =	rddreg [dreg:$0xc];
	[sflag:s20] =	ssyncadd.s32 $0xFFFFE800  }
0x54: {  	[tilespmem:s16], [sflag:$0x2] =	stream.indirect.gather [spmem:s4], $0x30, s11, s15, $0xb8;
	[tilespmem:$0x147E0] =	vst v63  }
0x55: {  	_ =	swait.ge [sflag:s18], $0x1800  }
0x56: {  	[sflag:s18] =	ssyncset.done $0x0  }
0x57: {  	s12 =	rddreg [dreg:$0xd];
	[sflag:s18] =	ssyncadd.s32 $0xFFFFE800  }
0x58: {  	[spmem:s3] =	stream.indirect.scatter.add.f32 [tilespmem:s19], [sflag:$0x1], $0x30, s12, s15, $0xb8;
	[tilespmem:$0x147E0] =	vst v63  }
0x59: {  	_ =	swait.ge [sflag:s20], $0x1800  }
0x5a: {  	[sflag:s20] =	ssyncset.done $0x0  }
0x5b: {  	s14 =	rddreg [dreg:$0xe];
	[sflag:s20] =	ssyncadd.s32 $0xFFFFE800  }
0x5c: {  	[tilespmem:s17], [sflag:$0x2] =	stream.indirect.gather [spmem:s4], $0x30, s14, s15, $0xb8;
	[tilespmem:$0x147E0] =	vst v63  }
0x5d: {  	_ =	swait.ge [sflag:s18], $0x1800  }
0x5e: {  	[sflag:s18] =	ssyncset.done $0x0  }
0x5f: {  	s8 =	rddreg [dreg:$0xf];
	[sflag:s18] =	ssyncadd.s32 $0xFFFFE800  }
0x60: {  	[spmem:s3] =	stream.indirect.scatter.add.f32 [tilespmem:s16], [sflag:$0x1], $0x30, s8, s15, $0xb8;
	[tilespmem:$0x147E0] =	vst v63  }
0x61: {  	_ =	swait.ge [sflag:s20], $0x1800  }
0x62: {  	[sflag:s20] =	ssyncset.done $0x0  }
0x63: {  	s9 =	rddreg [dreg:$0x10];
	[sflag:s20] =	ssyncadd.s32 $0xFFFFE800  }
0x64: {  	[tilespmem:s19], [sflag:$0x2] =	stream.indirect.gather [spmem:s4], $0x30, s9, s15, $0xb8;
	[tilespmem:$0x147E0] =	vst v63  }
0x65: {  	_ =	swait.ge [sflag:s18], $0x1800  }
0x66: {  	[sflag:s18] =	ssyncset.done $0x0  }
0x67: {  	s11 =	rddreg [dreg:$0x11];
	[sflag:s18] =	ssyncadd.s32 $0xFFFFE800  }
0x68: {  	[spmem:s3] =	stream.indirect.scatter.add.f32 [tilespmem:s17], [sflag:$0x1], $0x30, s11, s15, $0xb8;
	[tilespmem:$0x147E0] =	vst v63  }
0x69: {  	_ =	swait.ge [sflag:s20], $0x1800  }
0x6a: {  	[sflag:s20] =	ssyncset.done $0x0  }
0x6b: {  	s12 =	rddreg [dreg:$0x12];
	[sflag:s20] =	ssyncadd.s32 $0xFFFFE800  }
0x6c: {  	[tilespmem:s16], [sflag:$0x2] =	stream.indirect.gather [spmem:s4], $0x30, s12, s15, $0xb8;
	[tilespmem:$0x147E0] =	vst v63  }
0x6d: {  	_ =	swait.ge [sflag:s18], $0x1800  }
0x6e: {  	[sflag:s18] =	ssyncset.done $0x0  }
0x6f: {  	s14 =	rddreg [dreg:$0x13];
	[sflag:s18] =	ssyncadd.s32 $0xFFFFE800  }
0x70: {  	[spmem:s3] =	stream.indirect.scatter.add.f32 [tilespmem:s19], [sflag:$0x1], $0x30, s14, s15, $0xb8;
	[tilespmem:$0x147E0] =	vst v63  }
0x71: {  	_ =	swait.ge [sflag:s20], $0x1800  }
0x72: {  	[sflag:s20] =	ssyncset.done $0x0  }
0x73: {  	s8 =	rddreg [dreg:$0x14];
	[sflag:s20] =	ssyncadd.s32 $0xFFFFE800  }
0x74: {  	[tilespmem:s17], [sflag:$0x2] =	stream.indirect.gather [spmem:s4], $0x30, s8, s15, $0xb8;
	[tilespmem:$0x147E0] =	vst v63  }
0x75: {  	_ =	swait.ge [sflag:s18], $0x1800  }
0x76: {  	[sflag:s18] =	ssyncset.done $0x0  }
0x77: {  	s9 =	rddreg [dreg:$0x15];
	[sflag:s18] =	ssyncadd.s32 $0xFFFFE800  }
0x78: {  	[spmem:s3] =	stream.indirect.scatter.add.f32 [tilespmem:s16], [sflag:$0x1], $0x30, s9, s15, $0xb8;
	[tilespmem:$0x147E0] =	vst v63  }
0x79: {  	_ =	swait.ge [sflag:s20], $0x1800  }
0x7a: {  	[sflag:s20] =	ssyncset.done $0x0  }
0x7b: {  	s11 =	rddreg [dreg:$0x16];
	[sflag:s20] =	ssyncadd.s32 $0xFFFFE800  }
0x7c: {  	[tilespmem:s19], [sflag:$0x2] =	stream.indirect.gather [spmem:s4], $0x30, s11, s15, $0xb8;
	[tilespmem:$0x147E0] =	vst v63  }
0x7d: {  	_ =	swait.ge [sflag:s18], $0x1800  }
0x7e: {  	[sflag:s18] =	ssyncset.done $0x0  }
0x7f: {  	s12 =	rddreg [dreg:$0x17];
	[sflag:s18] =	ssyncadd.s32 $0xFFFFE800  }
0x80: {  	[spmem:s3] =	stream.indirect.scatter.add.f32 [tilespmem:s17], [sflag:$0x1], $0x30, s12, s15, $0xb8;
	[tilespmem:$0x147E0] =	vst v63  }
0x81: {  	_ =	swait.ge [sflag:s20], $0x1800  }
0x82: {  	[sflag:s20] =	ssyncset.done $0x0  }
0x83: {  	s14 =	rddreg [dreg:$0x18];
	[sflag:s20] =	ssyncadd.s32 $0xFFFFE800  }
0x84: {  	[tilespmem:s16], [sflag:$0x2] =	stream.indirect.gather [spmem:s4], $0x30, s14, s15, $0xb8;
	[tilespmem:$0x147E0] =	vst v63  }
0x85: {  	_ =	swait.ge [sflag:s18], $0x1800  }
0x86: {  	[sflag:s18] =	ssyncset.done $0x0  }
0x87: {  	s8 =	rddreg [dreg:$0x19];
	[sflag:s18] =	ssyncadd.s32 $0xFFFFE800  }
0x88: {  	[spmem:s3] =	stream.indirect.scatter.add.f32 [tilespmem:s19], [sflag:$0x1], $0x30, s8, s15, $0xb8;
	[tilespmem:$0x147E0] =	vst v63  }
0x89: {  	_ =	swait.ge [sflag:s20], $0x1800  }
0x8a: {  	[sflag:s20] =	ssyncset.done $0x0  }
0x8b: {  	s9 =	rddreg [dreg:$0x1a];
	[sflag:s20] =	ssyncadd.s32 $0xFFFFE800  }
0x8c: {  	[tilespmem:s17], [sflag:$0x2] =	stream.indirect.gather [spmem:s4], $0x30, s9, s15, $0xb8;
	[tilespmem:$0x147E0] =	vst v63  }
0x8d: {  	_ =	swait.ge [sflag:s18], $0x1800  }
0x8e: {  	[sflag:s18] =	ssyncset.done $0x0  }
0x8f: {  	s11 =	rddreg [dreg:$0x1b];
	[sflag:s18] =	ssyncadd.s32 $0xFFFFE800  }
0x90: {  	[spmem:s3] =	stream.indirect.scatter.add.f32 [tilespmem:s16], [sflag:$0x1], $0x30, s11, s15, $0xb8;
	[tilespmem:$0x147E0] =	vst v63  }
0x91: {  	_ =	swait.ge [sflag:s20], $0x1800  }
0x92: {  	[sflag:s20] =	ssyncset.done $0x0  }
0x93: {  	s12 =	rddreg [dreg:$0x1c];
	[sflag:s20] =	ssyncadd.s32 $0xFFFFE800  }
0x94: {  	[tilespmem:s19], [sflag:$0x2] =	stream.indirect.gather [spmem:s4], $0x30, s12, s15, $0xb8;
	[tilespmem:$0x147E0] =	vst v63  }
0x95: {  	_ =	swait.ge [sflag:s18], $0x1800  }
0x96: {  	[sflag:s18] =	ssyncset.done $0x0  }
0x97: {  	s14 =	rddreg [dreg:$0x1d];
	[sflag:s18] =	ssyncadd.s32 $0xFFFFE800  }
0x98: {  	[spmem:s3] =	stream.indirect.scatter.add.f32 [tilespmem:s17], [sflag:$0x1], $0x30, s14, s15, $0xb8;
	[tilespmem:$0x147E0] =	vst v63  }
0x99: {  	_ =	swait.ge [sflag:s20], $0x1800  }
0x9a: {  	[sflag:s20] =	ssyncset.done $0x0  }
0x9b: {  	s8 =	rddreg [dreg:$0x1e];
	[sflag:s20] =	ssyncadd.s32 $0xFFFFE800  }
0x9c: {  	[tilespmem:s16], [sflag:$0x2] =	stream.indirect.gather [spmem:s4], $0x30, s8, s15, $0xb8;
	[tilespmem:$0x147E0] =	vst v63  }
0x9d: {  	_ =	swait.ge [sflag:s18], $0x1800  }
0x9e: {  	[sflag:s18] =	ssyncset.done $0x0  }
0x9f: {  	s9 =	rddreg [dreg:$0x1f];
	[sflag:s18] =	ssyncadd.s32 $0xFFFFE800  }
0xa0: {  	[spmem:s3] =	stream.indirect.scatter.add.f32 [tilespmem:s19], [sflag:$0x1], $0x30, s9, s15, $0xb8;
	[tilespmem:$0x147E0] =	vst v63  }
0xa1: {  	_ =	swait.ge [sflag:s20], $0x1800  }
0xa2: {  	s11 =	sld [smem:$0x7F9]  }
0xa3: {  	[sflag:s20] =	ssyncset.done $0x0  }
0xa4: {  	[sflag:s20] =	ssyncadd.s32 $0xFFFFE800  }
0xa5: {  	[tilespmem:s17], [sflag:$0x2] =	stream.indirect.gather [spmem:s4], $0x30, s11, s15, $0xb8;
	[tilespmem:$0x147E0] =	vst v63  }
0xa6: {  	_ =	swait.ge [sflag:s18], $0x1800  }
0xa7: {  	s12 =	sld [smem:$0x7FA]  }
0xa8: {  	[sflag:s18] =	ssyncset.done $0x0  }
0xa9: {  	[sflag:s18] =	ssyncadd.s32 $0xFFFFE800  }
0xaa: {  	[spmem:s3] =	stream.indirect.scatter.add.f32 [tilespmem:s16], [sflag:$0x1], $0x30, s12, s15, $0xb8;
	[tilespmem:$0x147E0] =	vst v63  }
0xab: {  	_ =	swait.ge [sflag:s20], $0x1800  }
0xac: {  	s14 =	sld [smem:$0x7FB]  }
0xad: {  	[sflag:s20] =	ssyncset.done $0x0  }
0xae: {  	[sflag:s20] =	ssyncadd.s32 $0xFFFFE800  }
0xaf: {  	[tilespmem:s19], [sflag:$0x2] =	stream.indirect.gather [spmem:s4], $0x30, s14, s15, $0xb8;
	[tilespmem:$0x147E0] =	vst v63  }
0xb0: {  	_ =	swait.ge [sflag:s18], $0x1800  }
0xb1: {  	[sflag:s18] =	ssyncset.done $0x0  }
0xb2: {  	[sflag:s18] =	ssyncadd.s32 $0xFFFFE800  }
0xb3: {  	[spmem:s3] =	stream.indirect.scatter.add.f32 [tilespmem:s17], [sflag:$0x1], $0x30, s21, s15, $0xb8;
	[tilespmem:$0x147E0] =	vst v63  }
0xb4: {  	_ =	swait.ge [sflag:s20], $0x1800  }
0xb5: {  	[sflag:s20] =	ssyncset.done $0x0  }
0xb6: {  	[sflag:s20] =	ssyncadd.s32 $0xFFFFE800  }
0xb7: {  	[tilespmem:s16], [sflag:$0x2] =	stream.indirect.gather [spmem:s4], $0x30, s22, s15, $0xb8;
	[tilespmem:$0x147E0] =	vst v63  }
0xb8: {  	_ =	swait.ge [sflag:s18], $0x1800  }
0xb9: {  	[sflag:s18] =	ssyncset.done $0x0  }
0xba: {  	[sflag:s18] =	ssyncadd.s32 $0xFFFFE800  }
0xbb: {  	[spmem:s3] =	stream.indirect.scatter.add.f32 [tilespmem:s19], [sflag:$0x1], $0x30, s23, s15, $0xb8;
	[tilespmem:$0x147E0] =	vst v63  }
0xbc: {  	_ =	swait.ge [sflag:s20], $0x1800  }
0xbd: {  	[sflag:s20] =	ssyncset.done $0x0  }
0xbe: {  	[sflag:s20] =	ssyncadd.s32 $0xFFFFE800  }
0xbf: {  	[tilespmem:s17], [sflag:$0x2] =	stream.indirect.gather [spmem:s4], $0x30, s24, s15, $0xb8;
	[tilespmem:$0x147E0] =	vst v63  }
0xc0: {  	_ =	swait.ge [sflag:s18], $0x1800  }
0xc1: {  	[sflag:s18] =	ssyncset.done $0x0  }
0xc2: {  	[sflag:s18] =	ssyncadd.s32 $0xFFFFE800  }
0xc3: {  	[spmem:s3] =	stream.indirect.scatter.add.f32 [tilespmem:s16], [sflag:$0x1], $0x30, s25, s15, $0xb8;
	[tilespmem:$0x147E0] =	vst v63  }
0xc4: {  	_ =	swait.ge [sflag:s20], $0x1800  }
0xc5: {  	[sflag:s20] =	ssyncset.done $0x0  }
0xc6: {  	[sflag:s20] =	ssyncadd.s32 $0xFFFFE800  }
0xc7: {  	[tilespmem:s19], [sflag:$0x2] =	stream.indirect.gather [spmem:s4], $0x30, s26, s15, $0xb8;
	[tilespmem:$0x147E0] =	vst v63  }
0xc8: {  	_ =	swait.ge [sflag:s18], $0x1800  }
0xc9: {  	[sflag:s18] =	ssyncset.done $0x0  }
0xca: {  	[sflag:s18] =	ssyncadd.s32 $0xFFFFE800  }
0xcb: {  	[spmem:s3] =	stream.indirect.scatter.add.f32 [tilespmem:s17], [sflag:$0x1], $0x30, s28, s15, $0xb8;
	[tilespmem:$0x147E0] =	vst v63  }
0xcc: {  	_ =	swait.ge [sflag:s20], $0x1800  }
0xcd: {  	[sflag:s20] =	ssyncset.done $0x0  }
0xce: {  	[sflag:s20] =	ssyncadd.s32 $0xFFFFE800  }
0xcf: {  	[tilespmem:s16], [sflag:$0x2] =	stream.indirect.gather [spmem:s4], $0x30, s29, s15, $0xb8;
	[tilespmem:$0x147E0] =	vst v63  }
0xd0: {  	_ =	swait.ge [sflag:s18], $0x1800  }
0xd1: {  	[sflag:s18] =	ssyncset.done $0x0  }
0xd2: {  	[sflag:s18] =	ssyncadd.s32 $0xFFFFE800  }
0xd3: {  	[spmem:s3] =	stream.indirect.scatter.add.f32 [tilespmem:s19], [sflag:$0x1], $0x30, s30, s15, $0xb8;
	[tilespmem:$0x147E0] =	vst v63  }
0xd4: {  	_ =	swait.ge [sflag:s20], $0x1800  }
0xd5: {  	[sflag:s20] =	ssyncset.done $0x0  }
0xd6: {  	[sflag:s20] =	ssyncadd.s32 $0xFFFFE800  }
0xd7: {  	[tilespmem:s17], [sflag:$0x2] =	stream.indirect.gather [spmem:s4], $0x30, s31, s15, $0xb8;
	[tilespmem:$0x147E0] =	vst v63  }
0xd8: {  	_ =	swait.ge [sflag:s18], $0x1800  }
0xd9: {  	[sflag:s18] =	ssyncset.done $0x0  }
0xda: {  	[sflag:s18] =	ssyncadd.s32 $0xFFFFE800  }
0xdb: {  	[spmem:s3] =	stream.indirect.scatter.add.f32 [tilespmem:s16], [sflag:$0x1], $0x30, s0, s15, $0xb8;
	[tilespmem:$0x147E0] =	vst v63  }
0xdc: {  	_ =	swait.ge [sflag:s18], $0x1800  }
0xdd: {  	[sflag:s18] =	ssyncset.done $0x0  }
0xde: {  	[sflag:s18] =	ssyncadd.s32 $0xFFFFE800  }
0xdf: {  	[spmem:s3] =	stream.indirect.scatter.add.f32 [tilespmem:s17], [sflag:$0x1], $0x30, s2, s15, $0xb8;
	[tilespmem:$0x147E0] =	vst v63  }
0xe0: {  	_ =	swait.ge [sflag:s20], $0x1800  }
0xe1: {  	[sflag:s20] =	ssyncset.done $0x0  }
0xe2: {  	[sflag:s20] =	ssyncadd.s32 $0xFFFFE800  }
0xe3: {  	_ =	swait.ge [sflag:s20], $0x1800  }
0xe4: {  	[sflag:s20] =	ssyncset.done $0x0  }
0xe5: {  	[sflag:s20] =	ssyncadd.s32 $0xFFFFE800  }
0xe6: {  	s7 =	sadd.s32 $0x280, s6;
	s8 =	simm.s32 $0x14;
	_ =	swait.ge [sflag:s20], $0x1800  }
0xe7: {  	s9 =	simm.s32 $0x28;
	s14 =	rddreg [dreg:$0x8];
	[sflag:s20] =	ssyncset.done $0x0  }
.LBB2_2:
0xe8: {  	s10 =	sadd.s32 $0x1400, s10  }
0xe9: {  	s11 =	rddreg [dreg:$0x7];
	s14 =	sadd.s32 s8, s14;
	s6 =	sshrl.u32 s10, $0x3  }
0xea: {  	p1 =	slt.u32 s14, $0x9C4;
	s6 =	sadd.s32 s11, s6  }
0xeb: {  	[sflag:s20] =	ssyncadd.s32 $0xFFFFE800;
	s6 =	smov.u32 @p1 s7  }
0xec: {  	[tilespmem:s5], [sflag:$0x3] =	stream.linear.gather [hbm4b:s6+s5], $0x1400, $0x38;
	[tilespmem:$0x147E0] =	vst v63  }
0xed: {  	_ =	swait.ge [sflag:s13], $0x1400  }
0xee: {  	[sflag:s13] =	ssyncset.done $0x0  }
0xef: {  	s12 =	smov.u32 s9;
	[sflag:s13] =	ssyncadd.s32 $0xFFFFEC00  }
0xf0: {  	[tilespmem:s16], [sflag:$0x2] =	stream.indirect.gather [spmem:s4], $0x30, s5, s15, $0xb8;
	[tilespmem:$0x147E0] =	vst v63  }
0xf1: {  	s8 =	smov.u32 s12;
	s12 =	rddreg [dreg:$0x9]  }
0xf2: {  	[tilespmem:s17], [sflag:$0x2] =	stream.indirect.gather [spmem:s4], $0x30, s12, s15, $0xb8;
	[tilespmem:$0x147E0] =	vst v63  }
0xf3: {  	_ =	swait.ge [sflag:s18], $0x1800  }
0xf4: {  	[sflag:s18] =	ssyncset.done $0x0  }
0xf5: {  	[sflag:s18] =	ssyncadd.s32 $0xFFFFE800  }
0xf6: {  	[spmem:s3] =	stream.indirect.scatter.add.f32 [tilespmem:s16], [sflag:$0x1], $0x30, s15, s15, $0xb8;
	[tilespmem:$0x147E0] =	vst v63  }
0xf7: {  	s14 =	rddreg [dreg:$0xa]  }
0xf8: {  	[tilespmem:s19], [sflag:$0x2] =	stream.indirect.gather [spmem:s4], $0x30, s14, s15, $0xb8;
	[tilespmem:$0x147E0] =	vst v63  }
0xf9: {  	_ =	swait.ge [sflag:s18], $0x1800  }
0xfa: {  	[sflag:s18] =	ssyncset.done $0x0  }
0xfb: {  	s11 =	rddreg [dreg:$0xb];
	[sflag:s18] =	ssyncadd.s32 $0xFFFFE800  }
0xfc: {  	[spmem:s3] =	stream.indirect.scatter.add.f32 [tilespmem:s17], [sflag:$0x1], $0x30, s11, s15, $0xb8;
	[tilespmem:$0x147E0] =	vst v63  }
0xfd: {  	_ =	swait.ge [sflag:s20], $0x1800  }
0xfe: {  	[sflag:s20] =	ssyncset.done $0x0  }
0xff: {  	s12 =	rddreg [dreg:$0xc];
	[sflag:s20] =	ssyncadd.s32 $0xFFFFE800  }
0x100: {  	[tilespmem:s16], [sflag:$0x2] =	stream.indirect.gather [spmem:s4], $0x30, s12, s15, $0xb8;
	[tilespmem:$0x147E0] =	vst v63  }
0x101: {  	_ =	swait.ge [sflag:s18], $0x1800  }
0x102: {  	[sflag:s18] =	ssyncset.done $0x0  }
0x103: {  	s14 =	rddreg [dreg:$0xd];
	[sflag:s18] =	ssyncadd.s32 $0xFFFFE800  }
0x104: {  	[spmem:s3] =	stream.indirect.scatter.add.f32 [tilespmem:s19], [sflag:$0x1], $0x30, s14, s15, $0xb8;
	[tilespmem:$0x147E0] =	vst v63  }
0x105: {  	_ =	swait.ge [sflag:s20], $0x1800  }
0x106: {  	[sflag:s20] =	ssyncset.done $0x0  }
0x107: {  	s11 =	rddreg [dreg:$0xe];
	[sflag:s20] =	ssyncadd.s32 $0xFFFFE800  }
0x108: {  	[tilespmem:s17], [sflag:$0x2] =	stream.indirect.gather [spmem:s4], $0x30, s11, s15, $0xb8;
	[tilespmem:$0x147E0] =	vst v63  }
0x109: {  	_ =	swait.ge [sflag:s18], $0x1800  }
0x10a: {  	[sflag:s18] =	ssyncset.done $0x0  }
0x10b: {  	s12 =	rddreg [dreg:$0xf];
	[sflag:s18] =	ssyncadd.s32 $0xFFFFE800  }
0x10c: {  	[spmem:s3] =	stream.indirect.scatter.add.f32 [tilespmem:s16], [sflag:$0x1], $0x30, s12, s15, $0xb8;
	[tilespmem:$0x147E0] =	vst v63  }
0x10d: {  	_ =	swait.ge [sflag:s20], $0x1800  }
0x10e: {  	[sflag:s20] =	ssyncset.done $0x0  }
0x10f: {  	s14 =	rddreg [dreg:$0x10];
	[sflag:s20] =	ssyncadd.s32 $0xFFFFE800  }
0x110: {  	[tilespmem:s19], [sflag:$0x2] =	stream.indirect.gather [spmem:s4], $0x30, s14, s15, $0xb8;
	[tilespmem:$0x147E0] =	vst v63  }
0x111: {  	_ =	swait.ge [sflag:s18], $0x1800  }
0x112: {  	[sflag:s18] =	ssyncset.done $0x0  }
0x113: {  	s11 =	rddreg [dreg:$0x11];
	[sflag:s18] =	ssyncadd.s32 $0xFFFFE800  }
0x114: {  	[spmem:s3] =	stream.indirect.scatter.add.f32 [tilespmem:s17], [sflag:$0x1], $0x30, s11, s15, $0xb8;
	[tilespmem:$0x147E0] =	vst v63  }
0x115: {  	_ =	swait.ge [sflag:s20], $0x1800  }
0x116: {  	[sflag:s20] =	ssyncset.done $0x0  }
0x117: {  	s12 =	rddreg [dreg:$0x12];
	[sflag:s20] =	ssyncadd.s32 $0xFFFFE800  }
0x118: {  	[tilespmem:s16], [sflag:$0x2] =	stream.indirect.gather [spmem:s4], $0x30, s12, s15, $0xb8;
	[tilespmem:$0x147E0] =	vst v63  }
0x119: {  	_ =	swait.ge [sflag:s18], $0x1800  }
0x11a: {  	[sflag:s18] =	ssyncset.done $0x0  }
0x11b: {  	s14 =	rddreg [dreg:$0x13];
	[sflag:s18] =	ssyncadd.s32 $0xFFFFE800  }
0x11c: {  	[spmem:s3] =	stream.indirect.scatter.add.f32 [tilespmem:s19], [sflag:$0x1], $0x30, s14, s15, $0xb8;
	[tilespmem:$0x147E0] =	vst v63  }
0x11d: {  	_ =	swait.ge [sflag:s20], $0x1800  }
0x11e: {  	[sflag:s20] =	ssyncset.done $0x0  }
0x11f: {  	s11 =	rddreg [dreg:$0x14];
	[sflag:s20] =	ssyncadd.s32 $0xFFFFE800  }
0x120: {  	[tilespmem:s17], [sflag:$0x2] =	stream.indirect.gather [spmem:s4], $0x30, s11, s15, $0xb8;
	[tilespmem:$0x147E0] =	vst v63  }
0x121: {  	_ =	swait.ge [sflag:s18], $0x1800  }
0x122: {  	[sflag:s18] =	ssyncset.done $0x0  }
0x123: {  	s12 =	rddreg [dreg:$0x15];
	[sflag:s18] =	ssyncadd.s32 $0xFFFFE800  }
0x124: {  	[spmem:s3] =	stream.indirect.scatter.add.f32 [tilespmem:s16], [sflag:$0x1], $0x30, s12, s15, $0xb8;
	[tilespmem:$0x147E0] =	vst v63  }
0x125: {  	_ =	swait.ge [sflag:s20], $0x1800  }
0x126: {  	[sflag:s20] =	ssyncset.done $0x0  }
0x127: {  	s14 =	rddreg [dreg:$0x16];
	[sflag:s20] =	ssyncadd.s32 $0xFFFFE800  }
0x128: {  	[tilespmem:s19], [sflag:$0x2] =	stream.indirect.gather [spmem:s4], $0x30, s14, s15, $0xb8;
	[tilespmem:$0x147E0] =	vst v63  }
0x129: {  	_ =	swait.ge [sflag:s18], $0x1800  }
0x12a: {  	[sflag:s18] =	ssyncset.done $0x0  }
0x12b: {  	s11 =	rddreg [dreg:$0x17];
	[sflag:s18] =	ssyncadd.s32 $0xFFFFE800  }
0x12c: {  	[spmem:s3] =	stream.indirect.scatter.add.f32 [tilespmem:s17], [sflag:$0x1], $0x30, s11, s15, $0xb8;
	[tilespmem:$0x147E0] =	vst v63  }
0x12d: {  	_ =	swait.ge [sflag:s20], $0x1800  }
0x12e: {  	[sflag:s20] =	ssyncset.done $0x0  }
0x12f: {  	s12 =	rddreg [dreg:$0x18];
	[sflag:s20] =	ssyncadd.s32 $0xFFFFE800  }
0x130: {  	[tilespmem:s16], [sflag:$0x2] =	stream.indirect.gather [spmem:s4], $0x30, s12, s15, $0xb8;
	[tilespmem:$0x147E0] =	vst v63  }
0x131: {  	_ =	swait.ge [sflag:s18], $0x1800  }
0x132: {  	[sflag:s18] =	ssyncset.done $0x0  }
0x133: {  	s14 =	rddreg [dreg:$0x19];
	[sflag:s18] =	ssyncadd.s32 $0xFFFFE800  }
0x134: {  	[spmem:s3] =	stream.indirect.scatter.add.f32 [tilespmem:s19], [sflag:$0x1], $0x30, s14, s15, $0xb8;
	[tilespmem:$0x147E0] =	vst v63  }
0x135: {  	_ =	swait.ge [sflag:s20], $0x1800  }
0x136: {  	[sflag:s20] =	ssyncset.done $0x0  }
0x137: {  	s11 =	rddreg [dreg:$0x1a];
	[sflag:s20] =	ssyncadd.s32 $0xFFFFE800  }
0x138: {  	[tilespmem:s17], [sflag:$0x2] =	stream.indirect.gather [spmem:s4], $0x30, s11, s15, $0xb8;
	[tilespmem:$0x147E0] =	vst v63  }
0x139: {  	_ =	swait.ge [sflag:s18], $0x1800  }
0x13a: {  	[sflag:s18] =	ssyncset.done $0x0  }
0x13b: {  	s12 =	rddreg [dreg:$0x1b];
	[sflag:s18] =	ssyncadd.s32 $0xFFFFE800  }
0x13c: {  	[spmem:s3] =	stream.indirect.scatter.add.f32 [tilespmem:s16], [sflag:$0x1], $0x30, s12, s15, $0xb8;
	[tilespmem:$0x147E0] =	vst v63  }
0x13d: {  	_ =	swait.ge [sflag:s20], $0x1800  }
0x13e: {  	[sflag:s20] =	ssyncset.done $0x0  }
0x13f: {  	s14 =	rddreg [dreg:$0x1c];
	[sflag:s20] =	ssyncadd.s32 $0xFFFFE800  }
0x140: {  	[tilespmem:s19], [sflag:$0x2] =	stream.indirect.gather [spmem:s4], $0x30, s14, s15, $0xb8;
	[tilespmem:$0x147E0] =	vst v63  }
0x141: {  	_ =	swait.ge [sflag:s18], $0x1800  }
0x142: {  	[sflag:s18] =	ssyncset.done $0x0  }
0x143: {  	s11 =	rddreg [dreg:$0x1d];
	[sflag:s18] =	ssyncadd.s32 $0xFFFFE800  }
0x144: {  	[spmem:s3] =	stream.indirect.scatter.add.f32 [tilespmem:s17], [sflag:$0x1], $0x30, s11, s15, $0xb8;
	[tilespmem:$0x147E0] =	vst v63  }
0x145: {  	_ =	swait.ge [sflag:s20], $0x1800  }
0x146: {  	[sflag:s20] =	ssyncset.done $0x0  }
0x147: {  	s12 =	rddreg [dreg:$0x1e];
	[sflag:s20] =	ssyncadd.s32 $0xFFFFE800  }
0x148: {  	[tilespmem:s16], [sflag:$0x2] =	stream.indirect.gather [spmem:s4], $0x30, s12, s15, $0xb8;
	[tilespmem:$0x147E0] =	vst v63  }
0x149: {  	_ =	swait.ge [sflag:s18], $0x1800  }
0x14a: {  	[sflag:s18] =	ssyncset.done $0x0  }
0x14b: {  	s14 =	rddreg [dreg:$0x1f];
	[sflag:s18] =	ssyncadd.s32 $0xFFFFE800  }
0x14c: {  	[spmem:s3] =	stream.indirect.scatter.add.f32 [tilespmem:s19], [sflag:$0x1], $0x30, s14, s15, $0xb8;
	[tilespmem:$0x147E0] =	vst v63  }
0x14d: {  	_ =	swait.ge [sflag:s20], $0x1800  }
0x14e: {  	s11 =	sld [smem:$0x7F9]  }
0x14f: {  	[sflag:s20] =	ssyncset.done $0x0  }
0x150: {  	[sflag:s20] =	ssyncadd.s32 $0xFFFFE800  }
0x151: {  	[tilespmem:s17], [sflag:$0x2] =	stream.indirect.gather [spmem:s4], $0x30, s11, s15, $0xb8;
	[tilespmem:$0x147E0] =	vst v63  }
0x152: {  	_ =	swait.ge [sflag:s18], $0x1800  }
0x153: {  	s12 =	sld [smem:$0x7FA]  }
0x154: {  	[sflag:s18] =	ssyncset.done $0x0  }
0x155: {  	[sflag:s18] =	ssyncadd.s32 $0xFFFFE800  }
0x156: {  	[spmem:s3] =	stream.indirect.scatter.add.f32 [tilespmem:s16], [sflag:$0x1], $0x30, s12, s15, $0xb8;
	[tilespmem:$0x147E0] =	vst v63  }
0x157: {  	_ =	swait.ge [sflag:s20], $0x1800  }
0x158: {  	s14 =	sld [smem:$0x7FB]  }
0x159: {  	[sflag:s20] =	ssyncset.done $0x0  }
0x15a: {  	[sflag:s20] =	ssyncadd.s32 $0xFFFFE800  }
0x15b: {  	[tilespmem:s19], [sflag:$0x2] =	stream.indirect.gather [spmem:s4], $0x30, s14, s15, $0xb8;
	[tilespmem:$0x147E0] =	vst v63  }
0x15c: {  	_ =	swait.ge [sflag:s18], $0x1800  }
0x15d: {  	[sflag:s18] =	ssyncset.done $0x0  }
0x15e: {  	[sflag:s18] =	ssyncadd.s32 $0xFFFFE800  }
0x15f: {  	[spmem:s3] =	stream.indirect.scatter.add.f32 [tilespmem:s17], [sflag:$0x1], $0x30, s21, s15, $0xb8;
	[tilespmem:$0x147E0] =	vst v63  }
0x160: {  	_ =	swait.ge [sflag:s20], $0x1800  }
0x161: {  	[sflag:s20] =	ssyncset.done $0x0  }
0x162: {  	[sflag:s20] =	ssyncadd.s32 $0xFFFFE800  }
0x163: {  	[tilespmem:s16], [sflag:$0x2] =	stream.indirect.gather [spmem:s4], $0x30, s22, s15, $0xb8;
	[tilespmem:$0x147E0] =	vst v63  }
0x164: {  	_ =	swait.ge [sflag:s18], $0x1800  }
0x165: {  	[sflag:s18] =	ssyncset.done $0x0  }
0x166: {  	[sflag:s18] =	ssyncadd.s32 $0xFFFFE800  }
0x167: {  	[spmem:s3] =	stream.indirect.scatter.add.f32 [tilespmem:s19], [sflag:$0x1], $0x30, s23, s15, $0xb8;
	[tilespmem:$0x147E0] =	vst v63  }
0x168: {  	_ =	swait.ge [sflag:s20], $0x1800  }
0x169: {  	[sflag:s20] =	ssyncset.done $0x0  }
0x16a: {  	[sflag:s20] =	ssyncadd.s32 $0xFFFFE800  }
0x16b: {  	[tilespmem:s17], [sflag:$0x2] =	stream.indirect.gather [spmem:s4], $0x30, s24, s15, $0xb8;
	[tilespmem:$0x147E0] =	vst v63  }
0x16c: {  	_ =	swait.ge [sflag:s18], $0x1800  }
0x16d: {  	[sflag:s18] =	ssyncset.done $0x0  }
0x16e: {  	[sflag:s18] =	ssyncadd.s32 $0xFFFFE800  }
0x16f: {  	[spmem:s3] =	stream.indirect.scatter.add.f32 [tilespmem:s16], [sflag:$0x1], $0x30, s25, s15, $0xb8;
	[tilespmem:$0x147E0] =	vst v63  }
0x170: {  	_ =	swait.ge [sflag:s20], $0x1800  }
0x171: {  	[sflag:s20] =	ssyncset.done $0x0  }
0x172: {  	[sflag:s20] =	ssyncadd.s32 $0xFFFFE800  }
0x173: {  	[tilespmem:s19], [sflag:$0x2] =	stream.indirect.gather [spmem:s4], $0x30, s26, s15, $0xb8;
	[tilespmem:$0x147E0] =	vst v63  }
0x174: {  	_ =	swait.ge [sflag:s18], $0x1800  }
0x175: {  	[sflag:s18] =	ssyncset.done $0x0  }
0x176: {  	[sflag:s18] =	ssyncadd.s32 $0xFFFFE800  }
0x177: {  	[spmem:s3] =	stream.indirect.scatter.add.f32 [tilespmem:s17], [sflag:$0x1], $0x30, s28, s15, $0xb8;
	[tilespmem:$0x147E0] =	vst v63  }
0x178: {  	_ =	swait.ge [sflag:s20], $0x1800  }
0x179: {  	[sflag:s20] =	ssyncset.done $0x0  }
0x17a: {  	[sflag:s20] =	ssyncadd.s32 $0xFFFFE800  }
0x17b: {  	[tilespmem:s16], [sflag:$0x2] =	stream.indirect.gather [spmem:s4], $0x30, s29, s15, $0xb8;
	[tilespmem:$0x147E0] =	vst v63  }
0x17c: {  	_ =	swait.ge [sflag:s18], $0x1800  }
0x17d: {  	[sflag:s18] =	ssyncset.done $0x0  }
0x17e: {  	[sflag:s18] =	ssyncadd.s32 $0xFFFFE800  }
0x17f: {  	[spmem:s3] =	stream.indirect.scatter.add.f32 [tilespmem:s19], [sflag:$0x1], $0x30, s30, s15, $0xb8;
	[tilespmem:$0x147E0] =	vst v63  }
0x180: {  	_ =	swait.ge [sflag:s20], $0x1800  }
0x181: {  	[sflag:s20] =	ssyncset.done $0x0  }
0x182: {  	[sflag:s20] =	ssyncadd.s32 $0xFFFFE800  }
0x183: {  	[tilespmem:s17], [sflag:$0x2] =	stream.indirect.gather [spmem:s4], $0x30, s31, s15, $0xb8;
	[tilespmem:$0x147E0] =	vst v63  }
0x184: {  	_ =	swait.ge [sflag:s18], $0x1800  }
0x185: {  	[sflag:s18] =	ssyncset.done $0x0  }
0x186: {  	[sflag:s18] =	ssyncadd.s32 $0xFFFFE800  }
0x187: {  	[spmem:s3] =	stream.indirect.scatter.add.f32 [tilespmem:s16], [sflag:$0x1], $0x30, s0, s15, $0xb8;
	[tilespmem:$0x147E0] =	vst v63  }
0x188: {  	_ =	swait.ge [sflag:s18], $0x1800  }
0x189: {  	[sflag:s18] =	ssyncset.done $0x0  }
0x18a: {  	[sflag:s18] =	ssyncadd.s32 $0xFFFFE800  }
0x18b: {  	[spmem:s3] =	stream.indirect.scatter.add.f32 [tilespmem:s17], [sflag:$0x1], $0x30, s2, s15, $0xb8;
	[tilespmem:$0x147E0] =	vst v63  }
0x18c: {  	_ =	swait.ge [sflag:s20], $0x1800  }
0x18d: {  	[sflag:s20] =	ssyncset.done $0x0  }
0x18e: {  	p0 =	sne.s32 s9, $0x3C;
	[sflag:s20] =	ssyncadd.s32 $0xFFFFE800  }
.Ltmp0:
0x18f: {  	_ =	swait.ge [sflag:s20], $0x1800;
	(pc) =	sbr.rel @p0 .LBB2_2-.Ltmp0, $4  }
0x190: {  	[sflag:s20] =	ssyncset.done $0x0  }
0x191: {  	[sflag:s20] =	ssyncadd.s32 $0xFFFFE800  }
0x192: {  	s9 =	sadd.s32 $0x14, s9;
	_ =	swait.ge [sflag:s20], $0x1800  }
0x193: {  	s7 =	sadd.s32 $0x280, s7;
	s14 =	rddreg [dreg:$0x8];
	[sflag:s20] =	ssyncset.done $0x0  }
0x194: {  	s9 =	sadd.s32 $0x1400, s10  }
0x195: {  	s6 =	rddreg [dreg:$0x7];
	s8 =	sadd.s32 s8, s14;
	s9 =	sshrl.u32 s9, $0x3  }
0x196: {  	p0 =	slt.u32 s8, $0x9C4;
	s6 =	sadd.s32 s6, s9  }
0x197: {  	[sflag:s20] =	ssyncadd.s32 $0xFFFFE800;
	s6 =	smov.u32 @p0 s7  }
0x198: {  	[tilespmem:s5], [sflag:$0x3] =	stream.linear.gather [hbm4b:s6+s5], $0x1400, $0x38;
	[tilespmem:$0x147E0] =	vst v63  }
0x199: {  	_ =	swait.ge [sflag:s13], $0x1400  }
0x19a: {  	[sflag:s13] =	ssyncset.done $0x0  }
0x19b: {  	[sflag:s13] =	ssyncadd.s32 $0xFFFFEC00  }
0x19c: {  	[tilespmem:s16], [sflag:$0x2] =	stream.indirect.gather [spmem:s4], $0x30, s5, s15, $0xb8;
	[tilespmem:$0x147E0] =	vst v63  }
0x19d: {  	s7 =	rddreg [dreg:$0x9]  }
0x19e: {  	[tilespmem:s17], [sflag:$0x2] =	stream.indirect.gather [spmem:s4], $0x30, s7, s15, $0xb8;
	[tilespmem:$0x147E0] =	vst v63  }
0x19f: {  	_ =	swait.ge [sflag:s18], $0x1800  }
0x1a0: {  	[sflag:s18] =	ssyncset.done $0x0  }
0x1a1: {  	[sflag:s18] =	ssyncadd.s32 $0xFFFFE800  }
0x1a2: {  	[spmem:s3] =	stream.indirect.scatter.add.f32 [tilespmem:s16], [sflag:$0x1], $0x30, s15, s15, $0xb8;
	[tilespmem:$0x147E0] =	vst v63  }
0x1a3: {  	s8 =	rddreg [dreg:$0xa]  }
0x1a4: {  	[tilespmem:s19], [sflag:$0x2] =	stream.indirect.gather [spmem:s4], $0x30, s8, s15, $0xb8;
	[tilespmem:$0x147E0] =	vst v63  }
0x1a5: {  	_ =	swait.ge [sflag:s18], $0x1800  }
0x1a6: {  	[sflag:s18] =	ssyncset.done $0x0  }
0x1a7: {  	s9 =	rddreg [dreg:$0xb];
	[sflag:s18] =	ssyncadd.s32 $0xFFFFE800  }
0x1a8: {  	[spmem:s3] =	stream.indirect.scatter.add.f32 [tilespmem:s17], [sflag:$0x1], $0x30, s9, s15, $0xb8;
	[tilespmem:$0x147E0] =	vst v63  }
0x1a9: {  	_ =	swait.ge [sflag:s20], $0x1800  }
0x1aa: {  	[sflag:s20] =	ssyncset.done $0x0  }
0x1ab: {  	s10 =	rddreg [dreg:$0xc];
	[sflag:s20] =	ssyncadd.s32 $0xFFFFE800  }
0x1ac: {  	[tilespmem:s16], [sflag:$0x2] =	stream.indirect.gather [spmem:s4], $0x30, s10, s15, $0xb8;
	[tilespmem:$0x147E0] =	vst v63  }
0x1ad: {  	_ =	swait.ge [sflag:s18], $0x1800  }
0x1ae: {  	[sflag:s18] =	ssyncset.done $0x0  }
0x1af: {  	s11 =	rddreg [dreg:$0xd];
	[sflag:s18] =	ssyncadd.s32 $0xFFFFE800  }
0x1b0: {  	[spmem:s3] =	stream.indirect.scatter.add.f32 [tilespmem:s19], [sflag:$0x1], $0x30, s11, s15, $0xb8;
	[tilespmem:$0x147E0] =	vst v63  }
0x1b1: {  	_ =	swait.ge [sflag:s20], $0x1800  }
0x1b2: {  	[sflag:s20] =	ssyncset.done $0x0  }
0x1b3: {  	s12 =	rddreg [dreg:$0xe];
	[sflag:s20] =	ssyncadd.s32 $0xFFFFE800  }
0x1b4: {  	[tilespmem:s17], [sflag:$0x2] =	stream.indirect.gather [spmem:s4], $0x30, s12, s15, $0xb8;
	[tilespmem:$0x147E0] =	vst v63  }
0x1b5: {  	_ =	swait.ge [sflag:s18], $0x1800  }
0x1b6: {  	[sflag:s18] =	ssyncset.done $0x0  }
0x1b7: {  	s14 =	rddreg [dreg:$0xf];
	[sflag:s18] =	ssyncadd.s32 $0xFFFFE800  }
0x1b8: {  	[spmem:s3] =	stream.indirect.scatter.add.f32 [tilespmem:s16], [sflag:$0x1], $0x30, s14, s15, $0xb8;
	[tilespmem:$0x147E0] =	vst v63  }
0x1b9: {  	_ =	swait.ge [sflag:s20], $0x1800  }
0x1ba: {  	[sflag:s20] =	ssyncset.done $0x0  }
0x1bb: {  	s7 =	rddreg [dreg:$0x10];
	[sflag:s20] =	ssyncadd.s32 $0xFFFFE800  }
0x1bc: {  	[tilespmem:s19], [sflag:$0x2] =	stream.indirect.gather [spmem:s4], $0x30, s7, s15, $0xb8;
	[tilespmem:$0x147E0] =	vst v63  }
0x1bd: {  	_ =	swait.ge [sflag:s18], $0x1800  }
0x1be: {  	[sflag:s18] =	ssyncset.done $0x0  }
0x1bf: {  	s8 =	rddreg [dreg:$0x11];
	[sflag:s18] =	ssyncadd.s32 $0xFFFFE800  }
0x1c0: {  	[spmem:s3] =	stream.indirect.scatter.add.f32 [tilespmem:s17], [sflag:$0x1], $0x30, s8, s15, $0xb8;
	[tilespmem:$0x147E0] =	vst v63  }
0x1c1: {  	_ =	swait.ge [sflag:s20], $0x1800  }
0x1c2: {  	[sflag:s20] =	ssyncset.done $0x0  }
0x1c3: {  	s9 =	rddreg [dreg:$0x12];
	[sflag:s20] =	ssyncadd.s32 $0xFFFFE800  }
0x1c4: {  	[tilespmem:s16], [sflag:$0x2] =	stream.indirect.gather [spmem:s4], $0x30, s9, s15, $0xb8;
	[tilespmem:$0x147E0] =	vst v63  }
0x1c5: {  	_ =	swait.ge [sflag:s18], $0x1800  }
0x1c6: {  	[sflag:s18] =	ssyncset.done $0x0  }
0x1c7: {  	s10 =	rddreg [dreg:$0x13];
	[sflag:s18] =	ssyncadd.s32 $0xFFFFE800  }
0x1c8: {  	[spmem:s3] =	stream.indirect.scatter.add.f32 [tilespmem:s19], [sflag:$0x1], $0x30, s10, s15, $0xb8;
	[tilespmem:$0x147E0] =	vst v63  }
0x1c9: {  	_ =	swait.ge [sflag:s20], $0x1800  }
0x1ca: {  	[sflag:s20] =	ssyncset.done $0x0  }
0x1cb: {  	s11 =	rddreg [dreg:$0x14];
	[sflag:s20] =	ssyncadd.s32 $0xFFFFE800  }
0x1cc: {  	[tilespmem:s17], [sflag:$0x2] =	stream.indirect.gather [spmem:s4], $0x30, s11, s15, $0xb8;
	[tilespmem:$0x147E0] =	vst v63  }
0x1cd: {  	_ =	swait.ge [sflag:s18], $0x1800  }
0x1ce: {  	[sflag:s18] =	ssyncset.done $0x0  }
0x1cf: {  	s12 =	rddreg [dreg:$0x15];
	[sflag:s18] =	ssyncadd.s32 $0xFFFFE800  }
0x1d0: {  	[spmem:s3] =	stream.indirect.scatter.add.f32 [tilespmem:s16], [sflag:$0x1], $0x30, s12, s15, $0xb8;
	[tilespmem:$0x147E0] =	vst v63  }
0x1d1: {  	_ =	swait.ge [sflag:s20], $0x1800  }
0x1d2: {  	[sflag:s20] =	ssyncset.done $0x0  }
0x1d3: {  	s14 =	rddreg [dreg:$0x16];
	[sflag:s20] =	ssyncadd.s32 $0xFFFFE800  }
0x1d4: {  	[tilespmem:s19], [sflag:$0x2] =	stream.indirect.gather [spmem:s4], $0x30, s14, s15, $0xb8;
	[tilespmem:$0x147E0] =	vst v63  }
0x1d5: {  	_ =	swait.ge [sflag:s18], $0x1800  }
0x1d6: {  	[sflag:s18] =	ssyncset.done $0x0  }
0x1d7: {  	s7 =	rddreg [dreg:$0x17];
	[sflag:s18] =	ssyncadd.s32 $0xFFFFE800  }
0x1d8: {  	[spmem:s3] =	stream.indirect.scatter.add.f32 [tilespmem:s17], [sflag:$0x1], $0x30, s7, s15, $0xb8;
	[tilespmem:$0x147E0] =	vst v63  }
0x1d9: {  	_ =	swait.ge [sflag:s20], $0x1800  }
0x1da: {  	[sflag:s20] =	ssyncset.done $0x0  }
0x1db: {  	s8 =	rddreg [dreg:$0x18];
	[sflag:s20] =	ssyncadd.s32 $0xFFFFE800  }
0x1dc: {  	[tilespmem:s16], [sflag:$0x2] =	stream.indirect.gather [spmem:s4], $0x30, s8, s15, $0xb8;
	[tilespmem:$0x147E0] =	vst v63  }
0x1dd: {  	_ =	swait.ge [sflag:s18], $0x1800  }
0x1de: {  	[sflag:s18] =	ssyncset.done $0x0  }
0x1df: {  	s9 =	rddreg [dreg:$0x19];
	[sflag:s18] =	ssyncadd.s32 $0xFFFFE800  }
0x1e0: {  	[spmem:s3] =	stream.indirect.scatter.add.f32 [tilespmem:s19], [sflag:$0x1], $0x30, s9, s15, $0xb8;
	[tilespmem:$0x147E0] =	vst v63  }
0x1e1: {  	_ =	swait.ge [sflag:s20], $0x1800  }
0x1e2: {  	[sflag:s20] =	ssyncset.done $0x0  }
0x1e3: {  	s10 =	rddreg [dreg:$0x1a];
	[sflag:s20] =	ssyncadd.s32 $0xFFFFE800  }
0x1e4: {  	[tilespmem:s17], [sflag:$0x2] =	stream.indirect.gather [spmem:s4], $0x30, s10, s15, $0xb8;
	[tilespmem:$0x147E0] =	vst v63  }
0x1e5: {  	_ =	swait.ge [sflag:s18], $0x1800  }
0x1e6: {  	[sflag:s18] =	ssyncset.done $0x0  }
0x1e7: {  	s11 =	rddreg [dreg:$0x1b];
	[sflag:s18] =	ssyncadd.s32 $0xFFFFE800  }
0x1e8: {  	[spmem:s3] =	stream.indirect.scatter.add.f32 [tilespmem:s16], [sflag:$0x1], $0x30, s11, s15, $0xb8;
	[tilespmem:$0x147E0] =	vst v63  }
0x1e9: {  	_ =	swait.ge [sflag:s20], $0x1800  }
0x1ea: {  	[sflag:s20] =	ssyncset.done $0x0  }
0x1eb: {  	s12 =	rddreg [dreg:$0x1c];
	[sflag:s20] =	ssyncadd.s32 $0xFFFFE800  }
0x1ec: {  	[tilespmem:s19], [sflag:$0x2] =	stream.indirect.gather [spmem:s4], $0x30, s12, s15, $0xb8;
	[tilespmem:$0x147E0] =	vst v63  }
0x1ed: {  	_ =	swait.ge [sflag:s18], $0x1800  }
0x1ee: {  	[sflag:s18] =	ssyncset.done $0x0  }
0x1ef: {  	s14 =	rddreg [dreg:$0x1d];
	[sflag:s18] =	ssyncadd.s32 $0xFFFFE800  }
0x1f0: {  	[spmem:s3] =	stream.indirect.scatter.add.f32 [tilespmem:s17], [sflag:$0x1], $0x30, s14, s15, $0xb8;
	[tilespmem:$0x147E0] =	vst v63  }
0x1f1: {  	_ =	swait.ge [sflag:s20], $0x1800  }
0x1f2: {  	[sflag:s20] =	ssyncset.done $0x0  }
0x1f3: {  	s7 =	rddreg [dreg:$0x1e];
	[sflag:s20] =	ssyncadd.s32 $0xFFFFE800  }
0x1f4: {  	[tilespmem:s16], [sflag:$0x2] =	stream.indirect.gather [spmem:s4], $0x30, s7, s15, $0xb8;
	[tilespmem:$0x147E0] =	vst v63  }
0x1f5: {  	_ =	swait.ge [sflag:s18], $0x1800  }
0x1f6: {  	[sflag:s18] =	ssyncset.done $0x0  }
0x1f7: {  	s8 =	rddreg [dreg:$0x1f];
	[sflag:s18] =	ssyncadd.s32 $0xFFFFE800  }
0x1f8: {  	[spmem:s3] =	stream.indirect.scatter.add.f32 [tilespmem:s19], [sflag:$0x1], $0x30, s8, s15, $0xb8;
	[tilespmem:$0x147E0] =	vst v63  }
0x1f9: {  	_ =	swait.ge [sflag:s20], $0x1800  }
0x1fa: {  	s9 =	sld [smem:$0x7F9]  }
0x1fb: {  	[sflag:s20] =	ssyncset.done $0x0  }
0x1fc: {  	[sflag:s20] =	ssyncadd.s32 $0xFFFFE800  }
0x1fd: {  	[tilespmem:s17], [sflag:$0x2] =	stream.indirect.gather [spmem:s4], $0x30, s9, s15, $0xb8;
	[tilespmem:$0x147E0] =	vst v63  }
0x1fe: {  	_ =	swait.ge [sflag:s18], $0x1800  }
0x1ff: {  	s10 =	sld [smem:$0x7FA]  }
0x200: {  	[sflag:s18] =	ssyncset.done $0x0  }
0x201: {  	[sflag:s18] =	ssyncadd.s32 $0xFFFFE800  }
0x202: {  	[spmem:s3] =	stream.indirect.scatter.add.f32 [tilespmem:s16], [sflag:$0x1], $0x30, s10, s15, $0xb8;
	[tilespmem:$0x147E0] =	vst v63  }
0x203: {  	_ =	swait.ge [sflag:s20], $0x1800  }
0x204: {  	s11 =	sld [smem:$0x7FB]  }
0x205: {  	[sflag:s20] =	ssyncset.done $0x0  }
0x206: {  	[sflag:s20] =	ssyncadd.s32 $0xFFFFE800  }
0x207: {  	[tilespmem:s19], [sflag:$0x2] =	stream.indirect.gather [spmem:s4], $0x30, s11, s15, $0xb8;
	[tilespmem:$0x147E0] =	vst v63  }
0x208: {  	_ =	swait.ge [sflag:s18], $0x1800  }
0x209: {  	[sflag:s18] =	ssyncset.done $0x0  }
0x20a: {  	[sflag:s18] =	ssyncadd.s32 $0xFFFFE800  }
0x20b: {  	[spmem:s3] =	stream.indirect.scatter.add.f32 [tilespmem:s17], [sflag:$0x1], $0x30, s21, s15, $0xb8;
	[tilespmem:$0x147E0] =	vst v63  }
0x20c: {  	_ =	swait.ge [sflag:s20], $0x1800  }
0x20d: {  	[sflag:s20] =	ssyncset.done $0x0  }
0x20e: {  	[sflag:s20] =	ssyncadd.s32 $0xFFFFE800  }
0x20f: {  	[tilespmem:s16], [sflag:$0x2] =	stream.indirect.gather [spmem:s4], $0x30, s22, s15, $0xb8;
	[tilespmem:$0x147E0] =	vst v63  }
0x210: {  	_ =	swait.ge [sflag:s18], $0x1800  }
0x211: {  	[sflag:s18] =	ssyncset.done $0x0  }
0x212: {  	[sflag:s18] =	ssyncadd.s32 $0xFFFFE800  }
0x213: {  	[spmem:s3] =	stream.indirect.scatter.add.f32 [tilespmem:s19], [sflag:$0x1], $0x30, s23, s15, $0xb8;
	[tilespmem:$0x147E0] =	vst v63  }
0x214: {  	_ =	swait.ge [sflag:s20], $0x1800  }
0x215: {  	[sflag:s20] =	ssyncset.done $0x0  }
0x216: {  	[sflag:s20] =	ssyncadd.s32 $0xFFFFE800  }
0x217: {  	[tilespmem:s17], [sflag:$0x2] =	stream.indirect.gather [spmem:s4], $0x30, s24, s15, $0xb8;
	[tilespmem:$0x147E0] =	vst v63  }
0x218: {  	_ =	swait.ge [sflag:s18], $0x1800  }
0x219: {  	[sflag:s18] =	ssyncset.done $0x0  }
0x21a: {  	[sflag:s18] =	ssyncadd.s32 $0xFFFFE800  }
0x21b: {  	[spmem:s3] =	stream.indirect.scatter.add.f32 [tilespmem:s16], [sflag:$0x1], $0x30, s25, s15, $0xb8;
	[tilespmem:$0x147E0] =	vst v63  }
0x21c: {  	_ =	swait.ge [sflag:s20], $0x1800  }
0x21d: {  	[sflag:s20] =	ssyncset.done $0x0  }
0x21e: {  	[sflag:s20] =	ssyncadd.s32 $0xFFFFE800  }
0x21f: {  	[tilespmem:s19], [sflag:$0x2] =	stream.indirect.gather [spmem:s4], $0x30, s26, s15, $0xb8;
	[tilespmem:$0x147E0] =	vst v63  }
0x220: {  	_ =	swait.ge [sflag:s18], $0x1800  }
0x221: {  	[sflag:s18] =	ssyncset.done $0x0  }
0x222: {  	[sflag:s18] =	ssyncadd.s32 $0xFFFFE800  }
0x223: {  	[spmem:s3] =	stream.indirect.scatter.add.f32 [tilespmem:s17], [sflag:$0x1], $0x30, s28, s15, $0xb8;
	[tilespmem:$0x147E0] =	vst v63  }
0x224: {  	_ =	swait.ge [sflag:s20], $0x1800  }
0x225: {  	[sflag:s20] =	ssyncset.done $0x0  }
0x226: {  	[sflag:s20] =	ssyncadd.s32 $0xFFFFE800  }
0x227: {  	[tilespmem:s16], [sflag:$0x2] =	stream.indirect.gather [spmem:s4], $0x30, s29, s15, $0xb8;
	[tilespmem:$0x147E0] =	vst v63  }
0x228: {  	_ =	swait.ge [sflag:s18], $0x1800  }
0x229: {  	[sflag:s18] =	ssyncset.done $0x0  }
0x22a: {  	[sflag:s18] =	ssyncadd.s32 $0xFFFFE800  }
0x22b: {  	[spmem:s3] =	stream.indirect.scatter.add.f32 [tilespmem:s19], [sflag:$0x1], $0x30, s30, s15, $0xb8;
	[tilespmem:$0x147E0] =	vst v63  }
0x22c: {  	_ =	swait.ge [sflag:s20], $0x1800  }
0x22d: {  	[sflag:s20] =	ssyncset.done $0x0  }
0x22e: {  	[sflag:s20] =	ssyncadd.s32 $0xFFFFE800  }
0x22f: {  	[tilespmem:s17], [sflag:$0x2] =	stream.indirect.gather [spmem:s4], $0x30, s31, s15, $0xb8;
	[tilespmem:$0x147E0] =	vst v63  }
0x230: {  	_ =	swait.ge [sflag:s18], $0x1800  }
0x231: {  	[sflag:s18] =	ssyncset.done $0x0  }
0x232: {  	[sflag:s18] =	ssyncadd.s32 $0xFFFFE800  }
0x233: {  	[spmem:s3] =	stream.indirect.scatter.add.f32 [tilespmem:s16], [sflag:$0x1], $0x30, s0, s15, $0xb8;
	[tilespmem:$0x147E0] =	vst v63  }
0x234: {  	_ =	swait.ge [sflag:s18], $0x1800  }
0x235: {  	[sflag:s18] =	ssyncset.done $0x0  }
0x236: {  	[sflag:s18] =	ssyncadd.s32 $0xFFFFE800  }
0x237: {  	[spmem:s3] =	stream.indirect.scatter.add.f32 [tilespmem:s17], [sflag:$0x1], $0x30, s2, s15, $0xb8;
	[tilespmem:$0x147E0] =	vst v63  }
0x238: {  	_ =	swait.ge [sflag:s20], $0x1800  }
0x239: {  	[sflag:s20] =	ssyncset.done $0x0  }
0x23a: {  	[sflag:s20] =	ssyncadd.s32 $0xFFFFE800  }
0x23b: {  	_ =	swait.ge [sflag:s20], $0x1800  }
0x23c: {  	[sflag:s20] =	ssyncset.done $0x0  }
0x23d: {  	[sflag:s20] =	ssyncadd.s32 $0xFFFFE800  }
0x23e: {  	_ =	swait.ge [sflag:s20], $0x1800  }
0x23f: {  	[sflag:s20] =	ssyncset.done $0x0  }
0x240: {  	[sflag:s20] =	ssyncadd.s32 $0xFFFFE800  }
0x241: {  	[bflag:$0x0] =	sbarrier.arrive $0xFFFF  }
0x242: {  	s7 =	sld [smem:$0x7FC]  }
0x243: {  	s12 =	sld [smem:$0x7F4]  }
0x244: {  	s8 =	sld [smem:$0x7FD];
	_ =	sdelay $0x2  }
0x245: {  	[hbm:s12], [sflag:s7] =	dma.local [spmem:s8], $0xED6  }
0x246: {  	_ =	swait.ge [sflag:s13], $0xED6  }
0x247: {  	s14 =	sld [smem:$0x7F5];
	_ =	sdelay $0x1  }
0x248: {  	s1 =	sadd.s32 $0x1, s1  }
0x249: {  	p0 =	sne.s32 s1, s14  }
.Ltmp1:
0x24a: {  	_ = 	snop;
	(pc) =	sbr.rel @p0 .LBB2_1-.Ltmp1, $3  }
0x24b: {  	_ =	sdelay $0x1  }
0x24c: {  	[sflag:s13] =	ssyncset.done $0x0  }
0x24d: {  	[sflag:s13] =	ssyncadd.s32 $0xFFFFF12A  }
0x24e: {  	_ =	sfence.sel $0x180000  }
0x24f: {  	[bflag:$0x0] =	sbarrier.arrive $0xFFFF  }
0x250: {  	_ =	strace $0x9000004A  }
0x251: {  	s0 =	stileid.u32;
	[bflag:$0x2] =	sbarrier.arrive $0xFFFF  }
0x252: {  	p0 =	sne.s32 s0, $0x0;
	s0 =	rddreg [dreg:$0x6]  }
0x253: {  	s0 =	sadd.s32 @!p0 $0x100000, s0  }
0x254: {  	[sflag:s0] =	ssyncadd.tile.s32 @!p0 $0x1;
	_ =	shalt  }
.Lfunc_end2:
_tile_overlayer_lowered:
.L_overlay_start_2:
0x255: {  	(tag) =	ssettag $0x2  }
0x256: {  	s0 =	rddreg [dreg:$0x0];
	s2 =	stileid.u32  }
0x257: {  	s1 =	rddreg [dreg:$0x1];
	p0 =	sne.s32 s2, $0x0  }
0x258: {  	s3 =	rddreg [dreg:$0x2];
	[bflag:$0x3] =	sbarrier.arrive $0xFFFF;
	s2 =	simm.s32 @!p0 $0x1C03  }
0x259: {  	[timem:s3], [sflag:s2] =	dma.local @!p0 [hbm:s0], s1  }
0x25a: {  	s0 =	simm.s32 @!p0 $0x3  }
0x25b: {  	_ =	swait.ge @!p0 [sflag:s0], s1  }
0x25c: {  	s1 =	ssub.s32 @!p0 $0x0, s1;
	[sflag:s0] =	ssyncset.done @!p0 $0x0  }
0x25d: {  	[sflag:s0] =	ssyncadd.s32 @!p0 s1  }
0x25e: {  	[bflag:$0x3] =	sbarrier.arrive $0xFFFF  }
0x25f: {  	_ =	shalt  }

</sc_bundles>
